<compile_context>
chip_gen: v7x
topology: tpu7x:2x2x1
jax: 0.10.2.dev20260603
libtpu: 0.0.44.dev20260713+nightly
codegen_flags: <defaults>
</compile_context>

<pallas_src>
import functools

import jax
import jax.numpy as jnp
from jax import lax
from jax.experimental import pallas as pl
from jax.experimental.pallas import tpu as pltpu
from jax.experimental.pallas import tpu_sc as plsc

N = 10000
E = 320000
D = 128
NC = 2
NS = 16
NW = NC * NS
EPW = E // NW
K = 64
NCHF = EPW // K
TAIL = EPW - NCHF * K
NACC = 10240
RPT = NACC // NS
L = 16


def _prep_body(x_ref, a_ref, y_ref, wn_ref):
    x = x_ref[...]
    a = a_ref[:D]
    u = jnp.dot(x, a, preferred_element_type=jnp.float32)
    wn = jnp.exp(u - jnp.max(u))
    y_ref[...] = x * wn
    wn_ref[...] = wn


def _sc_body(ei_hbm, y_hbm, wn_hbm, outg_hbm, outs_hbm,
             sidx_v, didx_v, dscat_v, sidxt_v, didxt_v, rows_v, wn_v, s_v,
             g_sh, gsem0, gsem1, gsem2, ssem0, ssem1, isem0, isem1, isem2):
    cid = lax.axis_index("c")
    sid = lax.axis_index("s")
    wid = sid * NC + cid
    tile = sid
    gsem = (gsem0, gsem1, gsem2)
    ssem = (ssem0, ssem1)
    isem = (isem0, isem1, isem2)

    pltpu.sync_copy(wn_hbm, wn_v)
    zeros = jnp.zeros((L,), jnp.float32)

    def zrow(r):
        for j in range(D // L):
            rows_v[0, r, pl.ds(j * L, L)] = zeros
    pl.loop(0, K)(zrow)

    def zs(i):
        s_v[pl.ds(i * L, L)] = zeros
    pl.loop(0, N // L)(zs)

    for b in range(RPT // K):
        pltpu.sync_copy(rows_v.at[0],
                        g_sh.at[pl.ds(tile * RPT + b * K, K)])
    plsc.subcore_barrier()

    base = wid * EPW

    def ig(i, p3):
        e0 = base + i * K
        pltpu.async_copy(ei_hbm.at[pl.ds(e0, K)], sidx_v.at[p3], isem[p3])
        pltpu.async_copy(ei_hbm.at[pl.ds(E + e0, K)], didx_v.at[p3],
                         isem[p3])

    def iw(p3):
        pltpu.make_async_copy(ei_hbm.at[pl.ds(base, K)], sidx_v.at[p3],
                              isem[p3]).wait()
        pltpu.make_async_copy(ei_hbm.at[pl.ds(base, K)], didx_v.at[p3],
                              isem[p3]).wait()

    def g(p3):
        pltpu.async_copy(y_hbm.at[sidx_v.at[p3]], rows_v.at[p3], gsem[p3])

    def gw(p3):
        pltpu.make_async_copy(y_hbm.at[sidx_v.at[p3]], rows_v.at[p3],
                              gsem[p3]).wait()

    def cidx(p3, p2):
        for t in range(K // L):
            dscat_v[p2, pl.ds(t * L, L)] = didx_v[p3, pl.ds(t * L, L)]

    def s(p3, p2):
        pltpu.async_copy(rows_v.at[p3], g_sh.at[dscat_v.at[p2]], ssem[p2],
                         add=True)

    def sw(p3, p2):
        pltpu.make_async_copy(rows_v.at[p3], g_sh.at[dscat_v.at[p2]],
                              ssem[p2]).wait()

    def scal(p3):
        for t in range(K // L):
            si = sidx_v[p3, pl.ds(t * L, L)]
            di = didx_v[p3, pl.ds(t * L, L)]
            w16 = plsc.load_gather(wn_v, [si])
            plsc.addupdate_scatter(s_v, [di], w16)

    ig(0, 0)
    ig(1, 1)
    ig(2, 2)
    iw(0)
    g(0)
    iw(1)
    g(1)
    gw(0)
    iw(2)
    g(2)
    cidx(0, 0)
    s(0, 0)
    scal(0)
    ig(3, 0)

    def steady(j):
        for b in range(6):
            i = 1 + 6 * j + b
            p3 = (1 + b) % 3
            p2 = (1 + b) % 2
            gw(p3)
            sw((p3 + 2) % 3, (p2 + 1) % 2)
            iw((p3 + 2) % 3)
            g((p3 + 2) % 3)
            cidx(p3, p2)
            s(p3, p2)
            scal(p3)
            ig(i + 3, p3)
    pl.loop(0, 25)(steady)

    for i in range(151, NCHF):
        p3 = i % 3
        p2 = i % 2
        gw(p3)
        sw((p3 + 2) % 3, (p2 + 1) % 2)
        if i + 2 < NCHF:
            iw((p3 + 2) % 3)
            g((p3 + 2) % 3)
        cidx(p3, p2)
        s(p3, p2)
        scal(p3)
        if i + 3 < NCHF:
            ig(i + 3, p3)
    sw((NCHF - 1) % 3, (NCHF - 1) % 2)

    t0 = base + NCHF * K
    pltpu.sync_copy(ei_hbm.at[pl.ds(t0, TAIL)], sidxt_v)
    pltpu.sync_copy(ei_hbm.at[pl.ds(E + t0, TAIL)], didxt_v)
    pltpu.async_copy(y_hbm.at[sidxt_v], rows_v.at[0, pl.ds(0, TAIL)],
                     gsem[0]).wait()
    pltpu.sync_copy(rows_v.at[0, pl.ds(0, TAIL)], g_sh.at[didxt_v], add=True)
    wt = plsc.load_gather(wn_v, [sidxt_v[...]])
    plsc.addupdate_scatter(s_v, [didxt_v[...]], wt)
    plsc.subcore_barrier()

    pltpu.sync_copy(g_sh.at[pl.ds(tile * RPT, RPT)],
                    outg_hbm.at[cid, pl.ds(tile * RPT, RPT)])
    pltpu.sync_copy(s_v, outs_hbm.at[wid])


_sc_aggregate = functools.partial(
    pl.kernel,
    out_type=(
        jax.ShapeDtypeStruct((NC, NACC, D), jnp.float32),
        jax.ShapeDtypeStruct((NW, N), jnp.float32),
    ),
    mesh=plsc.VectorSubcoreMesh(core_axis_name="c", subcore_axis_name="s"),
    compiler_params=pltpu.CompilerParams(needs_layout_passes=False),
    scratch_types=[
        pltpu.VMEM((3, K), jnp.int32),
        pltpu.VMEM((3, K), jnp.int32),
        pltpu.VMEM((2, K), jnp.int32),
        pltpu.VMEM((TAIL,), jnp.int32),
        pltpu.VMEM((TAIL,), jnp.int32),
        pltpu.VMEM((3, K, D), jnp.float32),
        pltpu.VMEM((N,), jnp.float32),
        pltpu.VMEM((N,), jnp.float32),
        pltpu.VMEM_SHARED((NACC, D), jnp.float32),
        pltpu.SemaphoreType.DMA,
        pltpu.SemaphoreType.DMA,
        pltpu.SemaphoreType.DMA,
        pltpu.SemaphoreType.DMA,
        pltpu.SemaphoreType.DMA,
        pltpu.SemaphoreType.DMA,
        pltpu.SemaphoreType.DMA,
        pltpu.SemaphoreType.DMA,
    ],
)(_sc_body)


_RB = 2048


def _combine_body(gp_ref, sp_ref, x_ref, wf_ref, bf_ref, o_ref):
    g = gp_ref[0] + gp_ref[1]
    ones = jnp.ones((NW, 1), jnp.float32)
    s = lax.dot_general(sp_ref[...], ones, (((0,), (0,)), ((), ())),
                        precision=lax.Precision.HIGHEST,
                        preferred_element_type=jnp.float32)
    h = jnp.where(s > 0.0,
                  g / jnp.maximum(s, 1e-16),
                  x_ref[...])
    dn = (((1,), (1,)), ((), ()))
    o_ref[:, :D] = lax.dot_general(
        h, wf_ref[0], dn, preferred_element_type=jnp.float32) + bf_ref[0]
    o_ref[:, D:] = lax.dot_general(
        h, wf_ref[1], dn, preferred_element_type=jnp.float32) + bf_ref[1]


def kernel(x, edge_index, Wf, bf, Wa, ba):
    a_sum = (Wa[0] + Wa[1]).reshape(2 * D, 1)

    y, wn = pl.pallas_call(
        _prep_body,
        out_shape=(
            jax.ShapeDtypeStruct((N, D), jnp.float32),
            jax.ShapeDtypeStruct((N, 1), jnp.float32),
        ),
    )(x, a_sum)

    gp, sp = _sc_aggregate(edge_index.reshape(2 * E), y, wn.reshape(N))

    out = pl.pallas_call(
        _combine_body,
        grid=(NACC // _RB,),
        in_specs=[
            pl.BlockSpec((NC, _RB, D), lambda i: (0, i, 0)),
            pl.BlockSpec((NW, _RB), lambda i: (0, i)),
            pl.BlockSpec((_RB, D), lambda i: (i, 0)),
            pl.BlockSpec((2, D, D), lambda i: (0, 0, 0)),
            pl.BlockSpec((2, D), lambda i: (0, 0)),
        ],
        out_specs=pl.BlockSpec((_RB, 2 * D), lambda i: (i, 0)),
        out_shape=jax.ShapeDtypeStruct((N, 2 * D), jnp.float32),
    )(gp, sp, x, Wf, bf)
    return out

# --- scband reference (transcript-rebuilt; emitter-appended) ---
"""Pipeline reference for scband-gat-22101901705840 (READ-ONLY COPY).

The authoritative reference and input builder live on the scoring server;
editing this copy changes nothing except your own understanding.
"""

import jax, jax.numpy as jnp
import numpy as np

N = 10000
E = 320000
D = 128
H = 2


def setup_inputs(seed: int = 0) -> dict:
    key = jax.random.key(seed)
    k1, k2, k3, k4 = jax.random.split(key, 4)
    x = jax.random.normal(k1, (N, D), dtype=jnp.float32)
    edge_index = jax.random.randint(k2, (2, E), 0, N, dtype=jnp.int32)
    # per-head fc: Linear(in_dim=D, out_dim=D) -> weight [D, D], bias [D]
    Wf = jax.random.normal(k3, (H, D, D), dtype=jnp.float32) * 0.05
    bf = jnp.zeros((H, D), dtype=jnp.float32)
    # per-head attn: Linear(2*D, 1) -> weight [2*D], bias scalar
    Wa = jax.random.normal(k4, (H, 2 * D), dtype=jnp.float32) * 0.05
    ba = jnp.zeros((H,), dtype=jnp.float32)
    return {"x": x, "edge_index": edge_index, "Wf": Wf, "bf": bf, "Wa": Wa, "ba": ba}


def reference(x, edge_index, Wf, bf, Wa, ba):
    src = edge_index[0]
    dst = edge_index[1]
    hs = x[src]                       # [E, D] gather of src node features
    hd = x[dst]                       # [E, D] gather of dst node features
    z = jnp.concatenate([hs, hd], axis=1)          # [E, 2D]
    # e = sum over heads of attn_k(z); sum of linears == linear with summed params
    e = z @ Wa.sum(axis=0) + ba.sum()              # [E]
    # segment softmax of e over incoming edges of each dst node
    m = jax.ops.segment_max(e, dst, num_segments=N)
    m = jnp.where(jnp.isfinite(m), m, 0.0)
    ee = jnp.exp(e - m[dst])
    s = jax.ops.segment_sum(ee, dst, num_segments=N)
    alpha = ee / jnp.maximum(s[dst], 1e-16)        # [E]
    h_agg = jax.ops.segment_sum(alpha[:, None] * hs, dst, num_segments=N)  # [N, D]
    # DGL update_all leaves nodes with no incoming messages unchanged
    deg = jax.ops.segment_sum(jnp.ones((E,), jnp.float32), dst, num_segments=N)
    h_new = jnp.where((deg > 0)[:, None], h_agg, x)
    # output projection: concat per-head fc outputs
    outs = [h_new @ Wf[k].T + bf[k] for k in range(H)]
    return jnp.concatenate(outs, axis=1)           # [N, H*D]

if __name__ == "__main__":
    import jax
    _d = setup_inputs()
    print(jax.jit(kernel)(*tuple(_d.values())))

</pallas_src>

<mosaic_0001>
#map = affine_map<(d0, d1) -> (0)>
#map1 = affine_map<(d0, d1) -> (0, 0)>
#map2 = affine_map<(d0, d1) -> (0, 0, 0)>
module attributes {stable_mosaic.version = 14 : i64} {
  func.func @_sc_body(%arg0: i32, %arg1: i32, %arg2: memref<640000xi32, #tpu.memory_space<hbm>>, %arg3: memref<10000x128xf32, #tpu.memory_space<hbm>>, %arg4: memref<10000xf32, #tpu.memory_space<hbm>>, %arg5: memref<2x10240x128xf32, #tpu.memory_space<hbm>>, %arg6: memref<32x10000xf32, #tpu.memory_space<hbm>>, %arg7: memref<3x64xi32, #tpu.memory_space<vmem>>, %arg8: memref<3x64xi32, #tpu.memory_space<vmem>>, %arg9: memref<2x64xi32, #tpu.memory_space<vmem>>, %arg10: memref<16xi32, #tpu.memory_space<vmem>>, %arg11: memref<16xi32, #tpu.memory_space<vmem>>, %arg12: memref<3x64x128xf32, #tpu.memory_space<vmem>>, %arg13: memref<10000xf32, #tpu.memory_space<vmem>>, %arg14: memref<10000xf32, #tpu.memory_space<vmem>>, %arg15: memref<10240x128xf32, #tpu.memory_space<vmem_shared>>, %arg16: memref<!tpu.dma_semaphore, #tpu.memory_space<semaphore_mem>>, %arg17: memref<!tpu.dma_semaphore, #tpu.memory_space<semaphore_mem>>, %arg18: memref<!tpu.dma_semaphore, #tpu.memory_space<semaphore_mem>>, %arg19: memref<!tpu.dma_semaphore, #tpu.memory_space<semaphore_mem>>, %arg20: memref<!tpu.dma_semaphore, #tpu.memory_space<semaphore_mem>>, %arg21: memref<!tpu.dma_semaphore, #tpu.memory_space<semaphore_mem>>, %arg22: memref<!tpu.dma_semaphore, #tpu.memory_space<semaphore_mem>>, %arg23: memref<!tpu.dma_semaphore, #tpu.memory_space<semaphore_mem>>) attributes {dimension_semantics = [#tpu.dimension_semantics<core_parallel>, #tpu.dimension_semantics<subcore_parallel>], iteration_bounds = array<i64: 2, 16>, scalar_prefetch = 0 : i64, scratch_operands = 17 : i64, tpu.core_type = #tpu.core_type<sc_vector_subcore>, window_params = [{transform_indices = #map}, {transform_indices = #map1}, {transform_indices = #map}, {transform_indices = #map2}, {transform_indices = #map1}]} {
    %mul3A = arith.constant 2 : i32
    %mul3A_0 = arith.muli %arg1, %mul3A : i32
    %add3A = arith.addi %mul3A_0, %arg0 : i32
    "tpu.region"() ({
      %run_scoped3A_1029 = tpu.sem_alloc : memref<!tpu.dma_semaphore, #tpu.memory_space<semaphore_mem>>
      tpu.enqueue_dma source(%arg4 : memref<10000xf32, #tpu.memory_space<hbm>>) target(%arg13 : memref<10000xf32, #tpu.memory_space<vmem>>) target_semaphore(%run_scoped3A_1029 : memref<!tpu.dma_semaphore, #tpu.memory_space<semaphore_mem>>)
      tpu.wait_dma2 semaphore(%run_scoped3A_1029 : memref<!tpu.dma_semaphore, #tpu.memory_space<semaphore_mem>>) src(%arg4 : memref<10000xf32, #tpu.memory_space<hbm>>) dst(%arg13 : memref<10000xf32, #tpu.memory_space<vmem>>)
      tpu.yield
    }) : () -> ()
    %broadcast_in_dim3A = arith.constant 0.000000e+00 : f32
    %broadcast_in_dim3A_1 = vector.broadcast %broadcast_in_dim3A : f32 to vector<16xf32>
    %scan3A = arith.constant 0 : i32
    %scan3A_2 = arith.constant 64 : i32
    %scan3A_3 = arith.addi %scan3A, %scan3A_2 : i32
    %scan3A_4 = arith.constant 1 : i32
    scf.for %scan3A_1029 = %scan3A to %scan3A_3 step %scan3A_4  : i32 {
      %mul3A_1030 = arith.constant 1 : i32
      %mul3A_1031 = arith.muli %scan3A_1029, %mul3A_1030 : i32
      %add3A_1032 = arith.constant 0 : i32
      %add3A_1033 = arith.addi %add3A_1032, %mul3A_1031 : i32
      %swap3A_1034 = arith.constant 0 : i32
      %swap3A_1035 = arith.index_cast %swap3A_1034 : i32 to index
      %swap3A_1036 = arith.index_cast %add3A_1033 : i32 to index
      %swap3A_1037 = arith.constant 0 : index
      %swap3A_1038 = tpu.vector_load %arg12[%swap3A_1035, %swap3A_1036, %swap3A_1037] {strides = array<i32>} : memref<3x64x128xf32, #tpu.memory_space<vmem>>, vector<16xf32>,
      tpu.vector_store %arg12[%swap3A_1035, %swap3A_1036, %swap3A_1037], %broadcast_in_dim3A_1 {strides = array<i32>} : memref<3x64x128xf32, #tpu.memory_space<vmem>>, vector<16xf32>,
      %swap3A_1039 = arith.constant 0 : i32
      %swap3A_1040 = arith.index_cast %swap3A_1039 : i32 to index
      %swap3A_1041 = arith.index_cast %add3A_1033 : i32 to index
      %swap3A_1042 = arith.constant 16 : index
      %swap3A_1043 = tpu.vector_load %arg12[%swap3A_1040, %swap3A_1041, %swap3A_1042] {strides = array<i32>} : memref<3x64x128xf32, #tpu.memory_space<vmem>>, vector<16xf32>,
      tpu.vector_store %arg12[%swap3A_1040, %swap3A_1041, %swap3A_1042], %broadcast_in_dim3A_1 {strides = array<i32>} : memref<3x64x128xf32, #tpu.memory_space<vmem>>, vector<16xf32>,
      %swap3A_1044 = arith.constant 0 : i32
      %swap3A_1045 = arith.index_cast %swap3A_1044 : i32 to index
      %swap3A_1046 = arith.index_cast %add3A_1033 : i32 to index
      %swap3A_1047 = arith.constant 32 : index
      %swap3A_1048 = tpu.vector_load %arg12[%swap3A_1045, %swap3A_1046, %swap3A_1047] {strides = array<i32>} : memref<3x64x128xf32, #tpu.memory_space<vmem>>, vector<16xf32>,
      tpu.vector_store %arg12[%swap3A_1045, %swap3A_1046, %swap3A_1047], %broadcast_in_dim3A_1 {strides = array<i32>} : memref<3x64x128xf32, #tpu.memory_space<vmem>>, vector<16xf32>,
      %swap3A_1049 = arith.constant 0 : i32
      %swap3A_1050 = arith.index_cast %swap3A_1049 : i32 to index
      %swap3A_1051 = arith.index_cast %add3A_1033 : i32 to index
      %swap3A_1052 = arith.constant 48 : index
      %swap3A_1053 = tpu.vector_load %arg12[%swap3A_1050, %swap3A_1051, %swap3A_1052] {strides = array<i32>} : memref<3x64x128xf32, #tpu.memory_space<vmem>>, vector<16xf32>,
      tpu.vector_store %arg12[%swap3A_1050, %swap3A_1051, %swap3A_1052], %broadcast_in_dim3A_1 {strides = array<i32>} : memref<3x64x128xf32, #tpu.memory_space<vmem>>, vector<16xf32>,
      %swap3A_1054 = arith.constant 0 : i32
      %swap3A_1055 = arith.index_cast %swap3A_1054 : i32 to index
      %swap3A_1056 = arith.index_cast %add3A_1033 : i32 to index
      %swap3A_1057 = arith.constant 64 : index
      %swap3A_1058 = tpu.vector_load %arg12[%swap3A_1055, %swap3A_1056, %swap3A_1057] {strides = array<i32>} : memref<3x64x128xf32, #tpu.memory_space<vmem>>, vector<16xf32>,
      tpu.vector_store %arg12[%swap3A_1055, %swap3A_1056, %swap3A_1057], %broadcast_in_dim3A_1 {strides = array<i32>} : memref<3x64x128xf32, #tpu.memory_space<vmem>>, vector<16xf32>,
      %swap3A_1059 = arith.constant 0 : i32
      %swap3A_1060 = arith.index_cast %swap3A_1059 : i32 to index
      %swap3A_1061 = arith.index_cast %add3A_1033 : i32 to index
      %swap3A_1062 = arith.constant 80 : index
      %swap3A_1063 = tpu.vector_load %arg12[%swap3A_1060, %swap3A_1061, %swap3A_1062] {strides = array<i32>} : memref<3x64x128xf32, #tpu.memory_space<vmem>>, vector<16xf32>,
      tpu.vector_store %arg12[%swap3A_1060, %swap3A_1061, %swap3A_1062], %broadcast_in_dim3A_1 {strides = array<i32>} : memref<3x64x128xf32, #tpu.memory_space<vmem>>, vector<16xf32>,
      %swap3A_1064 = arith.constant 0 : i32
      %swap3A_1065 = arith.index_cast %swap3A_1064 : i32 to index
      %swap3A_1066 = arith.index_cast %add3A_1033 : i32 to index
      %swap3A_1067 = arith.constant 96 : index
      %swap3A_1068 = tpu.vector_load %arg12[%swap3A_1065, %swap3A_1066, %swap3A_1067] {strides = array<i32>} : memref<3x64x128xf32, #tpu.memory_space<vmem>>, vector<16xf32>,
      tpu.vector_store %arg12[%swap3A_1065, %swap3A_1066, %swap3A_1067], %broadcast_in_dim3A_1 {strides = array<i32>} : memref<3x64x128xf32, #tpu.memory_space<vmem>>, vector<16xf32>,
      %swap3A_1069 = arith.constant 0 : i32
      %swap3A_1070 = arith.index_cast %swap3A_1069 : i32 to index
      %swap3A_1071 = arith.index_cast %add3A_1033 : i32 to index
      %swap3A_1072 = arith.constant 112 : index
      %swap3A_1073 = tpu.vector_load %arg12[%swap3A_1070, %swap3A_1071, %swap3A_1072] {strides = array<i32>} : memref<3x64x128xf32, #tpu.memory_space<vmem>>, vector<16xf32>,
      tpu.vector_store %arg12[%swap3A_1070, %swap3A_1071, %swap3A_1072], %broadcast_in_dim3A_1 {strides = array<i32>} : memref<3x64x128xf32, #tpu.memory_space<vmem>>, vector<16xf32>,
    }
    %scan3A_5 = arith.constant 64 : i32
    %scan3A_6 = arith.constant 0 : i32
    %scan3A_7 = arith.constant 625 : i32
    %scan3A_8 = arith.addi %scan3A_6, %scan3A_7 : i32
    %scan3A_9 = arith.constant 1 : i32
    scf.for %scan3A_1029 = %scan3A_6 to %scan3A_8 step %scan3A_9  : i32 {
      %mul3A_1030 = arith.constant 1 : i32
      %mul3A_1031 = arith.muli %scan3A_1029, %mul3A_1030 : i32
      %add3A_1032 = arith.constant 0 : i32
      %add3A_1033 = arith.addi %add3A_1032, %mul3A_1031 : i32
      %mul3A_1034 = arith.constant 16 : i32
      %mul3A_1035 = arith.muli %add3A_1033, %mul3A_1034 : i32
      %swap3A_1036 = arith.index_cast %mul3A_1035 : i32 to index
      %swap3A_1037 = tpu.vector_load %arg14[%swap3A_1036] {strides = array<i32>} : memref<10000xf32, #tpu.memory_space<vmem>>, vector<16xf32>,
      tpu.vector_store %arg14[%swap3A_1036], %broadcast_in_dim3A_1 {strides = array<i32>} : memref<10000xf32, #tpu.memory_space<vmem>>, vector<16xf32>,
    }
    %scan3A_10 = arith.constant 625 : i32
    %mul3A_11 = arith.constant 640 : i32
    %mul3A_12 = arith.muli %arg1, %mul3A_11 : i32
    %add3A_13 = arith.constant 0 : i32
    %add3A_14 = arith.addi %mul3A_12, %add3A_13 : i32
    %run_scoped3A = arith.constant 0 : i32
    "tpu.region"() ({
      %run_scoped3A_1029 = tpu.sem_alloc : memref<!tpu.dma_semaphore, #tpu.memory_space<semaphore_mem>>
      %dma_start3A_1030 = arith.constant 0 : i32
      %dma_start3A_1031 = arith.constant 0 : i32
      %dma_start3A_1032 = tpu.memref_slice %arg12[%run_scoped3A, %dma_start3A_1030, %dma_start3A_1031] : memref<3x64x128xf32, #tpu.memory_space<vmem>> -> memref<1x64x128xf32, #tpu.memory_space<vmem>>
      %dma_start3A_1033 = tpu.memref_squeeze %dma_start3A_1032 : memref<1x64x128xf32, #tpu.memory_space<vmem>> -> memref<64x128xf32, #tpu.memory_space<vmem>>
      %dma_start3A_1034 = arith.constant 0 : i32
      %dma_start3A_1035 = tpu.memref_slice %arg15[%add3A_14, %dma_start3A_1034] : memref<10240x128xf32, #tpu.memory_space<vmem_shared>> -> memref<64x128xf32, #tpu.memory_space<vmem_shared>>
      %dma_start3A_1036 = arith.constant 0 : i32
      %dma_start3A_1037 = tpu.memref_slice %arg15[%add3A_14, %dma_start3A_1036] : memref<10240x128xf32, #tpu.memory_space<vmem_shared>> -> memref<64x128xf32, #tpu.memory_space<vmem_shared>>
      %dma_start3A_1038 = arith.constant 0 : i32
      %dma_start3A_1039 = arith.constant 0 : i32
      %dma_start3A_1040 = tpu.memref_slice %arg12[%run_scoped3A, %dma_start3A_1038, %dma_start3A_1039] : memref<3x64x128xf32, #tpu.memory_space<vmem>> -> memref<1x64x128xf32, #tpu.memory_space<vmem>>
      %dma_start3A_1041 = tpu.memref_squeeze %dma_start3A_1040 : memref<1x64x128xf32, #tpu.memory_space<vmem>> -> memref<64x128xf32, #tpu.memory_space<vmem>>
      tpu.enqueue_dma source(%dma_start3A_1041 : memref<64x128xf32, #tpu.memory_space<vmem>>) target(%dma_start3A_1037 : memref<64x128xf32, #tpu.memory_space<vmem_shared>>) target_semaphore(%run_scoped3A_1029 : memref<!tpu.dma_semaphore, #tpu.memory_space<semaphore_mem>>)
      %dma_wait3A_1042 = arith.constant 0 : i32
      %dma_wait3A_1043 = arith.constant 0 : i32
      %dma_wait3A_1044 = tpu.memref_slice %arg12[%run_scoped3A, %dma_wait3A_1042, %dma_wait3A_1043] : memref<3x64x128xf32, #tpu.memory_space<vmem>> -> memref<1x64x128xf32, #tpu.memory_space<vmem>>
      %dma_wait3A_1045 = tpu.memref_squeeze %dma_wait3A_1044 : memref<1x64x128xf32, #tpu.memory_space<vmem>> -> memref<64x128xf32, #tpu.memory_space<vmem>>
      %dma_wait3A_1046 = arith.constant 0 : i32
      %dma_wait3A_1047 = tpu.memref_slice %arg15[%add3A_14, %dma_wait3A_1046] : memref<10240x128xf32, #tpu.memory_space<vmem_shared>> -> memref<64x128xf32, #tpu.memory_space<vmem_shared>>
      %dma_wait3A_1048 = arith.constant 0 : i32
      %dma_wait3A_1049 = tpu.memref_slice %arg15[%add3A_14, %dma_wait3A_1048] : memref<10240x128xf32, #tpu.memory_space<vmem_shared>> -> memref<64x128xf32, #tpu.memory_space<vmem_shared>>
      %dma_wait3A_1050 = arith.constant 0 : i32
      %dma_wait3A_1051 = arith.constant 0 : i32
      %dma_wait3A_1052 = tpu.memref_slice %arg12[%run_scoped3A, %dma_wait3A_1050, %dma_wait3A_1051] : memref<3x64x128xf32, #tpu.memory_space<vmem>> -> memref<1x64x128xf32, #tpu.memory_space<vmem>>
      %dma_wait3A_1053 = tpu.memref_squeeze %dma_wait3A_1052 : memref<1x64x128xf32, #tpu.memory_space<vmem>> -> memref<64x128xf32, #tpu.memory_space<vmem>>
      tpu.wait_dma2 semaphore(%run_scoped3A_1029 : memref<!tpu.dma_semaphore, #tpu.memory_space<semaphore_mem>>) src(%dma_wait3A_1053 : memref<64x128xf32, #tpu.memory_space<vmem>>) dst(%dma_wait3A_1049 : memref<64x128xf32, #tpu.memory_space<vmem_shared>>)
      tpu.yield
    }) : () -> ()
    %mul3A_15 = arith.constant 640 : i32
    %mul3A_16 = arith.muli %arg1, %mul3A_15 : i32
    %add3A_17 = arith.constant 64 : i32
    %add3A_18 = arith.addi %mul3A_16, %add3A_17 : i32
    %run_scoped3A_19 = arith.constant 0 : i32
    "tpu.region"() ({
      %run_scoped3A_1029 = tpu.sem_alloc : memref<!tpu.dma_semaphore, #tpu.memory_space<semaphore_mem>>
      %dma_start3A_1030 = arith.constant 0 : i32
      %dma_start3A_1031 = arith.constant 0 : i32
      %dma_start3A_1032 = tpu.memref_slice %arg12[%run_scoped3A_19, %dma_start3A_1030, %dma_start3A_1031] : memref<3x64x128xf32, #tpu.memory_space<vmem>> -> memref<1x64x128xf32, #tpu.memory_space<vmem>>
      %dma_start3A_1033 = tpu.memref_squeeze %dma_start3A_1032 : memref<1x64x128xf32, #tpu.memory_space<vmem>> -> memref<64x128xf32, #tpu.memory_space<vmem>>
      %dma_start3A_1034 = arith.constant 0 : i32
      %dma_start3A_1035 = tpu.memref_slice %arg15[%add3A_18, %dma_start3A_1034] : memref<10240x128xf32, #tpu.memory_space<vmem_shared>> -> memref<64x128xf32, #tpu.memory_space<vmem_shared>>
      %dma_start3A_1036 = arith.constant 0 : i32
      %dma_start3A_1037 = tpu.memref_slice %arg15[%add3A_18, %dma_start3A_1036] : memref<10240x128xf32, #tpu.memory_space<vmem_shared>> -> memref<64x128xf32, #tpu.memory_space<vmem_shared>>
      %dma_start3A_1038 = arith.constant 0 : i32
      %dma_start3A_1039 = arith.constant 0 : i32
      %dma_start3A_1040 = tpu.memref_slice %arg12[%run_scoped3A_19, %dma_start3A_1038, %dma_start3A_1039] : memref<3x64x128xf32, #tpu.memory_space<vmem>> -> memref<1x64x128xf32, #tpu.memory_space<vmem>>
      %dma_start3A_1041 = tpu.memref_squeeze %dma_start3A_1040 : memref<1x64x128xf32, #tpu.memory_space<vmem>> -> memref<64x128xf32, #tpu.memory_space<vmem>>
      tpu.enqueue_dma source(%dma_start3A_1041 : memref<64x128xf32, #tpu.memory_space<vmem>>) target(%dma_start3A_1037 : memref<64x128xf32, #tpu.memory_space<vmem_shared>>) target_semaphore(%run_scoped3A_1029 : memref<!tpu.dma_semaphore, #tpu.memory_space<semaphore_mem>>)
      %dma_wait3A_1042 = arith.constant 0 : i32
      %dma_wait3A_1043 = arith.constant 0 : i32
      %dma_wait3A_1044 = tpu.memref_slice %arg12[%run_scoped3A_19, %dma_wait3A_1042, %dma_wait3A_1043] : memref<3x64x128xf32, #tpu.memory_space<vmem>> -> memref<1x64x128xf32, #tpu.memory_space<vmem>>
      %dma_wait3A_1045 = tpu.memref_squeeze %dma_wait3A_1044 : memref<1x64x128xf32, #tpu.memory_space<vmem>> -> memref<64x128xf32, #tpu.memory_space<vmem>>
      %dma_wait3A_1046 = arith.constant 0 : i32
      %dma_wait3A_1047 = tpu.memref_slice %arg15[%add3A_18, %dma_wait3A_1046] : memref<10240x128xf32, #tpu.memory_space<vmem_shared>> -> memref<64x128xf32, #tpu.memory_space<vmem_shared>>
      %dma_wait3A_1048 = arith.constant 0 : i32
      %dma_wait3A_1049 = tpu.memref_slice %arg15[%add3A_18, %dma_wait3A_1048] : memref<10240x128xf32, #tpu.memory_space<vmem_shared>> -> memref<64x128xf32, #tpu.memory_space<vmem_shared>>
      %dma_wait3A_1050 = arith.constant 0 : i32
      %dma_wait3A_1051 = arith.constant 0 : i32
      %dma_wait3A_1052 = tpu.memref_slice %arg12[%run_scoped3A_19, %dma_wait3A_1050, %dma_wait3A_1051] : memref<3x64x128xf32, #tpu.memory_space<vmem>> -> memref<1x64x128xf32, #tpu.memory_space<vmem>>
      %dma_wait3A_1053 = tpu.memref_squeeze %dma_wait3A_1052 : memref<1x64x128xf32, #tpu.memory_space<vmem>> -> memref<64x128xf32, #tpu.memory_space<vmem>>
      tpu.wait_dma2 semaphore(%run_scoped3A_1029 : memref<!tpu.dma_semaphore, #tpu.memory_space<semaphore_mem>>) src(%dma_wait3A_1053 : memref<64x128xf32, #tpu.memory_space<vmem>>) dst(%dma_wait3A_1049 : memref<64x128xf32, #tpu.memory_space<vmem_shared>>)
      tpu.yield
    }) : () -> ()
    %mul3A_20 = arith.constant 640 : i32
    %mul3A_21 = arith.muli %arg1, %mul3A_20 : i32
    %add3A_22 = arith.constant 128 : i32
    %add3A_23 = arith.addi %mul3A_21, %add3A_22 : i32
    %run_scoped3A_24 = arith.constant 0 : i32
    "tpu.region"() ({
      %run_scoped3A_1029 = tpu.sem_alloc : memref<!tpu.dma_semaphore, #tpu.memory_space<semaphore_mem>>
      %dma_start3A_1030 = arith.constant 0 : i32
      %dma_start3A_1031 = arith.constant 0 : i32
      %dma_start3A_1032 = tpu.memref_slice %arg12[%run_scoped3A_24, %dma_start3A_1030, %dma_start3A_1031] : memref<3x64x128xf32, #tpu.memory_space<vmem>> -> memref<1x64x128xf32, #tpu.memory_space<vmem>>
      %dma_start3A_1033 = tpu.memref_squeeze %dma_start3A_1032 : memref<1x64x128xf32, #tpu.memory_space<vmem>> -> memref<64x128xf32, #tpu.memory_space<vmem>>
      %dma_start3A_1034 = arith.constant 0 : i32
      %dma_start3A_1035 = tpu.memref_slice %arg15[%add3A_23, %dma_start3A_1034] : memref<10240x128xf32, #tpu.memory_space<vmem_shared>> -> memref<64x128xf32, #tpu.memory_space<vmem_shared>>
      %dma_start3A_1036 = arith.constant 0 : i32
      %dma_start3A_1037 = tpu.memref_slice %arg15[%add3A_23, %dma_start3A_1036] : memref<10240x128xf32, #tpu.memory_space<vmem_shared>> -> memref<64x128xf32, #tpu.memory_space<vmem_shared>>
      %dma_start3A_1038 = arith.constant 0 : i32
      %dma_start3A_1039 = arith.constant 0 : i32
      %dma_start3A_1040 = tpu.memref_slice %arg12[%run_scoped3A_24, %dma_start3A_1038, %dma_start3A_1039] : memref<3x64x128xf32, #tpu.memory_space<vmem>> -> memref<1x64x128xf32, #tpu.memory_space<vmem>>
      %dma_start3A_1041 = tpu.memref_squeeze %dma_start3A_1040 : memref<1x64x128xf32, #tpu.memory_space<vmem>> -> memref<64x128xf32, #tpu.memory_space<vmem>>
      tpu.enqueue_dma source(%dma_start3A_1041 : memref<64x128xf32, #tpu.memory_space<vmem>>) target(%dma_start3A_1037 : memref<64x128xf32, #tpu.memory_space<vmem_shared>>) target_semaphore(%run_scoped3A_1029 : memref<!tpu.dma_semaphore, #tpu.memory_space<semaphore_mem>>)
      %dma_wait3A_1042 = arith.constant 0 : i32
      %dma_wait3A_1043 = arith.constant 0 : i32
      %dma_wait3A_1044 = tpu.memref_slice %arg12[%run_scoped3A_24, %dma_wait3A_1042, %dma_wait3A_1043] : memref<3x64x128xf32, #tpu.memory_space<vmem>> -> memref<1x64x128xf32, #tpu.memory_space<vmem>>
      %dma_wait3A_1045 = tpu.memref_squeeze %dma_wait3A_1044 : memref<1x64x128xf32, #tpu.memory_space<vmem>> -> memref<64x128xf32, #tpu.memory_space<vmem>>
      %dma_wait3A_1046 = arith.constant 0 : i32
      %dma_wait3A_1047 = tpu.memref_slice %arg15[%add3A_23, %dma_wait3A_1046] : memref<10240x128xf32, #tpu.memory_space<vmem_shared>> -> memref<64x128xf32, #tpu.memory_space<vmem_shared>>
      %dma_wait3A_1048 = arith.constant 0 : i32
      %dma_wait3A_1049 = tpu.memref_slice %arg15[%add3A_23, %dma_wait3A_1048] : memref<10240x128xf32, #tpu.memory_space<vmem_shared>> -> memref<64x128xf32, #tpu.memory_space<vmem_shared>>
      %dma_wait3A_1050 = arith.constant 0 : i32
      %dma_wait3A_1051 = arith.constant 0 : i32
      %dma_wait3A_1052 = tpu.memref_slice %arg12[%run_scoped3A_24, %dma_wait3A_1050, %dma_wait3A_1051] : memref<3x64x128xf32, #tpu.memory_space<vmem>> -> memref<1x64x128xf32, #tpu.memory_space<vmem>>
      %dma_wait3A_1053 = tpu.memref_squeeze %dma_wait3A_1052 : memref<1x64x128xf32, #tpu.memory_space<vmem>> -> memref<64x128xf32, #tpu.memory_space<vmem>>
      tpu.wait_dma2 semaphore(%run_scoped3A_1029 : memref<!tpu.dma_semaphore, #tpu.memory_space<semaphore_mem>>) src(%dma_wait3A_1053 : memref<64x128xf32, #tpu.memory_space<vmem>>) dst(%dma_wait3A_1049 : memref<64x128xf32, #tpu.memory_space<vmem_shared>>)
      tpu.yield
    }) : () -> ()
    %mul3A_25 = arith.constant 640 : i32
    %mul3A_26 = arith.muli %arg1, %mul3A_25 : i32
    %add3A_27 = arith.constant 192 : i32
    %add3A_28 = arith.addi %mul3A_26, %add3A_27 : i32
    %run_scoped3A_29 = arith.constant 0 : i32
    "tpu.region"() ({
      %run_scoped3A_1029 = tpu.sem_alloc : memref<!tpu.dma_semaphore, #tpu.memory_space<semaphore_mem>>
      %dma_start3A_1030 = arith.constant 0 : i32
      %dma_start3A_1031 = arith.constant 0 : i32
      %dma_start3A_1032 = tpu.memref_slice %arg12[%run_scoped3A_29, %dma_start3A_1030, %dma_start3A_1031] : memref<3x64x128xf32, #tpu.memory_space<vmem>> -> memref<1x64x128xf32, #tpu.memory_space<vmem>>
      %dma_start3A_1033 = tpu.memref_squeeze %dma_start3A_1032 : memref<1x64x128xf32, #tpu.memory_space<vmem>> -> memref<64x128xf32, #tpu.memory_space<vmem>>
      %dma_start3A_1034 = arith.constant 0 : i32
      %dma_start3A_1035 = tpu.memref_slice %arg15[%add3A_28, %dma_start3A_1034] : memref<10240x128xf32, #tpu.memory_space<vmem_shared>> -> memref<64x128xf32, #tpu.memory_space<vmem_shared>>
      %dma_start3A_1036 = arith.constant 0 : i32
      %dma_start3A_1037 = tpu.memref_slice %arg15[%add3A_28, %dma_start3A_1036] : memref<10240x128xf32, #tpu.memory_space<vmem_shared>> -> memref<64x128xf32, #tpu.memory_space<vmem_shared>>
      %dma_start3A_1038 = arith.constant 0 : i32
      %dma_start3A_1039 = arith.constant 0 : i32
      %dma_start3A_1040 = tpu.memref_slice %arg12[%run_scoped3A_29, %dma_start3A_1038, %dma_start3A_1039] : memref<3x64x128xf32, #tpu.memory_space<vmem>> -> memref<1x64x128xf32, #tpu.memory_space<vmem>>
      %dma_start3A_1041 = tpu.memref_squeeze %dma_start3A_1040 : memref<1x64x128xf32, #tpu.memory_space<vmem>> -> memref<64x128xf32, #tpu.memory_space<vmem>>
      tpu.enqueue_dma source(%dma_start3A_1041 : memref<64x128xf32, #tpu.memory_space<vmem>>) target(%dma_start3A_1037 : memref<64x128xf32, #tpu.memory_space<vmem_shared>>) target_semaphore(%run_scoped3A_1029 : memref<!tpu.dma_semaphore, #tpu.memory_space<semaphore_mem>>)
      %dma_wait3A_1042 = arith.constant 0 : i32
      %dma_wait3A_1043 = arith.constant 0 : i32
      %dma_wait3A_1044 = tpu.memref_slice %arg12[%run_scoped3A_29, %dma_wait3A_1042, %dma_wait3A_1043] : memref<3x64x128xf32, #tpu.memory_space<vmem>> -> memref<1x64x128xf32, #tpu.memory_space<vmem>>
      %dma_wait3A_1045 = tpu.memref_squeeze %dma_wait3A_1044 : memref<1x64x128xf32, #tpu.memory_space<vmem>> -> memref<64x128xf32, #tpu.memory_space<vmem>>
      %dma_wait3A_1046 = arith.constant 0 : i32
      %dma_wait3A_1047 = tpu.memref_slice %arg15[%add3A_28, %dma_wait3A_1046] : memref<10240x128xf32, #tpu.memory_space<vmem_shared>> -> memref<64x128xf32, #tpu.memory_space<vmem_shared>>
      %dma_wait3A_1048 = arith.constant 0 : i32
      %dma_wait3A_1049 = tpu.memref_slice %arg15[%add3A_28, %dma_wait3A_1048] : memref<10240x128xf32, #tpu.memory_space<vmem_shared>> -> memref<64x128xf32, #tpu.memory_space<vmem_shared>>
      %dma_wait3A_1050 = arith.constant 0 : i32
      %dma_wait3A_1051 = arith.constant 0 : i32
      %dma_wait3A_1052 = tpu.memref_slice %arg12[%run_scoped3A_29, %dma_wait3A_1050, %dma_wait3A_1051] : memref<3x64x128xf32, #tpu.memory_space<vmem>> -> memref<1x64x128xf32, #tpu.memory_space<vmem>>
      %dma_wait3A_1053 = tpu.memref_squeeze %dma_wait3A_1052 : memref<1x64x128xf32, #tpu.memory_space<vmem>> -> memref<64x128xf32, #tpu.memory_space<vmem>>
      tpu.wait_dma2 semaphore(%run_scoped3A_1029 : memref<!tpu.dma_semaphore, #tpu.memory_space<semaphore_mem>>) src(%dma_wait3A_1053 : memref<64x128xf32, #tpu.memory_space<vmem>>) dst(%dma_wait3A_1049 : memref<64x128xf32, #tpu.memory_space<vmem_shared>>)
      tpu.yield
    }) : () -> ()
    %mul3A_30 = arith.constant 640 : i32
    %mul3A_31 = arith.muli %arg1, %mul3A_30 : i32
    %add3A_32 = arith.constant 256 : i32
    %add3A_33 = arith.addi %mul3A_31, %add3A_32 : i32
    %run_scoped3A_34 = arith.constant 0 : i32
    "tpu.region"() ({
      %run_scoped3A_1029 = tpu.sem_alloc : memref<!tpu.dma_semaphore, #tpu.memory_space<semaphore_mem>>
      %dma_start3A_1030 = arith.constant 0 : i32
      %dma_start3A_1031 = arith.constant 0 : i32
      %dma_start3A_1032 = tpu.memref_slice %arg12[%run_scoped3A_34, %dma_start3A_1030, %dma_start3A_1031] : memref<3x64x128xf32, #tpu.memory_space<vmem>> -> memref<1x64x128xf32, #tpu.memory_space<vmem>>
      %dma_start3A_1033 = tpu.memref_squeeze %dma_start3A_1032 : memref<1x64x128xf32, #tpu.memory_space<vmem>> -> memref<64x128xf32, #tpu.memory_space<vmem>>
      %dma_start3A_1034 = arith.constant 0 : i32
      %dma_start3A_1035 = tpu.memref_slice %arg15[%add3A_33, %dma_start3A_1034] : memref<10240x128xf32, #tpu.memory_space<vmem_shared>> -> memref<64x128xf32, #tpu.memory_space<vmem_shared>>
      %dma_start3A_1036 = arith.constant 0 : i32
      %dma_start3A_1037 = tpu.memref_slice %arg15[%add3A_33, %dma_start3A_1036] : memref<10240x128xf32, #tpu.memory_space<vmem_shared>> -> memref<64x128xf32, #tpu.memory_space<vmem_shared>>
      %dma_start3A_1038 = arith.constant 0 : i32
      %dma_start3A_1039 = arith.constant 0 : i32
      %dma_start3A_1040 = tpu.memref_slice %arg12[%run_scoped3A_34, %dma_start3A_1038, %dma_start3A_1039] : memref<3x64x128xf32, #tpu.memory_space<vmem>> -> memref<1x64x128xf32, #tpu.memory_space<vmem>>
      %dma_start3A_1041 = tpu.memref_squeeze %dma_start3A_1040 : memref<1x64x128xf32, #tpu.memory_space<vmem>> -> memref<64x128xf32, #tpu.memory_space<vmem>>
      tpu.enqueue_dma source(%dma_start3A_1041 : memref<64x128xf32, #tpu.memory_space<vmem>>) target(%dma_start3A_1037 : memref<64x128xf32, #tpu.memory_space<vmem_shared>>) target_semaphore(%run_scoped3A_1029 : memref<!tpu.dma_semaphore, #tpu.memory_space<semaphore_mem>>)
      %dma_wait3A_1042 = arith.constant 0 : i32
      %dma_wait3A_1043 = arith.constant 0 : i32
      %dma_wait3A_1044 = tpu.memref_slice %arg12[%run_scoped3A_34, %dma_wait3A_1042, %dma_wait3A_1043] : memref<3x64x128xf32, #tpu.memory_space<vmem>> -> memref<1x64x128xf32, #tpu.memory_space<vmem>>
      %dma_wait3A_1045 = tpu.memref_squeeze %dma_wait3A_1044 : memref<1x64x128xf32, #tpu.memory_space<vmem>> -> memref<64x128xf32, #tpu.memory_space<vmem>>
      %dma_wait3A_1046 = arith.constant 0 : i32
      %dma_wait3A_1047 = tpu.memref_slice %arg15[%add3A_33, %dma_wait3A_1046] : memref<10240x128xf32, #tpu.memory_space<vmem_shared>> -> memref<64x128xf32, #tpu.memory_space<vmem_shared>>
      %dma_wait3A_1048 = arith.constant 0 : i32
      %dma_wait3A_1049 = tpu.memref_slice %arg15[%add3A_33, %dma_wait3A_1048] : memref<10240x128xf32, #tpu.memory_space<vmem_shared>> -> memref<64x128xf32, #tpu.memory_space<vmem_shared>>
      %dma_wait3A_1050 = arith.constant 0 : i32
      %dma_wait3A_1051 = arith.constant 0 : i32
      %dma_wait3A_1052 = tpu.memref_slice %arg12[%run_scoped3A_34, %dma_wait3A_1050, %dma_wait3A_1051] : memref<3x64x128xf32, #tpu.memory_space<vmem>> -> memref<1x64x128xf32, #tpu.memory_space<vmem>>
      %dma_wait3A_1053 = tpu.memref_squeeze %dma_wait3A_1052 : memref<1x64x128xf32, #tpu.memory_space<vmem>> -> memref<64x128xf32, #tpu.memory_space<vmem>>
      tpu.wait_dma2 semaphore(%run_scoped3A_1029 : memref<!tpu.dma_semaphore, #tpu.memory_space<semaphore_mem>>) src(%dma_wait3A_1053 : memref<64x128xf32, #tpu.memory_space<vmem>>) dst(%dma_wait3A_1049 : memref<64x128xf32, #tpu.memory_space<vmem_shared>>)
      tpu.yield
    }) : () -> ()
    %mul3A_35 = arith.constant 640 : i32
    %mul3A_36 = arith.muli %arg1, %mul3A_35 : i32
    %add3A_37 = arith.constant 320 : i32
    %add3A_38 = arith.addi %mul3A_36, %add3A_37 : i32
    %run_scoped3A_39 = arith.constant 0 : i32
    "tpu.region"() ({
      %run_scoped3A_1029 = tpu.sem_alloc : memref<!tpu.dma_semaphore, #tpu.memory_space<semaphore_mem>>
      %dma_start3A_1030 = arith.constant 0 : i32
      %dma_start3A_1031 = arith.constant 0 : i32
      %dma_start3A_1032 = tpu.memref_slice %arg12[%run_scoped3A_39, %dma_start3A_1030, %dma_start3A_1031] : memref<3x64x128xf32, #tpu.memory_space<vmem>> -> memref<1x64x128xf32, #tpu.memory_space<vmem>>
      %dma_start3A_1033 = tpu.memref_squeeze %dma_start3A_1032 : memref<1x64x128xf32, #tpu.memory_space<vmem>> -> memref<64x128xf32, #tpu.memory_space<vmem>>
      %dma_start3A_1034 = arith.constant 0 : i32
      %dma_start3A_1035 = tpu.memref_slice %arg15[%add3A_38, %dma_start3A_1034] : memref<10240x128xf32, #tpu.memory_space<vmem_shared>> -> memref<64x128xf32, #tpu.memory_space<vmem_shared>>
      %dma_start3A_1036 = arith.constant 0 : i32
      %dma_start3A_1037 = tpu.memref_slice %arg15[%add3A_38, %dma_start3A_1036] : memref<10240x128xf32, #tpu.memory_space<vmem_shared>> -> memref<64x128xf32, #tpu.memory_space<vmem_shared>>
      %dma_start3A_1038 = arith.constant 0 : i32
      %dma_start3A_1039 = arith.constant 0 : i32
      %dma_start3A_1040 = tpu.memref_slice %arg12[%run_scoped3A_39, %dma_start3A_1038, %dma_start3A_1039] : memref<3x64x128xf32, #tpu.memory_space<vmem>> -> memref<1x64x128xf32, #tpu.memory_space<vmem>>
      %dma_start3A_1041 = tpu.memref_squeeze %dma_start3A_1040 : memref<1x64x128xf32, #tpu.memory_space<vmem>> -> memref<64x128xf32, #tpu.memory_space<vmem>>
      tpu.enqueue_dma source(%dma_start3A_1041 : memref<64x128xf32, #tpu.memory_space<vmem>>) target(%dma_start3A_1037 : memref<64x128xf32, #tpu.memory_space<vmem_shared>>) target_semaphore(%run_scoped3A_1029 : memref<!tpu.dma_semaphore, #tpu.memory_space<semaphore_mem>>)
      %dma_wait3A_1042 = arith.constant 0 : i32
      %dma_wait3A_1043 = arith.constant 0 : i32
      %dma_wait3A_1044 = tpu.memref_slice %arg12[%run_scoped3A_39, %dma_wait3A_1042, %dma_wait3A_1043] : memref<3x64x128xf32, #tpu.memory_space<vmem>> -> memref<1x64x128xf32, #tpu.memory_space<vmem>>
      %dma_wait3A_1045 = tpu.memref_squeeze %dma_wait3A_1044 : memref<1x64x128xf32, #tpu.memory_space<vmem>> -> memref<64x128xf32, #tpu.memory_space<vmem>>
      %dma_wait3A_1046 = arith.constant 0 : i32
      %dma_wait3A_1047 = tpu.memref_slice %arg15[%add3A_38, %dma_wait3A_1046] : memref<10240x128xf32, #tpu.memory_space<vmem_shared>> -> memref<64x128xf32, #tpu.memory_space<vmem_shared>>
      %dma_wait3A_1048 = arith.constant 0 : i32
      %dma_wait3A_1049 = tpu.memref_slice %arg15[%add3A_38, %dma_wait3A_1048] : memref<10240x128xf32, #tpu.memory_space<vmem_shared>> -> memref<64x128xf32, #tpu.memory_space<vmem_shared>>
      %dma_wait3A_1050 = arith.constant 0 : i32
      %dma_wait3A_1051 = arith.constant 0 : i32
      %dma_wait3A_1052 = tpu.memref_slice %arg12[%run_scoped3A_39, %dma_wait3A_1050, %dma_wait3A_1051] : memref<3x64x128xf32, #tpu.memory_space<vmem>> -> memref<1x64x128xf32, #tpu.memory_space<vmem>>
      %dma_wait3A_1053 = tpu.memref_squeeze %dma_wait3A_1052 : memref<1x64x128xf32, #tpu.memory_space<vmem>> -> memref<64x128xf32, #tpu.memory_space<vmem>>
      tpu.wait_dma2 semaphore(%run_scoped3A_1029 : memref<!tpu.dma_semaphore, #tpu.memory_space<semaphore_mem>>) src(%dma_wait3A_1053 : memref<64x128xf32, #tpu.memory_space<vmem>>) dst(%dma_wait3A_1049 : memref<64x128xf32, #tpu.memory_space<vmem_shared>>)
      tpu.yield
    }) : () -> ()
    %mul3A_40 = arith.constant 640 : i32
    %mul3A_41 = arith.muli %arg1, %mul3A_40 : i32
    %add3A_42 = arith.constant 384 : i32
    %add3A_43 = arith.addi %mul3A_41, %add3A_42 : i32
    %run_scoped3A_44 = arith.constant 0 : i32
    "tpu.region"() ({
      %run_scoped3A_1029 = tpu.sem_alloc : memref<!tpu.dma_semaphore, #tpu.memory_space<semaphore_mem>>
      %dma_start3A_1030 = arith.constant 0 : i32
      %dma_start3A_1031 = arith.constant 0 : i32
      %dma_start3A_1032 = tpu.memref_slice %arg12[%run_scoped3A_44, %dma_start3A_1030, %dma_start3A_1031] : memref<3x64x128xf32, #tpu.memory_space<vmem>> -> memref<1x64x128xf32, #tpu.memory_space<vmem>>
      %dma_start3A_1033 = tpu.memref_squeeze %dma_start3A_1032 : memref<1x64x128xf32, #tpu.memory_space<vmem>> -> memref<64x128xf32, #tpu.memory_space<vmem>>
      %dma_start3A_1034 = arith.constant 0 : i32
      %dma_start3A_1035 = tpu.memref_slice %arg15[%add3A_43, %dma_start3A_1034] : memref<10240x128xf32, #tpu.memory_space<vmem_shared>> -> memref<64x128xf32, #tpu.memory_space<vmem_shared>>
      %dma_start3A_1036 = arith.constant 0 : i32
      %dma_start3A_1037 = tpu.memref_slice %arg15[%add3A_43, %dma_start3A_1036] : memref<10240x128xf32, #tpu.memory_space<vmem_shared>> -> memref<64x128xf32, #tpu.memory_space<vmem_shared>>
      %dma_start3A_1038 = arith.constant 0 : i32
      %dma_start3A_1039 = arith.constant 0 : i32
      %dma_start3A_1040 = tpu.memref_slice %arg12[%run_scoped3A_44, %dma_start3A_1038, %dma_start3A_1039] : memref<3x64x128xf32, #tpu.memory_space<vmem>> -> memref<1x64x128xf32, #tpu.memory_space<vmem>>
      %dma_start3A_1041 = tpu.memref_squeeze %dma_start3A_1040 : memref<1x64x128xf32, #tpu.memory_space<vmem>> -> memref<64x128xf32, #tpu.memory_space<vmem>>
      tpu.enqueue_dma source(%dma_start3A_1041 : memref<64x128xf32, #tpu.memory_space<vmem>>) target(%dma_start3A_1037 : memref<64x128xf32, #tpu.memory_space<vmem_shared>>) target_semaphore(%run_scoped3A_1029 : memref<!tpu.dma_semaphore, #tpu.memory_space<semaphore_mem>>)
      %dma_wait3A_1042 = arith.constant 0 : i32
      %dma_wait3A_1043 = arith.constant 0 : i32
      %dma_wait3A_1044 = tpu.memref_slice %arg12[%run_scoped3A_44, %dma_wait3A_1042, %dma_wait3A_1043] : memref<3x64x128xf32, #tpu.memory_space<vmem>> -> memref<1x64x128xf32, #tpu.memory_space<vmem>>
      %dma_wait3A_1045 = tpu.memref_squeeze %dma_wait3A_1044 : memref<1x64x128xf32, #tpu.memory_space<vmem>> -> memref<64x128xf32, #tpu.memory_space<vmem>>
      %dma_wait3A_1046 = arith.constant 0 : i32
      %dma_wait3A_1047 = tpu.memref_slice %arg15[%add3A_43, %dma_wait3A_1046] : memref<10240x128xf32, #tpu.memory_space<vmem_shared>> -> memref<64x128xf32, #tpu.memory_space<vmem_shared>>
      %dma_wait3A_1048 = arith.constant 0 : i32
      %dma_wait3A_1049 = tpu.memref_slice %arg15[%add3A_43, %dma_wait3A_1048] : memref<10240x128xf32, #tpu.memory_space<vmem_shared>> -> memref<64x128xf32, #tpu.memory_space<vmem_shared>>
      %dma_wait3A_1050 = arith.constant 0 : i32
      %dma_wait3A_1051 = arith.constant 0 : i32
      %dma_wait3A_1052 = tpu.memref_slice %arg12[%run_scoped3A_44, %dma_wait3A_1050, %dma_wait3A_1051] : memref<3x64x128xf32, #tpu.memory_space<vmem>> -> memref<1x64x128xf32, #tpu.memory_space<vmem>>
      %dma_wait3A_1053 = tpu.memref_squeeze %dma_wait3A_1052 : memref<1x64x128xf32, #tpu.memory_space<vmem>> -> memref<64x128xf32, #tpu.memory_space<vmem>>
      tpu.wait_dma2 semaphore(%run_scoped3A_1029 : memref<!tpu.dma_semaphore, #tpu.memory_space<semaphore_mem>>) src(%dma_wait3A_1053 : memref<64x128xf32, #tpu.memory_space<vmem>>) dst(%dma_wait3A_1049 : memref<64x128xf32, #tpu.memory_space<vmem_shared>>)
      tpu.yield
    }) : () -> ()
    %mul3A_45 = arith.constant 640 : i32
    %mul3A_46 = arith.muli %arg1, %mul3A_45 : i32
    %add3A_47 = arith.constant 448 : i32
    %add3A_48 = arith.addi %mul3A_46, %add3A_47 : i32
    %run_scoped3A_49 = arith.constant 0 : i32
    "tpu.region"() ({
      %run_scoped3A_1029 = tpu.sem_alloc : memref<!tpu.dma_semaphore, #tpu.memory_space<semaphore_mem>>
      %dma_start3A_1030 = arith.constant 0 : i32
      %dma_start3A_1031 = arith.constant 0 : i32
      %dma_start3A_1032 = tpu.memref_slice %arg12[%run_scoped3A_49, %dma_start3A_1030, %dma_start3A_1031] : memref<3x64x128xf32, #tpu.memory_space<vmem>> -> memref<1x64x128xf32, #tpu.memory_space<vmem>>
      %dma_start3A_1033 = tpu.memref_squeeze %dma_start3A_1032 : memref<1x64x128xf32, #tpu.memory_space<vmem>> -> memref<64x128xf32, #tpu.memory_space<vmem>>
      %dma_start3A_1034 = arith.constant 0 : i32
      %dma_start3A_1035 = tpu.memref_slice %arg15[%add3A_48, %dma_start3A_1034] : memref<10240x128xf32, #tpu.memory_space<vmem_shared>> -> memref<64x128xf32, #tpu.memory_space<vmem_shared>>
      %dma_start3A_1036 = arith.constant 0 : i32
      %dma_start3A_1037 = tpu.memref_slice %arg15[%add3A_48, %dma_start3A_1036] : memref<10240x128xf32, #tpu.memory_space<vmem_shared>> -> memref<64x128xf32, #tpu.memory_space<vmem_shared>>
      %dma_start3A_1038 = arith.constant 0 : i32
      %dma_start3A_1039 = arith.constant 0 : i32
      %dma_start3A_1040 = tpu.memref_slice %arg12[%run_scoped3A_49, %dma_start3A_1038, %dma_start3A_1039] : memref<3x64x128xf32, #tpu.memory_space<vmem>> -> memref<1x64x128xf32, #tpu.memory_space<vmem>>
      %dma_start3A_1041 = tpu.memref_squeeze %dma_start3A_1040 : memref<1x64x128xf32, #tpu.memory_space<vmem>> -> memref<64x128xf32, #tpu.memory_space<vmem>>
      tpu.enqueue_dma source(%dma_start3A_1041 : memref<64x128xf32, #tpu.memory_space<vmem>>) target(%dma_start3A_1037 : memref<64x128xf32, #tpu.memory_space<vmem_shared>>) target_semaphore(%run_scoped3A_1029 : memref<!tpu.dma_semaphore, #tpu.memory_space<semaphore_mem>>)
      %dma_wait3A_1042 = arith.constant 0 : i32
      %dma_wait3A_1043 = arith.constant 0 : i32
      %dma_wait3A_1044 = tpu.memref_slice %arg12[%run_scoped3A_49, %dma_wait3A_1042, %dma_wait3A_1043] : memref<3x64x128xf32, #tpu.memory_space<vmem>> -> memref<1x64x128xf32, #tpu.memory_space<vmem>>
      %dma_wait3A_1045 = tpu.memref_squeeze %dma_wait3A_1044 : memref<1x64x128xf32, #tpu.memory_space<vmem>> -> memref<64x128xf32, #tpu.memory_space<vmem>>
      %dma_wait3A_1046 = arith.constant 0 : i32
      %dma_wait3A_1047 = tpu.memref_slice %arg15[%add3A_48, %dma_wait3A_1046] : memref<10240x128xf32, #tpu.memory_space<vmem_shared>> -> memref<64x128xf32, #tpu.memory_space<vmem_shared>>
      %dma_wait3A_1048 = arith.constant 0 : i32
      %dma_wait3A_1049 = tpu.memref_slice %arg15[%add3A_48, %dma_wait3A_1048] : memref<10240x128xf32, #tpu.memory_space<vmem_shared>> -> memref<64x128xf32, #tpu.memory_space<vmem_shared>>
      %dma_wait3A_1050 = arith.constant 0 : i32
      %dma_wait3A_1051 = arith.constant 0 : i32
      %dma_wait3A_1052 = tpu.memref_slice %arg12[%run_scoped3A_49, %dma_wait3A_1050, %dma_wait3A_1051] : memref<3x64x128xf32, #tpu.memory_space<vmem>> -> memref<1x64x128xf32, #tpu.memory_space<vmem>>
      %dma_wait3A_1053 = tpu.memref_squeeze %dma_wait3A_1052 : memref<1x64x128xf32, #tpu.memory_space<vmem>> -> memref<64x128xf32, #tpu.memory_space<vmem>>
      tpu.wait_dma2 semaphore(%run_scoped3A_1029 : memref<!tpu.dma_semaphore, #tpu.memory_space<semaphore_mem>>) src(%dma_wait3A_1053 : memref<64x128xf32, #tpu.memory_space<vmem>>) dst(%dma_wait3A_1049 : memref<64x128xf32, #tpu.memory_space<vmem_shared>>)
      tpu.yield
    }) : () -> ()
    %mul3A_50 = arith.constant 640 : i32
    %mul3A_51 = arith.muli %arg1, %mul3A_50 : i32
    %add3A_52 = arith.constant 512 : i32
    %add3A_53 = arith.addi %mul3A_51, %add3A_52 : i32
    %run_scoped3A_54 = arith.constant 0 : i32
    "tpu.region"() ({
      %run_scoped3A_1029 = tpu.sem_alloc : memref<!tpu.dma_semaphore, #tpu.memory_space<semaphore_mem>>
      %dma_start3A_1030 = arith.constant 0 : i32
      %dma_start3A_1031 = arith.constant 0 : i32
      %dma_start3A_1032 = tpu.memref_slice %arg12[%run_scoped3A_54, %dma_start3A_1030, %dma_start3A_1031] : memref<3x64x128xf32, #tpu.memory_space<vmem>> -> memref<1x64x128xf32, #tpu.memory_space<vmem>>
      %dma_start3A_1033 = tpu.memref_squeeze %dma_start3A_1032 : memref<1x64x128xf32, #tpu.memory_space<vmem>> -> memref<64x128xf32, #tpu.memory_space<vmem>>
      %dma_start3A_1034 = arith.constant 0 : i32
      %dma_start3A_1035 = tpu.memref_slice %arg15[%add3A_53, %dma_start3A_1034] : memref<10240x128xf32, #tpu.memory_space<vmem_shared>> -> memref<64x128xf32, #tpu.memory_space<vmem_shared>>
      %dma_start3A_1036 = arith.constant 0 : i32
      %dma_start3A_1037 = tpu.memref_slice %arg15[%add3A_53, %dma_start3A_1036] : memref<10240x128xf32, #tpu.memory_space<vmem_shared>> -> memref<64x128xf32, #tpu.memory_space<vmem_shared>>
      %dma_start3A_1038 = arith.constant 0 : i32
      %dma_start3A_1039 = arith.constant 0 : i32
      %dma_start3A_1040 = tpu.memref_slice %arg12[%run_scoped3A_54, %dma_start3A_1038, %dma_start3A_1039] : memref<3x64x128xf32, #tpu.memory_space<vmem>> -> memref<1x64x128xf32, #tpu.memory_space<vmem>>
      %dma_start3A_1041 = tpu.memref_squeeze %dma_start3A_1040 : memref<1x64x128xf32, #tpu.memory_space<vmem>> -> memref<64x128xf32, #tpu.memory_space<vmem>>
      tpu.enqueue_dma source(%dma_start3A_1041 : memref<64x128xf32, #tpu.memory_space<vmem>>) target(%dma_start3A_1037 : memref<64x128xf32, #tpu.memory_space<vmem_shared>>) target_semaphore(%run_scoped3A_1029 : memref<!tpu.dma_semaphore, #tpu.memory_space<semaphore_mem>>)
      %dma_wait3A_1042 = arith.constant 0 : i32
      %dma_wait3A_1043 = arith.constant 0 : i32
      %dma_wait3A_1044 = tpu.memref_slice %arg12[%run_scoped3A_54, %dma_wait3A_1042, %dma_wait3A_1043] : memref<3x64x128xf32, #tpu.memory_space<vmem>> -> memref<1x64x128xf32, #tpu.memory_space<vmem>>
      %dma_wait3A_1045 = tpu.memref_squeeze %dma_wait3A_1044 : memref<1x64x128xf32, #tpu.memory_space<vmem>> -> memref<64x128xf32, #tpu.memory_space<vmem>>
      %dma_wait3A_1046 = arith.constant 0 : i32
      %dma_wait3A_1047 = tpu.memref_slice %arg15[%add3A_53, %dma_wait3A_1046] : memref<10240x128xf32, #tpu.memory_space<vmem_shared>> -> memref<64x128xf32, #tpu.memory_space<vmem_shared>>
      %dma_wait3A_1048 = arith.constant 0 : i32
      %dma_wait3A_1049 = tpu.memref_slice %arg15[%add3A_53, %dma_wait3A_1048] : memref<10240x128xf32, #tpu.memory_space<vmem_shared>> -> memref<64x128xf32, #tpu.memory_space<vmem_shared>>
      %dma_wait3A_1050 = arith.constant 0 : i32
      %dma_wait3A_1051 = arith.constant 0 : i32
      %dma_wait3A_1052 = tpu.memref_slice %arg12[%run_scoped3A_54, %dma_wait3A_1050, %dma_wait3A_1051] : memref<3x64x128xf32, #tpu.memory_space<vmem>> -> memref<1x64x128xf32, #tpu.memory_space<vmem>>
      %dma_wait3A_1053 = tpu.memref_squeeze %dma_wait3A_1052 : memref<1x64x128xf32, #tpu.memory_space<vmem>> -> memref<64x128xf32, #tpu.memory_space<vmem>>
      tpu.wait_dma2 semaphore(%run_scoped3A_1029 : memref<!tpu.dma_semaphore, #tpu.memory_space<semaphore_mem>>) src(%dma_wait3A_1053 : memref<64x128xf32, #tpu.memory_space<vmem>>) dst(%dma_wait3A_1049 : memref<64x128xf32, #tpu.memory_space<vmem_shared>>)
      tpu.yield
    }) : () -> ()
    %mul3A_55 = arith.constant 640 : i32
    %mul3A_56 = arith.muli %arg1, %mul3A_55 : i32
    %add3A_57 = arith.constant 576 : i32
    %add3A_58 = arith.addi %mul3A_56, %add3A_57 : i32
    %run_scoped3A_59 = arith.constant 0 : i32
    "tpu.region"() ({
      %run_scoped3A_1029 = tpu.sem_alloc : memref<!tpu.dma_semaphore, #tpu.memory_space<semaphore_mem>>
      %dma_start3A_1030 = arith.constant 0 : i32
      %dma_start3A_1031 = arith.constant 0 : i32
      %dma_start3A_1032 = tpu.memref_slice %arg12[%run_scoped3A_59, %dma_start3A_1030, %dma_start3A_1031] : memref<3x64x128xf32, #tpu.memory_space<vmem>> -> memref<1x64x128xf32, #tpu.memory_space<vmem>>
      %dma_start3A_1033 = tpu.memref_squeeze %dma_start3A_1032 : memref<1x64x128xf32, #tpu.memory_space<vmem>> -> memref<64x128xf32, #tpu.memory_space<vmem>>
      %dma_start3A_1034 = arith.constant 0 : i32
      %dma_start3A_1035 = tpu.memref_slice %arg15[%add3A_58, %dma_start3A_1034] : memref<10240x128xf32, #tpu.memory_space<vmem_shared>> -> memref<64x128xf32, #tpu.memory_space<vmem_shared>>
      %dma_start3A_1036 = arith.constant 0 : i32
      %dma_start3A_1037 = tpu.memref_slice %arg15[%add3A_58, %dma_start3A_1036] : memref<10240x128xf32, #tpu.memory_space<vmem_shared>> -> memref<64x128xf32, #tpu.memory_space<vmem_shared>>
      %dma_start3A_1038 = arith.constant 0 : i32
      %dma_start3A_1039 = arith.constant 0 : i32
      %dma_start3A_1040 = tpu.memref_slice %arg12[%run_scoped3A_59, %dma_start3A_1038, %dma_start3A_1039] : memref<3x64x128xf32, #tpu.memory_space<vmem>> -> memref<1x64x128xf32, #tpu.memory_space<vmem>>
      %dma_start3A_1041 = tpu.memref_squeeze %dma_start3A_1040 : memref<1x64x128xf32, #tpu.memory_space<vmem>> -> memref<64x128xf32, #tpu.memory_space<vmem>>
      tpu.enqueue_dma source(%dma_start3A_1041 : memref<64x128xf32, #tpu.memory_space<vmem>>) target(%dma_start3A_1037 : memref<64x128xf32, #tpu.memory_space<vmem_shared>>) target_semaphore(%run_scoped3A_1029 : memref<!tpu.dma_semaphore, #tpu.memory_space<semaphore_mem>>)
      %dma_wait3A_1042 = arith.constant 0 : i32
      %dma_wait3A_1043 = arith.constant 0 : i32
      %dma_wait3A_1044 = tpu.memref_slice %arg12[%run_scoped3A_59, %dma_wait3A_1042, %dma_wait3A_1043] : memref<3x64x128xf32, #tpu.memory_space<vmem>> -> memref<1x64x128xf32, #tpu.memory_space<vmem>>
      %dma_wait3A_1045 = tpu.memref_squeeze %dma_wait3A_1044 : memref<1x64x128xf32, #tpu.memory_space<vmem>> -> memref<64x128xf32, #tpu.memory_space<vmem>>
      %dma_wait3A_1046 = arith.constant 0 : i32
      %dma_wait3A_1047 = tpu.memref_slice %arg15[%add3A_58, %dma_wait3A_1046] : memref<10240x128xf32, #tpu.memory_space<vmem_shared>> -> memref<64x128xf32, #tpu.memory_space<vmem_shared>>
      %dma_wait3A_1048 = arith.constant 0 : i32
      %dma_wait3A_1049 = tpu.memref_slice %arg15[%add3A_58, %dma_wait3A_1048] : memref<10240x128xf32, #tpu.memory_space<vmem_shared>> -> memref<64x128xf32, #tpu.memory_space<vmem_shared>>
      %dma_wait3A_1050 = arith.constant 0 : i32
      %dma_wait3A_1051 = arith.constant 0 : i32
      %dma_wait3A_1052 = tpu.memref_slice %arg12[%run_scoped3A_59, %dma_wait3A_1050, %dma_wait3A_1051] : memref<3x64x128xf32, #tpu.memory_space<vmem>> -> memref<1x64x128xf32, #tpu.memory_space<vmem>>
      %dma_wait3A_1053 = tpu.memref_squeeze %dma_wait3A_1052 : memref<1x64x128xf32, #tpu.memory_space<vmem>> -> memref<64x128xf32, #tpu.memory_space<vmem>>
      tpu.wait_dma2 semaphore(%run_scoped3A_1029 : memref<!tpu.dma_semaphore, #tpu.memory_space<semaphore_mem>>) src(%dma_wait3A_1053 : memref<64x128xf32, #tpu.memory_space<vmem>>) dst(%dma_wait3A_1049 : memref<64x128xf32, #tpu.memory_space<vmem_shared>>)
      tpu.yield
    }) : () -> ()
    %barrier3A = arith.constant 0 : index
    tpu.barrier barrier_id(%barrier3A)
    %mul3A_60 = arith.constant 10000 : i32
    %mul3A_61 = arith.muli %add3A, %mul3A_60 : i32
    %add3A_62 = arith.constant 0 : i32
    %add3A_63 = arith.addi %mul3A_61, %add3A_62 : i32
    %dma_start3A = arith.constant 0 : i32
    %dma_start3A_64 = arith.constant 0 : i32
    %dma_start3A_65 = tpu.memref_slice %arg7[%dma_start3A, %dma_start3A_64] : memref<3x64xi32, #tpu.memory_space<vmem>> -> memref<1x64xi32, #tpu.memory_space<vmem>>
    %dma_start3A_66 = tpu.memref_squeeze %dma_start3A_65 : memref<1x64xi32, #tpu.memory_space<vmem>> -> memref<64xi32, #tpu.memory_space<vmem>>
    %dma_start3A_67 = tpu.memref_slice %arg2[%add3A_63] : memref<640000xi32, #tpu.memory_space<hbm>> -> memref<64xi32, #tpu.memory_space<hbm>>
    %dma_start3A_68 = arith.constant 0 : i32
    %dma_start3A_69 = tpu.memref_slice %arg7[%dma_start3A, %dma_start3A_68] : memref<3x64xi32, #tpu.memory_space<vmem>> -> memref<1x64xi32, #tpu.memory_space<vmem>>
    %dma_start3A_70 = tpu.memref_squeeze %dma_start3A_69 : memref<1x64xi32, #tpu.memory_space<vmem>> -> memref<64xi32, #tpu.memory_space<vmem>>
    %dma_start3A_71 = tpu.memref_slice %arg2[%add3A_63] : memref<640000xi32, #tpu.memory_space<hbm>> -> memref<64xi32, #tpu.memory_space<hbm>>
    tpu.enqueue_dma source(%dma_start3A_71 : memref<64xi32, #tpu.memory_space<hbm>>) target(%dma_start3A_70 : memref<64xi32, #tpu.memory_space<vmem>>) target_semaphore(%arg21 : memref<!tpu.dma_semaphore, #tpu.memory_space<semaphore_mem>>)
    %add3A_72 = arith.constant 320000 : i32
    %add3A_73 = arith.addi %add3A_72, %add3A_63 : i32
    %dma_start3A_74 = arith.constant 0 : i32
    %dma_start3A_75 = arith.constant 0 : i32
    %dma_start3A_76 = tpu.memref_slice %arg8[%dma_start3A_74, %dma_start3A_75] : memref<3x64xi32, #tpu.memory_space<vmem>> -> memref<1x64xi32, #tpu.memory_space<vmem>>
    %dma_start3A_77 = tpu.memref_squeeze %dma_start3A_76 : memref<1x64xi32, #tpu.memory_space<vmem>> -> memref<64xi32, #tpu.memory_space<vmem>>
    %dma_start3A_78 = tpu.memref_slice %arg2[%add3A_73] : memref<640000xi32, #tpu.memory_space<hbm>> -> memref<64xi32, #tpu.memory_space<hbm>>
    %dma_start3A_79 = arith.constant 0 : i32
    %dma_start3A_80 = tpu.memref_slice %arg8[%dma_start3A_74, %dma_start3A_79] : memref<3x64xi32, #tpu.memory_space<vmem>> -> memref<1x64xi32, #tpu.memory_space<vmem>>
    %dma_start3A_81 = tpu.memref_squeeze %dma_start3A_80 : memref<1x64xi32, #tpu.memory_space<vmem>> -> memref<64xi32, #tpu.memory_space<vmem>>
    %dma_start3A_82 = tpu.memref_slice %arg2[%add3A_73] : memref<640000xi32, #tpu.memory_space<hbm>> -> memref<64xi32, #tpu.memory_space<hbm>>
    tpu.enqueue_dma source(%dma_start3A_82 : memref<64xi32, #tpu.memory_space<hbm>>) target(%dma_start3A_81 : memref<64xi32, #tpu.memory_space<vmem>>) target_semaphore(%arg21 : memref<!tpu.dma_semaphore, #tpu.memory_space<semaphore_mem>>)
    %add3A_83 = arith.constant 64 : i32
    %add3A_84 = arith.addi %mul3A_61, %add3A_83 : i32
    %dma_start3A_85 = arith.constant 1 : i32
    %dma_start3A_86 = arith.constant 0 : i32
    %dma_start3A_87 = tpu.memref_slice %arg7[%dma_start3A_85, %dma_start3A_86] : memref<3x64xi32, #tpu.memory_space<vmem>> -> memref<1x64xi32, #tpu.memory_space<vmem>>
    %dma_start3A_88 = tpu.memref_squeeze %dma_start3A_87 : memref<1x64xi32, #tpu.memory_space<vmem>> -> memref<64xi32, #tpu.memory_space<vmem>>
    %dma_start3A_89 = tpu.memref_slice %arg2[%add3A_84] : memref<640000xi32, #tpu.memory_space<hbm>> -> memref<64xi32, #tpu.memory_space<hbm>>
    %dma_start3A_90 = arith.constant 0 : i32
    %dma_start3A_91 = tpu.memref_slice %arg7[%dma_start3A_85, %dma_start3A_90] : memref<3x64xi32, #tpu.memory_space<vmem>> -> memref<1x64xi32, #tpu.memory_space<vmem>>
    %dma_start3A_92 = tpu.memref_squeeze %dma_start3A_91 : memref<1x64xi32, #tpu.memory_space<vmem>> -> memref<64xi32, #tpu.memory_space<vmem>>
    %dma_start3A_93 = tpu.memref_slice %arg2[%add3A_84] : memref<640000xi32, #tpu.memory_space<hbm>> -> memref<64xi32, #tpu.memory_space<hbm>>
    tpu.enqueue_dma source(%dma_start3A_93 : memref<64xi32, #tpu.memory_space<hbm>>) target(%dma_start3A_92 : memref<64xi32, #tpu.memory_space<vmem>>) target_semaphore(%arg22 : memref<!tpu.dma_semaphore, #tpu.memory_space<semaphore_mem>>)
    %add3A_94 = arith.constant 320000 : i32
    %add3A_95 = arith.addi %add3A_94, %add3A_84 : i32
    %dma_start3A_96 = arith.constant 1 : i32
    %dma_start3A_97 = arith.constant 0 : i32
    %dma_start3A_98 = tpu.memref_slice %arg8[%dma_start3A_96, %dma_start3A_97] : memref<3x64xi32, #tpu.memory_space<vmem>> -> memref<1x64xi32, #tpu.memory_space<vmem>>
    %dma_start3A_99 = tpu.memref_squeeze %dma_start3A_98 : memref<1x64xi32, #tpu.memory_space<vmem>> -> memref<64xi32, #tpu.memory_space<vmem>>
    %dma_start3A_100 = tpu.memref_slice %arg2[%add3A_95] : memref<640000xi32, #tpu.memory_space<hbm>> -> memref<64xi32, #tpu.memory_space<hbm>>
    %dma_start3A_101 = arith.constant 0 : i32
    %dma_start3A_102 = tpu.memref_slice %arg8[%dma_start3A_96, %dma_start3A_101] : memref<3x64xi32, #tpu.memory_space<vmem>> -> memref<1x64xi32, #tpu.memory_space<vmem>>
    %dma_start3A_103 = tpu.memref_squeeze %dma_start3A_102 : memref<1x64xi32, #tpu.memory_space<vmem>> -> memref<64xi32, #tpu.memory_space<vmem>>
    %dma_start3A_104 = tpu.memref_slice %arg2[%add3A_95] : memref<640000xi32, #tpu.memory_space<hbm>> -> memref<64xi32, #tpu.memory_space<hbm>>
    tpu.enqueue_dma source(%dma_start3A_104 : memref<64xi32, #tpu.memory_space<hbm>>) target(%dma_start3A_103 : memref<64xi32, #tpu.memory_space<vmem>>) target_semaphore(%arg22 : memref<!tpu.dma_semaphore, #tpu.memory_space<semaphore_mem>>)
    %add3A_105 = arith.constant 128 : i32
    %add3A_106 = arith.addi %mul3A_61, %add3A_105 : i32
    %dma_start3A_107 = arith.constant 2 : i32
    %dma_start3A_108 = arith.constant 0 : i32
    %dma_start3A_109 = tpu.memref_slice %arg7[%dma_start3A_107, %dma_start3A_108] : memref<3x64xi32, #tpu.memory_space<vmem>> -> memref<1x64xi32, #tpu.memory_space<vmem>>
    %dma_start3A_110 = tpu.memref_squeeze %dma_start3A_109 : memref<1x64xi32, #tpu.memory_space<vmem>> -> memref<64xi32, #tpu.memory_space<vmem>>
    %dma_start3A_111 = tpu.memref_slice %arg2[%add3A_106] : memref<640000xi32, #tpu.memory_space<hbm>> -> memref<64xi32, #tpu.memory_space<hbm>>
    %dma_start3A_112 = arith.constant 0 : i32
    %dma_start3A_113 = tpu.memref_slice %arg7[%dma_start3A_107, %dma_start3A_112] : memref<3x64xi32, #tpu.memory_space<vmem>> -> memref<1x64xi32, #tpu.memory_space<vmem>>
    %dma_start3A_114 = tpu.memref_squeeze %dma_start3A_113 : memref<1x64xi32, #tpu.memory_space<vmem>> -> memref<64xi32, #tpu.memory_space<vmem>>
    %dma_start3A_115 = tpu.memref_slice %arg2[%add3A_106] : memref<640000xi32, #tpu.memory_space<hbm>> -> memref<64xi32, #tpu.memory_space<hbm>>
    tpu.enqueue_dma source(%dma_start3A_115 : memref<64xi32, #tpu.memory_space<hbm>>) target(%dma_start3A_114 : memref<64xi32, #tpu.memory_space<vmem>>) target_semaphore(%arg23 : memref<!tpu.dma_semaphore, #tpu.memory_space<semaphore_mem>>)
    %add3A_116 = arith.constant 320000 : i32
    %add3A_117 = arith.addi %add3A_116, %add3A_106 : i32
    %dma_start3A_118 = arith.constant 2 : i32
    %dma_start3A_119 = arith.constant 0 : i32
    %dma_start3A_120 = tpu.memref_slice %arg8[%dma_start3A_118, %dma_start3A_119] : memref<3x64xi32, #tpu.memory_space<vmem>> -> memref<1x64xi32, #tpu.memory_space<vmem>>
    %dma_start3A_121 = tpu.memref_squeeze %dma_start3A_120 : memref<1x64xi32, #tpu.memory_space<vmem>> -> memref<64xi32, #tpu.memory_space<vmem>>
    %dma_start3A_122 = tpu.memref_slice %arg2[%add3A_117] : memref<640000xi32, #tpu.memory_space<hbm>> -> memref<64xi32, #tpu.memory_space<hbm>>
    %dma_start3A_123 = arith.constant 0 : i32
    %dma_start3A_124 = tpu.memref_slice %arg8[%dma_start3A_118, %dma_start3A_123] : memref<3x64xi32, #tpu.memory_space<vmem>> -> memref<1x64xi32, #tpu.memory_space<vmem>>
    %dma_start3A_125 = tpu.memref_squeeze %dma_start3A_124 : memref<1x64xi32, #tpu.memory_space<vmem>> -> memref<64xi32, #tpu.memory_space<vmem>>
    %dma_start3A_126 = tpu.memref_slice %arg2[%add3A_117] : memref<640000xi32, #tpu.memory_space<hbm>> -> memref<64xi32, #tpu.memory_space<hbm>>
    tpu.enqueue_dma source(%dma_start3A_126 : memref<64xi32, #tpu.memory_space<hbm>>) target(%dma_start3A_125 : memref<64xi32, #tpu.memory_space<vmem>>) target_semaphore(%arg23 : memref<!tpu.dma_semaphore, #tpu.memory_space<semaphore_mem>>)
    %dma_wait3A = arith.constant 0 : i32
    %dma_wait3A_127 = arith.constant 0 : i32
    %dma_wait3A_128 = tpu.memref_slice %arg7[%dma_wait3A, %dma_wait3A_127] : memref<3x64xi32, #tpu.memory_space<vmem>> -> memref<1x64xi32, #tpu.memory_space<vmem>>
    %dma_wait3A_129 = tpu.memref_squeeze %dma_wait3A_128 : memref<1x64xi32, #tpu.memory_space<vmem>> -> memref<64xi32, #tpu.memory_space<vmem>>
    %dma_wait3A_130 = tpu.memref_slice %arg2[%mul3A_61] : memref<640000xi32, #tpu.memory_space<hbm>> -> memref<64xi32, #tpu.memory_space<hbm>>
    %dma_wait3A_131 = arith.constant 0 : i32
    %dma_wait3A_132 = tpu.memref_slice %arg7[%dma_wait3A, %dma_wait3A_131] : memref<3x64xi32, #tpu.memory_space<vmem>> -> memref<1x64xi32, #tpu.memory_space<vmem>>
    %dma_wait3A_133 = tpu.memref_squeeze %dma_wait3A_132 : memref<1x64xi32, #tpu.memory_space<vmem>> -> memref<64xi32, #tpu.memory_space<vmem>>
    %dma_wait3A_134 = tpu.memref_slice %arg2[%mul3A_61] : memref<640000xi32, #tpu.memory_space<hbm>> -> memref<64xi32, #tpu.memory_space<hbm>>
    tpu.wait_dma2 semaphore(%arg21 : memref<!tpu.dma_semaphore, #tpu.memory_space<semaphore_mem>>) src(%dma_wait3A_134 : memref<64xi32, #tpu.memory_space<hbm>>) dst(%dma_wait3A_133 : memref<64xi32, #tpu.memory_space<vmem>>)
    %dma_wait3A_135 = arith.constant 0 : i32
    %dma_wait3A_136 = arith.constant 0 : i32
    %dma_wait3A_137 = tpu.memref_slice %arg8[%dma_wait3A_135, %dma_wait3A_136] : memref<3x64xi32, #tpu.memory_space<vmem>> -> memref<1x64xi32, #tpu.memory_space<vmem>>
    %dma_wait3A_138 = tpu.memref_squeeze %dma_wait3A_137 : memref<1x64xi32, #tpu.memory_space<vmem>> -> memref<64xi32, #tpu.memory_space<vmem>>
    %dma_wait3A_139 = tpu.memref_slice %arg2[%mul3A_61] : memref<640000xi32, #tpu.memory_space<hbm>> -> memref<64xi32, #tpu.memory_space<hbm>>
    %dma_wait3A_140 = arith.constant 0 : i32
    %dma_wait3A_141 = tpu.memref_slice %arg8[%dma_wait3A_135, %dma_wait3A_140] : memref<3x64xi32, #tpu.memory_space<vmem>> -> memref<1x64xi32, #tpu.memory_space<vmem>>
    %dma_wait3A_142 = tpu.memref_squeeze %dma_wait3A_141 : memref<1x64xi32, #tpu.memory_space<vmem>> -> memref<64xi32, #tpu.memory_space<vmem>>
    %dma_wait3A_143 = tpu.memref_slice %arg2[%mul3A_61] : memref<640000xi32, #tpu.memory_space<hbm>> -> memref<64xi32, #tpu.memory_space<hbm>>
    tpu.wait_dma2 semaphore(%arg21 : memref<!tpu.dma_semaphore, #tpu.memory_space<semaphore_mem>>) src(%dma_wait3A_143 : memref<64xi32, #tpu.memory_space<hbm>>) dst(%dma_wait3A_142 : memref<64xi32, #tpu.memory_space<vmem>>)
    %dma_start3A_144 = arith.constant 0 : i32
    %dma_start3A_145 = arith.constant 0 : i32
    %dma_start3A_146 = arith.constant 0 : i32
    %dma_start3A_147 = arith.constant 0 : i32
    %dma_start3A_148 = tpu.memref_slice %arg12[%dma_start3A_145, %dma_start3A_146, %dma_start3A_147] : memref<3x64x128xf32, #tpu.memory_space<vmem>> -> memref<1x64x128xf32, #tpu.memory_space<vmem>>
    %dma_start3A_149 = tpu.memref_squeeze %dma_start3A_148 : memref<1x64x128xf32, #tpu.memory_space<vmem>> -> memref<64x128xf32, #tpu.memory_space<vmem>>
    %dma_start3A_150 = arith.constant 0 : i32
    %dma_start3A_151 = tpu.memref_slice %arg7[%dma_start3A_144, %dma_start3A_150] : memref<3x64xi32, #tpu.memory_space<vmem>> -> memref<1x64xi32, #tpu.memory_space<vmem>>
    %dma_start3A_152 = tpu.memref_squeeze %dma_start3A_151 : memref<1x64xi32, #tpu.memory_space<vmem>> -> memref<64xi32, #tpu.memory_space<vmem>>
    %dma_start3A_153 = arith.constant 0 : i32
    %dma_start3A_154 = arith.constant 0 : i32
    %dma_start3A_155 = tpu.memref_slice %arg3[%dma_start3A_153, %dma_start3A_154] : memref<10000x128xf32, #tpu.memory_space<hbm>> -> memref<10000x128xf32, #tpu.memory_space<hbm>>
    tpu.enqueue_indirect_dma source(%dma_start3A_155 : memref<10000x128xf32, #tpu.memory_space<hbm>>) target(%dma_start3A_149 : memref<64x128xf32, #tpu.memory_space<vmem>>) offsets(%dma_start3A_152 : memref<64xi32, #tpu.memory_space<vmem>>) semaphore(%arg16 : memref<!tpu.dma_semaphore, #tpu.memory_space<semaphore_mem>>)
    %dma_wait3A_156 = arith.constant 1 : i32
    %dma_wait3A_157 = arith.constant 0 : i32
    %dma_wait3A_158 = tpu.memref_slice %arg7[%dma_wait3A_156, %dma_wait3A_157] : memref<3x64xi32, #tpu.memory_space<vmem>> -> memref<1x64xi32, #tpu.memory_space<vmem>>
    %dma_wait3A_159 = tpu.memref_squeeze %dma_wait3A_158 : memref<1x64xi32, #tpu.memory_space<vmem>> -> memref<64xi32, #tpu.memory_space<vmem>>
    %dma_wait3A_160 = tpu.memref_slice %arg2[%mul3A_61] : memref<640000xi32, #tpu.memory_space<hbm>> -> memref<64xi32, #tpu.memory_space<hbm>>
    %dma_wait3A_161 = arith.constant 0 : i32
    %dma_wait3A_162 = tpu.memref_slice %arg7[%dma_wait3A_156, %dma_wait3A_161] : memref<3x64xi32, #tpu.memory_space<vmem>> -> memref<1x64xi32, #tpu.memory_space<vmem>>
    %dma_wait3A_163 = tpu.memref_squeeze %dma_wait3A_162 : memref<1x64xi32, #tpu.memory_space<vmem>> -> memref<64xi32, #tpu.memory_space<vmem>>
    %dma_wait3A_164 = tpu.memref_slice %arg2[%mul3A_61] : memref<640000xi32, #tpu.memory_space<hbm>> -> memref<64xi32, #tpu.memory_space<hbm>>
    tpu.wait_dma2 semaphore(%arg22 : memref<!tpu.dma_semaphore, #tpu.memory_space<semaphore_mem>>) src(%dma_wait3A_164 : memref<64xi32, #tpu.memory_space<hbm>>) dst(%dma_wait3A_163 : memref<64xi32, #tpu.memory_space<vmem>>)
    %dma_wait3A_165 = arith.constant 1 : i32
    %dma_wait3A_166 = arith.constant 0 : i32
    %dma_wait3A_167 = tpu.memref_slice %arg8[%dma_wait3A_165, %dma_wait3A_166] : memref<3x64xi32, #tpu.memory_space<vmem>> -> memref<1x64xi32, #tpu.memory_space<vmem>>
    %dma_wait3A_168 = tpu.memref_squeeze %dma_wait3A_167 : memref<1x64xi32, #tpu.memory_space<vmem>> -> memref<64xi32, #tpu.memory_space<vmem>>
    %dma_wait3A_169 = tpu.memref_slice %arg2[%mul3A_61] : memref<640000xi32, #tpu.memory_space<hbm>> -> memref<64xi32, #tpu.memory_space<hbm>>
    %dma_wait3A_170 = arith.constant 0 : i32
    %dma_wait3A_171 = tpu.memref_slice %arg8[%dma_wait3A_165, %dma_wait3A_170] : memref<3x64xi32, #tpu.memory_space<vmem>> -> memref<1x64xi32, #tpu.memory_space<vmem>>
    %dma_wait3A_172 = tpu.memref_squeeze %dma_wait3A_171 : memref<1x64xi32, #tpu.memory_space<vmem>> -> memref<64xi32, #tpu.memory_space<vmem>>
    %dma_wait3A_173 = tpu.memref_slice %arg2[%mul3A_61] : memref<640000xi32, #tpu.memory_space<hbm>> -> memref<64xi32, #tpu.memory_space<hbm>>
    tpu.wait_dma2 semaphore(%arg22 : memref<!tpu.dma_semaphore, #tpu.memory_space<semaphore_mem>>) src(%dma_wait3A_173 : memref<64xi32, #tpu.memory_space<hbm>>) dst(%dma_wait3A_172 : memref<64xi32, #tpu.memory_space<vmem>>)
    %dma_start3A_174 = arith.constant 1 : i32
    %dma_start3A_175 = arith.constant 1 : i32
    %dma_start3A_176 = arith.constant 0 : i32
    %dma_start3A_177 = arith.constant 0 : i32
    %dma_start3A_178 = tpu.memref_slice %arg12[%dma_start3A_175, %dma_start3A_176, %dma_start3A_177] : memref<3x64x128xf32, #tpu.memory_space<vmem>> -> memref<1x64x128xf32, #tpu.memory_space<vmem>>
    %dma_start3A_179 = tpu.memref_squeeze %dma_start3A_178 : memref<1x64x128xf32, #tpu.memory_space<vmem>> -> memref<64x128xf32, #tpu.memory_space<vmem>>
    %dma_start3A_180 = arith.constant 0 : i32
    %dma_start3A_181 = tpu.memref_slice %arg7[%dma_start3A_174, %dma_start3A_180] : memref<3x64xi32, #tpu.memory_space<vmem>> -> memref<1x64xi32, #tpu.memory_space<vmem>>
    %dma_start3A_182 = tpu.memref_squeeze %dma_start3A_181 : memref<1x64xi32, #tpu.memory_space<vmem>> -> memref<64xi32, #tpu.memory_space<vmem>>
    %dma_start3A_183 = arith.constant 0 : i32
    %dma_start3A_184 = arith.constant 0 : i32
    %dma_start3A_185 = tpu.memref_slice %arg3[%dma_start3A_183, %dma_start3A_184] : memref<10000x128xf32, #tpu.memory_space<hbm>> -> memref<10000x128xf32, #tpu.memory_space<hbm>>
    tpu.enqueue_indirect_dma source(%dma_start3A_185 : memref<10000x128xf32, #tpu.memory_space<hbm>>) target(%dma_start3A_179 : memref<64x128xf32, #tpu.memory_space<vmem>>) offsets(%dma_start3A_182 : memref<64xi32, #tpu.memory_space<vmem>>) semaphore(%arg17 : memref<!tpu.dma_semaphore, #tpu.memory_space<semaphore_mem>>)
    %dma_wait3A_186 = arith.constant 0 : i32
    %dma_wait3A_187 = arith.constant 0 : i32
    %dma_wait3A_188 = arith.constant 0 : i32
    %dma_wait3A_189 = arith.constant 0 : i32
    %dma_wait3A_190 = tpu.memref_slice %arg12[%dma_wait3A_187, %dma_wait3A_188, %dma_wait3A_189] : memref<3x64x128xf32, #tpu.memory_space<vmem>> -> memref<1x64x128xf32, #tpu.memory_space<vmem>>
    %dma_wait3A_191 = tpu.memref_squeeze %dma_wait3A_190 : memref<1x64x128xf32, #tpu.memory_space<vmem>> -> memref<64x128xf32, #tpu.memory_space<vmem>>
    %dma_wait3A_192 = arith.constant 0 : i32
    %dma_wait3A_193 = tpu.memref_slice %arg7[%dma_wait3A_186, %dma_wait3A_192] : memref<3x64xi32, #tpu.memory_space<vmem>> -> memref<1x64xi32, #tpu.memory_space<vmem>>
    %dma_wait3A_194 = tpu.memref_squeeze %dma_wait3A_193 : memref<1x64xi32, #tpu.memory_space<vmem>> -> memref<64xi32, #tpu.memory_space<vmem>>
    %dma_wait3A_195 = arith.constant 0 : i32
    %dma_wait3A_196 = arith.constant 0 : i32
    %dma_wait3A_197 = tpu.memref_slice %arg3[%dma_wait3A_195, %dma_wait3A_196] : memref<10000x128xf32, #tpu.memory_space<hbm>> -> memref<10000x128xf32, #tpu.memory_space<hbm>>
    tpu.wait_indirect_dma semaphore(%arg16 : memref<!tpu.dma_semaphore, #tpu.memory_space<semaphore_mem>>) src(%dma_wait3A_197 : memref<10000x128xf32, #tpu.memory_space<hbm>>) dst(%dma_wait3A_191 : memref<64x128xf32, #tpu.memory_space<vmem>>)
    %dma_wait3A_198 = arith.constant 2 : i32
    %dma_wait3A_199 = arith.constant 0 : i32
    %dma_wait3A_200 = tpu.memref_slice %arg7[%dma_wait3A_198, %dma_wait3A_199] : memref<3x64xi32, #tpu.memory_space<vmem>> -> memref<1x64xi32, #tpu.memory_space<vmem>>
    %dma_wait3A_201 = tpu.memref_squeeze %dma_wait3A_200 : memref<1x64xi32, #tpu.memory_space<vmem>> -> memref<64xi32, #tpu.memory_space<vmem>>
    %dma_wait3A_202 = tpu.memref_slice %arg2[%mul3A_61] : memref<640000xi32, #tpu.memory_space<hbm>> -> memref<64xi32, #tpu.memory_space<hbm>>
    %dma_wait3A_203 = arith.constant 0 : i32
    %dma_wait3A_204 = tpu.memref_slice %arg7[%dma_wait3A_198, %dma_wait3A_203] : memref<3x64xi32, #tpu.memory_space<vmem>> -> memref<1x64xi32, #tpu.memory_space<vmem>>
    %dma_wait3A_205 = tpu.memref_squeeze %dma_wait3A_204 : memref<1x64xi32, #tpu.memory_space<vmem>> -> memref<64xi32, #tpu.memory_space<vmem>>
    %dma_wait3A_206 = tpu.memref_slice %arg2[%mul3A_61] : memref<640000xi32, #tpu.memory_space<hbm>> -> memref<64xi32, #tpu.memory_space<hbm>>
    tpu.wait_dma2 semaphore(%arg23 : memref<!tpu.dma_semaphore, #tpu.memory_space<semaphore_mem>>) src(%dma_wait3A_206 : memref<64xi32, #tpu.memory_space<hbm>>) dst(%dma_wait3A_205 : memref<64xi32, #tpu.memory_space<vmem>>)
    %dma_wait3A_207 = arith.constant 2 : i32
    %dma_wait3A_208 = arith.constant 0 : i32
    %dma_wait3A_209 = tpu.memref_slice %arg8[%dma_wait3A_207, %dma_wait3A_208] : memref<3x64xi32, #tpu.memory_space<vmem>> -> memref<1x64xi32, #tpu.memory_space<vmem>>
    %dma_wait3A_210 = tpu.memref_squeeze %dma_wait3A_209 : memref<1x64xi32, #tpu.memory_space<vmem>> -> memref<64xi32, #tpu.memory_space<vmem>>
    %dma_wait3A_211 = tpu.memref_slice %arg2[%mul3A_61] : memref<640000xi32, #tpu.memory_space<hbm>> -> memref<64xi32, #tpu.memory_space<hbm>>
    %dma_wait3A_212 = arith.constant 0 : i32
    %dma_wait3A_213 = tpu.memref_slice %arg8[%dma_wait3A_207, %dma_wait3A_212] : memref<3x64xi32, #tpu.memory_space<vmem>> -> memref<1x64xi32, #tpu.memory_space<vmem>>
    %dma_wait3A_214 = tpu.memref_squeeze %dma_wait3A_213 : memref<1x64xi32, #tpu.memory_space<vmem>> -> memref<64xi32, #tpu.memory_space<vmem>>
    %dma_wait3A_215 = tpu.memref_slice %arg2[%mul3A_61] : memref<640000xi32, #tpu.memory_space<hbm>> -> memref<64xi32, #tpu.memory_space<hbm>>
    tpu.wait_dma2 semaphore(%arg23 : memref<!tpu.dma_semaphore, #tpu.memory_space<semaphore_mem>>) src(%dma_wait3A_215 : memref<64xi32, #tpu.memory_space<hbm>>) dst(%dma_wait3A_214 : memref<64xi32, #tpu.memory_space<vmem>>)
    %dma_start3A_216 = arith.constant 2 : i32
    %dma_start3A_217 = arith.constant 2 : i32
    %dma_start3A_218 = arith.constant 0 : i32
    %dma_start3A_219 = arith.constant 0 : i32
    %dma_start3A_220 = tpu.memref_slice %arg12[%dma_start3A_217, %dma_start3A_218, %dma_start3A_219] : memref<3x64x128xf32, #tpu.memory_space<vmem>> -> memref<1x64x128xf32, #tpu.memory_space<vmem>>
    %dma_start3A_221 = tpu.memref_squeeze %dma_start3A_220 : memref<1x64x128xf32, #tpu.memory_space<vmem>> -> memref<64x128xf32, #tpu.memory_space<vmem>>
    %dma_start3A_222 = arith.constant 0 : i32
    %dma_start3A_223 = tpu.memref_slice %arg7[%dma_start3A_216, %dma_start3A_222] : memref<3x64xi32, #tpu.memory_space<vmem>> -> memref<1x64xi32, #tpu.memory_space<vmem>>
    %dma_start3A_224 = tpu.memref_squeeze %dma_start3A_223 : memref<1x64xi32, #tpu.memory_space<vmem>> -> memref<64xi32, #tpu.memory_space<vmem>>
    %dma_start3A_225 = arith.constant 0 : i32
    %dma_start3A_226 = arith.constant 0 : i32
    %dma_start3A_227 = tpu.memref_slice %arg3[%dma_start3A_225, %dma_start3A_226] : memref<10000x128xf32, #tpu.memory_space<hbm>> -> memref<10000x128xf32, #tpu.memory_space<hbm>>
    tpu.enqueue_indirect_dma source(%dma_start3A_227 : memref<10000x128xf32, #tpu.memory_space<hbm>>) target(%dma_start3A_221 : memref<64x128xf32, #tpu.memory_space<vmem>>) offsets(%dma_start3A_224 : memref<64xi32, #tpu.memory_space<vmem>>) semaphore(%arg18 : memref<!tpu.dma_semaphore, #tpu.memory_space<semaphore_mem>>)
    %get3A = arith.constant 0 : i32
    %get3A_228 = arith.index_cast %get3A : i32 to index
    %get3A_229 = arith.constant 0 : index
    %get3A_230 = tpu.vector_load %arg8[%get3A_228, %get3A_229] {strides = array<i32>} : memref<3x64xi32, #tpu.memory_space<vmem>>, vector<16xi32>,
    %swap3A = arith.constant 0 : i32
    %swap3A_231 = arith.index_cast %swap3A : i32 to index
    %swap3A_232 = arith.constant 0 : index
    %swap3A_233 = tpu.vector_load %arg9[%swap3A_231, %swap3A_232] {strides = array<i32>} : memref<2x64xi32, #tpu.memory_space<vmem>>, vector<16xi32>,
    tpu.vector_store %arg9[%swap3A_231, %swap3A_232], %get3A_230 {strides = array<i32>} : memref<2x64xi32, #tpu.memory_space<vmem>>, vector<16xi32>,
    %get3A_234 = arith.constant 0 : i32
    %get3A_235 = arith.index_cast %get3A_234 : i32 to index
    %get3A_236 = arith.constant 16 : index
    %get3A_237 = tpu.vector_load %arg8[%get3A_235, %get3A_236] {strides = array<i32>} : memref<3x64xi32, #tpu.memory_space<vmem>>, vector<16xi32>,
    %swap3A_238 = arith.constant 0 : i32
    %swap3A_239 = arith.index_cast %swap3A_238 : i32 to index
    %swap3A_240 = arith.constant 16 : index
    %swap3A_241 = tpu.vector_load %arg9[%swap3A_239, %swap3A_240] {strides = array<i32>} : memref<2x64xi32, #tpu.memory_space<vmem>>, vector<16xi32>,
    tpu.vector_store %arg9[%swap3A_239, %swap3A_240], %get3A_237 {strides = array<i32>} : memref<2x64xi32, #tpu.memory_space<vmem>>, vector<16xi32>,
    %get3A_242 = arith.constant 0 : i32
    %get3A_243 = arith.index_cast %get3A_242 : i32 to index
    %get3A_244 = arith.constant 32 : index
    %get3A_245 = tpu.vector_load %arg8[%get3A_243, %get3A_244] {strides = array<i32>} : memref<3x64xi32, #tpu.memory_space<vmem>>, vector<16xi32>,
    %swap3A_246 = arith.constant 0 : i32
    %swap3A_247 = arith.index_cast %swap3A_246 : i32 to index
    %swap3A_248 = arith.constant 32 : index
    %swap3A_249 = tpu.vector_load %arg9[%swap3A_247, %swap3A_248] {strides = array<i32>} : memref<2x64xi32, #tpu.memory_space<vmem>>, vector<16xi32>,
    tpu.vector_store %arg9[%swap3A_247, %swap3A_248], %get3A_245 {strides = array<i32>} : memref<2x64xi32, #tpu.memory_space<vmem>>, vector<16xi32>,
    %get3A_250 = arith.constant 0 : i32
    %get3A_251 = arith.index_cast %get3A_250 : i32 to index
    %get3A_252 = arith.constant 48 : index
    %get3A_253 = tpu.vector_load %arg8[%get3A_251, %get3A_252] {strides = array<i32>} : memref<3x64xi32, #tpu.memory_space<vmem>>, vector<16xi32>,
    %swap3A_254 = arith.constant 0 : i32
    %swap3A_255 = arith.index_cast %swap3A_254 : i32 to index
    %swap3A_256 = arith.constant 48 : index
    %swap3A_257 = tpu.vector_load %arg9[%swap3A_255, %swap3A_256] {strides = array<i32>} : memref<2x64xi32, #tpu.memory_space<vmem>>, vector<16xi32>,
    tpu.vector_store %arg9[%swap3A_255, %swap3A_256], %get3A_253 {strides = array<i32>} : memref<2x64xi32, #tpu.memory_space<vmem>>, vector<16xi32>,
    %dma_start3A_258 = arith.constant 0 : i32
    %dma_start3A_259 = arith.constant 0 : i32
    %dma_start3A_260 = arith.constant 0 : i32
    %dma_start3A_261 = arith.constant 0 : i32
    %dma_start3A_262 = tpu.memref_slice %arg12[%dma_start3A_258, %dma_start3A_260, %dma_start3A_261] : memref<3x64x128xf32, #tpu.memory_space<vmem>> -> memref<1x64x128xf32, #tpu.memory_space<vmem>>
    %dma_start3A_263 = tpu.memref_squeeze %dma_start3A_262 : memref<1x64x128xf32, #tpu.memory_space<vmem>> -> memref<64x128xf32, #tpu.memory_space<vmem>>
    %dma_start3A_264 = arith.constant 0 : i32
    %dma_start3A_265 = tpu.memref_slice %arg9[%dma_start3A_259, %dma_start3A_264] : memref<2x64xi32, #tpu.memory_space<vmem>> -> memref<1x64xi32, #tpu.memory_space<vmem>>
    %dma_start3A_266 = tpu.memref_squeeze %dma_start3A_265 : memref<1x64xi32, #tpu.memory_space<vmem>> -> memref<64xi32, #tpu.memory_space<vmem>>
    %dma_start3A_267 = arith.constant 0 : i32
    %dma_start3A_268 = arith.constant 0 : i32
    %dma_start3A_269 = tpu.memref_slice %arg15[%dma_start3A_267, %dma_start3A_268] : memref<10240x128xf32, #tpu.memory_space<vmem_shared>> -> memref<10240x128xf32, #tpu.memory_space<vmem_shared>>
    tpu.enqueue_indirect_dma source(%dma_start3A_263 : memref<64x128xf32, #tpu.memory_space<vmem>>) target(%dma_start3A_269 : memref<10240x128xf32, #tpu.memory_space<vmem_shared>>) offsets(%dma_start3A_266 : memref<64xi32, #tpu.memory_space<vmem>>) semaphore(%arg19 : memref<!tpu.dma_semaphore, #tpu.memory_space<semaphore_mem>>) {add = true}
    %get3A_270 = arith.constant 0 : i32
    %get3A_271 = arith.index_cast %get3A_270 : i32 to index
    %get3A_272 = arith.constant 0 : index
    %get3A_273 = tpu.vector_load %arg7[%get3A_271, %get3A_272] {strides = array<i32>} : memref<3x64xi32, #tpu.memory_space<vmem>>, vector<16xi32>,
    %get3A_274 = arith.constant 0 : i32
    %get3A_275 = arith.index_cast %get3A_274 : i32 to index
    %get3A_276 = arith.constant 0 : index
    %get3A_277 = tpu.vector_load %arg8[%get3A_275, %get3A_276] {strides = array<i32>} : memref<3x64xi32, #tpu.memory_space<vmem>>, vector<16xi32>,
    %gather3A = tpu.vector_load_idx %arg13[%get3A_273] : memref<10000xf32, #tpu.memory_space<vmem>>[vector<16xi32>], vector<16xf32>,
    tpu.vector_store_idx %arg14[%get3A_277], %gather3A {add = true} : memref<10000xf32, #tpu.memory_space<vmem>>[vector<16xi32>], vector<16xf32>,
    %get3A_278 = arith.constant 0 : i32
    %get3A_279 = arith.index_cast %get3A_278 : i32 to index
    %get3A_280 = arith.constant 16 : index
    %get3A_281 = tpu.vector_load %arg7[%get3A_279, %get3A_280] {strides = array<i32>} : memref<3x64xi32, #tpu.memory_space<vmem>>, vector<16xi32>,
    %get3A_282 = arith.constant 0 : i32
    %get3A_283 = arith.index_cast %get3A_282 : i32 to index
    %get3A_284 = arith.constant 16 : index
    %get3A_285 = tpu.vector_load %arg8[%get3A_283, %get3A_284] {strides = array<i32>} : memref<3x64xi32, #tpu.memory_space<vmem>>, vector<16xi32>,
    %gather3A_286 = tpu.vector_load_idx %arg13[%get3A_281] : memref<10000xf32, #tpu.memory_space<vmem>>[vector<16xi32>], vector<16xf32>,
    tpu.vector_store_idx %arg14[%get3A_285], %gather3A_286 {add = true} : memref<10000xf32, #tpu.memory_space<vmem>>[vector<16xi32>], vector<16xf32>,
    %get3A_287 = arith.constant 0 : i32
    %get3A_288 = arith.index_cast %get3A_287 : i32 to index
    %get3A_289 = arith.constant 32 : index
    %get3A_290 = tpu.vector_load %arg7[%get3A_288, %get3A_289] {strides = array<i32>} : memref<3x64xi32, #tpu.memory_space<vmem>>, vector<16xi32>,
    %get3A_291 = arith.constant 0 : i32
    %get3A_292 = arith.index_cast %get3A_291 : i32 to index
    %get3A_293 = arith.constant 32 : index
    %get3A_294 = tpu.vector_load %arg8[%get3A_292, %get3A_293] {strides = array<i32>} : memref<3x64xi32, #tpu.memory_space<vmem>>, vector<16xi32>,
    %gather3A_295 = tpu.vector_load_idx %arg13[%get3A_290] : memref<10000xf32, #tpu.memory_space<vmem>>[vector<16xi32>], vector<16xf32>,
    tpu.vector_store_idx %arg14[%get3A_294], %gather3A_295 {add = true} : memref<10000xf32, #tpu.memory_space<vmem>>[vector<16xi32>], vector<16xf32>,
    %get3A_296 = arith.constant 0 : i32
    %get3A_297 = arith.index_cast %get3A_296 : i32 to index
    %get3A_298 = arith.constant 48 : index
    %get3A_299 = tpu.vector_load %arg7[%get3A_297, %get3A_298] {strides = array<i32>} : memref<3x64xi32, #tpu.memory_space<vmem>>, vector<16xi32>,
    %get3A_300 = arith.constant 0 : i32
    %get3A_301 = arith.index_cast %get3A_300 : i32 to index
    %get3A_302 = arith.constant 48 : index
    %get3A_303 = tpu.vector_load %arg8[%get3A_301, %get3A_302] {strides = array<i32>} : memref<3x64xi32, #tpu.memory_space<vmem>>, vector<16xi32>,
    %gather3A_304 = tpu.vector_load_idx %arg13[%get3A_299] : memref<10000xf32, #tpu.memory_space<vmem>>[vector<16xi32>], vector<16xf32>,
    tpu.vector_store_idx %arg14[%get3A_303], %gather3A_304 {add = true} : memref<10000xf32, #tpu.memory_space<vmem>>[vector<16xi32>], vector<16xf32>,
    %add3A_305 = arith.constant 192 : i32
    %add3A_306 = arith.addi %mul3A_61, %add3A_305 : i32
    %dma_start3A_307 = arith.constant 0 : i32
    %dma_start3A_308 = arith.constant 0 : i32
    %dma_start3A_309 = tpu.memref_slice %arg7[%dma_start3A_307, %dma_start3A_308] : memref<3x64xi32, #tpu.memory_space<vmem>> -> memref<1x64xi32, #tpu.memory_space<vmem>>
    %dma_start3A_310 = tpu.memref_squeeze %dma_start3A_309 : memref<1x64xi32, #tpu.memory_space<vmem>> -> memref<64xi32, #tpu.memory_space<vmem>>
    %dma_start3A_311 = tpu.memref_slice %arg2[%add3A_306] : memref<640000xi32, #tpu.memory_space<hbm>> -> memref<64xi32, #tpu.memory_space<hbm>>
    %dma_start3A_312 = arith.constant 0 : i32
    %dma_start3A_313 = tpu.memref_slice %arg7[%dma_start3A_307, %dma_start3A_312] : memref<3x64xi32, #tpu.memory_space<vmem>> -> memref<1x64xi32, #tpu.memory_space<vmem>>
    %dma_start3A_314 = tpu.memref_squeeze %dma_start3A_313 : memref<1x64xi32, #tpu.memory_space<vmem>> -> memref<64xi32, #tpu.memory_space<vmem>>
    %dma_start3A_315 = tpu.memref_slice %arg2[%add3A_306] : memref<640000xi32, #tpu.memory_space<hbm>> -> memref<64xi32, #tpu.memory_space<hbm>>
    tpu.enqueue_dma source(%dma_start3A_315 : memref<64xi32, #tpu.memory_space<hbm>>) target(%dma_start3A_314 : memref<64xi32, #tpu.memory_space<vmem>>) target_semaphore(%arg21 : memref<!tpu.dma_semaphore, #tpu.memory_space<semaphore_mem>>)
    %add3A_316 = arith.constant 320000 : i32
    %add3A_317 = arith.addi %add3A_316, %add3A_306 : i32
    %dma_start3A_318 = arith.constant 0 : i32
    %dma_start3A_319 = arith.constant 0 : i32
    %dma_start3A_320 = tpu.memref_slice %arg8[%dma_start3A_318, %dma_start3A_319] : memref<3x64xi32, #tpu.memory_space<vmem>> -> memref<1x64xi32, #tpu.memory_space<vmem>>
    %dma_start3A_321 = tpu.memref_squeeze %dma_start3A_320 : memref<1x64xi32, #tpu.memory_space<vmem>> -> memref<64xi32, #tpu.memory_space<vmem>>
    %dma_start3A_322 = tpu.memref_slice %arg2[%add3A_317] : memref<640000xi32, #tpu.memory_space<hbm>> -> memref<64xi32, #tpu.memory_space<hbm>>
    %dma_start3A_323 = arith.constant 0 : i32
    %dma_start3A_324 = tpu.memref_slice %arg8[%dma_start3A_318, %dma_start3A_323] : memref<3x64xi32, #tpu.memory_space<vmem>> -> memref<1x64xi32, #tpu.memory_space<vmem>>
    %dma_start3A_325 = tpu.memref_squeeze %dma_start3A_324 : memref<1x64xi32, #tpu.memory_space<vmem>> -> memref<64xi32, #tpu.memory_space<vmem>>
    %dma_start3A_326 = tpu.memref_slice %arg2[%add3A_317] : memref<640000xi32, #tpu.memory_space<hbm>> -> memref<64xi32, #tpu.memory_space<hbm>>
    tpu.enqueue_dma source(%dma_start3A_326 : memref<64xi32, #tpu.memory_space<hbm>>) target(%dma_start3A_325 : memref<64xi32, #tpu.memory_space<vmem>>) target_semaphore(%arg21 : memref<!tpu.dma_semaphore, #tpu.memory_space<semaphore_mem>>)
    %scan3A_327 = arith.constant 0 : i32
    %scan3A_328 = arith.constant 25 : i32
    %scan3A_329 = arith.addi %scan3A_327, %scan3A_328 : i32
    %scan3A_330 = arith.constant 1 : i32
    scf.for %scan3A_1029 = %scan3A_327 to %scan3A_329 step %scan3A_330  : i32 {
      %mul3A_1030 = arith.constant 1 : i32
      %mul3A_1031 = arith.muli %scan3A_1029, %mul3A_1030 : i32
      %add3A_1032 = arith.constant 0 : i32
      %add3A_1033 = arith.addi %add3A_1032, %mul3A_1031 : i32
      %mul3A_1034 = arith.constant 6 : i32
      %mul3A_1035 = arith.muli %mul3A_1034, %add3A_1033 : i32
      %add3A_1036 = arith.constant 1 : i32
      %add3A_1037 = arith.addi %add3A_1036, %mul3A_1035 : i32
      %add3A_1038 = arith.constant 0 : i32
      %add3A_1039 = arith.addi %add3A_1037, %add3A_1038 : i32
      %dma_wait3A_1040 = arith.constant 1 : i32
      %dma_wait3A_1041 = arith.constant 1 : i32
      %dma_wait3A_1042 = arith.constant 0 : i32
      %dma_wait3A_1043 = arith.constant 0 : i32
      %dma_wait3A_1044 = tpu.memref_slice %arg12[%dma_wait3A_1041, %dma_wait3A_1042, %dma_wait3A_1043] : memref<3x64x128xf32, #tpu.memory_space<vmem>> -> memref<1x64x128xf32, #tpu.memory_space<vmem>>
      %dma_wait3A_1045 = tpu.memref_squeeze %dma_wait3A_1044 : memref<1x64x128xf32, #tpu.memory_space<vmem>> -> memref<64x128xf32, #tpu.memory_space<vmem>>
      %dma_wait3A_1046 = arith.constant 0 : i32
      %dma_wait3A_1047 = tpu.memref_slice %arg7[%dma_wait3A_1040, %dma_wait3A_1046] : memref<3x64xi32, #tpu.memory_space<vmem>> -> memref<1x64xi32, #tpu.memory_space<vmem>>
      %dma_wait3A_1048 = tpu.memref_squeeze %dma_wait3A_1047 : memref<1x64xi32, #tpu.memory_space<vmem>> -> memref<64xi32, #tpu.memory_space<vmem>>
      %dma_wait3A_1049 = arith.constant 0 : i32
      %dma_wait3A_1050 = arith.constant 0 : i32
      %dma_wait3A_1051 = tpu.memref_slice %arg3[%dma_wait3A_1049, %dma_wait3A_1050] : memref<10000x128xf32, #tpu.memory_space<hbm>> -> memref<10000x128xf32, #tpu.memory_space<hbm>>
      tpu.wait_indirect_dma semaphore(%arg17 : memref<!tpu.dma_semaphore, #tpu.memory_space<semaphore_mem>>) src(%dma_wait3A_1051 : memref<10000x128xf32, #tpu.memory_space<hbm>>) dst(%dma_wait3A_1045 : memref<64x128xf32, #tpu.memory_space<vmem>>)
      %dma_wait3A_1052 = arith.constant 0 : i32
      %dma_wait3A_1053 = arith.constant 0 : i32
      %dma_wait3A_1054 = arith.constant 0 : i32
      %dma_wait3A_1055 = arith.constant 0 : i32
      %dma_wait3A_1056 = tpu.memref_slice %arg12[%dma_wait3A_1052, %dma_wait3A_1054, %dma_wait3A_1055] : memref<3x64x128xf32, #tpu.memory_space<vmem>> -> memref<1x64x128xf32, #tpu.memory_space<vmem>>
      %dma_wait3A_1057 = tpu.memref_squeeze %dma_wait3A_1056 : memref<1x64x128xf32, #tpu.memory_space<vmem>> -> memref<64x128xf32, #tpu.memory_space<vmem>>
      %dma_wait3A_1058 = arith.constant 0 : i32
      %dma_wait3A_1059 = tpu.memref_slice %arg9[%dma_wait3A_1053, %dma_wait3A_1058] : memref<2x64xi32, #tpu.memory_space<vmem>> -> memref<1x64xi32, #tpu.memory_space<vmem>>
      %dma_wait3A_1060 = tpu.memref_squeeze %dma_wait3A_1059 : memref<1x64xi32, #tpu.memory_space<vmem>> -> memref<64xi32, #tpu.memory_space<vmem>>
      %dma_wait3A_1061 = arith.constant 0 : i32
      %dma_wait3A_1062 = arith.constant 0 : i32
      %dma_wait3A_1063 = tpu.memref_slice %arg15[%dma_wait3A_1061, %dma_wait3A_1062] : memref<10240x128xf32, #tpu.memory_space<vmem_shared>> -> memref<10240x128xf32, #tpu.memory_space<vmem_shared>>
      tpu.wait_indirect_dma semaphore(%arg19 : memref<!tpu.dma_semaphore, #tpu.memory_space<semaphore_mem>>) src(%dma_wait3A_1057 : memref<64x128xf32, #tpu.memory_space<vmem>>) dst(%dma_wait3A_1063 : memref<10240x128xf32, #tpu.memory_space<vmem_shared>>)
      %dma_wait3A_1064 = arith.constant 0 : i32
      %dma_wait3A_1065 = arith.constant 0 : i32
      %dma_wait3A_1066 = tpu.memref_slice %arg7[%dma_wait3A_1064, %dma_wait3A_1065] : memref<3x64xi32, #tpu.memory_space<vmem>> -> memref<1x64xi32, #tpu.memory_space<vmem>>
      %dma_wait3A_1067 = tpu.memref_squeeze %dma_wait3A_1066 : memref<1x64xi32, #tpu.memory_space<vmem>> -> memref<64xi32, #tpu.memory_space<vmem>>
      %dma_wait3A_1068 = tpu.memref_slice %arg2[%mul3A_61] : memref<640000xi32, #tpu.memory_space<hbm>> -> memref<64xi32, #tpu.memory_space<hbm>>
      %dma_wait3A_1069 = arith.constant 0 : i32
      %dma_wait3A_1070 = tpu.memref_slice %arg7[%dma_wait3A_1064, %dma_wait3A_1069] : memref<3x64xi32, #tpu.memory_space<vmem>> -> memref<1x64xi32, #tpu.memory_space<vmem>>
      %dma_wait3A_1071 = tpu.memref_squeeze %dma_wait3A_1070 : memref<1x64xi32, #tpu.memory_space<vmem>> -> memref<64xi32, #tpu.memory_space<vmem>>
      %dma_wait3A_1072 = tpu.memref_slice %arg2[%mul3A_61] : memref<640000xi32, #tpu.memory_space<hbm>> -> memref<64xi32, #tpu.memory_space<hbm>>
      tpu.wait_dma2 semaphore(%arg21 : memref<!tpu.dma_semaphore, #tpu.memory_space<semaphore_mem>>) src(%dma_wait3A_1072 : memref<64xi32, #tpu.memory_space<hbm>>) dst(%dma_wait3A_1071 : memref<64xi32, #tpu.memory_space<vmem>>)
      %dma_wait3A_1073 = arith.constant 0 : i32
      %dma_wait3A_1074 = arith.constant 0 : i32
      %dma_wait3A_1075 = tpu.memref_slice %arg8[%dma_wait3A_1073, %dma_wait3A_1074] : memref<3x64xi32, #tpu.memory_space<vmem>> -> memref<1x64xi32, #tpu.memory_space<vmem>>
      %dma_wait3A_1076 = tpu.memref_squeeze %dma_wait3A_1075 : memref<1x64xi32, #tpu.memory_space<vmem>> -> memref<64xi32, #tpu.memory_space<vmem>>
      %dma_wait3A_1077 = tpu.memref_slice %arg2[%mul3A_61] : memref<640000xi32, #tpu.memory_space<hbm>> -> memref<64xi32, #tpu.memory_space<hbm>>
      %dma_wait3A_1078 = arith.constant 0 : i32
      %dma_wait3A_1079 = tpu.memref_slice %arg8[%dma_wait3A_1073, %dma_wait3A_1078] : memref<3x64xi32, #tpu.memory_space<vmem>> -> memref<1x64xi32, #tpu.memory_space<vmem>>
      %dma_wait3A_1080 = tpu.memref_squeeze %dma_wait3A_1079 : memref<1x64xi32, #tpu.memory_space<vmem>> -> memref<64xi32, #tpu.memory_space<vmem>>
      %dma_wait3A_1081 = tpu.memref_slice %arg2[%mul3A_61] : memref<640000xi32, #tpu.memory_space<hbm>> -> memref<64xi32, #tpu.memory_space<hbm>>
      tpu.wait_dma2 semaphore(%arg21 : memref<!tpu.dma_semaphore, #tpu.memory_space<semaphore_mem>>) src(%dma_wait3A_1081 : memref<64xi32, #tpu.memory_space<hbm>>) dst(%dma_wait3A_1080 : memref<64xi32, #tpu.memory_space<vmem>>)
      %dma_start3A_1082 = arith.constant 0 : i32
      %dma_start3A_1083 = arith.constant 0 : i32
      %dma_start3A_1084 = arith.constant 0 : i32
      %dma_start3A_1085 = arith.constant 0 : i32
      %dma_start3A_1086 = tpu.memref_slice %arg12[%dma_start3A_1083, %dma_start3A_1084, %dma_start3A_1085] : memref<3x64x128xf32, #tpu.memory_space<vmem>> -> memref<1x64x128xf32, #tpu.memory_space<vmem>>
      %dma_start3A_1087 = tpu.memref_squeeze %dma_start3A_1086 : memref<1x64x128xf32, #tpu.memory_space<vmem>> -> memref<64x128xf32, #tpu.memory_space<vmem>>
      %dma_start3A_1088 = arith.constant 0 : i32
      %dma_start3A_1089 = tpu.memref_slice %arg7[%dma_start3A_1082, %dma_start3A_1088] : memref<3x64xi32, #tpu.memory_space<vmem>> -> memref<1x64xi32, #tpu.memory_space<vmem>>
      %dma_start3A_1090 = tpu.memref_squeeze %dma_start3A_1089 : memref<1x64xi32, #tpu.memory_space<vmem>> -> memref<64xi32, #tpu.memory_space<vmem>>
      %dma_start3A_1091 = arith.constant 0 : i32
      %dma_start3A_1092 = arith.constant 0 : i32
      %dma_start3A_1093 = tpu.memref_slice %arg3[%dma_start3A_1091, %dma_start3A_1092] : memref<10000x128xf32, #tpu.memory_space<hbm>> -> memref<10000x128xf32, #tpu.memory_space<hbm>>
      tpu.enqueue_indirect_dma source(%dma_start3A_1093 : memref<10000x128xf32, #tpu.memory_space<hbm>>) target(%dma_start3A_1087 : memref<64x128xf32, #tpu.memory_space<vmem>>) offsets(%dma_start3A_1090 : memref<64xi32, #tpu.memory_space<vmem>>) semaphore(%arg16 : memref<!tpu.dma_semaphore, #tpu.memory_space<semaphore_mem>>)
      %get3A_1094 = arith.constant 1 : i32
      %get3A_1095 = arith.index_cast %get3A_1094 : i32 to index
      %get3A_1096 = arith.constant 0 : index
      %get3A_1097 = tpu.vector_load %arg8[%get3A_1095, %get3A_1096] {strides = array<i32>} : memref<3x64xi32, #tpu.memory_space<vmem>>, vector<16xi32>,
      %swap3A_1098 = arith.constant 1 : i32
      %swap3A_1099 = arith.index_cast %swap3A_1098 : i32 to index
      %swap3A_1100 = arith.constant 0 : index
      %swap3A_1101 = tpu.vector_load %arg9[%swap3A_1099, %swap3A_1100] {strides = array<i32>} : memref<2x64xi32, #tpu.memory_space<vmem>>, vector<16xi32>,
      tpu.vector_store %arg9[%swap3A_1099, %swap3A_1100], %get3A_1097 {strides = array<i32>} : memref<2x64xi32, #tpu.memory_space<vmem>>, vector<16xi32>,
      %get3A_1102 = arith.constant 1 : i32
      %get3A_1103 = arith.index_cast %get3A_1102 : i32 to index
      %get3A_1104 = arith.constant 16 : index
      %get3A_1105 = tpu.vector_load %arg8[%get3A_1103, %get3A_1104] {strides = array<i32>} : memref<3x64xi32, #tpu.memory_space<vmem>>, vector<16xi32>,
      %swap3A_1106 = arith.constant 1 : i32
      %swap3A_1107 = arith.index_cast %swap3A_1106 : i32 to index
      %swap3A_1108 = arith.constant 16 : index
      %swap3A_1109 = tpu.vector_load %arg9[%swap3A_1107, %swap3A_1108] {strides = array<i32>} : memref<2x64xi32, #tpu.memory_space<vmem>>, vector<16xi32>,
      tpu.vector_store %arg9[%swap3A_1107, %swap3A_1108], %get3A_1105 {strides = array<i32>} : memref<2x64xi32, #tpu.memory_space<vmem>>, vector<16xi32>,
      %get3A_1110 = arith.constant 1 : i32
      %get3A_1111 = arith.index_cast %get3A_1110 : i32 to index
      %get3A_1112 = arith.constant 32 : index
      %get3A_1113 = tpu.vector_load %arg8[%get3A_1111, %get3A_1112] {strides = array<i32>} : memref<3x64xi32, #tpu.memory_space<vmem>>, vector<16xi32>,
      %swap3A_1114 = arith.constant 1 : i32
      %swap3A_1115 = arith.index_cast %swap3A_1114 : i32 to index
      %swap3A_1116 = arith.constant 32 : index
      %swap3A_1117 = tpu.vector_load %arg9[%swap3A_1115, %swap3A_1116] {strides = array<i32>} : memref<2x64xi32, #tpu.memory_space<vmem>>, vector<16xi32>,
      tpu.vector_store %arg9[%swap3A_1115, %swap3A_1116], %get3A_1113 {strides = array<i32>} : memref<2x64xi32, #tpu.memory_space<vmem>>, vector<16xi32>,
      %get3A_1118 = arith.constant 1 : i32
      %get3A_1119 = arith.index_cast %get3A_1118 : i32 to index
      %get3A_1120 = arith.constant 48 : index
      %get3A_1121 = tpu.vector_load %arg8[%get3A_1119, %get3A_1120] {strides = array<i32>} : memref<3x64xi32, #tpu.memory_space<vmem>>, vector<16xi32>,
      %swap3A_1122 = arith.constant 1 : i32
      %swap3A_1123 = arith.index_cast %swap3A_1122 : i32 to index
      %swap3A_1124 = arith.constant 48 : index
      %swap3A_1125 = tpu.vector_load %arg9[%swap3A_1123, %swap3A_1124] {strides = array<i32>} : memref<2x64xi32, #tpu.memory_space<vmem>>, vector<16xi32>,
      tpu.vector_store %arg9[%swap3A_1123, %swap3A_1124], %get3A_1121 {strides = array<i32>} : memref<2x64xi32, #tpu.memory_space<vmem>>, vector<16xi32>,
      %dma_start3A_1126 = arith.constant 1 : i32
      %dma_start3A_1127 = arith.constant 1 : i32
      %dma_start3A_1128 = arith.constant 0 : i32
      %dma_start3A_1129 = arith.constant 0 : i32
      %dma_start3A_1130 = tpu.memref_slice %arg12[%dma_start3A_1126, %dma_start3A_1128, %dma_start3A_1129] : memref<3x64x128xf32, #tpu.memory_space<vmem>> -> memref<1x64x128xf32, #tpu.memory_space<vmem>>
      %dma_start3A_1131 = tpu.memref_squeeze %dma_start3A_1130 : memref<1x64x128xf32, #tpu.memory_space<vmem>> -> memref<64x128xf32, #tpu.memory_space<vmem>>
      %dma_start3A_1132 = arith.constant 0 : i32
      %dma_start3A_1133 = tpu.memref_slice %arg9[%dma_start3A_1127, %dma_start3A_1132] : memref<2x64xi32, #tpu.memory_space<vmem>> -> memref<1x64xi32, #tpu.memory_space<vmem>>
      %dma_start3A_1134 = tpu.memref_squeeze %dma_start3A_1133 : memref<1x64xi32, #tpu.memory_space<vmem>> -> memref<64xi32, #tpu.memory_space<vmem>>
      %dma_start3A_1135 = arith.constant 0 : i32
      %dma_start3A_1136 = arith.constant 0 : i32
      %dma_start3A_1137 = tpu.memref_slice %arg15[%dma_start3A_1135, %dma_start3A_1136] : memref<10240x128xf32, #tpu.memory_space<vmem_shared>> -> memref<10240x128xf32, #tpu.memory_space<vmem_shared>>
      tpu.enqueue_indirect_dma source(%dma_start3A_1131 : memref<64x128xf32, #tpu.memory_space<vmem>>) target(%dma_start3A_1137 : memref<10240x128xf32, #tpu.memory_space<vmem_shared>>) offsets(%dma_start3A_1134 : memref<64xi32, #tpu.memory_space<vmem>>) semaphore(%arg20 : memref<!tpu.dma_semaphore, #tpu.memory_space<semaphore_mem>>) {add = true}
      %get3A_1138 = arith.constant 1 : i32
      %get3A_1139 = arith.index_cast %get3A_1138 : i32 to index
      %get3A_1140 = arith.constant 0 : index
      %get3A_1141 = tpu.vector_load %arg7[%get3A_1139, %get3A_1140] {strides = array<i32>} : memref<3x64xi32, #tpu.memory_space<vmem>>, vector<16xi32>,
      %get3A_1142 = arith.constant 1 : i32
      %get3A_1143 = arith.index_cast %get3A_1142 : i32 to index
      %get3A_1144 = arith.constant 0 : index
      %get3A_1145 = tpu.vector_load %arg8[%get3A_1143, %get3A_1144] {strides = array<i32>} : memref<3x64xi32, #tpu.memory_space<vmem>>, vector<16xi32>,
      %gather3A_1146 = tpu.vector_load_idx %arg13[%get3A_1141] : memref<10000xf32, #tpu.memory_space<vmem>>[vector<16xi32>], vector<16xf32>,
      tpu.vector_store_idx %arg14[%get3A_1145], %gather3A_1146 {add = true} : memref<10000xf32, #tpu.memory_space<vmem>>[vector<16xi32>], vector<16xf32>,
      %get3A_1147 = arith.constant 1 : i32
      %get3A_1148 = arith.index_cast %get3A_1147 : i32 to index
      %get3A_1149 = arith.constant 16 : index
      %get3A_1150 = tpu.vector_load %arg7[%get3A_1148, %get3A_1149] {strides = array<i32>} : memref<3x64xi32, #tpu.memory_space<vmem>>, vector<16xi32>,
      %get3A_1151 = arith.constant 1 : i32
      %get3A_1152 = arith.index_cast %get3A_1151 : i32 to index
      %get3A_1153 = arith.constant 16 : index
      %get3A_1154 = tpu.vector_load %arg8[%get3A_1152, %get3A_1153] {strides = array<i32>} : memref<3x64xi32, #tpu.memory_space<vmem>>, vector<16xi32>,
      %gather3A_1155 = tpu.vector_load_idx %arg13[%get3A_1150] : memref<10000xf32, #tpu.memory_space<vmem>>[vector<16xi32>], vector<16xf32>,
      tpu.vector_store_idx %arg14[%get3A_1154], %gather3A_1155 {add = true} : memref<10000xf32, #tpu.memory_space<vmem>>[vector<16xi32>], vector<16xf32>,
      %get3A_1156 = arith.constant 1 : i32
      %get3A_1157 = arith.index_cast %get3A_1156 : i32 to index
      %get3A_1158 = arith.constant 32 : index
      %get3A_1159 = tpu.vector_load %arg7[%get3A_1157, %get3A_1158] {strides = array<i32>} : memref<3x64xi32, #tpu.memory_space<vmem>>, vector<16xi32>,
      %get3A_1160 = arith.constant 1 : i32
      %get3A_1161 = arith.index_cast %get3A_1160 : i32 to index
      %get3A_1162 = arith.constant 32 : index
      %get3A_1163 = tpu.vector_load %arg8[%get3A_1161, %get3A_1162] {strides = array<i32>} : memref<3x64xi32, #tpu.memory_space<vmem>>, vector<16xi32>,
      %gather3A_1164 = tpu.vector_load_idx %arg13[%get3A_1159] : memref<10000xf32, #tpu.memory_space<vmem>>[vector<16xi32>], vector<16xf32>,
      tpu.vector_store_idx %arg14[%get3A_1163], %gather3A_1164 {add = true} : memref<10000xf32, #tpu.memory_space<vmem>>[vector<16xi32>], vector<16xf32>,
      %get3A_1165 = arith.constant 1 : i32
      %get3A_1166 = arith.index_cast %get3A_1165 : i32 to index
      %get3A_1167 = arith.constant 48 : index
      %get3A_1168 = tpu.vector_load %arg7[%get3A_1166, %get3A_1167] {strides = array<i32>} : memref<3x64xi32, #tpu.memory_space<vmem>>, vector<16xi32>,
      %get3A_1169 = arith.constant 1 : i32
      %get3A_1170 = arith.index_cast %get3A_1169 : i32 to index
      %get3A_1171 = arith.constant 48 : index
      %get3A_1172 = tpu.vector_load %arg8[%get3A_1170, %get3A_1171] {strides = array<i32>} : memref<3x64xi32, #tpu.memory_space<vmem>>, vector<16xi32>,
      %gather3A_1173 = tpu.vector_load_idx %arg13[%get3A_1168] : memref<10000xf32, #tpu.memory_space<vmem>>[vector<16xi32>], vector<16xf32>,
      tpu.vector_store_idx %arg14[%get3A_1172], %gather3A_1173 {add = true} : memref<10000xf32, #tpu.memory_space<vmem>>[vector<16xi32>], vector<16xf32>,
      %add3A_1174 = arith.constant 3 : i32
      %add3A_1175 = arith.addi %add3A_1039, %add3A_1174 : i32
      %mul3A_1176 = arith.constant 64 : i32
      %mul3A_1177 = arith.muli %add3A_1175, %mul3A_1176 : i32
      %add3A_1178 = arith.addi %mul3A_61, %mul3A_1177 : i32
      %dma_start3A_1179 = arith.constant 1 : i32
      %dma_start3A_1180 = arith.constant 0 : i32
      %dma_start3A_1181 = tpu.memref_slice %arg7[%dma_start3A_1179, %dma_start3A_1180] : memref<3x64xi32, #tpu.memory_space<vmem>> -> memref<1x64xi32, #tpu.memory_space<vmem>>
      %dma_start3A_1182 = tpu.memref_squeeze %dma_start3A_1181 : memref<1x64xi32, #tpu.memory_space<vmem>> -> memref<64xi32, #tpu.memory_space<vmem>>
      %dma_start3A_1183 = tpu.memref_slice %arg2[%add3A_1178] : memref<640000xi32, #tpu.memory_space<hbm>> -> memref<64xi32, #tpu.memory_space<hbm>>
      %dma_start3A_1184 = arith.constant 0 : i32
      %dma_start3A_1185 = tpu.memref_slice %arg7[%dma_start3A_1179, %dma_start3A_1184] : memref<3x64xi32, #tpu.memory_space<vmem>> -> memref<1x64xi32, #tpu.memory_space<vmem>>
      %dma_start3A_1186 = tpu.memref_squeeze %dma_start3A_1185 : memref<1x64xi32, #tpu.memory_space<vmem>> -> memref<64xi32, #tpu.memory_space<vmem>>
      %dma_start3A_1187 = tpu.memref_slice %arg2[%add3A_1178] : memref<640000xi32, #tpu.memory_space<hbm>> -> memref<64xi32, #tpu.memory_space<hbm>>
      tpu.enqueue_dma source(%dma_start3A_1187 : memref<64xi32, #tpu.memory_space<hbm>>) target(%dma_start3A_1186 : memref<64xi32, #tpu.memory_space<vmem>>) target_semaphore(%arg22 : memref<!tpu.dma_semaphore, #tpu.memory_space<semaphore_mem>>)
      %add3A_1188 = arith.constant 320000 : i32
      %add3A_1189 = arith.addi %add3A_1188, %add3A_1178 : i32
      %dma_start3A_1190 = arith.constant 1 : i32
      %dma_start3A_1191 = arith.constant 0 : i32
      %dma_start3A_1192 = tpu.memref_slice %arg8[%dma_start3A_1190, %dma_start3A_1191] : memref<3x64xi32, #tpu.memory_space<vmem>> -> memref<1x64xi32, #tpu.memory_space<vmem>>
      %dma_start3A_1193 = tpu.memref_squeeze %dma_start3A_1192 : memref<1x64xi32, #tpu.memory_space<vmem>> -> memref<64xi32, #tpu.memory_space<vmem>>
      %dma_start3A_1194 = tpu.memref_slice %arg2[%add3A_1189] : memref<640000xi32, #tpu.memory_space<hbm>> -> memref<64xi32, #tpu.memory_space<hbm>>
      %dma_start3A_1195 = arith.constant 0 : i32
      %dma_start3A_1196 = tpu.memref_slice %arg8[%dma_start3A_1190, %dma_start3A_1195] : memref<3x64xi32, #tpu.memory_space<vmem>> -> memref<1x64xi32, #tpu.memory_space<vmem>>
      %dma_start3A_1197 = tpu.memref_squeeze %dma_start3A_1196 : memref<1x64xi32, #tpu.memory_space<vmem>> -> memref<64xi32, #tpu.memory_space<vmem>>
      %dma_start3A_1198 = tpu.memref_slice %arg2[%add3A_1189] : memref<640000xi32, #tpu.memory_space<hbm>> -> memref<64xi32, #tpu.memory_space<hbm>>
      tpu.enqueue_dma source(%dma_start3A_1198 : memref<64xi32, #tpu.memory_space<hbm>>) target(%dma_start3A_1197 : memref<64xi32, #tpu.memory_space<vmem>>) target_semaphore(%arg22 : memref<!tpu.dma_semaphore, #tpu.memory_space<semaphore_mem>>)
      %mul3A_1199 = arith.constant 6 : i32
      %mul3A_1200 = arith.muli %mul3A_1199, %add3A_1033 : i32
      %add3A_1201 = arith.constant 1 : i32
      %add3A_1202 = arith.addi %add3A_1201, %mul3A_1200 : i32
      %add3A_1203 = arith.constant 1 : i32
      %add3A_1204 = arith.addi %add3A_1202, %add3A_1203 : i32
      %dma_wait3A_1205 = arith.constant 2 : i32
      %dma_wait3A_1206 = arith.constant 2 : i32
      %dma_wait3A_1207 = arith.constant 0 : i32
      %dma_wait3A_1208 = arith.constant 0 : i32
      %dma_wait3A_1209 = tpu.memref_slice %arg12[%dma_wait3A_1206, %dma_wait3A_1207, %dma_wait3A_1208] : memref<3x64x128xf32, #tpu.memory_space<vmem>> -> memref<1x64x128xf32, #tpu.memory_space<vmem>>
      %dma_wait3A_1210 = tpu.memref_squeeze %dma_wait3A_1209 : memref<1x64x128xf32, #tpu.memory_space<vmem>> -> memref<64x128xf32, #tpu.memory_space<vmem>>
      %dma_wait3A_1211 = arith.constant 0 : i32
      %dma_wait3A_1212 = tpu.memref_slice %arg7[%dma_wait3A_1205, %dma_wait3A_1211] : memref<3x64xi32, #tpu.memory_space<vmem>> -> memref<1x64xi32, #tpu.memory_space<vmem>>
      %dma_wait3A_1213 = tpu.memref_squeeze %dma_wait3A_1212 : memref<1x64xi32, #tpu.memory_space<vmem>> -> memref<64xi32, #tpu.memory_space<vmem>>
      %dma_wait3A_1214 = arith.constant 0 : i32
      %dma_wait3A_1215 = arith.constant 0 : i32
      %dma_wait3A_1216 = tpu.memref_slice %arg3[%dma_wait3A_1214, %dma_wait3A_1215] : memref<10000x128xf32, #tpu.memory_space<hbm>> -> memref<10000x128xf32, #tpu.memory_space<hbm>>
      tpu.wait_indirect_dma semaphore(%arg18 : memref<!tpu.dma_semaphore, #tpu.memory_space<semaphore_mem>>) src(%dma_wait3A_1216 : memref<10000x128xf32, #tpu.memory_space<hbm>>) dst(%dma_wait3A_1210 : memref<64x128xf32, #tpu.memory_space<vmem>>)
      %dma_wait3A_1217 = arith.constant 1 : i32
      %dma_wait3A_1218 = arith.constant 1 : i32
      %dma_wait3A_1219 = arith.constant 0 : i32
      %dma_wait3A_1220 = arith.constant 0 : i32
      %dma_wait3A_1221 = tpu.memref_slice %arg12[%dma_wait3A_1217, %dma_wait3A_1219, %dma_wait3A_1220] : memref<3x64x128xf32, #tpu.memory_space<vmem>> -> memref<1x64x128xf32, #tpu.memory_space<vmem>>
      %dma_wait3A_1222 = tpu.memref_squeeze %dma_wait3A_1221 : memref<1x64x128xf32, #tpu.memory_space<vmem>> -> memref<64x128xf32, #tpu.memory_space<vmem>>
      %dma_wait3A_1223 = arith.constant 0 : i32
      %dma_wait3A_1224 = tpu.memref_slice %arg9[%dma_wait3A_1218, %dma_wait3A_1223] : memref<2x64xi32, #tpu.memory_space<vmem>> -> memref<1x64xi32, #tpu.memory_space<vmem>>
      %dma_wait3A_1225 = tpu.memref_squeeze %dma_wait3A_1224 : memref<1x64xi32, #tpu.memory_space<vmem>> -> memref<64xi32, #tpu.memory_space<vmem>>
      %dma_wait3A_1226 = arith.constant 0 : i32
      %dma_wait3A_1227 = arith.constant 0 : i32
      %dma_wait3A_1228 = tpu.memref_slice %arg15[%dma_wait3A_1226, %dma_wait3A_1227] : memref<10240x128xf32, #tpu.memory_space<vmem_shared>> -> memref<10240x128xf32, #tpu.memory_space<vmem_shared>>
      tpu.wait_indirect_dma semaphore(%arg20 : memref<!tpu.dma_semaphore, #tpu.memory_space<semaphore_mem>>) src(%dma_wait3A_1222 : memref<64x128xf32, #tpu.memory_space<vmem>>) dst(%dma_wait3A_1228 : memref<10240x128xf32, #tpu.memory_space<vmem_shared>>)
      %dma_wait3A_1229 = arith.constant 1 : i32
      %dma_wait3A_1230 = arith.constant 0 : i32
      %dma_wait3A_1231 = tpu.memref_slice %arg7[%dma_wait3A_1229, %dma_wait3A_1230] : memref<3x64xi32, #tpu.memory_space<vmem>> -> memref<1x64xi32, #tpu.memory_space<vmem>>
      %dma_wait3A_1232 = tpu.memref_squeeze %dma_wait3A_1231 : memref<1x64xi32, #tpu.memory_space<vmem>> -> memref<64xi32, #tpu.memory_space<vmem>>
      %dma_wait3A_1233 = tpu.memref_slice %arg2[%mul3A_61] : memref<640000xi32, #tpu.memory_space<hbm>> -> memref<64xi32, #tpu.memory_space<hbm>>
      %dma_wait3A_1234 = arith.constant 0 : i32
      %dma_wait3A_1235 = tpu.memref_slice %arg7[%dma_wait3A_1229, %dma_wait3A_1234] : memref<3x64xi32, #tpu.memory_space<vmem>> -> memref<1x64xi32, #tpu.memory_space<vmem>>
      %dma_wait3A_1236 = tpu.memref_squeeze %dma_wait3A_1235 : memref<1x64xi32, #tpu.memory_space<vmem>> -> memref<64xi32, #tpu.memory_space<vmem>>
      %dma_wait3A_1237 = tpu.memref_slice %arg2[%mul3A_61] : memref<640000xi32, #tpu.memory_space<hbm>> -> memref<64xi32, #tpu.memory_space<hbm>>
      tpu.wait_dma2 semaphore(%arg22 : memref<!tpu.dma_semaphore, #tpu.memory_space<semaphore_mem>>) src(%dma_wait3A_1237 : memref<64xi32, #tpu.memory_space<hbm>>) dst(%dma_wait3A_1236 : memref<64xi32, #tpu.memory_space<vmem>>)
      %dma_wait3A_1238 = arith.constant 1 : i32
      %dma_wait3A_1239 = arith.constant 0 : i32
      %dma_wait3A_1240 = tpu.memref_slice %arg8[%dma_wait3A_1238, %dma_wait3A_1239] : memref<3x64xi32, #tpu.memory_space<vmem>> -> memref<1x64xi32, #tpu.memory_space<vmem>>
      %dma_wait3A_1241 = tpu.memref_squeeze %dma_wait3A_1240 : memref<1x64xi32, #tpu.memory_space<vmem>> -> memref<64xi32, #tpu.memory_space<vmem>>
      %dma_wait3A_1242 = tpu.memref_slice %arg2[%mul3A_61] : memref<640000xi32, #tpu.memory_space<hbm>> -> memref<64xi32, #tpu.memory_space<hbm>>
      %dma_wait3A_1243 = arith.constant 0 : i32
      %dma_wait3A_1244 = tpu.memref_slice %arg8[%dma_wait3A_1238, %dma_wait3A_1243] : memref<3x64xi32, #tpu.memory_space<vmem>> -> memref<1x64xi32, #tpu.memory_space<vmem>>
      %dma_wait3A_1245 = tpu.memref_squeeze %dma_wait3A_1244 : memref<1x64xi32, #tpu.memory_space<vmem>> -> memref<64xi32, #tpu.memory_space<vmem>>
      %dma_wait3A_1246 = tpu.memref_slice %arg2[%mul3A_61] : memref<640000xi32, #tpu.memory_space<hbm>> -> memref<64xi32, #tpu.memory_space<hbm>>
      tpu.wait_dma2 semaphore(%arg22 : memref<!tpu.dma_semaphore, #tpu.memory_space<semaphore_mem>>) src(%dma_wait3A_1246 : memref<64xi32, #tpu.memory_space<hbm>>) dst(%dma_wait3A_1245 : memref<64xi32, #tpu.memory_space<vmem>>)
      %dma_start3A_1247 = arith.constant 1 : i32
      %dma_start3A_1248 = arith.constant 1 : i32
      %dma_start3A_1249 = arith.constant 0 : i32
      %dma_start3A_1250 = arith.constant 0 : i32
      %dma_start3A_1251 = tpu.memref_slice %arg12[%dma_start3A_1248, %dma_start3A_1249, %dma_start3A_1250] : memref<3x64x128xf32, #tpu.memory_space<vmem>> -> memref<1x64x128xf32, #tpu.memory_space<vmem>>
      %dma_start3A_1252 = tpu.memref_squeeze %dma_start3A_1251 : memref<1x64x128xf32, #tpu.memory_space<vmem>> -> memref<64x128xf32, #tpu.memory_space<vmem>>
      %dma_start3A_1253 = arith.constant 0 : i32
      %dma_start3A_1254 = tpu.memref_slice %arg7[%dma_start3A_1247, %dma_start3A_1253] : memref<3x64xi32, #tpu.memory_space<vmem>> -> memref<1x64xi32, #tpu.memory_space<vmem>>
      %dma_start3A_1255 = tpu.memref_squeeze %dma_start3A_1254 : memref<1x64xi32, #tpu.memory_space<vmem>> -> memref<64xi32, #tpu.memory_space<vmem>>
      %dma_start3A_1256 = arith.constant 0 : i32
      %dma_start3A_1257 = arith.constant 0 : i32
      %dma_start3A_1258 = tpu.memref_slice %arg3[%dma_start3A_1256, %dma_start3A_1257] : memref<10000x128xf32, #tpu.memory_space<hbm>> -> memref<10000x128xf32, #tpu.memory_space<hbm>>
      tpu.enqueue_indirect_dma source(%dma_start3A_1258 : memref<10000x128xf32, #tpu.memory_space<hbm>>) target(%dma_start3A_1252 : memref<64x128xf32, #tpu.memory_space<vmem>>) offsets(%dma_start3A_1255 : memref<64xi32, #tpu.memory_space<vmem>>) semaphore(%arg17 : memref<!tpu.dma_semaphore, #tpu.memory_space<semaphore_mem>>)
      %get3A_1259 = arith.constant 2 : i32
      %get3A_1260 = arith.index_cast %get3A_1259 : i32 to index
      %get3A_1261 = arith.constant 0 : index
      %get3A_1262 = tpu.vector_load %arg8[%get3A_1260, %get3A_1261] {strides = array<i32>} : memref<3x64xi32, #tpu.memory_space<vmem>>, vector<16xi32>,
      %swap3A_1263 = arith.constant 0 : i32
      %swap3A_1264 = arith.index_cast %swap3A_1263 : i32 to index
      %swap3A_1265 = arith.constant 0 : index
      %swap3A_1266 = tpu.vector_load %arg9[%swap3A_1264, %swap3A_1265] {strides = array<i32>} : memref<2x64xi32, #tpu.memory_space<vmem>>, vector<16xi32>,
      tpu.vector_store %arg9[%swap3A_1264, %swap3A_1265], %get3A_1262 {strides = array<i32>} : memref<2x64xi32, #tpu.memory_space<vmem>>, vector<16xi32>,
      %get3A_1267 = arith.constant 2 : i32
      %get3A_1268 = arith.index_cast %get3A_1267 : i32 to index
      %get3A_1269 = arith.constant 16 : index
      %get3A_1270 = tpu.vector_load %arg8[%get3A_1268, %get3A_1269] {strides = array<i32>} : memref<3x64xi32, #tpu.memory_space<vmem>>, vector<16xi32>,
      %swap3A_1271 = arith.constant 0 : i32
      %swap3A_1272 = arith.index_cast %swap3A_1271 : i32 to index
      %swap3A_1273 = arith.constant 16 : index
      %swap3A_1274 = tpu.vector_load %arg9[%swap3A_1272, %swap3A_1273] {strides = array<i32>} : memref<2x64xi32, #tpu.memory_space<vmem>>, vector<16xi32>,
      tpu.vector_store %arg9[%swap3A_1272, %swap3A_1273], %get3A_1270 {strides = array<i32>} : memref<2x64xi32, #tpu.memory_space<vmem>>, vector<16xi32>,
      %get3A_1275 = arith.constant 2 : i32
      %get3A_1276 = arith.index_cast %get3A_1275 : i32 to index
      %get3A_1277 = arith.constant 32 : index
      %get3A_1278 = tpu.vector_load %arg8[%get3A_1276, %get3A_1277] {strides = array<i32>} : memref<3x64xi32, #tpu.memory_space<vmem>>, vector<16xi32>,
      %swap3A_1279 = arith.constant 0 : i32
      %swap3A_1280 = arith.index_cast %swap3A_1279 : i32 to index
      %swap3A_1281 = arith.constant 32 : index
      %swap3A_1282 = tpu.vector_load %arg9[%swap3A_1280, %swap3A_1281] {strides = array<i32>} : memref<2x64xi32, #tpu.memory_space<vmem>>, vector<16xi32>,
      tpu.vector_store %arg9[%swap3A_1280, %swap3A_1281], %get3A_1278 {strides = array<i32>} : memref<2x64xi32, #tpu.memory_space<vmem>>, vector<16xi32>,
      %get3A_1283 = arith.constant 2 : i32
      %get3A_1284 = arith.index_cast %get3A_1283 : i32 to index
      %get3A_1285 = arith.constant 48 : index
      %get3A_1286 = tpu.vector_load %arg8[%get3A_1284, %get3A_1285] {strides = array<i32>} : memref<3x64xi32, #tpu.memory_space<vmem>>, vector<16xi32>,
      %swap3A_1287 = arith.constant 0 : i32
      %swap3A_1288 = arith.index_cast %swap3A_1287 : i32 to index
      %swap3A_1289 = arith.constant 48 : index
      %swap3A_1290 = tpu.vector_load %arg9[%swap3A_1288, %swap3A_1289] {strides = array<i32>} : memref<2x64xi32, #tpu.memory_space<vmem>>, vector<16xi32>,
      tpu.vector_store %arg9[%swap3A_1288, %swap3A_1289], %get3A_1286 {strides = array<i32>} : memref<2x64xi32, #tpu.memory_space<vmem>>, vector<16xi32>,
      %dma_start3A_1291 = arith.constant 2 : i32
      %dma_start3A_1292 = arith.constant 0 : i32
      %dma_start3A_1293 = arith.constant 0 : i32
      %dma_start3A_1294 = arith.constant 0 : i32
      %dma_start3A_1295 = tpu.memref_slice %arg12[%dma_start3A_1291, %dma_start3A_1293, %dma_start3A_1294] : memref<3x64x128xf32, #tpu.memory_space<vmem>> -> memref<1x64x128xf32, #tpu.memory_space<vmem>>
      %dma_start3A_1296 = tpu.memref_squeeze %dma_start3A_1295 : memref<1x64x128xf32, #tpu.memory_space<vmem>> -> memref<64x128xf32, #tpu.memory_space<vmem>>
      %dma_start3A_1297 = arith.constant 0 : i32
      %dma_start3A_1298 = tpu.memref_slice %arg9[%dma_start3A_1292, %dma_start3A_1297] : memref<2x64xi32, #tpu.memory_space<vmem>> -> memref<1x64xi32, #tpu.memory_space<vmem>>
      %dma_start3A_1299 = tpu.memref_squeeze %dma_start3A_1298 : memref<1x64xi32, #tpu.memory_space<vmem>> -> memref<64xi32, #tpu.memory_space<vmem>>
      %dma_start3A_1300 = arith.constant 0 : i32
      %dma_start3A_1301 = arith.constant 0 : i32
      %dma_start3A_1302 = tpu.memref_slice %arg15[%dma_start3A_1300, %dma_start3A_1301] : memref<10240x128xf32, #tpu.memory_space<vmem_shared>> -> memref<10240x128xf32, #tpu.memory_space<vmem_shared>>
      tpu.enqueue_indirect_dma source(%dma_start3A_1296 : memref<64x128xf32, #tpu.memory_space<vmem>>) target(%dma_start3A_1302 : memref<10240x128xf32, #tpu.memory_space<vmem_shared>>) offsets(%dma_start3A_1299 : memref<64xi32, #tpu.memory_space<vmem>>) semaphore(%arg19 : memref<!tpu.dma_semaphore, #tpu.memory_space<semaphore_mem>>) {add = true}
      %get3A_1303 = arith.constant 2 : i32
      %get3A_1304 = arith.index_cast %get3A_1303 : i32 to index
      %get3A_1305 = arith.constant 0 : index
      %get3A_1306 = tpu.vector_load %arg7[%get3A_1304, %get3A_1305] {strides = array<i32>} : memref<3x64xi32, #tpu.memory_space<vmem>>, vector<16xi32>,
      %get3A_1307 = arith.constant 2 : i32
      %get3A_1308 = arith.index_cast %get3A_1307 : i32 to index
      %get3A_1309 = arith.constant 0 : index
      %get3A_1310 = tpu.vector_load %arg8[%get3A_1308, %get3A_1309] {strides = array<i32>} : memref<3x64xi32, #tpu.memory_space<vmem>>, vector<16xi32>,
      %gather3A_1311 = tpu.vector_load_idx %arg13[%get3A_1306] : memref<10000xf32, #tpu.memory_space<vmem>>[vector<16xi32>], vector<16xf32>,
      tpu.vector_store_idx %arg14[%get3A_1310], %gather3A_1311 {add = true} : memref<10000xf32, #tpu.memory_space<vmem>>[vector<16xi32>], vector<16xf32>,
      %get3A_1312 = arith.constant 2 : i32
      %get3A_1313 = arith.index_cast %get3A_1312 : i32 to index
      %get3A_1314 = arith.constant 16 : index
      %get3A_1315 = tpu.vector_load %arg7[%get3A_1313, %get3A_1314] {strides = array<i32>} : memref<3x64xi32, #tpu.memory_space<vmem>>, vector<16xi32>,
      %get3A_1316 = arith.constant 2 : i32
      %get3A_1317 = arith.index_cast %get3A_1316 : i32 to index
      %get3A_1318 = arith.constant 16 : index
      %get3A_1319 = tpu.vector_load %arg8[%get3A_1317, %get3A_1318] {strides = array<i32>} : memref<3x64xi32, #tpu.memory_space<vmem>>, vector<16xi32>,
      %gather3A_1320 = tpu.vector_load_idx %arg13[%get3A_1315] : memref<10000xf32, #tpu.memory_space<vmem>>[vector<16xi32>], vector<16xf32>,
      tpu.vector_store_idx %arg14[%get3A_1319], %gather3A_1320 {add = true} : memref<10000xf32, #tpu.memory_space<vmem>>[vector<16xi32>], vector<16xf32>,
      %get3A_1321 = arith.constant 2 : i32
      %get3A_1322 = arith.index_cast %get3A_1321 : i32 to index
      %get3A_1323 = arith.constant 32 : index
      %get3A_1324 = tpu.vector_load %arg7[%get3A_1322, %get3A_1323] {strides = array<i32>} : memref<3x64xi32, #tpu.memory_space<vmem>>, vector<16xi32>,
      %get3A_1325 = arith.constant 2 : i32
      %get3A_1326 = arith.index_cast %get3A_1325 : i32 to index
      %get3A_1327 = arith.constant 32 : index
      %get3A_1328 = tpu.vector_load %arg8[%get3A_1326, %get3A_1327] {strides = array<i32>} : memref<3x64xi32, #tpu.memory_space<vmem>>, vector<16xi32>,
      %gather3A_1329 = tpu.vector_load_idx %arg13[%get3A_1324] : memref<10000xf32, #tpu.memory_space<vmem>>[vector<16xi32>], vector<16xf32>,
      tpu.vector_store_idx %arg14[%get3A_1328], %gather3A_1329 {add = true} : memref<10000xf32, #tpu.memory_space<vmem>>[vector<16xi32>], vector<16xf32>,
      %get3A_1330 = arith.constant 2 : i32
      %get3A_1331 = arith.index_cast %get3A_1330 : i32 to index
      %get3A_1332 = arith.constant 48 : index
      %get3A_1333 = tpu.vector_load %arg7[%get3A_1331, %get3A_1332] {strides = array<i32>} : memref<3x64xi32, #tpu.memory_space<vmem>>, vector<16xi32>,
      %get3A_1334 = arith.constant 2 : i32
      %get3A_1335 = arith.index_cast %get3A_1334 : i32 to index
      %get3A_1336 = arith.constant 48 : index
      %get3A_1337 = tpu.vector_load %arg8[%get3A_1335, %get3A_1336] {strides = array<i32>} : memref<3x64xi32, #tpu.memory_space<vmem>>, vector<16xi32>,
      %gather3A_1338 = tpu.vector_load_idx %arg13[%get3A_1333] : memref<10000xf32, #tpu.memory_space<vmem>>[vector<16xi32>], vector<16xf32>,
      tpu.vector_store_idx %arg14[%get3A_1337], %gather3A_1338 {add = true} : memref<10000xf32, #tpu.memory_space<vmem>>[vector<16xi32>], vector<16xf32>,
      %add3A_1339 = arith.constant 3 : i32
      %add3A_1340 = arith.addi %add3A_1204, %add3A_1339 : i32
      %mul3A_1341 = arith.constant 64 : i32
      %mul3A_1342 = arith.muli %add3A_1340, %mul3A_1341 : i32
      %add3A_1343 = arith.addi %mul3A_61, %mul3A_1342 : i32
      %dma_start3A_1344 = arith.constant 2 : i32
      %dma_start3A_1345 = arith.constant 0 : i32
      %dma_start3A_1346 = tpu.memref_slice %arg7[%dma_start3A_1344, %dma_start3A_1345] : memref<3x64xi32, #tpu.memory_space<vmem>> -> memref<1x64xi32, #tpu.memory_space<vmem>>
      %dma_start3A_1347 = tpu.memref_squeeze %dma_start3A_1346 : memref<1x64xi32, #tpu.memory_space<vmem>> -> memref<64xi32, #tpu.memory_space<vmem>>
      %dma_start3A_1348 = tpu.memref_slice %arg2[%add3A_1343] : memref<640000xi32, #tpu.memory_space<hbm>> -> memref<64xi32, #tpu.memory_space<hbm>>
      %dma_start3A_1349 = arith.constant 0 : i32
      %dma_start3A_1350 = tpu.memref_slice %arg7[%dma_start3A_1344, %dma_start3A_1349] : memref<3x64xi32, #tpu.memory_space<vmem>> -> memref<1x64xi32, #tpu.memory_space<vmem>>
      %dma_start3A_1351 = tpu.memref_squeeze %dma_start3A_1350 : memref<1x64xi32, #tpu.memory_space<vmem>> -> memref<64xi32, #tpu.memory_space<vmem>>
      %dma_start3A_1352 = tpu.memref_slice %arg2[%add3A_1343] : memref<640000xi32, #tpu.memory_space<hbm>> -> memref<64xi32, #tpu.memory_space<hbm>>
      tpu.enqueue_dma source(%dma_start3A_1352 : memref<64xi32, #tpu.memory_space<hbm>>) target(%dma_start3A_1351 : memref<64xi32, #tpu.memory_space<vmem>>) target_semaphore(%arg23 : memref<!tpu.dma_semaphore, #tpu.memory_space<semaphore_mem>>)
      %add3A_1353 = arith.constant 320000 : i32
      %add3A_1354 = arith.addi %add3A_1353, %add3A_1343 : i32
      %dma_start3A_1355 = arith.constant 2 : i32
      %dma_start3A_1356 = arith.constant 0 : i32
      %dma_start3A_1357 = tpu.memref_slice %arg8[%dma_start3A_1355, %dma_start3A_1356] : memref<3x64xi32, #tpu.memory_space<vmem>> -> memref<1x64xi32, #tpu.memory_space<vmem>>
      %dma_start3A_1358 = tpu.memref_squeeze %dma_start3A_1357 : memref<1x64xi32, #tpu.memory_space<vmem>> -> memref<64xi32, #tpu.memory_space<vmem>>
      %dma_start3A_1359 = tpu.memref_slice %arg2[%add3A_1354] : memref<640000xi32, #tpu.memory_space<hbm>> -> memref<64xi32, #tpu.memory_space<hbm>>
      %dma_start3A_1360 = arith.constant 0 : i32
      %dma_start3A_1361 = tpu.memref_slice %arg8[%dma_start3A_1355, %dma_start3A_1360] : memref<3x64xi32, #tpu.memory_space<vmem>> -> memref<1x64xi32, #tpu.memory_space<vmem>>
      %dma_start3A_1362 = tpu.memref_squeeze %dma_start3A_1361 : memref<1x64xi32, #tpu.memory_space<vmem>> -> memref<64xi32, #tpu.memory_space<vmem>>
      %dma_start3A_1363 = tpu.memref_slice %arg2[%add3A_1354] : memref<640000xi32, #tpu.memory_space<hbm>> -> memref<64xi32, #tpu.memory_space<hbm>>
      tpu.enqueue_dma source(%dma_start3A_1363 : memref<64xi32, #tpu.memory_space<hbm>>) target(%dma_start3A_1362 : memref<64xi32, #tpu.memory_space<vmem>>) target_semaphore(%arg23 : memref<!tpu.dma_semaphore, #tpu.memory_space<semaphore_mem>>)
      %mul3A_1364 = arith.constant 6 : i32
      %mul3A_1365 = arith.muli %mul3A_1364, %add3A_1033 : i32
      %add3A_1366 = arith.constant 1 : i32
      %add3A_1367 = arith.addi %add3A_1366, %mul3A_1365 : i32
      %add3A_1368 = arith.constant 2 : i32
      %add3A_1369 = arith.addi %add3A_1367, %add3A_1368 : i32
      %dma_wait3A_1370 = arith.constant 0 : i32
      %dma_wait3A_1371 = arith.constant 0 : i32
      %dma_wait3A_1372 = arith.constant 0 : i32
      %dma_wait3A_1373 = arith.constant 0 : i32
      %dma_wait3A_1374 = tpu.memref_slice %arg12[%dma_wait3A_1371, %dma_wait3A_1372, %dma_wait3A_1373] : memref<3x64x128xf32, #tpu.memory_space<vmem>> -> memref<1x64x128xf32, #tpu.memory_space<vmem>>
      %dma_wait3A_1375 = tpu.memref_squeeze %dma_wait3A_1374 : memref<1x64x128xf32, #tpu.memory_space<vmem>> -> memref<64x128xf32, #tpu.memory_space<vmem>>
      %dma_wait3A_1376 = arith.constant 0 : i32
      %dma_wait3A_1377 = tpu.memref_slice %arg7[%dma_wait3A_1370, %dma_wait3A_1376] : memref<3x64xi32, #tpu.memory_space<vmem>> -> memref<1x64xi32, #tpu.memory_space<vmem>>
      %dma_wait3A_1378 = tpu.memref_squeeze %dma_wait3A_1377 : memref<1x64xi32, #tpu.memory_space<vmem>> -> memref<64xi32, #tpu.memory_space<vmem>>
      %dma_wait3A_1379 = arith.constant 0 : i32
      %dma_wait3A_1380 = arith.constant 0 : i32
      %dma_wait3A_1381 = tpu.memref_slice %arg3[%dma_wait3A_1379, %dma_wait3A_1380] : memref<10000x128xf32, #tpu.memory_space<hbm>> -> memref<10000x128xf32, #tpu.memory_space<hbm>>
      tpu.wait_indirect_dma semaphore(%arg16 : memref<!tpu.dma_semaphore, #tpu.memory_space<semaphore_mem>>) src(%dma_wait3A_1381 : memref<10000x128xf32, #tpu.memory_space<hbm>>) dst(%dma_wait3A_1375 : memref<64x128xf32, #tpu.memory_space<vmem>>)
      %dma_wait3A_1382 = arith.constant 2 : i32
      %dma_wait3A_1383 = arith.constant 0 : i32
      %dma_wait3A_1384 = arith.constant 0 : i32
      %dma_wait3A_1385 = arith.constant 0 : i32
      %dma_wait3A_1386 = tpu.memref_slice %arg12[%dma_wait3A_1382, %dma_wait3A_1384, %dma_wait3A_1385] : memref<3x64x128xf32, #tpu.memory_space<vmem>> -> memref<1x64x128xf32, #tpu.memory_space<vmem>>
      %dma_wait3A_1387 = tpu.memref_squeeze %dma_wait3A_1386 : memref<1x64x128xf32, #tpu.memory_space<vmem>> -> memref<64x128xf32, #tpu.memory_space<vmem>>
      %dma_wait3A_1388 = arith.constant 0 : i32
      %dma_wait3A_1389 = tpu.memref_slice %arg9[%dma_wait3A_1383, %dma_wait3A_1388] : memref<2x64xi32, #tpu.memory_space<vmem>> -> memref<1x64xi32, #tpu.memory_space<vmem>>
      %dma_wait3A_1390 = tpu.memref_squeeze %dma_wait3A_1389 : memref<1x64xi32, #tpu.memory_space<vmem>> -> memref<64xi32, #tpu.memory_space<vmem>>
      %dma_wait3A_1391 = arith.constant 0 : i32
      %dma_wait3A_1392 = arith.constant 0 : i32
      %dma_wait3A_1393 = tpu.memref_slice %arg15[%dma_wait3A_1391, %dma_wait3A_1392] : memref<10240x128xf32, #tpu.memory_space<vmem_shared>> -> memref<10240x128xf32, #tpu.memory_space<vmem_shared>>
      tpu.wait_indirect_dma semaphore(%arg19 : memref<!tpu.dma_semaphore, #tpu.memory_space<semaphore_mem>>) src(%dma_wait3A_1387 : memref<64x128xf32, #tpu.memory_space<vmem>>) dst(%dma_wait3A_1393 : memref<10240x128xf32, #tpu.memory_space<vmem_shared>>)
      %dma_wait3A_1394 = arith.constant 2 : i32
      %dma_wait3A_1395 = arith.constant 0 : i32
      %dma_wait3A_1396 = tpu.memref_slice %arg7[%dma_wait3A_1394, %dma_wait3A_1395] : memref<3x64xi32, #tpu.memory_space<vmem>> -> memref<1x64xi32, #tpu.memory_space<vmem>>
      %dma_wait3A_1397 = tpu.memref_squeeze %dma_wait3A_1396 : memref<1x64xi32, #tpu.memory_space<vmem>> -> memref<64xi32, #tpu.memory_space<vmem>>
      %dma_wait3A_1398 = tpu.memref_slice %arg2[%mul3A_61] : memref<640000xi32, #tpu.memory_space<hbm>> -> memref<64xi32, #tpu.memory_space<hbm>>
      %dma_wait3A_1399 = arith.constant 0 : i32
      %dma_wait3A_1400 = tpu.memref_slice %arg7[%dma_wait3A_1394, %dma_wait3A_1399] : memref<3x64xi32, #tpu.memory_space<vmem>> -> memref<1x64xi32, #tpu.memory_space<vmem>>
      %dma_wait3A_1401 = tpu.memref_squeeze %dma_wait3A_1400 : memref<1x64xi32, #tpu.memory_space<vmem>> -> memref<64xi32, #tpu.memory_space<vmem>>
      %dma_wait3A_1402 = tpu.memref_slice %arg2[%mul3A_61] : memref<640000xi32, #tpu.memory_space<hbm>> -> memref<64xi32, #tpu.memory_space<hbm>>
      tpu.wait_dma2 semaphore(%arg23 : memref<!tpu.dma_semaphore, #tpu.memory_space<semaphore_mem>>) src(%dma_wait3A_1402 : memref<64xi32, #tpu.memory_space<hbm>>) dst(%dma_wait3A_1401 : memref<64xi32, #tpu.memory_space<vmem>>)
      %dma_wait3A_1403 = arith.constant 2 : i32
      %dma_wait3A_1404 = arith.constant 0 : i32
      %dma_wait3A_1405 = tpu.memref_slice %arg8[%dma_wait3A_1403, %dma_wait3A_1404] : memref<3x64xi32, #tpu.memory_space<vmem>> -> memref<1x64xi32, #tpu.memory_space<vmem>>
      %dma_wait3A_1406 = tpu.memref_squeeze %dma_wait3A_1405 : memref<1x64xi32, #tpu.memory_space<vmem>> -> memref<64xi32, #tpu.memory_space<vmem>>
      %dma_wait3A_1407 = tpu.memref_slice %arg2[%mul3A_61] : memref<640000xi32, #tpu.memory_space<hbm>> -> memref<64xi32, #tpu.memory_space<hbm>>
      %dma_wait3A_1408 = arith.constant 0 : i32
      %dma_wait3A_1409 = tpu.memref_slice %arg8[%dma_wait3A_1403, %dma_wait3A_1408] : memref<3x64xi32, #tpu.memory_space<vmem>> -> memref<1x64xi32, #tpu.memory_space<vmem>>
      %dma_wait3A_1410 = tpu.memref_squeeze %dma_wait3A_1409 : memref<1x64xi32, #tpu.memory_space<vmem>> -> memref<64xi32, #tpu.memory_space<vmem>>
      %dma_wait3A_1411 = tpu.memref_slice %arg2[%mul3A_61] : memref<640000xi32, #tpu.memory_space<hbm>> -> memref<64xi32, #tpu.memory_space<hbm>>
      tpu.wait_dma2 semaphore(%arg23 : memref<!tpu.dma_semaphore, #tpu.memory_space<semaphore_mem>>) src(%dma_wait3A_1411 : memref<64xi32, #tpu.memory_space<hbm>>) dst(%dma_wait3A_1410 : memref<64xi32, #tpu.memory_space<vmem>>)
      %dma_start3A_1412 = arith.constant 2 : i32
      %dma_start3A_1413 = arith.constant 2 : i32
      %dma_start3A_1414 = arith.constant 0 : i32
      %dma_start3A_1415 = arith.constant 0 : i32
      %dma_start3A_1416 = tpu.memref_slice %arg12[%dma_start3A_1413, %dma_start3A_1414, %dma_start3A_1415] : memref<3x64x128xf32, #tpu.memory_space<vmem>> -> memref<1x64x128xf32, #tpu.memory_space<vmem>>
      %dma_start3A_1417 = tpu.memref_squeeze %dma_start3A_1416 : memref<1x64x128xf32, #tpu.memory_space<vmem>> -> memref<64x128xf32, #tpu.memory_space<vmem>>
      %dma_start3A_1418 = arith.constant 0 : i32
      %dma_start3A_1419 = tpu.memref_slice %arg7[%dma_start3A_1412, %dma_start3A_1418] : memref<3x64xi32, #tpu.memory_space<vmem>> -> memref<1x64xi32, #tpu.memory_space<vmem>>
      %dma_start3A_1420 = tpu.memref_squeeze %dma_start3A_1419 : memref<1x64xi32, #tpu.memory_space<vmem>> -> memref<64xi32, #tpu.memory_space<vmem>>
      %dma_start3A_1421 = arith.constant 0 : i32
      %dma_start3A_1422 = arith.constant 0 : i32
      %dma_start3A_1423 = tpu.memref_slice %arg3[%dma_start3A_1421, %dma_start3A_1422] : memref<10000x128xf32, #tpu.memory_space<hbm>> -> memref<10000x128xf32, #tpu.memory_space<hbm>>
      tpu.enqueue_indirect_dma source(%dma_start3A_1423 : memref<10000x128xf32, #tpu.memory_space<hbm>>) target(%dma_start3A_1417 : memref<64x128xf32, #tpu.memory_space<vmem>>) offsets(%dma_start3A_1420 : memref<64xi32, #tpu.memory_space<vmem>>) semaphore(%arg18 : memref<!tpu.dma_semaphore, #tpu.memory_space<semaphore_mem>>)
      %get3A_1424 = arith.constant 0 : i32
      %get3A_1425 = arith.index_cast %get3A_1424 : i32 to index
      %get3A_1426 = arith.constant 0 : index
      %get3A_1427 = tpu.vector_load %arg8[%get3A_1425, %get3A_1426] {strides = array<i32>} : memref<3x64xi32, #tpu.memory_space<vmem>>, vector<16xi32>,
      %swap3A_1428 = arith.constant 1 : i32
      %swap3A_1429 = arith.index_cast %swap3A_1428 : i32 to index
      %swap3A_1430 = arith.constant 0 : index
      %swap3A_1431 = tpu.vector_load %arg9[%swap3A_1429, %swap3A_1430] {strides = array<i32>} : memref<2x64xi32, #tpu.memory_space<vmem>>, vector<16xi32>,
      tpu.vector_store %arg9[%swap3A_1429, %swap3A_1430], %get3A_1427 {strides = array<i32>} : memref<2x64xi32, #tpu.memory_space<vmem>>, vector<16xi32>,
      %get3A_1432 = arith.constant 0 : i32
      %get3A_1433 = arith.index_cast %get3A_1432 : i32 to index
      %get3A_1434 = arith.constant 16 : index
      %get3A_1435 = tpu.vector_load %arg8[%get3A_1433, %get3A_1434] {strides = array<i32>} : memref<3x64xi32, #tpu.memory_space<vmem>>, vector<16xi32>,
      %swap3A_1436 = arith.constant 1 : i32
      %swap3A_1437 = arith.index_cast %swap3A_1436 : i32 to index
      %swap3A_1438 = arith.constant 16 : index
      %swap3A_1439 = tpu.vector_load %arg9[%swap3A_1437, %swap3A_1438] {strides = array<i32>} : memref<2x64xi32, #tpu.memory_space<vmem>>, vector<16xi32>,
      tpu.vector_store %arg9[%swap3A_1437, %swap3A_1438], %get3A_1435 {strides = array<i32>} : memref<2x64xi32, #tpu.memory_space<vmem>>, vector<16xi32>,
      %get3A_1440 = arith.constant 0 : i32
      %get3A_1441 = arith.index_cast %get3A_1440 : i32 to index
      %get3A_1442 = arith.constant 32 : index
      %get3A_1443 = tpu.vector_load %arg8[%get3A_1441, %get3A_1442] {strides = array<i32>} : memref<3x64xi32, #tpu.memory_space<vmem>>, vector<16xi32>,
      %swap3A_1444 = arith.constant 1 : i32
      %swap3A_1445 = arith.index_cast %swap3A_1444 : i32 to index
      %swap3A_1446 = arith.constant 32 : index
      %swap3A_1447 = tpu.vector_load %arg9[%swap3A_1445, %swap3A_1446] {strides = array<i32>} : memref<2x64xi32, #tpu.memory_space<vmem>>, vector<16xi32>,
      tpu.vector_store %arg9[%swap3A_1445, %swap3A_1446], %get3A_1443 {strides = array<i32>} : memref<2x64xi32, #tpu.memory_space<vmem>>, vector<16xi32>,
      %get3A_1448 = arith.constant 0 : i32
      %get3A_1449 = arith.index_cast %get3A_1448 : i32 to index
      %get3A_1450 = arith.constant 48 : index
      %get3A_1451 = tpu.vector_load %arg8[%get3A_1449, %get3A_1450] {strides = array<i32>} : memref<3x64xi32, #tpu.memory_space<vmem>>, vector<16xi32>,
      %swap3A_1452 = arith.constant 1 : i32
      %swap3A_1453 = arith.index_cast %swap3A_1452 : i32 to index
      %swap3A_1454 = arith.constant 48 : index
      %swap3A_1455 = tpu.vector_load %arg9[%swap3A_1453, %swap3A_1454] {strides = array<i32>} : memref<2x64xi32, #tpu.memory_space<vmem>>, vector<16xi32>,
      tpu.vector_store %arg9[%swap3A_1453, %swap3A_1454], %get3A_1451 {strides = array<i32>} : memref<2x64xi32, #tpu.memory_space<vmem>>, vector<16xi32>,
      %dma_start3A_1456 = arith.constant 0 : i32
      %dma_start3A_1457 = arith.constant 1 : i32
      %dma_start3A_1458 = arith.constant 0 : i32
      %dma_start3A_1459 = arith.constant 0 : i32
      %dma_start3A_1460 = tpu.memref_slice %arg12[%dma_start3A_1456, %dma_start3A_1458, %dma_start3A_1459] : memref<3x64x128xf32, #tpu.memory_space<vmem>> -> memref<1x64x128xf32, #tpu.memory_space<vmem>>
      %dma_start3A_1461 = tpu.memref_squeeze %dma_start3A_1460 : memref<1x64x128xf32, #tpu.memory_space<vmem>> -> memref<64x128xf32, #tpu.memory_space<vmem>>
      %dma_start3A_1462 = arith.constant 0 : i32
      %dma_start3A_1463 = tpu.memref_slice %arg9[%dma_start3A_1457, %dma_start3A_1462] : memref<2x64xi32, #tpu.memory_space<vmem>> -> memref<1x64xi32, #tpu.memory_space<vmem>>
      %dma_start3A_1464 = tpu.memref_squeeze %dma_start3A_1463 : memref<1x64xi32, #tpu.memory_space<vmem>> -> memref<64xi32, #tpu.memory_space<vmem>>
      %dma_start3A_1465 = arith.constant 0 : i32
      %dma_start3A_1466 = arith.constant 0 : i32
      %dma_start3A_1467 = tpu.memref_slice %arg15[%dma_start3A_1465, %dma_start3A_1466] : memref<10240x128xf32, #tpu.memory_space<vmem_shared>> -> memref<10240x128xf32, #tpu.memory_space<vmem_shared>>
      tpu.enqueue_indirect_dma source(%dma_start3A_1461 : memref<64x128xf32, #tpu.memory_space<vmem>>) target(%dma_start3A_1467 : memref<10240x128xf32, #tpu.memory_space<vmem_shared>>) offsets(%dma_start3A_1464 : memref<64xi32, #tpu.memory_space<vmem>>) semaphore(%arg20 : memref<!tpu.dma_semaphore, #tpu.memory_space<semaphore_mem>>) {add = true}
      %get3A_1468 = arith.constant 0 : i32
      %get3A_1469 = arith.index_cast %get3A_1468 : i32 to index
      %get3A_1470 = arith.constant 0 : index
      %get3A_1471 = tpu.vector_load %arg7[%get3A_1469, %get3A_1470] {strides = array<i32>} : memref<3x64xi32, #tpu.memory_space<vmem>>, vector<16xi32>,
      %get3A_1472 = arith.constant 0 : i32
      %get3A_1473 = arith.index_cast %get3A_1472 : i32 to index
      %get3A_1474 = arith.constant 0 : index
      %get3A_1475 = tpu.vector_load %arg8[%get3A_1473, %get3A_1474] {strides = array<i32>} : memref<3x64xi32, #tpu.memory_space<vmem>>, vector<16xi32>,
      %gather3A_1476 = tpu.vector_load_idx %arg13[%get3A_1471] : memref<10000xf32, #tpu.memory_space<vmem>>[vector<16xi32>], vector<16xf32>,
      tpu.vector_store_idx %arg14[%get3A_1475], %gather3A_1476 {add = true} : memref<10000xf32, #tpu.memory_space<vmem>>[vector<16xi32>], vector<16xf32>,
      %get3A_1477 = arith.constant 0 : i32
      %get3A_1478 = arith.index_cast %get3A_1477 : i32 to index
      %get3A_1479 = arith.constant 16 : index
      %get3A_1480 = tpu.vector_load %arg7[%get3A_1478, %get3A_1479] {strides = array<i32>} : memref<3x64xi32, #tpu.memory_space<vmem>>, vector<16xi32>,
      %get3A_1481 = arith.constant 0 : i32
      %get3A_1482 = arith.index_cast %get3A_1481 : i32 to index
      %get3A_1483 = arith.constant 16 : index
      %get3A_1484 = tpu.vector_load %arg8[%get3A_1482, %get3A_1483] {strides = array<i32>} : memref<3x64xi32, #tpu.memory_space<vmem>>, vector<16xi32>,
      %gather3A_1485 = tpu.vector_load_idx %arg13[%get3A_1480] : memref<10000xf32, #tpu.memory_space<vmem>>[vector<16xi32>], vector<16xf32>,
      tpu.vector_store_idx %arg14[%get3A_1484], %gather3A_1485 {add = true} : memref<10000xf32, #tpu.memory_space<vmem>>[vector<16xi32>], vector<16xf32>,
      %get3A_1486 = arith.constant 0 : i32
      %get3A_1487 = arith.index_cast %get3A_1486 : i32 to index
      %get3A_1488 = arith.constant 32 : index
      %get3A_1489 = tpu.vector_load %arg7[%get3A_1487, %get3A_1488] {strides = array<i32>} : memref<3x64xi32, #tpu.memory_space<vmem>>, vector<16xi32>,
      %get3A_1490 = arith.constant 0 : i32
      %get3A_1491 = arith.index_cast %get3A_1490 : i32 to index
      %get3A_1492 = arith.constant 32 : index
      %get3A_1493 = tpu.vector_load %arg8[%get3A_1491, %get3A_1492] {strides = array<i32>} : memref<3x64xi32, #tpu.memory_space<vmem>>, vector<16xi32>,
      %gather3A_1494 = tpu.vector_load_idx %arg13[%get3A_1489] : memref<10000xf32, #tpu.memory_space<vmem>>[vector<16xi32>], vector<16xf32>,
      tpu.vector_store_idx %arg14[%get3A_1493], %gather3A_1494 {add = true} : memref<10000xf32, #tpu.memory_space<vmem>>[vector<16xi32>], vector<16xf32>,
      %get3A_1495 = arith.constant 0 : i32
      %get3A_1496 = arith.index_cast %get3A_1495 : i32 to index
      %get3A_1497 = arith.constant 48 : index
      %get3A_1498 = tpu.vector_load %arg7[%get3A_1496, %get3A_1497] {strides = array<i32>} : memref<3x64xi32, #tpu.memory_space<vmem>>, vector<16xi32>,
      %get3A_1499 = arith.constant 0 : i32
      %get3A_1500 = arith.index_cast %get3A_1499 : i32 to index
      %get3A_1501 = arith.constant 48 : index
      %get3A_1502 = tpu.vector_load %arg8[%get3A_1500, %get3A_1501] {strides = array<i32>} : memref<3x64xi32, #tpu.memory_space<vmem>>, vector<16xi32>,
      %gather3A_1503 = tpu.vector_load_idx %arg13[%get3A_1498] : memref<10000xf32, #tpu.memory_space<vmem>>[vector<16xi32>], vector<16xf32>,
      tpu.vector_store_idx %arg14[%get3A_1502], %gather3A_1503 {add = true} : memref<10000xf32, #tpu.memory_space<vmem>>[vector<16xi32>], vector<16xf32>,
      %add3A_1504 = arith.constant 3 : i32
      %add3A_1505 = arith.addi %add3A_1369, %add3A_1504 : i32
      %mul3A_1506 = arith.constant 64 : i32
      %mul3A_1507 = arith.muli %add3A_1505, %mul3A_1506 : i32
      %add3A_1508 = arith.addi %mul3A_61, %mul3A_1507 : i32
      %dma_start3A_1509 = arith.constant 0 : i32
      %dma_start3A_1510 = arith.constant 0 : i32
      %dma_start3A_1511 = tpu.memref_slice %arg7[%dma_start3A_1509, %dma_start3A_1510] : memref<3x64xi32, #tpu.memory_space<vmem>> -> memref<1x64xi32, #tpu.memory_space<vmem>>
      %dma_start3A_1512 = tpu.memref_squeeze %dma_start3A_1511 : memref<1x64xi32, #tpu.memory_space<vmem>> -> memref<64xi32, #tpu.memory_space<vmem>>
      %dma_start3A_1513 = tpu.memref_slice %arg2[%add3A_1508] : memref<640000xi32, #tpu.memory_space<hbm>> -> memref<64xi32, #tpu.memory_space<hbm>>
      %dma_start3A_1514 = arith.constant 0 : i32
      %dma_start3A_1515 = tpu.memref_slice %arg7[%dma_start3A_1509, %dma_start3A_1514] : memref<3x64xi32, #tpu.memory_space<vmem>> -> memref<1x64xi32, #tpu.memory_space<vmem>>
      %dma_start3A_1516 = tpu.memref_squeeze %dma_start3A_1515 : memref<1x64xi32, #tpu.memory_space<vmem>> -> memref<64xi32, #tpu.memory_space<vmem>>
      %dma_start3A_1517 = tpu.memref_slice %arg2[%add3A_1508] : memref<640000xi32, #tpu.memory_space<hbm>> -> memref<64xi32, #tpu.memory_space<hbm>>
      tpu.enqueue_dma source(%dma_start3A_1517 : memref<64xi32, #tpu.memory_space<hbm>>) target(%dma_start3A_1516 : memref<64xi32, #tpu.memory_space<vmem>>) target_semaphore(%arg21 : memref<!tpu.dma_semaphore, #tpu.memory_space<semaphore_mem>>)
      %add3A_1518 = arith.constant 320000 : i32
      %add3A_1519 = arith.addi %add3A_1518, %add3A_1508 : i32
      %dma_start3A_1520 = arith.constant 0 : i32
      %dma_start3A_1521 = arith.constant 0 : i32
      %dma_start3A_1522 = tpu.memref_slice %arg8[%dma_start3A_1520, %dma_start3A_1521] : memref<3x64xi32, #tpu.memory_space<vmem>> -> memref<1x64xi32, #tpu.memory_space<vmem>>
      %dma_start3A_1523 = tpu.memref_squeeze %dma_start3A_1522 : memref<1x64xi32, #tpu.memory_space<vmem>> -> memref<64xi32, #tpu.memory_space<vmem>>
      %dma_start3A_1524 = tpu.memref_slice %arg2[%add3A_1519] : memref<640000xi32, #tpu.memory_space<hbm>> -> memref<64xi32, #tpu.memory_space<hbm>>
      %dma_start3A_1525 = arith.constant 0 : i32
      %dma_start3A_1526 = tpu.memref_slice %arg8[%dma_start3A_1520, %dma_start3A_1525] : memref<3x64xi32, #tpu.memory_space<vmem>> -> memref<1x64xi32, #tpu.memory_space<vmem>>
      %dma_start3A_1527 = tpu.memref_squeeze %dma_start3A_1526 : memref<1x64xi32, #tpu.memory_space<vmem>> -> memref<64xi32, #tpu.memory_space<vmem>>
      %dma_start3A_1528 = tpu.memref_slice %arg2[%add3A_1519] : memref<640000xi32, #tpu.memory_space<hbm>> -> memref<64xi32, #tpu.memory_space<hbm>>
      tpu.enqueue_dma source(%dma_start3A_1528 : memref<64xi32, #tpu.memory_space<hbm>>) target(%dma_start3A_1527 : memref<64xi32, #tpu.memory_space<vmem>>) target_semaphore(%arg21 : memref<!tpu.dma_semaphore, #tpu.memory_space<semaphore_mem>>)
      %mul3A_1529 = arith.constant 6 : i32
      %mul3A_1530 = arith.muli %mul3A_1529, %add3A_1033 : i32
      %add3A_1531 = arith.constant 1 : i32
      %add3A_1532 = arith.addi %add3A_1531, %mul3A_1530 : i32
      %add3A_1533 = arith.constant 3 : i32
      %add3A_1534 = arith.addi %add3A_1532, %add3A_1533 : i32
      %dma_wait3A_1535 = arith.constant 1 : i32
      %dma_wait3A_1536 = arith.constant 1 : i32
      %dma_wait3A_1537 = arith.constant 0 : i32
      %dma_wait3A_1538 = arith.constant 0 : i32
      %dma_wait3A_1539 = tpu.memref_slice %arg12[%dma_wait3A_1536, %dma_wait3A_1537, %dma_wait3A_1538] : memref<3x64x128xf32, #tpu.memory_space<vmem>> -> memref<1x64x128xf32, #tpu.memory_space<vmem>>
      %dma_wait3A_1540 = tpu.memref_squeeze %dma_wait3A_1539 : memref<1x64x128xf32, #tpu.memory_space<vmem>> -> memref<64x128xf32, #tpu.memory_space<vmem>>
      %dma_wait3A_1541 = arith.constant 0 : i32
      %dma_wait3A_1542 = tpu.memref_slice %arg7[%dma_wait3A_1535, %dma_wait3A_1541] : memref<3x64xi32, #tpu.memory_space<vmem>> -> memref<1x64xi32, #tpu.memory_space<vmem>>
      %dma_wait3A_1543 = tpu.memref_squeeze %dma_wait3A_1542 : memref<1x64xi32, #tpu.memory_space<vmem>> -> memref<64xi32, #tpu.memory_space<vmem>>
      %dma_wait3A_1544 = arith.constant 0 : i32
      %dma_wait3A_1545 = arith.constant 0 : i32
      %dma_wait3A_1546 = tpu.memref_slice %arg3[%dma_wait3A_1544, %dma_wait3A_1545] : memref<10000x128xf32, #tpu.memory_space<hbm>> -> memref<10000x128xf32, #tpu.memory_space<hbm>>
      tpu.wait_indirect_dma semaphore(%arg17 : memref<!tpu.dma_semaphore, #tpu.memory_space<semaphore_mem>>) src(%dma_wait3A_1546 : memref<10000x128xf32, #tpu.memory_space<hbm>>) dst(%dma_wait3A_1540 : memref<64x128xf32, #tpu.memory_space<vmem>>)
      %dma_wait3A_1547 = arith.constant 0 : i32
      %dma_wait3A_1548 = arith.constant 1 : i32
      %dma_wait3A_1549 = arith.constant 0 : i32
      %dma_wait3A_1550 = arith.constant 0 : i32
      %dma_wait3A_1551 = tpu.memref_slice %arg12[%dma_wait3A_1547, %dma_wait3A_1549, %dma_wait3A_1550] : memref<3x64x128xf32, #tpu.memory_space<vmem>> -> memref<1x64x128xf32, #tpu.memory_space<vmem>>
      %dma_wait3A_1552 = tpu.memref_squeeze %dma_wait3A_1551 : memref<1x64x128xf32, #tpu.memory_space<vmem>> -> memref<64x128xf32, #tpu.memory_space<vmem>>
      %dma_wait3A_1553 = arith.constant 0 : i32
      %dma_wait3A_1554 = tpu.memref_slice %arg9[%dma_wait3A_1548, %dma_wait3A_1553] : memref<2x64xi32, #tpu.memory_space<vmem>> -> memref<1x64xi32, #tpu.memory_space<vmem>>
      %dma_wait3A_1555 = tpu.memref_squeeze %dma_wait3A_1554 : memref<1x64xi32, #tpu.memory_space<vmem>> -> memref<64xi32, #tpu.memory_space<vmem>>
      %dma_wait3A_1556 = arith.constant 0 : i32
      %dma_wait3A_1557 = arith.constant 0 : i32
      %dma_wait3A_1558 = tpu.memref_slice %arg15[%dma_wait3A_1556, %dma_wait3A_1557] : memref<10240x128xf32, #tpu.memory_space<vmem_shared>> -> memref<10240x128xf32, #tpu.memory_space<vmem_shared>>
      tpu.wait_indirect_dma semaphore(%arg20 : memref<!tpu.dma_semaphore, #tpu.memory_space<semaphore_mem>>) src(%dma_wait3A_1552 : memref<64x128xf32, #tpu.memory_space<vmem>>) dst(%dma_wait3A_1558 : memref<10240x128xf32, #tpu.memory_space<vmem_shared>>)
      %dma_wait3A_1559 = arith.constant 0 : i32
      %dma_wait3A_1560 = arith.constant 0 : i32
      %dma_wait3A_1561 = tpu.memref_slice %arg7[%dma_wait3A_1559, %dma_wait3A_1560] : memref<3x64xi32, #tpu.memory_space<vmem>> -> memref<1x64xi32, #tpu.memory_space<vmem>>
      %dma_wait3A_1562 = tpu.memref_squeeze %dma_wait3A_1561 : memref<1x64xi32, #tpu.memory_space<vmem>> -> memref<64xi32, #tpu.memory_space<vmem>>
      %dma_wait3A_1563 = tpu.memref_slice %arg2[%mul3A_61] : memref<640000xi32, #tpu.memory_space<hbm>> -> memref<64xi32, #tpu.memory_space<hbm>>
      %dma_wait3A_1564 = arith.constant 0 : i32
      %dma_wait3A_1565 = tpu.memref_slice %arg7[%dma_wait3A_1559, %dma_wait3A_1564] : memref<3x64xi32, #tpu.memory_space<vmem>> -> memref<1x64xi32, #tpu.memory_space<vmem>>
      %dma_wait3A_1566 = tpu.memref_squeeze %dma_wait3A_1565 : memref<1x64xi32, #tpu.memory_space<vmem>> -> memref<64xi32, #tpu.memory_space<vmem>>
      %dma_wait3A_1567 = tpu.memref_slice %arg2[%mul3A_61] : memref<640000xi32, #tpu.memory_space<hbm>> -> memref<64xi32, #tpu.memory_space<hbm>>
      tpu.wait_dma2 semaphore(%arg21 : memref<!tpu.dma_semaphore, #tpu.memory_space<semaphore_mem>>) src(%dma_wait3A_1567 : memref<64xi32, #tpu.memory_space<hbm>>) dst(%dma_wait3A_1566 : memref<64xi32, #tpu.memory_space<vmem>>)
      %dma_wait3A_1568 = arith.constant 0 : i32
      %dma_wait3A_1569 = arith.constant 0 : i32
      %dma_wait3A_1570 = tpu.memref_slice %arg8[%dma_wait3A_1568, %dma_wait3A_1569] : memref<3x64xi32, #tpu.memory_space<vmem>> -> memref<1x64xi32, #tpu.memory_space<vmem>>
      %dma_wait3A_1571 = tpu.memref_squeeze %dma_wait3A_1570 : memref<1x64xi32, #tpu.memory_space<vmem>> -> memref<64xi32, #tpu.memory_space<vmem>>
      %dma_wait3A_1572 = tpu.memref_slice %arg2[%mul3A_61] : memref<640000xi32, #tpu.memory_space<hbm>> -> memref<64xi32, #tpu.memory_space<hbm>>
      %dma_wait3A_1573 = arith.constant 0 : i32
      %dma_wait3A_1574 = tpu.memref_slice %arg8[%dma_wait3A_1568, %dma_wait3A_1573] : memref<3x64xi32, #tpu.memory_space<vmem>> -> memref<1x64xi32, #tpu.memory_space<vmem>>
      %dma_wait3A_1575 = tpu.memref_squeeze %dma_wait3A_1574 : memref<1x64xi32, #tpu.memory_space<vmem>> -> memref<64xi32, #tpu.memory_space<vmem>>
      %dma_wait3A_1576 = tpu.memref_slice %arg2[%mul3A_61] : memref<640000xi32, #tpu.memory_space<hbm>> -> memref<64xi32, #tpu.memory_space<hbm>>
      tpu.wait_dma2 semaphore(%arg21 : memref<!tpu.dma_semaphore, #tpu.memory_space<semaphore_mem>>) src(%dma_wait3A_1576 : memref<64xi32, #tpu.memory_space<hbm>>) dst(%dma_wait3A_1575 : memref<64xi32, #tpu.memory_space<vmem>>)
      %dma_start3A_1577 = arith.constant 0 : i32
      %dma_start3A_1578 = arith.constant 0 : i32
      %dma_start3A_1579 = arith.constant 0 : i32
      %dma_start3A_1580 = arith.constant 0 : i32
      %dma_start3A_1581 = tpu.memref_slice %arg12[%dma_start3A_1578, %dma_start3A_1579, %dma_start3A_1580] : memref<3x64x128xf32, #tpu.memory_space<vmem>> -> memref<1x64x128xf32, #tpu.memory_space<vmem>>
      %dma_start3A_1582 = tpu.memref_squeeze %dma_start3A_1581 : memref<1x64x128xf32, #tpu.memory_space<vmem>> -> memref<64x128xf32, #tpu.memory_space<vmem>>
      %dma_start3A_1583 = arith.constant 0 : i32
      %dma_start3A_1584 = tpu.memref_slice %arg7[%dma_start3A_1577, %dma_start3A_1583] : memref<3x64xi32, #tpu.memory_space<vmem>> -> memref<1x64xi32, #tpu.memory_space<vmem>>
      %dma_start3A_1585 = tpu.memref_squeeze %dma_start3A_1584 : memref<1x64xi32, #tpu.memory_space<vmem>> -> memref<64xi32, #tpu.memory_space<vmem>>
      %dma_start3A_1586 = arith.constant 0 : i32
      %dma_start3A_1587 = arith.constant 0 : i32
      %dma_start3A_1588 = tpu.memref_slice %arg3[%dma_start3A_1586, %dma_start3A_1587] : memref<10000x128xf32, #tpu.memory_space<hbm>> -> memref<10000x128xf32, #tpu.memory_space<hbm>>
      tpu.enqueue_indirect_dma source(%dma_start3A_1588 : memref<10000x128xf32, #tpu.memory_space<hbm>>) target(%dma_start3A_1582 : memref<64x128xf32, #tpu.memory_space<vmem>>) offsets(%dma_start3A_1585 : memref<64xi32, #tpu.memory_space<vmem>>) semaphore(%arg16 : memref<!tpu.dma_semaphore, #tpu.memory_space<semaphore_mem>>)
      %get3A_1589 = arith.constant 1 : i32
      %get3A_1590 = arith.index_cast %get3A_1589 : i32 to index
      %get3A_1591 = arith.constant 0 : index
      %get3A_1592 = tpu.vector_load %arg8[%get3A_1590, %get3A_1591] {strides = array<i32>} : memref<3x64xi32, #tpu.memory_space<vmem>>, vector<16xi32>,
      %swap3A_1593 = arith.constant 0 : i32
      %swap3A_1594 = arith.index_cast %swap3A_1593 : i32 to index
      %swap3A_1595 = arith.constant 0 : index
      %swap3A_1596 = tpu.vector_load %arg9[%swap3A_1594, %swap3A_1595] {strides = array<i32>} : memref<2x64xi32, #tpu.memory_space<vmem>>, vector<16xi32>,
      tpu.vector_store %arg9[%swap3A_1594, %swap3A_1595], %get3A_1592 {strides = array<i32>} : memref<2x64xi32, #tpu.memory_space<vmem>>, vector<16xi32>,
      %get3A_1597 = arith.constant 1 : i32
      %get3A_1598 = arith.index_cast %get3A_1597 : i32 to index
      %get3A_1599 = arith.constant 16 : index
      %get3A_1600 = tpu.vector_load %arg8[%get3A_1598, %get3A_1599] {strides = array<i32>} : memref<3x64xi32, #tpu.memory_space<vmem>>, vector<16xi32>,
      %swap3A_1601 = arith.constant 0 : i32
      %swap3A_1602 = arith.index_cast %swap3A_1601 : i32 to index
      %swap3A_1603 = arith.constant 16 : index
      %swap3A_1604 = tpu.vector_load %arg9[%swap3A_1602, %swap3A_1603] {strides = array<i32>} : memref<2x64xi32, #tpu.memory_space<vmem>>, vector<16xi32>,
      tpu.vector_store %arg9[%swap3A_1602, %swap3A_1603], %get3A_1600 {strides = array<i32>} : memref<2x64xi32, #tpu.memory_space<vmem>>, vector<16xi32>,
      %get3A_1605 = arith.constant 1 : i32
      %get3A_1606 = arith.index_cast %get3A_1605 : i32 to index
      %get3A_1607 = arith.constant 32 : index
      %get3A_1608 = tpu.vector_load %arg8[%get3A_1606, %get3A_1607] {strides = array<i32>} : memref<3x64xi32, #tpu.memory_space<vmem>>, vector<16xi32>,
      %swap3A_1609 = arith.constant 0 : i32
      %swap3A_1610 = arith.index_cast %swap3A_1609 : i32 to index
      %swap3A_1611 = arith.constant 32 : index
      %swap3A_1612 = tpu.vector_load %arg9[%swap3A_1610, %swap3A_1611] {strides = array<i32>} : memref<2x64xi32, #tpu.memory_space<vmem>>, vector<16xi32>,
      tpu.vector_store %arg9[%swap3A_1610, %swap3A_1611], %get3A_1608 {strides = array<i32>} : memref<2x64xi32, #tpu.memory_space<vmem>>, vector<16xi32>,
      %get3A_1613 = arith.constant 1 : i32
      %get3A_1614 = arith.index_cast %get3A_1613 : i32 to index
      %get3A_1615 = arith.constant 48 : index
      %get3A_1616 = tpu.vector_load %arg8[%get3A_1614, %get3A_1615] {strides = array<i32>} : memref<3x64xi32, #tpu.memory_space<vmem>>, vector<16xi32>,
      %swap3A_1617 = arith.constant 0 : i32
      %swap3A_1618 = arith.index_cast %swap3A_1617 : i32 to index
      %swap3A_1619 = arith.constant 48 : index
      %swap3A_1620 = tpu.vector_load %arg9[%swap3A_1618, %swap3A_1619] {strides = array<i32>} : memref<2x64xi32, #tpu.memory_space<vmem>>, vector<16xi32>,
      tpu.vector_store %arg9[%swap3A_1618, %swap3A_1619], %get3A_1616 {strides = array<i32>} : memref<2x64xi32, #tpu.memory_space<vmem>>, vector<16xi32>,
      %dma_start3A_1621 = arith.constant 1 : i32
      %dma_start3A_1622 = arith.constant 0 : i32
      %dma_start3A_1623 = arith.constant 0 : i32
      %dma_start3A_1624 = arith.constant 0 : i32
      %dma_start3A_1625 = tpu.memref_slice %arg12[%dma_start3A_1621, %dma_start3A_1623, %dma_start3A_1624] : memref<3x64x128xf32, #tpu.memory_space<vmem>> -> memref<1x64x128xf32, #tpu.memory_space<vmem>>
      %dma_start3A_1626 = tpu.memref_squeeze %dma_start3A_1625 : memref<1x64x128xf32, #tpu.memory_space<vmem>> -> memref<64x128xf32, #tpu.memory_space<vmem>>
      %dma_start3A_1627 = arith.constant 0 : i32
      %dma_start3A_1628 = tpu.memref_slice %arg9[%dma_start3A_1622, %dma_start3A_1627] : memref<2x64xi32, #tpu.memory_space<vmem>> -> memref<1x64xi32, #tpu.memory_space<vmem>>
      %dma_start3A_1629 = tpu.memref_squeeze %dma_start3A_1628 : memref<1x64xi32, #tpu.memory_space<vmem>> -> memref<64xi32, #tpu.memory_space<vmem>>
      %dma_start3A_1630 = arith.constant 0 : i32
      %dma_start3A_1631 = arith.constant 0 : i32
      %dma_start3A_1632 = tpu.memref_slice %arg15[%dma_start3A_1630, %dma_start3A_1631] : memref<10240x128xf32, #tpu.memory_space<vmem_shared>> -> memref<10240x128xf32, #tpu.memory_space<vmem_shared>>
      tpu.enqueue_indirect_dma source(%dma_start3A_1626 : memref<64x128xf32, #tpu.memory_space<vmem>>) target(%dma_start3A_1632 : memref<10240x128xf32, #tpu.memory_space<vmem_shared>>) offsets(%dma_start3A_1629 : memref<64xi32, #tpu.memory_space<vmem>>) semaphore(%arg19 : memref<!tpu.dma_semaphore, #tpu.memory_space<semaphore_mem>>) {add = true}
      %get3A_1633 = arith.constant 1 : i32
      %get3A_1634 = arith.index_cast %get3A_1633 : i32 to index
      %get3A_1635 = arith.constant 0 : index
      %get3A_1636 = tpu.vector_load %arg7[%get3A_1634, %get3A_1635] {strides = array<i32>} : memref<3x64xi32, #tpu.memory_space<vmem>>, vector<16xi32>,
      %get3A_1637 = arith.constant 1 : i32
      %get3A_1638 = arith.index_cast %get3A_1637 : i32 to index
      %get3A_1639 = arith.constant 0 : index
      %get3A_1640 = tpu.vector_load %arg8[%get3A_1638, %get3A_1639] {strides = array<i32>} : memref<3x64xi32, #tpu.memory_space<vmem>>, vector<16xi32>,
      %gather3A_1641 = tpu.vector_load_idx %arg13[%get3A_1636] : memref<10000xf32, #tpu.memory_space<vmem>>[vector<16xi32>], vector<16xf32>,
      tpu.vector_store_idx %arg14[%get3A_1640], %gather3A_1641 {add = true} : memref<10000xf32, #tpu.memory_space<vmem>>[vector<16xi32>], vector<16xf32>,
      %get3A_1642 = arith.constant 1 : i32
      %get3A_1643 = arith.index_cast %get3A_1642 : i32 to index
      %get3A_1644 = arith.constant 16 : index
      %get3A_1645 = tpu.vector_load %arg7[%get3A_1643, %get3A_1644] {strides = array<i32>} : memref<3x64xi32, #tpu.memory_space<vmem>>, vector<16xi32>,
      %get3A_1646 = arith.constant 1 : i32
      %get3A_1647 = arith.index_cast %get3A_1646 : i32 to index
      %get3A_1648 = arith.constant 16 : index
      %get3A_1649 = tpu.vector_load %arg8[%get3A_1647, %get3A_1648] {strides = array<i32>} : memref<3x64xi32, #tpu.memory_space<vmem>>, vector<16xi32>,
      %gather3A_1650 = tpu.vector_load_idx %arg13[%get3A_1645] : memref<10000xf32, #tpu.memory_space<vmem>>[vector<16xi32>], vector<16xf32>,
      tpu.vector_store_idx %arg14[%get3A_1649], %gather3A_1650 {add = true} : memref<10000xf32, #tpu.memory_space<vmem>>[vector<16xi32>], vector<16xf32>,
      %get3A_1651 = arith.constant 1 : i32
      %get3A_1652 = arith.index_cast %get3A_1651 : i32 to index
      %get3A_1653 = arith.constant 32 : index
      %get3A_1654 = tpu.vector_load %arg7[%get3A_1652, %get3A_1653] {strides = array<i32>} : memref<3x64xi32, #tpu.memory_space<vmem>>, vector<16xi32>,
      %get3A_1655 = arith.constant 1 : i32
      %get3A_1656 = arith.index_cast %get3A_1655 : i32 to index
      %get3A_1657 = arith.constant 32 : index
      %get3A_1658 = tpu.vector_load %arg8[%get3A_1656, %get3A_1657] {strides = array<i32>} : memref<3x64xi32, #tpu.memory_space<vmem>>, vector<16xi32>,
      %gather3A_1659 = tpu.vector_load_idx %arg13[%get3A_1654] : memref<10000xf32, #tpu.memory_space<vmem>>[vector<16xi32>], vector<16xf32>,
      tpu.vector_store_idx %arg14[%get3A_1658], %gather3A_1659 {add = true} : memref<10000xf32, #tpu.memory_space<vmem>>[vector<16xi32>], vector<16xf32>,
      %get3A_1660 = arith.constant 1 : i32
      %get3A_1661 = arith.index_cast %get3A_1660 : i32 to index
      %get3A_1662 = arith.constant 48 : index
      %get3A_1663 = tpu.vector_load %arg7[%get3A_1661, %get3A_1662] {strides = array<i32>} : memref<3x64xi32, #tpu.memory_space<vmem>>, vector<16xi32>,
      %get3A_1664 = arith.constant 1 : i32
      %get3A_1665 = arith.index_cast %get3A_1664 : i32 to index
      %get3A_1666 = arith.constant 48 : index
      %get3A_1667 = tpu.vector_load %arg8[%get3A_1665, %get3A_1666] {strides = array<i32>} : memref<3x64xi32, #tpu.memory_space<vmem>>, vector<16xi32>,
      %gather3A_1668 = tpu.vector_load_idx %arg13[%get3A_1663] : memref<10000xf32, #tpu.memory_space<vmem>>[vector<16xi32>], vector<16xf32>,
      tpu.vector_store_idx %arg14[%get3A_1667], %gather3A_1668 {add = true} : memref<10000xf32, #tpu.memory_space<vmem>>[vector<16xi32>], vector<16xf32>,
      %add3A_1669 = arith.constant 3 : i32
      %add3A_1670 = arith.addi %add3A_1534, %add3A_1669 : i32
      %mul3A_1671 = arith.constant 64 : i32
      %mul3A_1672 = arith.muli %add3A_1670, %mul3A_1671 : i32
      %add3A_1673 = arith.addi %mul3A_61, %mul3A_1672 : i32
      %dma_start3A_1674 = arith.constant 1 : i32
      %dma_start3A_1675 = arith.constant 0 : i32
      %dma_start3A_1676 = tpu.memref_slice %arg7[%dma_start3A_1674, %dma_start3A_1675] : memref<3x64xi32, #tpu.memory_space<vmem>> -> memref<1x64xi32, #tpu.memory_space<vmem>>
      %dma_start3A_1677 = tpu.memref_squeeze %dma_start3A_1676 : memref<1x64xi32, #tpu.memory_space<vmem>> -> memref<64xi32, #tpu.memory_space<vmem>>
      %dma_start3A_1678 = tpu.memref_slice %arg2[%add3A_1673] : memref<640000xi32, #tpu.memory_space<hbm>> -> memref<64xi32, #tpu.memory_space<hbm>>
      %dma_start3A_1679 = arith.constant 0 : i32
      %dma_start3A_1680 = tpu.memref_slice %arg7[%dma_start3A_1674, %dma_start3A_1679] : memref<3x64xi32, #tpu.memory_space<vmem>> -> memref<1x64xi32, #tpu.memory_space<vmem>>
      %dma_start3A_1681 = tpu.memref_squeeze %dma_start3A_1680 : memref<1x64xi32, #tpu.memory_space<vmem>> -> memref<64xi32, #tpu.memory_space<vmem>>
      %dma_start3A_1682 = tpu.memref_slice %arg2[%add3A_1673] : memref<640000xi32, #tpu.memory_space<hbm>> -> memref<64xi32, #tpu.memory_space<hbm>>
      tpu.enqueue_dma source(%dma_start3A_1682 : memref<64xi32, #tpu.memory_space<hbm>>) target(%dma_start3A_1681 : memref<64xi32, #tpu.memory_space<vmem>>) target_semaphore(%arg22 : memref<!tpu.dma_semaphore, #tpu.memory_space<semaphore_mem>>)
      %add3A_1683 = arith.constant 320000 : i32
      %add3A_1684 = arith.addi %add3A_1683, %add3A_1673 : i32
      %dma_start3A_1685 = arith.constant 1 : i32
      %dma_start3A_1686 = arith.constant 0 : i32
      %dma_start3A_1687 = tpu.memref_slice %arg8[%dma_start3A_1685, %dma_start3A_1686] : memref<3x64xi32, #tpu.memory_space<vmem>> -> memref<1x64xi32, #tpu.memory_space<vmem>>
      %dma_start3A_1688 = tpu.memref_squeeze %dma_start3A_1687 : memref<1x64xi32, #tpu.memory_space<vmem>> -> memref<64xi32, #tpu.memory_space<vmem>>
      %dma_start3A_1689 = tpu.memref_slice %arg2[%add3A_1684] : memref<640000xi32, #tpu.memory_space<hbm>> -> memref<64xi32, #tpu.memory_space<hbm>>
      %dma_start3A_1690 = arith.constant 0 : i32
      %dma_start3A_1691 = tpu.memref_slice %arg8[%dma_start3A_1685, %dma_start3A_1690] : memref<3x64xi32, #tpu.memory_space<vmem>> -> memref<1x64xi32, #tpu.memory_space<vmem>>
      %dma_start3A_1692 = tpu.memref_squeeze %dma_start3A_1691 : memref<1x64xi32, #tpu.memory_space<vmem>> -> memref<64xi32, #tpu.memory_space<vmem>>
      %dma_start3A_1693 = tpu.memref_slice %arg2[%add3A_1684] : memref<640000xi32, #tpu.memory_space<hbm>> -> memref<64xi32, #tpu.memory_space<hbm>>
      tpu.enqueue_dma source(%dma_start3A_1693 : memref<64xi32, #tpu.memory_space<hbm>>) target(%dma_start3A_1692 : memref<64xi32, #tpu.memory_space<vmem>>) target_semaphore(%arg22 : memref<!tpu.dma_semaphore, #tpu.memory_space<semaphore_mem>>)
      %mul3A_1694 = arith.constant 6 : i32
      %mul3A_1695 = arith.muli %mul3A_1694, %add3A_1033 : i32
      %add3A_1696 = arith.constant 1 : i32
      %add3A_1697 = arith.addi %add3A_1696, %mul3A_1695 : i32
      %add3A_1698 = arith.constant 4 : i32
      %add3A_1699 = arith.addi %add3A_1697, %add3A_1698 : i32
      %dma_wait3A_1700 = arith.constant 2 : i32
      %dma_wait3A_1701 = arith.constant 2 : i32
      %dma_wait3A_1702 = arith.constant 0 : i32
      %dma_wait3A_1703 = arith.constant 0 : i32
      %dma_wait3A_1704 = tpu.memref_slice %arg12[%dma_wait3A_1701, %dma_wait3A_1702, %dma_wait3A_1703] : memref<3x64x128xf32, #tpu.memory_space<vmem>> -> memref<1x64x128xf32, #tpu.memory_space<vmem>>
      %dma_wait3A_1705 = tpu.memref_squeeze %dma_wait3A_1704 : memref<1x64x128xf32, #tpu.memory_space<vmem>> -> memref<64x128xf32, #tpu.memory_space<vmem>>
      %dma_wait3A_1706 = arith.constant 0 : i32
      %dma_wait3A_1707 = tpu.memref_slice %arg7[%dma_wait3A_1700, %dma_wait3A_1706] : memref<3x64xi32, #tpu.memory_space<vmem>> -> memref<1x64xi32, #tpu.memory_space<vmem>>
      %dma_wait3A_1708 = tpu.memref_squeeze %dma_wait3A_1707 : memref<1x64xi32, #tpu.memory_space<vmem>> -> memref<64xi32, #tpu.memory_space<vmem>>
      %dma_wait3A_1709 = arith.constant 0 : i32
      %dma_wait3A_1710 = arith.constant 0 : i32
      %dma_wait3A_1711 = tpu.memref_slice %arg3[%dma_wait3A_1709, %dma_wait3A_1710] : memref<10000x128xf32, #tpu.memory_space<hbm>> -> memref<10000x128xf32, #tpu.memory_space<hbm>>
      tpu.wait_indirect_dma semaphore(%arg18 : memref<!tpu.dma_semaphore, #tpu.memory_space<semaphore_mem>>) src(%dma_wait3A_1711 : memref<10000x128xf32, #tpu.memory_space<hbm>>) dst(%dma_wait3A_1705 : memref<64x128xf32, #tpu.memory_space<vmem>>)
      %dma_wait3A_1712 = arith.constant 1 : i32
      %dma_wait3A_1713 = arith.constant 0 : i32
      %dma_wait3A_1714 = arith.constant 0 : i32
      %dma_wait3A_1715 = arith.constant 0 : i32
      %dma_wait3A_1716 = tpu.memref_slice %arg12[%dma_wait3A_1712, %dma_wait3A_1714, %dma_wait3A_1715] : memref<3x64x128xf32, #tpu.memory_space<vmem>> -> memref<1x64x128xf32, #tpu.memory_space<vmem>>
      %dma_wait3A_1717 = tpu.memref_squeeze %dma_wait3A_1716 : memref<1x64x128xf32, #tpu.memory_space<vmem>> -> memref<64x128xf32, #tpu.memory_space<vmem>>
      %dma_wait3A_1718 = arith.constant 0 : i32
      %dma_wait3A_1719 = tpu.memref_slice %arg9[%dma_wait3A_1713, %dma_wait3A_1718] : memref<2x64xi32, #tpu.memory_space<vmem>> -> memref<1x64xi32, #tpu.memory_space<vmem>>
      %dma_wait3A_1720 = tpu.memref_squeeze %dma_wait3A_1719 : memref<1x64xi32, #tpu.memory_space<vmem>> -> memref<64xi32, #tpu.memory_space<vmem>>
      %dma_wait3A_1721 = arith.constant 0 : i32
      %dma_wait3A_1722 = arith.constant 0 : i32
      %dma_wait3A_1723 = tpu.memref_slice %arg15[%dma_wait3A_1721, %dma_wait3A_1722] : memref<10240x128xf32, #tpu.memory_space<vmem_shared>> -> memref<10240x128xf32, #tpu.memory_space<vmem_shared>>
      tpu.wait_indirect_dma semaphore(%arg19 : memref<!tpu.dma_semaphore, #tpu.memory_space<semaphore_mem>>) src(%dma_wait3A_1717 : memref<64x128xf32, #tpu.memory_space<vmem>>) dst(%dma_wait3A_1723 : memref<10240x128xf32, #tpu.memory_space<vmem_shared>>)
      %dma_wait3A_1724 = arith.constant 1 : i32
      %dma_wait3A_1725 = arith.constant 0 : i32
      %dma_wait3A_1726 = tpu.memref_slice %arg7[%dma_wait3A_1724, %dma_wait3A_1725] : memref<3x64xi32, #tpu.memory_space<vmem>> -> memref<1x64xi32, #tpu.memory_space<vmem>>
      %dma_wait3A_1727 = tpu.memref_squeeze %dma_wait3A_1726 : memref<1x64xi32, #tpu.memory_space<vmem>> -> memref<64xi32, #tpu.memory_space<vmem>>
      %dma_wait3A_1728 = tpu.memref_slice %arg2[%mul3A_61] : memref<640000xi32, #tpu.memory_space<hbm>> -> memref<64xi32, #tpu.memory_space<hbm>>
      %dma_wait3A_1729 = arith.constant 0 : i32
      %dma_wait3A_1730 = tpu.memref_slice %arg7[%dma_wait3A_1724, %dma_wait3A_1729] : memref<3x64xi32, #tpu.memory_space<vmem>> -> memref<1x64xi32, #tpu.memory_space<vmem>>
      %dma_wait3A_1731 = tpu.memref_squeeze %dma_wait3A_1730 : memref<1x64xi32, #tpu.memory_space<vmem>> -> memref<64xi32, #tpu.memory_space<vmem>>
      %dma_wait3A_1732 = tpu.memref_slice %arg2[%mul3A_61] : memref<640000xi32, #tpu.memory_space<hbm>> -> memref<64xi32, #tpu.memory_space<hbm>>
      tpu.wait_dma2 semaphore(%arg22 : memref<!tpu.dma_semaphore, #tpu.memory_space<semaphore_mem>>) src(%dma_wait3A_1732 : memref<64xi32, #tpu.memory_space<hbm>>) dst(%dma_wait3A_1731 : memref<64xi32, #tpu.memory_space<vmem>>)
      %dma_wait3A_1733 = arith.constant 1 : i32
      %dma_wait3A_1734 = arith.constant 0 : i32
      %dma_wait3A_1735 = tpu.memref_slice %arg8[%dma_wait3A_1733, %dma_wait3A_1734] : memref<3x64xi32, #tpu.memory_space<vmem>> -> memref<1x64xi32, #tpu.memory_space<vmem>>
      %dma_wait3A_1736 = tpu.memref_squeeze %dma_wait3A_1735 : memref<1x64xi32, #tpu.memory_space<vmem>> -> memref<64xi32, #tpu.memory_space<vmem>>
      %dma_wait3A_1737 = tpu.memref_slice %arg2[%mul3A_61] : memref<640000xi32, #tpu.memory_space<hbm>> -> memref<64xi32, #tpu.memory_space<hbm>>
      %dma_wait3A_1738 = arith.constant 0 : i32
      %dma_wait3A_1739 = tpu.memref_slice %arg8[%dma_wait3A_1733, %dma_wait3A_1738] : memref<3x64xi32, #tpu.memory_space<vmem>> -> memref<1x64xi32, #tpu.memory_space<vmem>>
      %dma_wait3A_1740 = tpu.memref_squeeze %dma_wait3A_1739 : memref<1x64xi32, #tpu.memory_space<vmem>> -> memref<64xi32, #tpu.memory_space<vmem>>
      %dma_wait3A_1741 = tpu.memref_slice %arg2[%mul3A_61] : memref<640000xi32, #tpu.memory_space<hbm>> -> memref<64xi32, #tpu.memory_space<hbm>>
      tpu.wait_dma2 semaphore(%arg22 : memref<!tpu.dma_semaphore, #tpu.memory_space<semaphore_mem>>) src(%dma_wait3A_1741 : memref<64xi32, #tpu.memory_space<hbm>>) dst(%dma_wait3A_1740 : memref<64xi32, #tpu.memory_space<vmem>>)
      %dma_start3A_1742 = arith.constant 1 : i32
      %dma_start3A_1743 = arith.constant 1 : i32
      %dma_start3A_1744 = arith.constant 0 : i32
      %dma_start3A_1745 = arith.constant 0 : i32
      %dma_start3A_1746 = tpu.memref_slice %arg12[%dma_start3A_1743, %dma_start3A_1744, %dma_start3A_1745] : memref<3x64x128xf32, #tpu.memory_space<vmem>> -> memref<1x64x128xf32, #tpu.memory_space<vmem>>
      %dma_start3A_1747 = tpu.memref_squeeze %dma_start3A_1746 : memref<1x64x128xf32, #tpu.memory_space<vmem>> -> memref<64x128xf32, #tpu.memory_space<vmem>>
      %dma_start3A_1748 = arith.constant 0 : i32
      %dma_start3A_1749 = tpu.memref_slice %arg7[%dma_start3A_1742, %dma_start3A_1748] : memref<3x64xi32, #tpu.memory_space<vmem>> -> memref<1x64xi32, #tpu.memory_space<vmem>>
      %dma_start3A_1750 = tpu.memref_squeeze %dma_start3A_1749 : memref<1x64xi32, #tpu.memory_space<vmem>> -> memref<64xi32, #tpu.memory_space<vmem>>
      %dma_start3A_1751 = arith.constant 0 : i32
      %dma_start3A_1752 = arith.constant 0 : i32
      %dma_start3A_1753 = tpu.memref_slice %arg3[%dma_start3A_1751, %dma_start3A_1752] : memref<10000x128xf32, #tpu.memory_space<hbm>> -> memref<10000x128xf32, #tpu.memory_space<hbm>>
      tpu.enqueue_indirect_dma source(%dma_start3A_1753 : memref<10000x128xf32, #tpu.memory_space<hbm>>) target(%dma_start3A_1747 : memref<64x128xf32, #tpu.memory_space<vmem>>) offsets(%dma_start3A_1750 : memref<64xi32, #tpu.memory_space<vmem>>) semaphore(%arg17 : memref<!tpu.dma_semaphore, #tpu.memory_space<semaphore_mem>>)
      %get3A_1754 = arith.constant 2 : i32
      %get3A_1755 = arith.index_cast %get3A_1754 : i32 to index
      %get3A_1756 = arith.constant 0 : index
      %get3A_1757 = tpu.vector_load %arg8[%get3A_1755, %get3A_1756] {strides = array<i32>} : memref<3x64xi32, #tpu.memory_space<vmem>>, vector<16xi32>,
      %swap3A_1758 = arith.constant 1 : i32
      %swap3A_1759 = arith.index_cast %swap3A_1758 : i32 to index
      %swap3A_1760 = arith.constant 0 : index
      %swap3A_1761 = tpu.vector_load %arg9[%swap3A_1759, %swap3A_1760] {strides = array<i32>} : memref<2x64xi32, #tpu.memory_space<vmem>>, vector<16xi32>,
      tpu.vector_store %arg9[%swap3A_1759, %swap3A_1760], %get3A_1757 {strides = array<i32>} : memref<2x64xi32, #tpu.memory_space<vmem>>, vector<16xi32>,
      %get3A_1762 = arith.constant 2 : i32
      %get3A_1763 = arith.index_cast %get3A_1762 : i32 to index
      %get3A_1764 = arith.constant 16 : index
      %get3A_1765 = tpu.vector_load %arg8[%get3A_1763, %get3A_1764] {strides = array<i32>} : memref<3x64xi32, #tpu.memory_space<vmem>>, vector<16xi32>,
      %swap3A_1766 = arith.constant 1 : i32
      %swap3A_1767 = arith.index_cast %swap3A_1766 : i32 to index
      %swap3A_1768 = arith.constant 16 : index
      %swap3A_1769 = tpu.vector_load %arg9[%swap3A_1767, %swap3A_1768] {strides = array<i32>} : memref<2x64xi32, #tpu.memory_space<vmem>>, vector<16xi32>,
      tpu.vector_store %arg9[%swap3A_1767, %swap3A_1768], %get3A_1765 {strides = array<i32>} : memref<2x64xi32, #tpu.memory_space<vmem>>, vector<16xi32>,
      %get3A_1770 = arith.constant 2 : i32
      %get3A_1771 = arith.index_cast %get3A_1770 : i32 to index
      %get3A_1772 = arith.constant 32 : index
      %get3A_1773 = tpu.vector_load %arg8[%get3A_1771, %get3A_1772] {strides = array<i32>} : memref<3x64xi32, #tpu.memory_space<vmem>>, vector<16xi32>,
      %swap3A_1774 = arith.constant 1 : i32
      %swap3A_1775 = arith.index_cast %swap3A_1774 : i32 to index
      %swap3A_1776 = arith.constant 32 : index
      %swap3A_1777 = tpu.vector_load %arg9[%swap3A_1775, %swap3A_1776] {strides = array<i32>} : memref<2x64xi32, #tpu.memory_space<vmem>>, vector<16xi32>,
      tpu.vector_store %arg9[%swap3A_1775, %swap3A_1776], %get3A_1773 {strides = array<i32>} : memref<2x64xi32, #tpu.memory_space<vmem>>, vector<16xi32>,
      %get3A_1778 = arith.constant 2 : i32
      %get3A_1779 = arith.index_cast %get3A_1778 : i32 to index
      %get3A_1780 = arith.constant 48 : index
      %get3A_1781 = tpu.vector_load %arg8[%get3A_1779, %get3A_1780] {strides = array<i32>} : memref<3x64xi32, #tpu.memory_space<vmem>>, vector<16xi32>,
      %swap3A_1782 = arith.constant 1 : i32
      %swap3A_1783 = arith.index_cast %swap3A_1782 : i32 to index
      %swap3A_1784 = arith.constant 48 : index
      %swap3A_1785 = tpu.vector_load %arg9[%swap3A_1783, %swap3A_1784] {strides = array<i32>} : memref<2x64xi32, #tpu.memory_space<vmem>>, vector<16xi32>,
      tpu.vector_store %arg9[%swap3A_1783, %swap3A_1784], %get3A_1781 {strides = array<i32>} : memref<2x64xi32, #tpu.memory_space<vmem>>, vector<16xi32>,
      %dma_start3A_1786 = arith.constant 2 : i32
      %dma_start3A_1787 = arith.constant 1 : i32
      %dma_start3A_1788 = arith.constant 0 : i32
      %dma_start3A_1789 = arith.constant 0 : i32
      %dma_start3A_1790 = tpu.memref_slice %arg12[%dma_start3A_1786, %dma_start3A_1788, %dma_start3A_1789] : memref<3x64x128xf32, #tpu.memory_space<vmem>> -> memref<1x64x128xf32, #tpu.memory_space<vmem>>
      %dma_start3A_1791 = tpu.memref_squeeze %dma_start3A_1790 : memref<1x64x128xf32, #tpu.memory_space<vmem>> -> memref<64x128xf32, #tpu.memory_space<vmem>>
      %dma_start3A_1792 = arith.constant 0 : i32
      %dma_start3A_1793 = tpu.memref_slice %arg9[%dma_start3A_1787, %dma_start3A_1792] : memref<2x64xi32, #tpu.memory_space<vmem>> -> memref<1x64xi32, #tpu.memory_space<vmem>>
      %dma_start3A_1794 = tpu.memref_squeeze %dma_start3A_1793 : memref<1x64xi32, #tpu.memory_space<vmem>> -> memref<64xi32, #tpu.memory_space<vmem>>
      %dma_start3A_1795 = arith.constant 0 : i32
      %dma_start3A_1796 = arith.constant 0 : i32
      %dma_start3A_1797 = tpu.memref_slice %arg15[%dma_start3A_1795, %dma_start3A_1796] : memref<10240x128xf32, #tpu.memory_space<vmem_shared>> -> memref<10240x128xf32, #tpu.memory_space<vmem_shared>>
      tpu.enqueue_indirect_dma source(%dma_start3A_1791 : memref<64x128xf32, #tpu.memory_space<vmem>>) target(%dma_start3A_1797 : memref<10240x128xf32, #tpu.memory_space<vmem_shared>>) offsets(%dma_start3A_1794 : memref<64xi32, #tpu.memory_space<vmem>>) semaphore(%arg20 : memref<!tpu.dma_semaphore, #tpu.memory_space<semaphore_mem>>) {add = true}
      %get3A_1798 = arith.constant 2 : i32
      %get3A_1799 = arith.index_cast %get3A_1798 : i32 to index
      %get3A_1800 = arith.constant 0 : index
      %get3A_1801 = tpu.vector_load %arg7[%get3A_1799, %get3A_1800] {strides = array<i32>} : memref<3x64xi32, #tpu.memory_space<vmem>>, vector<16xi32>,
      %get3A_1802 = arith.constant 2 : i32
      %get3A_1803 = arith.index_cast %get3A_1802 : i32 to index
      %get3A_1804 = arith.constant 0 : index
      %get3A_1805 = tpu.vector_load %arg8[%get3A_1803, %get3A_1804] {strides = array<i32>} : memref<3x64xi32, #tpu.memory_space<vmem>>, vector<16xi32>,
      %gather3A_1806 = tpu.vector_load_idx %arg13[%get3A_1801] : memref<10000xf32, #tpu.memory_space<vmem>>[vector<16xi32>], vector<16xf32>,
      tpu.vector_store_idx %arg14[%get3A_1805], %gather3A_1806 {add = true} : memref<10000xf32, #tpu.memory_space<vmem>>[vector<16xi32>], vector<16xf32>,
      %get3A_1807 = arith.constant 2 : i32
      %get3A_1808 = arith.index_cast %get3A_1807 : i32 to index
      %get3A_1809 = arith.constant 16 : index
      %get3A_1810 = tpu.vector_load %arg7[%get3A_1808, %get3A_1809] {strides = array<i32>} : memref<3x64xi32, #tpu.memory_space<vmem>>, vector<16xi32>,
      %get3A_1811 = arith.constant 2 : i32
      %get3A_1812 = arith.index_cast %get3A_1811 : i32 to index
      %get3A_1813 = arith.constant 16 : index
      %get3A_1814 = tpu.vector_load %arg8[%get3A_1812, %get3A_1813] {strides = array<i32>} : memref<3x64xi32, #tpu.memory_space<vmem>>, vector<16xi32>,
      %gather3A_1815 = tpu.vector_load_idx %arg13[%get3A_1810] : memref<10000xf32, #tpu.memory_space<vmem>>[vector<16xi32>], vector<16xf32>,
      tpu.vector_store_idx %arg14[%get3A_1814], %gather3A_1815 {add = true} : memref<10000xf32, #tpu.memory_space<vmem>>[vector<16xi32>], vector<16xf32>,
      %get3A_1816 = arith.constant 2 : i32
      %get3A_1817 = arith.index_cast %get3A_1816 : i32 to index
      %get3A_1818 = arith.constant 32 : index
      %get3A_1819 = tpu.vector_load %arg7[%get3A_1817, %get3A_1818] {strides = array<i32>} : memref<3x64xi32, #tpu.memory_space<vmem>>, vector<16xi32>,
      %get3A_1820 = arith.constant 2 : i32
      %get3A_1821 = arith.index_cast %get3A_1820 : i32 to index
      %get3A_1822 = arith.constant 32 : index
      %get3A_1823 = tpu.vector_load %arg8[%get3A_1821, %get3A_1822] {strides = array<i32>} : memref<3x64xi32, #tpu.memory_space<vmem>>, vector<16xi32>,
      %gather3A_1824 = tpu.vector_load_idx %arg13[%get3A_1819] : memref<10000xf32, #tpu.memory_space<vmem>>[vector<16xi32>], vector<16xf32>,
      tpu.vector_store_idx %arg14[%get3A_1823], %gather3A_1824 {add = true} : memref<10000xf32, #tpu.memory_space<vmem>>[vector<16xi32>], vector<16xf32>,
      %get3A_1825 = arith.constant 2 : i32
      %get3A_1826 = arith.index_cast %get3A_1825 : i32 to index
      %get3A_1827 = arith.constant 48 : index
      %get3A_1828 = tpu.vector_load %arg7[%get3A_1826, %get3A_1827] {strides = array<i32>} : memref<3x64xi32, #tpu.memory_space<vmem>>, vector<16xi32>,
      %get3A_1829 = arith.constant 2 : i32
      %get3A_1830 = arith.index_cast %get3A_1829 : i32 to index
      %get3A_1831 = arith.constant 48 : index
      %get3A_1832 = tpu.vector_load %arg8[%get3A_1830, %get3A_1831] {strides = array<i32>} : memref<3x64xi32, #tpu.memory_space<vmem>>, vector<16xi32>,
      %gather3A_1833 = tpu.vector_load_idx %arg13[%get3A_1828] : memref<10000xf32, #tpu.memory_space<vmem>>[vector<16xi32>], vector<16xf32>,
      tpu.vector_store_idx %arg14[%get3A_1832], %gather3A_1833 {add = true} : memref<10000xf32, #tpu.memory_space<vmem>>[vector<16xi32>], vector<16xf32>,
      %add3A_1834 = arith.constant 3 : i32
      %add3A_1835 = arith.addi %add3A_1699, %add3A_1834 : i32
      %mul3A_1836 = arith.constant 64 : i32
      %mul3A_1837 = arith.muli %add3A_1835, %mul3A_1836 : i32
      %add3A_1838 = arith.addi %mul3A_61, %mul3A_1837 : i32
      %dma_start3A_1839 = arith.constant 2 : i32
      %dma_start3A_1840 = arith.constant 0 : i32
      %dma_start3A_1841 = tpu.memref_slice %arg7[%dma_start3A_1839, %dma_start3A_1840] : memref<3x64xi32, #tpu.memory_space<vmem>> -> memref<1x64xi32, #tpu.memory_space<vmem>>
      %dma_start3A_1842 = tpu.memref_squeeze %dma_start3A_1841 : memref<1x64xi32, #tpu.memory_space<vmem>> -> memref<64xi32, #tpu.memory_space<vmem>>
      %dma_start3A_1843 = tpu.memref_slice %arg2[%add3A_1838] : memref<640000xi32, #tpu.memory_space<hbm>> -> memref<64xi32, #tpu.memory_space<hbm>>
      %dma_start3A_1844 = arith.constant 0 : i32
      %dma_start3A_1845 = tpu.memref_slice %arg7[%dma_start3A_1839, %dma_start3A_1844] : memref<3x64xi32, #tpu.memory_space<vmem>> -> memref<1x64xi32, #tpu.memory_space<vmem>>
      %dma_start3A_1846 = tpu.memref_squeeze %dma_start3A_1845 : memref<1x64xi32, #tpu.memory_space<vmem>> -> memref<64xi32, #tpu.memory_space<vmem>>
      %dma_start3A_1847 = tpu.memref_slice %arg2[%add3A_1838] : memref<640000xi32, #tpu.memory_space<hbm>> -> memref<64xi32, #tpu.memory_space<hbm>>
      tpu.enqueue_dma source(%dma_start3A_1847 : memref<64xi32, #tpu.memory_space<hbm>>) target(%dma_start3A_1846 : memref<64xi32, #tpu.memory_space<vmem>>) target_semaphore(%arg23 : memref<!tpu.dma_semaphore, #tpu.memory_space<semaphore_mem>>)
      %add3A_1848 = arith.constant 320000 : i32
      %add3A_1849 = arith.addi %add3A_1848, %add3A_1838 : i32
      %dma_start3A_1850 = arith.constant 2 : i32
      %dma_start3A_1851 = arith.constant 0 : i32
      %dma_start3A_1852 = tpu.memref_slice %arg8[%dma_start3A_1850, %dma_start3A_1851] : memref<3x64xi32, #tpu.memory_space<vmem>> -> memref<1x64xi32, #tpu.memory_space<vmem>>
      %dma_start3A_1853 = tpu.memref_squeeze %dma_start3A_1852 : memref<1x64xi32, #tpu.memory_space<vmem>> -> memref<64xi32, #tpu.memory_space<vmem>>
      %dma_start3A_1854 = tpu.memref_slice %arg2[%add3A_1849] : memref<640000xi32, #tpu.memory_space<hbm>> -> memref<64xi32, #tpu.memory_space<hbm>>
      %dma_start3A_1855 = arith.constant 0 : i32
      %dma_start3A_1856 = tpu.memref_slice %arg8[%dma_start3A_1850, %dma_start3A_1855] : memref<3x64xi32, #tpu.memory_space<vmem>> -> memref<1x64xi32, #tpu.memory_space<vmem>>
      %dma_start3A_1857 = tpu.memref_squeeze %dma_start3A_1856 : memref<1x64xi32, #tpu.memory_space<vmem>> -> memref<64xi32, #tpu.memory_space<vmem>>
      %dma_start3A_1858 = tpu.memref_slice %arg2[%add3A_1849] : memref<640000xi32, #tpu.memory_space<hbm>> -> memref<64xi32, #tpu.memory_space<hbm>>
      tpu.enqueue_dma source(%dma_start3A_1858 : memref<64xi32, #tpu.memory_space<hbm>>) target(%dma_start3A_1857 : memref<64xi32, #tpu.memory_space<vmem>>) target_semaphore(%arg23 : memref<!tpu.dma_semaphore, #tpu.memory_space<semaphore_mem>>)
      %mul3A_1859 = arith.constant 6 : i32
      %mul3A_1860 = arith.muli %mul3A_1859, %add3A_1033 : i32
      %add3A_1861 = arith.constant 1 : i32
      %add3A_1862 = arith.addi %add3A_1861, %mul3A_1860 : i32
      %add3A_1863 = arith.constant 5 : i32
      %add3A_1864 = arith.addi %add3A_1862, %add3A_1863 : i32
      %dma_wait3A_1865 = arith.constant 0 : i32
      %dma_wait3A_1866 = arith.constant 0 : i32
      %dma_wait3A_1867 = arith.constant 0 : i32
      %dma_wait3A_1868 = arith.constant 0 : i32
      %dma_wait3A_1869 = tpu.memref_slice %arg12[%dma_wait3A_1866, %dma_wait3A_1867, %dma_wait3A_1868] : memref<3x64x128xf32, #tpu.memory_space<vmem>> -> memref<1x64x128xf32, #tpu.memory_space<vmem>>
      %dma_wait3A_1870 = tpu.memref_squeeze %dma_wait3A_1869 : memref<1x64x128xf32, #tpu.memory_space<vmem>> -> memref<64x128xf32, #tpu.memory_space<vmem>>
      %dma_wait3A_1871 = arith.constant 0 : i32
      %dma_wait3A_1872 = tpu.memref_slice %arg7[%dma_wait3A_1865, %dma_wait3A_1871] : memref<3x64xi32, #tpu.memory_space<vmem>> -> memref<1x64xi32, #tpu.memory_space<vmem>>
      %dma_wait3A_1873 = tpu.memref_squeeze %dma_wait3A_1872 : memref<1x64xi32, #tpu.memory_space<vmem>> -> memref<64xi32, #tpu.memory_space<vmem>>
      %dma_wait3A_1874 = arith.constant 0 : i32
      %dma_wait3A_1875 = arith.constant 0 : i32
      %dma_wait3A_1876 = tpu.memref_slice %arg3[%dma_wait3A_1874, %dma_wait3A_1875] : memref<10000x128xf32, #tpu.memory_space<hbm>> -> memref<10000x128xf32, #tpu.memory_space<hbm>>
      tpu.wait_indirect_dma semaphore(%arg16 : memref<!tpu.dma_semaphore, #tpu.memory_space<semaphore_mem>>) src(%dma_wait3A_1876 : memref<10000x128xf32, #tpu.memory_space<hbm>>) dst(%dma_wait3A_1870 : memref<64x128xf32, #tpu.memory_space<vmem>>)
      %dma_wait3A_1877 = arith.constant 2 : i32
      %dma_wait3A_1878 = arith.constant 1 : i32
      %dma_wait3A_1879 = arith.constant 0 : i32
      %dma_wait3A_1880 = arith.constant 0 : i32
      %dma_wait3A_1881 = tpu.memref_slice %arg12[%dma_wait3A_1877, %dma_wait3A_1879, %dma_wait3A_1880] : memref<3x64x128xf32, #tpu.memory_space<vmem>> -> memref<1x64x128xf32, #tpu.memory_space<vmem>>
      %dma_wait3A_1882 = tpu.memref_squeeze %dma_wait3A_1881 : memref<1x64x128xf32, #tpu.memory_space<vmem>> -> memref<64x128xf32, #tpu.memory_space<vmem>>
      %dma_wait3A_1883 = arith.constant 0 : i32
      %dma_wait3A_1884 = tpu.memref_slice %arg9[%dma_wait3A_1878, %dma_wait3A_1883] : memref<2x64xi32, #tpu.memory_space<vmem>> -> memref<1x64xi32, #tpu.memory_space<vmem>>
      %dma_wait3A_1885 = tpu.memref_squeeze %dma_wait3A_1884 : memref<1x64xi32, #tpu.memory_space<vmem>> -> memref<64xi32, #tpu.memory_space<vmem>>
      %dma_wait3A_1886 = arith.constant 0 : i32
      %dma_wait3A_1887 = arith.constant 0 : i32
      %dma_wait3A_1888 = tpu.memref_slice %arg15[%dma_wait3A_1886, %dma_wait3A_1887] : memref<10240x128xf32, #tpu.memory_space<vmem_shared>> -> memref<10240x128xf32, #tpu.memory_space<vmem_shared>>
      tpu.wait_indirect_dma semaphore(%arg20 : memref<!tpu.dma_semaphore, #tpu.memory_space<semaphore_mem>>) src(%dma_wait3A_1882 : memref<64x128xf32, #tpu.memory_space<vmem>>) dst(%dma_wait3A_1888 : memref<10240x128xf32, #tpu.memory_space<vmem_shared>>)
      %dma_wait3A_1889 = arith.constant 2 : i32
      %dma_wait3A_1890 = arith.constant 0 : i32
      %dma_wait3A_1891 = tpu.memref_slice %arg7[%dma_wait3A_1889, %dma_wait3A_1890] : memref<3x64xi32, #tpu.memory_space<vmem>> -> memref<1x64xi32, #tpu.memory_space<vmem>>
      %dma_wait3A_1892 = tpu.memref_squeeze %dma_wait3A_1891 : memref<1x64xi32, #tpu.memory_space<vmem>> -> memref<64xi32, #tpu.memory_space<vmem>>
      %dma_wait3A_1893 = tpu.memref_slice %arg2[%mul3A_61] : memref<640000xi32, #tpu.memory_space<hbm>> -> memref<64xi32, #tpu.memory_space<hbm>>
      %dma_wait3A_1894 = arith.constant 0 : i32
      %dma_wait3A_1895 = tpu.memref_slice %arg7[%dma_wait3A_1889, %dma_wait3A_1894] : memref<3x64xi32, #tpu.memory_space<vmem>> -> memref<1x64xi32, #tpu.memory_space<vmem>>
      %dma_wait3A_1896 = tpu.memref_squeeze %dma_wait3A_1895 : memref<1x64xi32, #tpu.memory_space<vmem>> -> memref<64xi32, #tpu.memory_space<vmem>>
      %dma_wait3A_1897 = tpu.memref_slice %arg2[%mul3A_61] : memref<640000xi32, #tpu.memory_space<hbm>> -> memref<64xi32, #tpu.memory_space<hbm>>
      tpu.wait_dma2 semaphore(%arg23 : memref<!tpu.dma_semaphore, #tpu.memory_space<semaphore_mem>>) src(%dma_wait3A_1897 : memref<64xi32, #tpu.memory_space<hbm>>) dst(%dma_wait3A_1896 : memref<64xi32, #tpu.memory_space<vmem>>)
      %dma_wait3A_1898 = arith.constant 2 : i32
      %dma_wait3A_1899 = arith.constant 0 : i32
      %dma_wait3A_1900 = tpu.memref_slice %arg8[%dma_wait3A_1898, %dma_wait3A_1899] : memref<3x64xi32, #tpu.memory_space<vmem>> -> memref<1x64xi32, #tpu.memory_space<vmem>>
      %dma_wait3A_1901 = tpu.memref_squeeze %dma_wait3A_1900 : memref<1x64xi32, #tpu.memory_space<vmem>> -> memref<64xi32, #tpu.memory_space<vmem>>
      %dma_wait3A_1902 = tpu.memref_slice %arg2[%mul3A_61] : memref<640000xi32, #tpu.memory_space<hbm>> -> memref<64xi32, #tpu.memory_space<hbm>>
      %dma_wait3A_1903 = arith.constant 0 : i32
      %dma_wait3A_1904 = tpu.memref_slice %arg8[%dma_wait3A_1898, %dma_wait3A_1903] : memref<3x64xi32, #tpu.memory_space<vmem>> -> memref<1x64xi32, #tpu.memory_space<vmem>>
      %dma_wait3A_1905 = tpu.memref_squeeze %dma_wait3A_1904 : memref<1x64xi32, #tpu.memory_space<vmem>> -> memref<64xi32, #tpu.memory_space<vmem>>
      %dma_wait3A_1906 = tpu.memref_slice %arg2[%mul3A_61] : memref<640000xi32, #tpu.memory_space<hbm>> -> memref<64xi32, #tpu.memory_space<hbm>>
      tpu.wait_dma2 semaphore(%arg23 : memref<!tpu.dma_semaphore, #tpu.memory_space<semaphore_mem>>) src(%dma_wait3A_1906 : memref<64xi32, #tpu.memory_space<hbm>>) dst(%dma_wait3A_1905 : memref<64xi32, #tpu.memory_space<vmem>>)
      %dma_start3A_1907 = arith.constant 2 : i32
      %dma_start3A_1908 = arith.constant 2 : i32
      %dma_start3A_1909 = arith.constant 0 : i32
      %dma_start3A_1910 = arith.constant 0 : i32
      %dma_start3A_1911 = tpu.memref_slice %arg12[%dma_start3A_1908, %dma_start3A_1909, %dma_start3A_1910] : memref<3x64x128xf32, #tpu.memory_space<vmem>> -> memref<1x64x128xf32, #tpu.memory_space<vmem>>
      %dma_start3A_1912 = tpu.memref_squeeze %dma_start3A_1911 : memref<1x64x128xf32, #tpu.memory_space<vmem>> -> memref<64x128xf32, #tpu.memory_space<vmem>>
      %dma_start3A_1913 = arith.constant 0 : i32
      %dma_start3A_1914 = tpu.memref_slice %arg7[%dma_start3A_1907, %dma_start3A_1913] : memref<3x64xi32, #tpu.memory_space<vmem>> -> memref<1x64xi32, #tpu.memory_space<vmem>>
      %dma_start3A_1915 = tpu.memref_squeeze %dma_start3A_1914 : memref<1x64xi32, #tpu.memory_space<vmem>> -> memref<64xi32, #tpu.memory_space<vmem>>
      %dma_start3A_1916 = arith.constant 0 : i32
      %dma_start3A_1917 = arith.constant 0 : i32
      %dma_start3A_1918 = tpu.memref_slice %arg3[%dma_start3A_1916, %dma_start3A_1917] : memref<10000x128xf32, #tpu.memory_space<hbm>> -> memref<10000x128xf32, #tpu.memory_space<hbm>>
      tpu.enqueue_indirect_dma source(%dma_start3A_1918 : memref<10000x128xf32, #tpu.memory_space<hbm>>) target(%dma_start3A_1912 : memref<64x128xf32, #tpu.memory_space<vmem>>) offsets(%dma_start3A_1915 : memref<64xi32, #tpu.memory_space<vmem>>) semaphore(%arg18 : memref<!tpu.dma_semaphore, #tpu.memory_space<semaphore_mem>>)
      %get3A_1919 = arith.constant 0 : i32
      %get3A_1920 = arith.index_cast %get3A_1919 : i32 to index
      %get3A_1921 = arith.constant 0 : index
      %get3A_1922 = tpu.vector_load %arg8[%get3A_1920, %get3A_1921] {strides = array<i32>} : memref<3x64xi32, #tpu.memory_space<vmem>>, vector<16xi32>,
      %swap3A_1923 = arith.constant 0 : i32
      %swap3A_1924 = arith.index_cast %swap3A_1923 : i32 to index
      %swap3A_1925 = arith.constant 0 : index
      %swap3A_1926 = tpu.vector_load %arg9[%swap3A_1924, %swap3A_1925] {strides = array<i32>} : memref<2x64xi32, #tpu.memory_space<vmem>>, vector<16xi32>,
      tpu.vector_store %arg9[%swap3A_1924, %swap3A_1925], %get3A_1922 {strides = array<i32>} : memref<2x64xi32, #tpu.memory_space<vmem>>, vector<16xi32>,
      %get3A_1927 = arith.constant 0 : i32
      %get3A_1928 = arith.index_cast %get3A_1927 : i32 to index
      %get3A_1929 = arith.constant 16 : index
      %get3A_1930 = tpu.vector_load %arg8[%get3A_1928, %get3A_1929] {strides = array<i32>} : memref<3x64xi32, #tpu.memory_space<vmem>>, vector<16xi32>,
      %swap3A_1931 = arith.constant 0 : i32
      %swap3A_1932 = arith.index_cast %swap3A_1931 : i32 to index
      %swap3A_1933 = arith.constant 16 : index
      %swap3A_1934 = tpu.vector_load %arg9[%swap3A_1932, %swap3A_1933] {strides = array<i32>} : memref<2x64xi32, #tpu.memory_space<vmem>>, vector<16xi32>,
      tpu.vector_store %arg9[%swap3A_1932, %swap3A_1933], %get3A_1930 {strides = array<i32>} : memref<2x64xi32, #tpu.memory_space<vmem>>, vector<16xi32>,
      %get3A_1935 = arith.constant 0 : i32
      %get3A_1936 = arith.index_cast %get3A_1935 : i32 to index
      %get3A_1937 = arith.constant 32 : index
      %get3A_1938 = tpu.vector_load %arg8[%get3A_1936, %get3A_1937] {strides = array<i32>} : memref<3x64xi32, #tpu.memory_space<vmem>>, vector<16xi32>,
      %swap3A_1939 = arith.constant 0 : i32
      %swap3A_1940 = arith.index_cast %swap3A_1939 : i32 to index
      %swap3A_1941 = arith.constant 32 : index
      %swap3A_1942 = tpu.vector_load %arg9[%swap3A_1940, %swap3A_1941] {strides = array<i32>} : memref<2x64xi32, #tpu.memory_space<vmem>>, vector<16xi32>,
      tpu.vector_store %arg9[%swap3A_1940, %swap3A_1941], %get3A_1938 {strides = array<i32>} : memref<2x64xi32, #tpu.memory_space<vmem>>, vector<16xi32>,
      %get3A_1943 = arith.constant 0 : i32
      %get3A_1944 = arith.index_cast %get3A_1943 : i32 to index
      %get3A_1945 = arith.constant 48 : index
      %get3A_1946 = tpu.vector_load %arg8[%get3A_1944, %get3A_1945] {strides = array<i32>} : memref<3x64xi32, #tpu.memory_space<vmem>>, vector<16xi32>,
      %swap3A_1947 = arith.constant 0 : i32
      %swap3A_1948 = arith.index_cast %swap3A_1947 : i32 to index
      %swap3A_1949 = arith.constant 48 : index
      %swap3A_1950 = tpu.vector_load %arg9[%swap3A_1948, %swap3A_1949] {strides = array<i32>} : memref<2x64xi32, #tpu.memory_space<vmem>>, vector<16xi32>,
      tpu.vector_store %arg9[%swap3A_1948, %swap3A_1949], %get3A_1946 {strides = array<i32>} : memref<2x64xi32, #tpu.memory_space<vmem>>, vector<16xi32>,
      %dma_start3A_1951 = arith.constant 0 : i32
      %dma_start3A_1952 = arith.constant 0 : i32
      %dma_start3A_1953 = arith.constant 0 : i32
      %dma_start3A_1954 = arith.constant 0 : i32
      %dma_start3A_1955 = tpu.memref_slice %arg12[%dma_start3A_1951, %dma_start3A_1953, %dma_start3A_1954] : memref<3x64x128xf32, #tpu.memory_space<vmem>> -> memref<1x64x128xf32, #tpu.memory_space<vmem>>
      %dma_start3A_1956 = tpu.memref_squeeze %dma_start3A_1955 : memref<1x64x128xf32, #tpu.memory_space<vmem>> -> memref<64x128xf32, #tpu.memory_space<vmem>>
      %dma_start3A_1957 = arith.constant 0 : i32
      %dma_start3A_1958 = tpu.memref_slice %arg9[%dma_start3A_1952, %dma_start3A_1957] : memref<2x64xi32, #tpu.memory_space<vmem>> -> memref<1x64xi32, #tpu.memory_space<vmem>>
      %dma_start3A_1959 = tpu.memref_squeeze %dma_start3A_1958 : memref<1x64xi32, #tpu.memory_space<vmem>> -> memref<64xi32, #tpu.memory_space<vmem>>
      %dma_start3A_1960 = arith.constant 0 : i32
      %dma_start3A_1961 = arith.constant 0 : i32
      %dma_start3A_1962 = tpu.memref_slice %arg15[%dma_start3A_1960, %dma_start3A_1961] : memref<10240x128xf32, #tpu.memory_space<vmem_shared>> -> memref<10240x128xf32, #tpu.memory_space<vmem_shared>>
      tpu.enqueue_indirect_dma source(%dma_start3A_1956 : memref<64x128xf32, #tpu.memory_space<vmem>>) target(%dma_start3A_1962 : memref<10240x128xf32, #tpu.memory_space<vmem_shared>>) offsets(%dma_start3A_1959 : memref<64xi32, #tpu.memory_space<vmem>>) semaphore(%arg19 : memref<!tpu.dma_semaphore, #tpu.memory_space<semaphore_mem>>) {add = true}
      %get3A_1963 = arith.constant 0 : i32
      %get3A_1964 = arith.index_cast %get3A_1963 : i32 to index
      %get3A_1965 = arith.constant 0 : index
      %get3A_1966 = tpu.vector_load %arg7[%get3A_1964, %get3A_1965] {strides = array<i32>} : memref<3x64xi32, #tpu.memory_space<vmem>>, vector<16xi32>,
      %get3A_1967 = arith.constant 0 : i32
      %get3A_1968 = arith.index_cast %get3A_1967 : i32 to index
      %get3A_1969 = arith.constant 0 : index
      %get3A_1970 = tpu.vector_load %arg8[%get3A_1968, %get3A_1969] {strides = array<i32>} : memref<3x64xi32, #tpu.memory_space<vmem>>, vector<16xi32>,
      %gather3A_1971 = tpu.vector_load_idx %arg13[%get3A_1966] : memref<10000xf32, #tpu.memory_space<vmem>>[vector<16xi32>], vector<16xf32>,
      tpu.vector_store_idx %arg14[%get3A_1970], %gather3A_1971 {add = true} : memref<10000xf32, #tpu.memory_space<vmem>>[vector<16xi32>], vector<16xf32>,
      %get3A_1972 = arith.constant 0 : i32
      %get3A_1973 = arith.index_cast %get3A_1972 : i32 to index
      %get3A_1974 = arith.constant 16 : index
      %get3A_1975 = tpu.vector_load %arg7[%get3A_1973, %get3A_1974] {strides = array<i32>} : memref<3x64xi32, #tpu.memory_space<vmem>>, vector<16xi32>,
      %get3A_1976 = arith.constant 0 : i32
      %get3A_1977 = arith.index_cast %get3A_1976 : i32 to index
      %get3A_1978 = arith.constant 16 : index
      %get3A_1979 = tpu.vector_load %arg8[%get3A_1977, %get3A_1978] {strides = array<i32>} : memref<3x64xi32, #tpu.memory_space<vmem>>, vector<16xi32>,
      %gather3A_1980 = tpu.vector_load_idx %arg13[%get3A_1975] : memref<10000xf32, #tpu.memory_space<vmem>>[vector<16xi32>], vector<16xf32>,
      tpu.vector_store_idx %arg14[%get3A_1979], %gather3A_1980 {add = true} : memref<10000xf32, #tpu.memory_space<vmem>>[vector<16xi32>], vector<16xf32>,
      %get3A_1981 = arith.constant 0 : i32
      %get3A_1982 = arith.index_cast %get3A_1981 : i32 to index
      %get3A_1983 = arith.constant 32 : index
      %get3A_1984 = tpu.vector_load %arg7[%get3A_1982, %get3A_1983] {strides = array<i32>} : memref<3x64xi32, #tpu.memory_space<vmem>>, vector<16xi32>,
      %get3A_1985 = arith.constant 0 : i32
      %get3A_1986 = arith.index_cast %get3A_1985 : i32 to index
      %get3A_1987 = arith.constant 32 : index
      %get3A_1988 = tpu.vector_load %arg8[%get3A_1986, %get3A_1987] {strides = array<i32>} : memref<3x64xi32, #tpu.memory_space<vmem>>, vector<16xi32>,
      %gather3A_1989 = tpu.vector_load_idx %arg13[%get3A_1984] : memref<10000xf32, #tpu.memory_space<vmem>>[vector<16xi32>], vector<16xf32>,
      tpu.vector_store_idx %arg14[%get3A_1988], %gather3A_1989 {add = true} : memref<10000xf32, #tpu.memory_space<vmem>>[vector<16xi32>], vector<16xf32>,
      %get3A_1990 = arith.constant 0 : i32
      %get3A_1991 = arith.index_cast %get3A_1990 : i32 to index
      %get3A_1992 = arith.constant 48 : index
      %get3A_1993 = tpu.vector_load %arg7[%get3A_1991, %get3A_1992] {strides = array<i32>} : memref<3x64xi32, #tpu.memory_space<vmem>>, vector<16xi32>,
      %get3A_1994 = arith.constant 0 : i32
      %get3A_1995 = arith.index_cast %get3A_1994 : i32 to index
      %get3A_1996 = arith.constant 48 : index
      %get3A_1997 = tpu.vector_load %arg8[%get3A_1995, %get3A_1996] {strides = array<i32>} : memref<3x64xi32, #tpu.memory_space<vmem>>, vector<16xi32>,
      %gather3A_1998 = tpu.vector_load_idx %arg13[%get3A_1993] : memref<10000xf32, #tpu.memory_space<vmem>>[vector<16xi32>], vector<16xf32>,
      tpu.vector_store_idx %arg14[%get3A_1997], %gather3A_1998 {add = true} : memref<10000xf32, #tpu.memory_space<vmem>>[vector<16xi32>], vector<16xf32>,
      %add3A_1999 = arith.constant 3 : i32
      %add3A_2000 = arith.addi %add3A_1864, %add3A_1999 : i32
      %mul3A_2001 = arith.constant 64 : i32
      %mul3A_2002 = arith.muli %add3A_2000, %mul3A_2001 : i32
      %add3A_2003 = arith.addi %mul3A_61, %mul3A_2002 : i32
      %dma_start3A_2004 = arith.constant 0 : i32
      %dma_start3A_2005 = arith.constant 0 : i32
      %dma_start3A_2006 = tpu.memref_slice %arg7[%dma_start3A_2004, %dma_start3A_2005] : memref<3x64xi32, #tpu.memory_space<vmem>> -> memref<1x64xi32, #tpu.memory_space<vmem>>
      %dma_start3A_2007 = tpu.memref_squeeze %dma_start3A_2006 : memref<1x64xi32, #tpu.memory_space<vmem>> -> memref<64xi32, #tpu.memory_space<vmem>>
      %dma_start3A_2008 = tpu.memref_slice %arg2[%add3A_2003] : memref<640000xi32, #tpu.memory_space<hbm>> -> memref<64xi32, #tpu.memory_space<hbm>>
      %dma_start3A_2009 = arith.constant 0 : i32
      %dma_start3A_2010 = tpu.memref_slice %arg7[%dma_start3A_2004, %dma_start3A_2009] : memref<3x64xi32, #tpu.memory_space<vmem>> -> memref<1x64xi32, #tpu.memory_space<vmem>>
      %dma_start3A_2011 = tpu.memref_squeeze %dma_start3A_2010 : memref<1x64xi32, #tpu.memory_space<vmem>> -> memref<64xi32, #tpu.memory_space<vmem>>
      %dma_start3A_2012 = tpu.memref_slice %arg2[%add3A_2003] : memref<640000xi32, #tpu.memory_space<hbm>> -> memref<64xi32, #tpu.memory_space<hbm>>
      tpu.enqueue_dma source(%dma_start3A_2012 : memref<64xi32, #tpu.memory_space<hbm>>) target(%dma_start3A_2011 : memref<64xi32, #tpu.memory_space<vmem>>) target_semaphore(%arg21 : memref<!tpu.dma_semaphore, #tpu.memory_space<semaphore_mem>>)
      %add3A_2013 = arith.constant 320000 : i32
      %add3A_2014 = arith.addi %add3A_2013, %add3A_2003 : i32
      %dma_start3A_2015 = arith.constant 0 : i32
      %dma_start3A_2016 = arith.constant 0 : i32
      %dma_start3A_2017 = tpu.memref_slice %arg8[%dma_start3A_2015, %dma_start3A_2016] : memref<3x64xi32, #tpu.memory_space<vmem>> -> memref<1x64xi32, #tpu.memory_space<vmem>>
      %dma_start3A_2018 = tpu.memref_squeeze %dma_start3A_2017 : memref<1x64xi32, #tpu.memory_space<vmem>> -> memref<64xi32, #tpu.memory_space<vmem>>
      %dma_start3A_2019 = tpu.memref_slice %arg2[%add3A_2014] : memref<640000xi32, #tpu.memory_space<hbm>> -> memref<64xi32, #tpu.memory_space<hbm>>
      %dma_start3A_2020 = arith.constant 0 : i32
      %dma_start3A_2021 = tpu.memref_slice %arg8[%dma_start3A_2015, %dma_start3A_2020] : memref<3x64xi32, #tpu.memory_space<vmem>> -> memref<1x64xi32, #tpu.memory_space<vmem>>
      %dma_start3A_2022 = tpu.memref_squeeze %dma_start3A_2021 : memref<1x64xi32, #tpu.memory_space<vmem>> -> memref<64xi32, #tpu.memory_space<vmem>>
      %dma_start3A_2023 = tpu.memref_slice %arg2[%add3A_2014] : memref<640000xi32, #tpu.memory_space<hbm>> -> memref<64xi32, #tpu.memory_space<hbm>>
      tpu.enqueue_dma source(%dma_start3A_2023 : memref<64xi32, #tpu.memory_space<hbm>>) target(%dma_start3A_2022 : memref<64xi32, #tpu.memory_space<vmem>>) target_semaphore(%arg21 : memref<!tpu.dma_semaphore, #tpu.memory_space<semaphore_mem>>)
    }
    %scan3A_331 = arith.constant 25 : i32
    %dma_wait3A_332 = arith.constant 1 : i32
    %dma_wait3A_333 = arith.constant 1 : i32
    %dma_wait3A_334 = arith.constant 0 : i32
    %dma_wait3A_335 = arith.constant 0 : i32
    %dma_wait3A_336 = tpu.memref_slice %arg12[%dma_wait3A_333, %dma_wait3A_334, %dma_wait3A_335] : memref<3x64x128xf32, #tpu.memory_space<vmem>> -> memref<1x64x128xf32, #tpu.memory_space<vmem>>
    %dma_wait3A_337 = tpu.memref_squeeze %dma_wait3A_336 : memref<1x64x128xf32, #tpu.memory_space<vmem>> -> memref<64x128xf32, #tpu.memory_space<vmem>>
    %dma_wait3A_338 = arith.constant 0 : i32
    %dma_wait3A_339 = tpu.memref_slice %arg7[%dma_wait3A_332, %dma_wait3A_338] : memref<3x64xi32, #tpu.memory_space<vmem>> -> memref<1x64xi32, #tpu.memory_space<vmem>>
    %dma_wait3A_340 = tpu.memref_squeeze %dma_wait3A_339 : memref<1x64xi32, #tpu.memory_space<vmem>> -> memref<64xi32, #tpu.memory_space<vmem>>
    %dma_wait3A_341 = arith.constant 0 : i32
    %dma_wait3A_342 = arith.constant 0 : i32
    %dma_wait3A_343 = tpu.memref_slice %arg3[%dma_wait3A_341, %dma_wait3A_342] : memref<10000x128xf32, #tpu.memory_space<hbm>> -> memref<10000x128xf32, #tpu.memory_space<hbm>>
    tpu.wait_indirect_dma semaphore(%arg17 : memref<!tpu.dma_semaphore, #tpu.memory_space<semaphore_mem>>) src(%dma_wait3A_343 : memref<10000x128xf32, #tpu.memory_space<hbm>>) dst(%dma_wait3A_337 : memref<64x128xf32, #tpu.memory_space<vmem>>)
    %dma_wait3A_344 = arith.constant 0 : i32
    %dma_wait3A_345 = arith.constant 0 : i32
    %dma_wait3A_346 = arith.constant 0 : i32
    %dma_wait3A_347 = arith.constant 0 : i32
    %dma_wait3A_348 = tpu.memref_slice %arg12[%dma_wait3A_344, %dma_wait3A_346, %dma_wait3A_347] : memref<3x64x128xf32, #tpu.memory_space<vmem>> -> memref<1x64x128xf32, #tpu.memory_space<vmem>>
    %dma_wait3A_349 = tpu.memref_squeeze %dma_wait3A_348 : memref<1x64x128xf32, #tpu.memory_space<vmem>> -> memref<64x128xf32, #tpu.memory_space<vmem>>
    %dma_wait3A_350 = arith.constant 0 : i32
    %dma_wait3A_351 = tpu.memref_slice %arg9[%dma_wait3A_345, %dma_wait3A_350] : memref<2x64xi32, #tpu.memory_space<vmem>> -> memref<1x64xi32, #tpu.memory_space<vmem>>
    %dma_wait3A_352 = tpu.memref_squeeze %dma_wait3A_351 : memref<1x64xi32, #tpu.memory_space<vmem>> -> memref<64xi32, #tpu.memory_space<vmem>>
    %dma_wait3A_353 = arith.constant 0 : i32
    %dma_wait3A_354 = arith.constant 0 : i32
    %dma_wait3A_355 = tpu.memref_slice %arg15[%dma_wait3A_353, %dma_wait3A_354] : memref<10240x128xf32, #tpu.memory_space<vmem_shared>> -> memref<10240x128xf32, #tpu.memory_space<vmem_shared>>
    tpu.wait_indirect_dma semaphore(%arg19 : memref<!tpu.dma_semaphore, #tpu.memory_space<semaphore_mem>>) src(%dma_wait3A_349 : memref<64x128xf32, #tpu.memory_space<vmem>>) dst(%dma_wait3A_355 : memref<10240x128xf32, #tpu.memory_space<vmem_shared>>)
    %dma_wait3A_356 = arith.constant 0 : i32
    %dma_wait3A_357 = arith.constant 0 : i32
    %dma_wait3A_358 = tpu.memref_slice %arg7[%dma_wait3A_356, %dma_wait3A_357] : memref<3x64xi32, #tpu.memory_space<vmem>> -> memref<1x64xi32, #tpu.memory_space<vmem>>
    %dma_wait3A_359 = tpu.memref_squeeze %dma_wait3A_358 : memref<1x64xi32, #tpu.memory_space<vmem>> -> memref<64xi32, #tpu.memory_space<vmem>>
    %dma_wait3A_360 = tpu.memref_slice %arg2[%mul3A_61] : memref<640000xi32, #tpu.memory_space<hbm>> -> memref<64xi32, #tpu.memory_space<hbm>>
    %dma_wait3A_361 = arith.constant 0 : i32
    %dma_wait3A_362 = tpu.memref_slice %arg7[%dma_wait3A_356, %dma_wait3A_361] : memref<3x64xi32, #tpu.memory_space<vmem>> -> memref<1x64xi32, #tpu.memory_space<vmem>>
    %dma_wait3A_363 = tpu.memref_squeeze %dma_wait3A_362 : memref<1x64xi32, #tpu.memory_space<vmem>> -> memref<64xi32, #tpu.memory_space<vmem>>
    %dma_wait3A_364 = tpu.memref_slice %arg2[%mul3A_61] : memref<640000xi32, #tpu.memory_space<hbm>> -> memref<64xi32, #tpu.memory_space<hbm>>
    tpu.wait_dma2 semaphore(%arg21 : memref<!tpu.dma_semaphore, #tpu.memory_space<semaphore_mem>>) src(%dma_wait3A_364 : memref<64xi32, #tpu.memory_space<hbm>>) dst(%dma_wait3A_363 : memref<64xi32, #tpu.memory_space<vmem>>)
    %dma_wait3A_365 = arith.constant 0 : i32
    %dma_wait3A_366 = arith.constant 0 : i32
    %dma_wait3A_367 = tpu.memref_slice %arg8[%dma_wait3A_365, %dma_wait3A_366] : memref<3x64xi32, #tpu.memory_space<vmem>> -> memref<1x64xi32, #tpu.memory_space<vmem>>
    %dma_wait3A_368 = tpu.memref_squeeze %dma_wait3A_367 : memref<1x64xi32, #tpu.memory_space<vmem>> -> memref<64xi32, #tpu.memory_space<vmem>>
    %dma_wait3A_369 = tpu.memref_slice %arg2[%mul3A_61] : memref<640000xi32, #tpu.memory_space<hbm>> -> memref<64xi32, #tpu.memory_space<hbm>>
    %dma_wait3A_370 = arith.constant 0 : i32
    %dma_wait3A_371 = tpu.memref_slice %arg8[%dma_wait3A_365, %dma_wait3A_370] : memref<3x64xi32, #tpu.memory_space<vmem>> -> memref<1x64xi32, #tpu.memory_space<vmem>>
    %dma_wait3A_372 = tpu.memref_squeeze %dma_wait3A_371 : memref<1x64xi32, #tpu.memory_space<vmem>> -> memref<64xi32, #tpu.memory_space<vmem>>
    %dma_wait3A_373 = tpu.memref_slice %arg2[%mul3A_61] : memref<640000xi32, #tpu.memory_space<hbm>> -> memref<64xi32, #tpu.memory_space<hbm>>
    tpu.wait_dma2 semaphore(%arg21 : memref<!tpu.dma_semaphore, #tpu.memory_space<semaphore_mem>>) src(%dma_wait3A_373 : memref<64xi32, #tpu.memory_space<hbm>>) dst(%dma_wait3A_372 : memref<64xi32, #tpu.memory_space<vmem>>)
    %dma_start3A_374 = arith.constant 0 : i32
    %dma_start3A_375 = arith.constant 0 : i32
    %dma_start3A_376 = arith.constant 0 : i32
    %dma_start3A_377 = arith.constant 0 : i32
    %dma_start3A_378 = tpu.memref_slice %arg12[%dma_start3A_375, %dma_start3A_376, %dma_start3A_377] : memref<3x64x128xf32, #tpu.memory_space<vmem>> -> memref<1x64x128xf32, #tpu.memory_space<vmem>>
    %dma_start3A_379 = tpu.memref_squeeze %dma_start3A_378 : memref<1x64x128xf32, #tpu.memory_space<vmem>> -> memref<64x128xf32, #tpu.memory_space<vmem>>
    %dma_start3A_380 = arith.constant 0 : i32
    %dma_start3A_381 = tpu.memref_slice %arg7[%dma_start3A_374, %dma_start3A_380] : memref<3x64xi32, #tpu.memory_space<vmem>> -> memref<1x64xi32, #tpu.memory_space<vmem>>
    %dma_start3A_382 = tpu.memref_squeeze %dma_start3A_381 : memref<1x64xi32, #tpu.memory_space<vmem>> -> memref<64xi32, #tpu.memory_space<vmem>>
    %dma_start3A_383 = arith.constant 0 : i32
    %dma_start3A_384 = arith.constant 0 : i32
    %dma_start3A_385 = tpu.memref_slice %arg3[%dma_start3A_383, %dma_start3A_384] : memref<10000x128xf32, #tpu.memory_space<hbm>> -> memref<10000x128xf32, #tpu.memory_space<hbm>>
    tpu.enqueue_indirect_dma source(%dma_start3A_385 : memref<10000x128xf32, #tpu.memory_space<hbm>>) target(%dma_start3A_379 : memref<64x128xf32, #tpu.memory_space<vmem>>) offsets(%dma_start3A_382 : memref<64xi32, #tpu.memory_space<vmem>>) semaphore(%arg16 : memref<!tpu.dma_semaphore, #tpu.memory_space<semaphore_mem>>)
    %get3A_386 = arith.constant 1 : i32
    %get3A_387 = arith.index_cast %get3A_386 : i32 to index
    %get3A_388 = arith.constant 0 : index
    %get3A_389 = tpu.vector_load %arg8[%get3A_387, %get3A_388] {strides = array<i32>} : memref<3x64xi32, #tpu.memory_space<vmem>>, vector<16xi32>,
    %swap3A_390 = arith.constant 1 : i32
    %swap3A_391 = arith.index_cast %swap3A_390 : i32 to index
    %swap3A_392 = arith.constant 0 : index
    %swap3A_393 = tpu.vector_load %arg9[%swap3A_391, %swap3A_392] {strides = array<i32>} : memref<2x64xi32, #tpu.memory_space<vmem>>, vector<16xi32>,
    tpu.vector_store %arg9[%swap3A_391, %swap3A_392], %get3A_389 {strides = array<i32>} : memref<2x64xi32, #tpu.memory_space<vmem>>, vector<16xi32>,
    %get3A_394 = arith.constant 1 : i32
    %get3A_395 = arith.index_cast %get3A_394 : i32 to index
    %get3A_396 = arith.constant 16 : index
    %get3A_397 = tpu.vector_load %arg8[%get3A_395, %get3A_396] {strides = array<i32>} : memref<3x64xi32, #tpu.memory_space<vmem>>, vector<16xi32>,
    %swap3A_398 = arith.constant 1 : i32
    %swap3A_399 = arith.index_cast %swap3A_398 : i32 to index
    %swap3A_400 = arith.constant 16 : index
    %swap3A_401 = tpu.vector_load %arg9[%swap3A_399, %swap3A_400] {strides = array<i32>} : memref<2x64xi32, #tpu.memory_space<vmem>>, vector<16xi32>,
    tpu.vector_store %arg9[%swap3A_399, %swap3A_400], %get3A_397 {strides = array<i32>} : memref<2x64xi32, #tpu.memory_space<vmem>>, vector<16xi32>,
    %get3A_402 = arith.constant 1 : i32
    %get3A_403 = arith.index_cast %get3A_402 : i32 to index
    %get3A_404 = arith.constant 32 : index
    %get3A_405 = tpu.vector_load %arg8[%get3A_403, %get3A_404] {strides = array<i32>} : memref<3x64xi32, #tpu.memory_space<vmem>>, vector<16xi32>,
    %swap3A_406 = arith.constant 1 : i32
    %swap3A_407 = arith.index_cast %swap3A_406 : i32 to index
    %swap3A_408 = arith.constant 32 : index
    %swap3A_409 = tpu.vector_load %arg9[%swap3A_407, %swap3A_408] {strides = array<i32>} : memref<2x64xi32, #tpu.memory_space<vmem>>, vector<16xi32>,
    tpu.vector_store %arg9[%swap3A_407, %swap3A_408], %get3A_405 {strides = array<i32>} : memref<2x64xi32, #tpu.memory_space<vmem>>, vector<16xi32>,
    %get3A_410 = arith.constant 1 : i32
    %get3A_411 = arith.index_cast %get3A_410 : i32 to index
    %get3A_412 = arith.constant 48 : index
    %get3A_413 = tpu.vector_load %arg8[%get3A_411, %get3A_412] {strides = array<i32>} : memref<3x64xi32, #tpu.memory_space<vmem>>, vector<16xi32>,
    %swap3A_414 = arith.constant 1 : i32
    %swap3A_415 = arith.index_cast %swap3A_414 : i32 to index
    %swap3A_416 = arith.constant 48 : index
    %swap3A_417 = tpu.vector_load %arg9[%swap3A_415, %swap3A_416] {strides = array<i32>} : memref<2x64xi32, #tpu.memory_space<vmem>>, vector<16xi32>,
    tpu.vector_store %arg9[%swap3A_415, %swap3A_416], %get3A_413 {strides = array<i32>} : memref<2x64xi32, #tpu.memory_space<vmem>>, vector<16xi32>,
    %dma_start3A_418 = arith.constant 1 : i32
    %dma_start3A_419 = arith.constant 1 : i32
    %dma_start3A_420 = arith.constant 0 : i32
    %dma_start3A_421 = arith.constant 0 : i32
    %dma_start3A_422 = tpu.memref_slice %arg12[%dma_start3A_418, %dma_start3A_420, %dma_start3A_421] : memref<3x64x128xf32, #tpu.memory_space<vmem>> -> memref<1x64x128xf32, #tpu.memory_space<vmem>>
    %dma_start3A_423 = tpu.memref_squeeze %dma_start3A_422 : memref<1x64x128xf32, #tpu.memory_space<vmem>> -> memref<64x128xf32, #tpu.memory_space<vmem>>
    %dma_start3A_424 = arith.constant 0 : i32
    %dma_start3A_425 = tpu.memref_slice %arg9[%dma_start3A_419, %dma_start3A_424] : memref<2x64xi32, #tpu.memory_space<vmem>> -> memref<1x64xi32, #tpu.memory_space<vmem>>
    %dma_start3A_426 = tpu.memref_squeeze %dma_start3A_425 : memref<1x64xi32, #tpu.memory_space<vmem>> -> memref<64xi32, #tpu.memory_space<vmem>>
    %dma_start3A_427 = arith.constant 0 : i32
    %dma_start3A_428 = arith.constant 0 : i32
    %dma_start3A_429 = tpu.memref_slice %arg15[%dma_start3A_427, %dma_start3A_428] : memref<10240x128xf32, #tpu.memory_space<vmem_shared>> -> memref<10240x128xf32, #tpu.memory_space<vmem_shared>>
    tpu.enqueue_indirect_dma source(%dma_start3A_423 : memref<64x128xf32, #tpu.memory_space<vmem>>) target(%dma_start3A_429 : memref<10240x128xf32, #tpu.memory_space<vmem_shared>>) offsets(%dma_start3A_426 : memref<64xi32, #tpu.memory_space<vmem>>) semaphore(%arg20 : memref<!tpu.dma_semaphore, #tpu.memory_space<semaphore_mem>>) {add = true}
    %get3A_430 = arith.constant 1 : i32
    %get3A_431 = arith.index_cast %get3A_430 : i32 to index
    %get3A_432 = arith.constant 0 : index
    %get3A_433 = tpu.vector_load %arg7[%get3A_431, %get3A_432] {strides = array<i32>} : memref<3x64xi32, #tpu.memory_space<vmem>>, vector<16xi32>,
    %get3A_434 = arith.constant 1 : i32
    %get3A_435 = arith.index_cast %get3A_434 : i32 to index
    %get3A_436 = arith.constant 0 : index
    %get3A_437 = tpu.vector_load %arg8[%get3A_435, %get3A_436] {strides = array<i32>} : memref<3x64xi32, #tpu.memory_space<vmem>>, vector<16xi32>,
    %gather3A_438 = tpu.vector_load_idx %arg13[%get3A_433] : memref<10000xf32, #tpu.memory_space<vmem>>[vector<16xi32>], vector<16xf32>,
    tpu.vector_store_idx %arg14[%get3A_437], %gather3A_438 {add = true} : memref<10000xf32, #tpu.memory_space<vmem>>[vector<16xi32>], vector<16xf32>,
    %get3A_439 = arith.constant 1 : i32
    %get3A_440 = arith.index_cast %get3A_439 : i32 to index
    %get3A_441 = arith.constant 16 : index
    %get3A_442 = tpu.vector_load %arg7[%get3A_440, %get3A_441] {strides = array<i32>} : memref<3x64xi32, #tpu.memory_space<vmem>>, vector<16xi32>,
    %get3A_443 = arith.constant 1 : i32
    %get3A_444 = arith.index_cast %get3A_443 : i32 to index
    %get3A_445 = arith.constant 16 : index
    %get3A_446 = tpu.vector_load %arg8[%get3A_444, %get3A_445] {strides = array<i32>} : memref<3x64xi32, #tpu.memory_space<vmem>>, vector<16xi32>,
    %gather3A_447 = tpu.vector_load_idx %arg13[%get3A_442] : memref<10000xf32, #tpu.memory_space<vmem>>[vector<16xi32>], vector<16xf32>,
    tpu.vector_store_idx %arg14[%get3A_446], %gather3A_447 {add = true} : memref<10000xf32, #tpu.memory_space<vmem>>[vector<16xi32>], vector<16xf32>,
    %get3A_448 = arith.constant 1 : i32
    %get3A_449 = arith.index_cast %get3A_448 : i32 to index
    %get3A_450 = arith.constant 32 : index
    %get3A_451 = tpu.vector_load %arg7[%get3A_449, %get3A_450] {strides = array<i32>} : memref<3x64xi32, #tpu.memory_space<vmem>>, vector<16xi32>,
    %get3A_452 = arith.constant 1 : i32
    %get3A_453 = arith.index_cast %get3A_452 : i32 to index
    %get3A_454 = arith.constant 32 : index
    %get3A_455 = tpu.vector_load %arg8[%get3A_453, %get3A_454] {strides = array<i32>} : memref<3x64xi32, #tpu.memory_space<vmem>>, vector<16xi32>,
    %gather3A_456 = tpu.vector_load_idx %arg13[%get3A_451] : memref<10000xf32, #tpu.memory_space<vmem>>[vector<16xi32>], vector<16xf32>,
    tpu.vector_store_idx %arg14[%get3A_455], %gather3A_456 {add = true} : memref<10000xf32, #tpu.memory_space<vmem>>[vector<16xi32>], vector<16xf32>,
    %get3A_457 = arith.constant 1 : i32
    %get3A_458 = arith.index_cast %get3A_457 : i32 to index
    %get3A_459 = arith.constant 48 : index
    %get3A_460 = tpu.vector_load %arg7[%get3A_458, %get3A_459] {strides = array<i32>} : memref<3x64xi32, #tpu.memory_space<vmem>>, vector<16xi32>,
    %get3A_461 = arith.constant 1 : i32
    %get3A_462 = arith.index_cast %get3A_461 : i32 to index
    %get3A_463 = arith.constant 48 : index
    %get3A_464 = tpu.vector_load %arg8[%get3A_462, %get3A_463] {strides = array<i32>} : memref<3x64xi32, #tpu.memory_space<vmem>>, vector<16xi32>,
    %gather3A_465 = tpu.vector_load_idx %arg13[%get3A_460] : memref<10000xf32, #tpu.memory_space<vmem>>[vector<16xi32>], vector<16xf32>,
    tpu.vector_store_idx %arg14[%get3A_464], %gather3A_465 {add = true} : memref<10000xf32, #tpu.memory_space<vmem>>[vector<16xi32>], vector<16xf32>,
    %add3A_466 = arith.constant 9856 : i32
    %add3A_467 = arith.addi %mul3A_61, %add3A_466 : i32
    %dma_start3A_468 = arith.constant 1 : i32
    %dma_start3A_469 = arith.constant 0 : i32
    %dma_start3A_470 = tpu.memref_slice %arg7[%dma_start3A_468, %dma_start3A_469] : memref<3x64xi32, #tpu.memory_space<vmem>> -> memref<1x64xi32, #tpu.memory_space<vmem>>
    %dma_start3A_471 = tpu.memref_squeeze %dma_start3A_470 : memref<1x64xi32, #tpu.memory_space<vmem>> -> memref<64xi32, #tpu.memory_space<vmem>>
    %dma_start3A_472 = tpu.memref_slice %arg2[%add3A_467] : memref<640000xi32, #tpu.memory_space<hbm>> -> memref<64xi32, #tpu.memory_space<hbm>>
    %dma_start3A_473 = arith.constant 0 : i32
    %dma_start3A_474 = tpu.memref_slice %arg7[%dma_start3A_468, %dma_start3A_473] : memref<3x64xi32, #tpu.memory_space<vmem>> -> memref<1x64xi32, #tpu.memory_space<vmem>>
    %dma_start3A_475 = tpu.memref_squeeze %dma_start3A_474 : memref<1x64xi32, #tpu.memory_space<vmem>> -> memref<64xi32, #tpu.memory_space<vmem>>
    %dma_start3A_476 = tpu.memref_slice %arg2[%add3A_467] : memref<640000xi32, #tpu.memory_space<hbm>> -> memref<64xi32, #tpu.memory_space<hbm>>
    tpu.enqueue_dma source(%dma_start3A_476 : memref<64xi32, #tpu.memory_space<hbm>>) target(%dma_start3A_475 : memref<64xi32, #tpu.memory_space<vmem>>) target_semaphore(%arg22 : memref<!tpu.dma_semaphore, #tpu.memory_space<semaphore_mem>>)
    %add3A_477 = arith.constant 320000 : i32
    %add3A_478 = arith.addi %add3A_477, %add3A_467 : i32
    %dma_start3A_479 = arith.constant 1 : i32
    %dma_start3A_480 = arith.constant 0 : i32
    %dma_start3A_481 = tpu.memref_slice %arg8[%dma_start3A_479, %dma_start3A_480] : memref<3x64xi32, #tpu.memory_space<vmem>> -> memref<1x64xi32, #tpu.memory_space<vmem>>
    %dma_start3A_482 = tpu.memref_squeeze %dma_start3A_481 : memref<1x64xi32, #tpu.memory_space<vmem>> -> memref<64xi32, #tpu.memory_space<vmem>>
    %dma_start3A_483 = tpu.memref_slice %arg2[%add3A_478] : memref<640000xi32, #tpu.memory_space<hbm>> -> memref<64xi32, #tpu.memory_space<hbm>>
    %dma_start3A_484 = arith.constant 0 : i32
    %dma_start3A_485 = tpu.memref_slice %arg8[%dma_start3A_479, %dma_start3A_484] : memref<3x64xi32, #tpu.memory_space<vmem>> -> memref<1x64xi32, #tpu.memory_space<vmem>>
    %dma_start3A_486 = tpu.memref_squeeze %dma_start3A_485 : memref<1x64xi32, #tpu.memory_space<vmem>> -> memref<64xi32, #tpu.memory_space<vmem>>
    %dma_start3A_487 = tpu.memref_slice %arg2[%add3A_478] : memref<640000xi32, #tpu.memory_space<hbm>> -> memref<64xi32, #tpu.memory_space<hbm>>
    tpu.enqueue_dma source(%dma_start3A_487 : memref<64xi32, #tpu.memory_space<hbm>>) target(%dma_start3A_486 : memref<64xi32, #tpu.memory_space<vmem>>) target_semaphore(%arg22 : memref<!tpu.dma_semaphore, #tpu.memory_space<semaphore_mem>>)
    %dma_wait3A_488 = arith.constant 2 : i32
    %dma_wait3A_489 = arith.constant 2 : i32
    %dma_wait3A_490 = arith.constant 0 : i32
    %dma_wait3A_491 = arith.constant 0 : i32
    %dma_wait3A_492 = tpu.memref_slice %arg12[%dma_wait3A_489, %dma_wait3A_490, %dma_wait3A_491] : memref<3x64x128xf32, #tpu.memory_space<vmem>> -> memref<1x64x128xf32, #tpu.memory_space<vmem>>
    %dma_wait3A_493 = tpu.memref_squeeze %dma_wait3A_492 : memref<1x64x128xf32, #tpu.memory_space<vmem>> -> memref<64x128xf32, #tpu.memory_space<vmem>>
    %dma_wait3A_494 = arith.constant 0 : i32
    %dma_wait3A_495 = tpu.memref_slice %arg7[%dma_wait3A_488, %dma_wait3A_494] : memref<3x64xi32, #tpu.memory_space<vmem>> -> memref<1x64xi32, #tpu.memory_space<vmem>>
    %dma_wait3A_496 = tpu.memref_squeeze %dma_wait3A_495 : memref<1x64xi32, #tpu.memory_space<vmem>> -> memref<64xi32, #tpu.memory_space<vmem>>
    %dma_wait3A_497 = arith.constant 0 : i32
    %dma_wait3A_498 = arith.constant 0 : i32
    %dma_wait3A_499 = tpu.memref_slice %arg3[%dma_wait3A_497, %dma_wait3A_498] : memref<10000x128xf32, #tpu.memory_space<hbm>> -> memref<10000x128xf32, #tpu.memory_space<hbm>>
    tpu.wait_indirect_dma semaphore(%arg18 : memref<!tpu.dma_semaphore, #tpu.memory_space<semaphore_mem>>) src(%dma_wait3A_499 : memref<10000x128xf32, #tpu.memory_space<hbm>>) dst(%dma_wait3A_493 : memref<64x128xf32, #tpu.memory_space<vmem>>)
    %dma_wait3A_500 = arith.constant 1 : i32
    %dma_wait3A_501 = arith.constant 1 : i32
    %dma_wait3A_502 = arith.constant 0 : i32
    %dma_wait3A_503 = arith.constant 0 : i32
    %dma_wait3A_504 = tpu.memref_slice %arg12[%dma_wait3A_500, %dma_wait3A_502, %dma_wait3A_503] : memref<3x64x128xf32, #tpu.memory_space<vmem>> -> memref<1x64x128xf32, #tpu.memory_space<vmem>>
    %dma_wait3A_505 = tpu.memref_squeeze %dma_wait3A_504 : memref<1x64x128xf32, #tpu.memory_space<vmem>> -> memref<64x128xf32, #tpu.memory_space<vmem>>
    %dma_wait3A_506 = arith.constant 0 : i32
    %dma_wait3A_507 = tpu.memref_slice %arg9[%dma_wait3A_501, %dma_wait3A_506] : memref<2x64xi32, #tpu.memory_space<vmem>> -> memref<1x64xi32, #tpu.memory_space<vmem>>
    %dma_wait3A_508 = tpu.memref_squeeze %dma_wait3A_507 : memref<1x64xi32, #tpu.memory_space<vmem>> -> memref<64xi32, #tpu.memory_space<vmem>>
    %dma_wait3A_509 = arith.constant 0 : i32
    %dma_wait3A_510 = arith.constant 0 : i32
    %dma_wait3A_511 = tpu.memref_slice %arg15[%dma_wait3A_509, %dma_wait3A_510] : memref<10240x128xf32, #tpu.memory_space<vmem_shared>> -> memref<10240x128xf32, #tpu.memory_space<vmem_shared>>
    tpu.wait_indirect_dma semaphore(%arg20 : memref<!tpu.dma_semaphore, #tpu.memory_space<semaphore_mem>>) src(%dma_wait3A_505 : memref<64x128xf32, #tpu.memory_space<vmem>>) dst(%dma_wait3A_511 : memref<10240x128xf32, #tpu.memory_space<vmem_shared>>)
    %dma_wait3A_512 = arith.constant 1 : i32
    %dma_wait3A_513 = arith.constant 0 : i32
    %dma_wait3A_514 = tpu.memref_slice %arg7[%dma_wait3A_512, %dma_wait3A_513] : memref<3x64xi32, #tpu.memory_space<vmem>> -> memref<1x64xi32, #tpu.memory_space<vmem>>
    %dma_wait3A_515 = tpu.memref_squeeze %dma_wait3A_514 : memref<1x64xi32, #tpu.memory_space<vmem>> -> memref<64xi32, #tpu.memory_space<vmem>>
    %dma_wait3A_516 = tpu.memref_slice %arg2[%mul3A_61] : memref<640000xi32, #tpu.memory_space<hbm>> -> memref<64xi32, #tpu.memory_space<hbm>>
    %dma_wait3A_517 = arith.constant 0 : i32
    %dma_wait3A_518 = tpu.memref_slice %arg7[%dma_wait3A_512, %dma_wait3A_517] : memref<3x64xi32, #tpu.memory_space<vmem>> -> memref<1x64xi32, #tpu.memory_space<vmem>>
    %dma_wait3A_519 = tpu.memref_squeeze %dma_wait3A_518 : memref<1x64xi32, #tpu.memory_space<vmem>> -> memref<64xi32, #tpu.memory_space<vmem>>
    %dma_wait3A_520 = tpu.memref_slice %arg2[%mul3A_61] : memref<640000xi32, #tpu.memory_space<hbm>> -> memref<64xi32, #tpu.memory_space<hbm>>
    tpu.wait_dma2 semaphore(%arg22 : memref<!tpu.dma_semaphore, #tpu.memory_space<semaphore_mem>>) src(%dma_wait3A_520 : memref<64xi32, #tpu.memory_space<hbm>>) dst(%dma_wait3A_519 : memref<64xi32, #tpu.memory_space<vmem>>)
    %dma_wait3A_521 = arith.constant 1 : i32
    %dma_wait3A_522 = arith.constant 0 : i32
    %dma_wait3A_523 = tpu.memref_slice %arg8[%dma_wait3A_521, %dma_wait3A_522] : memref<3x64xi32, #tpu.memory_space<vmem>> -> memref<1x64xi32, #tpu.memory_space<vmem>>
    %dma_wait3A_524 = tpu.memref_squeeze %dma_wait3A_523 : memref<1x64xi32, #tpu.memory_space<vmem>> -> memref<64xi32, #tpu.memory_space<vmem>>
    %dma_wait3A_525 = tpu.memref_slice %arg2[%mul3A_61] : memref<640000xi32, #tpu.memory_space<hbm>> -> memref<64xi32, #tpu.memory_space<hbm>>
    %dma_wait3A_526 = arith.constant 0 : i32
    %dma_wait3A_527 = tpu.memref_slice %arg8[%dma_wait3A_521, %dma_wait3A_526] : memref<3x64xi32, #tpu.memory_space<vmem>> -> memref<1x64xi32, #tpu.memory_space<vmem>>
    %dma_wait3A_528 = tpu.memref_squeeze %dma_wait3A_527 : memref<1x64xi32, #tpu.memory_space<vmem>> -> memref<64xi32, #tpu.memory_space<vmem>>
    %dma_wait3A_529 = tpu.memref_slice %arg2[%mul3A_61] : memref<640000xi32, #tpu.memory_space<hbm>> -> memref<64xi32, #tpu.memory_space<hbm>>
    tpu.wait_dma2 semaphore(%arg22 : memref<!tpu.dma_semaphore, #tpu.memory_space<semaphore_mem>>) src(%dma_wait3A_529 : memref<64xi32, #tpu.memory_space<hbm>>) dst(%dma_wait3A_528 : memref<64xi32, #tpu.memory_space<vmem>>)
    %dma_start3A_530 = arith.constant 1 : i32
    %dma_start3A_531 = arith.constant 1 : i32
    %dma_start3A_532 = arith.constant 0 : i32
    %dma_start3A_533 = arith.constant 0 : i32
    %dma_start3A_534 = tpu.memref_slice %arg12[%dma_start3A_531, %dma_start3A_532, %dma_start3A_533] : memref<3x64x128xf32, #tpu.memory_space<vmem>> -> memref<1x64x128xf32, #tpu.memory_space<vmem>>
    %dma_start3A_535 = tpu.memref_squeeze %dma_start3A_534 : memref<1x64x128xf32, #tpu.memory_space<vmem>> -> memref<64x128xf32, #tpu.memory_space<vmem>>
    %dma_start3A_536 = arith.constant 0 : i32
    %dma_start3A_537 = tpu.memref_slice %arg7[%dma_start3A_530, %dma_start3A_536] : memref<3x64xi32, #tpu.memory_space<vmem>> -> memref<1x64xi32, #tpu.memory_space<vmem>>
    %dma_start3A_538 = tpu.memref_squeeze %dma_start3A_537 : memref<1x64xi32, #tpu.memory_space<vmem>> -> memref<64xi32, #tpu.memory_space<vmem>>
    %dma_start3A_539 = arith.constant 0 : i32
    %dma_start3A_540 = arith.constant 0 : i32
    %dma_start3A_541 = tpu.memref_slice %arg3[%dma_start3A_539, %dma_start3A_540] : memref<10000x128xf32, #tpu.memory_space<hbm>> -> memref<10000x128xf32, #tpu.memory_space<hbm>>
    tpu.enqueue_indirect_dma source(%dma_start3A_541 : memref<10000x128xf32, #tpu.memory_space<hbm>>) target(%dma_start3A_535 : memref<64x128xf32, #tpu.memory_space<vmem>>) offsets(%dma_start3A_538 : memref<64xi32, #tpu.memory_space<vmem>>) semaphore(%arg17 : memref<!tpu.dma_semaphore, #tpu.memory_space<semaphore_mem>>)
    %get3A_542 = arith.constant 2 : i32
    %get3A_543 = arith.index_cast %get3A_542 : i32 to index
    %get3A_544 = arith.constant 0 : index
    %get3A_545 = tpu.vector_load %arg8[%get3A_543, %get3A_544] {strides = array<i32>} : memref<3x64xi32, #tpu.memory_space<vmem>>, vector<16xi32>,
    %swap3A_546 = arith.constant 0 : i32
    %swap3A_547 = arith.index_cast %swap3A_546 : i32 to index
    %swap3A_548 = arith.constant 0 : index
    %swap3A_549 = tpu.vector_load %arg9[%swap3A_547, %swap3A_548] {strides = array<i32>} : memref<2x64xi32, #tpu.memory_space<vmem>>, vector<16xi32>,
    tpu.vector_store %arg9[%swap3A_547, %swap3A_548], %get3A_545 {strides = array<i32>} : memref<2x64xi32, #tpu.memory_space<vmem>>, vector<16xi32>,
    %get3A_550 = arith.constant 2 : i32
    %get3A_551 = arith.index_cast %get3A_550 : i32 to index
    %get3A_552 = arith.constant 16 : index
    %get3A_553 = tpu.vector_load %arg8[%get3A_551, %get3A_552] {strides = array<i32>} : memref<3x64xi32, #tpu.memory_space<vmem>>, vector<16xi32>,
    %swap3A_554 = arith.constant 0 : i32
    %swap3A_555 = arith.index_cast %swap3A_554 : i32 to index
    %swap3A_556 = arith.constant 16 : index
    %swap3A_557 = tpu.vector_load %arg9[%swap3A_555, %swap3A_556] {strides = array<i32>} : memref<2x64xi32, #tpu.memory_space<vmem>>, vector<16xi32>,
    tpu.vector_store %arg9[%swap3A_555, %swap3A_556], %get3A_553 {strides = array<i32>} : memref<2x64xi32, #tpu.memory_space<vmem>>, vector<16xi32>,
    %get3A_558 = arith.constant 2 : i32
    %get3A_559 = arith.index_cast %get3A_558 : i32 to index
    %get3A_560 = arith.constant 32 : index
    %get3A_561 = tpu.vector_load %arg8[%get3A_559, %get3A_560] {strides = array<i32>} : memref<3x64xi32, #tpu.memory_space<vmem>>, vector<16xi32>,
    %swap3A_562 = arith.constant 0 : i32
    %swap3A_563 = arith.index_cast %swap3A_562 : i32 to index
    %swap3A_564 = arith.constant 32 : index
    %swap3A_565 = tpu.vector_load %arg9[%swap3A_563, %swap3A_564] {strides = array<i32>} : memref<2x64xi32, #tpu.memory_space<vmem>>, vector<16xi32>,
    tpu.vector_store %arg9[%swap3A_563, %swap3A_564], %get3A_561 {strides = array<i32>} : memref<2x64xi32, #tpu.memory_space<vmem>>, vector<16xi32>,
    %get3A_566 = arith.constant 2 : i32
    %get3A_567 = arith.index_cast %get3A_566 : i32 to index
    %get3A_568 = arith.constant 48 : index
    %get3A_569 = tpu.vector_load %arg8[%get3A_567, %get3A_568] {strides = array<i32>} : memref<3x64xi32, #tpu.memory_space<vmem>>, vector<16xi32>,
    %swap3A_570 = arith.constant 0 : i32
    %swap3A_571 = arith.index_cast %swap3A_570 : i32 to index
    %swap3A_572 = arith.constant 48 : index
    %swap3A_573 = tpu.vector_load %arg9[%swap3A_571, %swap3A_572] {strides = array<i32>} : memref<2x64xi32, #tpu.memory_space<vmem>>, vector<16xi32>,
    tpu.vector_store %arg9[%swap3A_571, %swap3A_572], %get3A_569 {strides = array<i32>} : memref<2x64xi32, #tpu.memory_space<vmem>>, vector<16xi32>,
    %dma_start3A_574 = arith.constant 2 : i32
    %dma_start3A_575 = arith.constant 0 : i32
    %dma_start3A_576 = arith.constant 0 : i32
    %dma_start3A_577 = arith.constant 0 : i32
    %dma_start3A_578 = tpu.memref_slice %arg12[%dma_start3A_574, %dma_start3A_576, %dma_start3A_577] : memref<3x64x128xf32, #tpu.memory_space<vmem>> -> memref<1x64x128xf32, #tpu.memory_space<vmem>>
    %dma_start3A_579 = tpu.memref_squeeze %dma_start3A_578 : memref<1x64x128xf32, #tpu.memory_space<vmem>> -> memref<64x128xf32, #tpu.memory_space<vmem>>
    %dma_start3A_580 = arith.constant 0 : i32
    %dma_start3A_581 = tpu.memref_slice %arg9[%dma_start3A_575, %dma_start3A_580] : memref<2x64xi32, #tpu.memory_space<vmem>> -> memref<1x64xi32, #tpu.memory_space<vmem>>
    %dma_start3A_582 = tpu.memref_squeeze %dma_start3A_581 : memref<1x64xi32, #tpu.memory_space<vmem>> -> memref<64xi32, #tpu.memory_space<vmem>>
    %dma_start3A_583 = arith.constant 0 : i32
    %dma_start3A_584 = arith.constant 0 : i32
    %dma_start3A_585 = tpu.memref_slice %arg15[%dma_start3A_583, %dma_start3A_584] : memref<10240x128xf32, #tpu.memory_space<vmem_shared>> -> memref<10240x128xf32, #tpu.memory_space<vmem_shared>>
    tpu.enqueue_indirect_dma source(%dma_start3A_579 : memref<64x128xf32, #tpu.memory_space<vmem>>) target(%dma_start3A_585 : memref<10240x128xf32, #tpu.memory_space<vmem_shared>>) offsets(%dma_start3A_582 : memref<64xi32, #tpu.memory_space<vmem>>) semaphore(%arg19 : memref<!tpu.dma_semaphore, #tpu.memory_space<semaphore_mem>>) {add = true}
    %get3A_586 = arith.constant 2 : i32
    %get3A_587 = arith.index_cast %get3A_586 : i32 to index
    %get3A_588 = arith.constant 0 : index
    %get3A_589 = tpu.vector_load %arg7[%get3A_587, %get3A_588] {strides = array<i32>} : memref<3x64xi32, #tpu.memory_space<vmem>>, vector<16xi32>,
    %get3A_590 = arith.constant 2 : i32
    %get3A_591 = arith.index_cast %get3A_590 : i32 to index
    %get3A_592 = arith.constant 0 : index
    %get3A_593 = tpu.vector_load %arg8[%get3A_591, %get3A_592] {strides = array<i32>} : memref<3x64xi32, #tpu.memory_space<vmem>>, vector<16xi32>,
    %gather3A_594 = tpu.vector_load_idx %arg13[%get3A_589] : memref<10000xf32, #tpu.memory_space<vmem>>[vector<16xi32>], vector<16xf32>,
    tpu.vector_store_idx %arg14[%get3A_593], %gather3A_594 {add = true} : memref<10000xf32, #tpu.memory_space<vmem>>[vector<16xi32>], vector<16xf32>,
    %get3A_595 = arith.constant 2 : i32
    %get3A_596 = arith.index_cast %get3A_595 : i32 to index
    %get3A_597 = arith.constant 16 : index
    %get3A_598 = tpu.vector_load %arg7[%get3A_596, %get3A_597] {strides = array<i32>} : memref<3x64xi32, #tpu.memory_space<vmem>>, vector<16xi32>,
    %get3A_599 = arith.constant 2 : i32
    %get3A_600 = arith.index_cast %get3A_599 : i32 to index
    %get3A_601 = arith.constant 16 : index
    %get3A_602 = tpu.vector_load %arg8[%get3A_600, %get3A_601] {strides = array<i32>} : memref<3x64xi32, #tpu.memory_space<vmem>>, vector<16xi32>,
    %gather3A_603 = tpu.vector_load_idx %arg13[%get3A_598] : memref<10000xf32, #tpu.memory_space<vmem>>[vector<16xi32>], vector<16xf32>,
    tpu.vector_store_idx %arg14[%get3A_602], %gather3A_603 {add = true} : memref<10000xf32, #tpu.memory_space<vmem>>[vector<16xi32>], vector<16xf32>,
    %get3A_604 = arith.constant 2 : i32
    %get3A_605 = arith.index_cast %get3A_604 : i32 to index
    %get3A_606 = arith.constant 32 : index
    %get3A_607 = tpu.vector_load %arg7[%get3A_605, %get3A_606] {strides = array<i32>} : memref<3x64xi32, #tpu.memory_space<vmem>>, vector<16xi32>,
    %get3A_608 = arith.constant 2 : i32
    %get3A_609 = arith.index_cast %get3A_608 : i32 to index
    %get3A_610 = arith.constant 32 : index
    %get3A_611 = tpu.vector_load %arg8[%get3A_609, %get3A_610] {strides = array<i32>} : memref<3x64xi32, #tpu.memory_space<vmem>>, vector<16xi32>,
    %gather3A_612 = tpu.vector_load_idx %arg13[%get3A_607] : memref<10000xf32, #tpu.memory_space<vmem>>[vector<16xi32>], vector<16xf32>,
    tpu.vector_store_idx %arg14[%get3A_611], %gather3A_612 {add = true} : memref<10000xf32, #tpu.memory_space<vmem>>[vector<16xi32>], vector<16xf32>,
    %get3A_613 = arith.constant 2 : i32
    %get3A_614 = arith.index_cast %get3A_613 : i32 to index
    %get3A_615 = arith.constant 48 : index
    %get3A_616 = tpu.vector_load %arg7[%get3A_614, %get3A_615] {strides = array<i32>} : memref<3x64xi32, #tpu.memory_space<vmem>>, vector<16xi32>,
    %get3A_617 = arith.constant 2 : i32
    %get3A_618 = arith.index_cast %get3A_617 : i32 to index
    %get3A_619 = arith.constant 48 : index
    %get3A_620 = tpu.vector_load %arg8[%get3A_618, %get3A_619] {strides = array<i32>} : memref<3x64xi32, #tpu.memory_space<vmem>>, vector<16xi32>,
    %gather3A_621 = tpu.vector_load_idx %arg13[%get3A_616] : memref<10000xf32, #tpu.memory_space<vmem>>[vector<16xi32>], vector<16xf32>,
    tpu.vector_store_idx %arg14[%get3A_620], %gather3A_621 {add = true} : memref<10000xf32, #tpu.memory_space<vmem>>[vector<16xi32>], vector<16xf32>,
    %add3A_622 = arith.constant 9920 : i32
    %add3A_623 = arith.addi %mul3A_61, %add3A_622 : i32
    %dma_start3A_624 = arith.constant 2 : i32
    %dma_start3A_625 = arith.constant 0 : i32
    %dma_start3A_626 = tpu.memref_slice %arg7[%dma_start3A_624, %dma_start3A_625] : memref<3x64xi32, #tpu.memory_space<vmem>> -> memref<1x64xi32, #tpu.memory_space<vmem>>
    %dma_start3A_627 = tpu.memref_squeeze %dma_start3A_626 : memref<1x64xi32, #tpu.memory_space<vmem>> -> memref<64xi32, #tpu.memory_space<vmem>>
    %dma_start3A_628 = tpu.memref_slice %arg2[%add3A_623] : memref<640000xi32, #tpu.memory_space<hbm>> -> memref<64xi32, #tpu.memory_space<hbm>>
    %dma_start3A_629 = arith.constant 0 : i32
    %dma_start3A_630 = tpu.memref_slice %arg7[%dma_start3A_624, %dma_start3A_629] : memref<3x64xi32, #tpu.memory_space<vmem>> -> memref<1x64xi32, #tpu.memory_space<vmem>>
    %dma_start3A_631 = tpu.memref_squeeze %dma_start3A_630 : memref<1x64xi32, #tpu.memory_space<vmem>> -> memref<64xi32, #tpu.memory_space<vmem>>
    %dma_start3A_632 = tpu.memref_slice %arg2[%add3A_623] : memref<640000xi32, #tpu.memory_space<hbm>> -> memref<64xi32, #tpu.memory_space<hbm>>
    tpu.enqueue_dma source(%dma_start3A_632 : memref<64xi32, #tpu.memory_space<hbm>>) target(%dma_start3A_631 : memref<64xi32, #tpu.memory_space<vmem>>) target_semaphore(%arg23 : memref<!tpu.dma_semaphore, #tpu.memory_space<semaphore_mem>>)
    %add3A_633 = arith.constant 320000 : i32
    %add3A_634 = arith.addi %add3A_633, %add3A_623 : i32
    %dma_start3A_635 = arith.constant 2 : i32
    %dma_start3A_636 = arith.constant 0 : i32
    %dma_start3A_637 = tpu.memref_slice %arg8[%dma_start3A_635, %dma_start3A_636] : memref<3x64xi32, #tpu.memory_space<vmem>> -> memref<1x64xi32, #tpu.memory_space<vmem>>
    %dma_start3A_638 = tpu.memref_squeeze %dma_start3A_637 : memref<1x64xi32, #tpu.memory_space<vmem>> -> memref<64xi32, #tpu.memory_space<vmem>>
    %dma_start3A_639 = tpu.memref_slice %arg2[%add3A_634] : memref<640000xi32, #tpu.memory_space<hbm>> -> memref<64xi32, #tpu.memory_space<hbm>>
    %dma_start3A_640 = arith.constant 0 : i32
    %dma_start3A_641 = tpu.memref_slice %arg8[%dma_start3A_635, %dma_start3A_640] : memref<3x64xi32, #tpu.memory_space<vmem>> -> memref<1x64xi32, #tpu.memory_space<vmem>>
    %dma_start3A_642 = tpu.memref_squeeze %dma_start3A_641 : memref<1x64xi32, #tpu.memory_space<vmem>> -> memref<64xi32, #tpu.memory_space<vmem>>
    %dma_start3A_643 = tpu.memref_slice %arg2[%add3A_634] : memref<640000xi32, #tpu.memory_space<hbm>> -> memref<64xi32, #tpu.memory_space<hbm>>
    tpu.enqueue_dma source(%dma_start3A_643 : memref<64xi32, #tpu.memory_space<hbm>>) target(%dma_start3A_642 : memref<64xi32, #tpu.memory_space<vmem>>) target_semaphore(%arg23 : memref<!tpu.dma_semaphore, #tpu.memory_space<semaphore_mem>>)
    %dma_wait3A_644 = arith.constant 0 : i32
    %dma_wait3A_645 = arith.constant 0 : i32
    %dma_wait3A_646 = arith.constant 0 : i32
    %dma_wait3A_647 = arith.constant 0 : i32
    %dma_wait3A_648 = tpu.memref_slice %arg12[%dma_wait3A_645, %dma_wait3A_646, %dma_wait3A_647] : memref<3x64x128xf32, #tpu.memory_space<vmem>> -> memref<1x64x128xf32, #tpu.memory_space<vmem>>
    %dma_wait3A_649 = tpu.memref_squeeze %dma_wait3A_648 : memref<1x64x128xf32, #tpu.memory_space<vmem>> -> memref<64x128xf32, #tpu.memory_space<vmem>>
    %dma_wait3A_650 = arith.constant 0 : i32
    %dma_wait3A_651 = tpu.memref_slice %arg7[%dma_wait3A_644, %dma_wait3A_650] : memref<3x64xi32, #tpu.memory_space<vmem>> -> memref<1x64xi32, #tpu.memory_space<vmem>>
    %dma_wait3A_652 = tpu.memref_squeeze %dma_wait3A_651 : memref<1x64xi32, #tpu.memory_space<vmem>> -> memref<64xi32, #tpu.memory_space<vmem>>
    %dma_wait3A_653 = arith.constant 0 : i32
    %dma_wait3A_654 = arith.constant 0 : i32
    %dma_wait3A_655 = tpu.memref_slice %arg3[%dma_wait3A_653, %dma_wait3A_654] : memref<10000x128xf32, #tpu.memory_space<hbm>> -> memref<10000x128xf32, #tpu.memory_space<hbm>>
    tpu.wait_indirect_dma semaphore(%arg16 : memref<!tpu.dma_semaphore, #tpu.memory_space<semaphore_mem>>) src(%dma_wait3A_655 : memref<10000x128xf32, #tpu.memory_space<hbm>>) dst(%dma_wait3A_649 : memref<64x128xf32, #tpu.memory_space<vmem>>)
    %dma_wait3A_656 = arith.constant 2 : i32
    %dma_wait3A_657 = arith.constant 0 : i32
    %dma_wait3A_658 = arith.constant 0 : i32
    %dma_wait3A_659 = arith.constant 0 : i32
    %dma_wait3A_660 = tpu.memref_slice %arg12[%dma_wait3A_656, %dma_wait3A_658, %dma_wait3A_659] : memref<3x64x128xf32, #tpu.memory_space<vmem>> -> memref<1x64x128xf32, #tpu.memory_space<vmem>>
    %dma_wait3A_661 = tpu.memref_squeeze %dma_wait3A_660 : memref<1x64x128xf32, #tpu.memory_space<vmem>> -> memref<64x128xf32, #tpu.memory_space<vmem>>
    %dma_wait3A_662 = arith.constant 0 : i32
    %dma_wait3A_663 = tpu.memref_slice %arg9[%dma_wait3A_657, %dma_wait3A_662] : memref<2x64xi32, #tpu.memory_space<vmem>> -> memref<1x64xi32, #tpu.memory_space<vmem>>
    %dma_wait3A_664 = tpu.memref_squeeze %dma_wait3A_663 : memref<1x64xi32, #tpu.memory_space<vmem>> -> memref<64xi32, #tpu.memory_space<vmem>>
    %dma_wait3A_665 = arith.constant 0 : i32
    %dma_wait3A_666 = arith.constant 0 : i32
    %dma_wait3A_667 = tpu.memref_slice %arg15[%dma_wait3A_665, %dma_wait3A_666] : memref<10240x128xf32, #tpu.memory_space<vmem_shared>> -> memref<10240x128xf32, #tpu.memory_space<vmem_shared>>
    tpu.wait_indirect_dma semaphore(%arg19 : memref<!tpu.dma_semaphore, #tpu.memory_space<semaphore_mem>>) src(%dma_wait3A_661 : memref<64x128xf32, #tpu.memory_space<vmem>>) dst(%dma_wait3A_667 : memref<10240x128xf32, #tpu.memory_space<vmem_shared>>)
    %dma_wait3A_668 = arith.constant 2 : i32
    %dma_wait3A_669 = arith.constant 0 : i32
    %dma_wait3A_670 = tpu.memref_slice %arg7[%dma_wait3A_668, %dma_wait3A_669] : memref<3x64xi32, #tpu.memory_space<vmem>> -> memref<1x64xi32, #tpu.memory_space<vmem>>
    %dma_wait3A_671 = tpu.memref_squeeze %dma_wait3A_670 : memref<1x64xi32, #tpu.memory_space<vmem>> -> memref<64xi32, #tpu.memory_space<vmem>>
    %dma_wait3A_672 = tpu.memref_slice %arg2[%mul3A_61] : memref<640000xi32, #tpu.memory_space<hbm>> -> memref<64xi32, #tpu.memory_space<hbm>>
    %dma_wait3A_673 = arith.constant 0 : i32
    %dma_wait3A_674 = tpu.memref_slice %arg7[%dma_wait3A_668, %dma_wait3A_673] : memref<3x64xi32, #tpu.memory_space<vmem>> -> memref<1x64xi32, #tpu.memory_space<vmem>>
    %dma_wait3A_675 = tpu.memref_squeeze %dma_wait3A_674 : memref<1x64xi32, #tpu.memory_space<vmem>> -> memref<64xi32, #tpu.memory_space<vmem>>
    %dma_wait3A_676 = tpu.memref_slice %arg2[%mul3A_61] : memref<640000xi32, #tpu.memory_space<hbm>> -> memref<64xi32, #tpu.memory_space<hbm>>
    tpu.wait_dma2 semaphore(%arg23 : memref<!tpu.dma_semaphore, #tpu.memory_space<semaphore_mem>>) src(%dma_wait3A_676 : memref<64xi32, #tpu.memory_space<hbm>>) dst(%dma_wait3A_675 : memref<64xi32, #tpu.memory_space<vmem>>)
    %dma_wait3A_677 = arith.constant 2 : i32
    %dma_wait3A_678 = arith.constant 0 : i32
    %dma_wait3A_679 = tpu.memref_slice %arg8[%dma_wait3A_677, %dma_wait3A_678] : memref<3x64xi32, #tpu.memory_space<vmem>> -> memref<1x64xi32, #tpu.memory_space<vmem>>
    %dma_wait3A_680 = tpu.memref_squeeze %dma_wait3A_679 : memref<1x64xi32, #tpu.memory_space<vmem>> -> memref<64xi32, #tpu.memory_space<vmem>>
    %dma_wait3A_681 = tpu.memref_slice %arg2[%mul3A_61] : memref<640000xi32, #tpu.memory_space<hbm>> -> memref<64xi32, #tpu.memory_space<hbm>>
    %dma_wait3A_682 = arith.constant 0 : i32
    %dma_wait3A_683 = tpu.memref_slice %arg8[%dma_wait3A_677, %dma_wait3A_682] : memref<3x64xi32, #tpu.memory_space<vmem>> -> memref<1x64xi32, #tpu.memory_space<vmem>>
    %dma_wait3A_684 = tpu.memref_squeeze %dma_wait3A_683 : memref<1x64xi32, #tpu.memory_space<vmem>> -> memref<64xi32, #tpu.memory_space<vmem>>
    %dma_wait3A_685 = tpu.memref_slice %arg2[%mul3A_61] : memref<640000xi32, #tpu.memory_space<hbm>> -> memref<64xi32, #tpu.memory_space<hbm>>
    tpu.wait_dma2 semaphore(%arg23 : memref<!tpu.dma_semaphore, #tpu.memory_space<semaphore_mem>>) src(%dma_wait3A_685 : memref<64xi32, #tpu.memory_space<hbm>>) dst(%dma_wait3A_684 : memref<64xi32, #tpu.memory_space<vmem>>)
    %dma_start3A_686 = arith.constant 2 : i32
    %dma_start3A_687 = arith.constant 2 : i32
    %dma_start3A_688 = arith.constant 0 : i32
    %dma_start3A_689 = arith.constant 0 : i32
    %dma_start3A_690 = tpu.memref_slice %arg12[%dma_start3A_687, %dma_start3A_688, %dma_start3A_689] : memref<3x64x128xf32, #tpu.memory_space<vmem>> -> memref<1x64x128xf32, #tpu.memory_space<vmem>>
    %dma_start3A_691 = tpu.memref_squeeze %dma_start3A_690 : memref<1x64x128xf32, #tpu.memory_space<vmem>> -> memref<64x128xf32, #tpu.memory_space<vmem>>
    %dma_start3A_692 = arith.constant 0 : i32
    %dma_start3A_693 = tpu.memref_slice %arg7[%dma_start3A_686, %dma_start3A_692] : memref<3x64xi32, #tpu.memory_space<vmem>> -> memref<1x64xi32, #tpu.memory_space<vmem>>
    %dma_start3A_694 = tpu.memref_squeeze %dma_start3A_693 : memref<1x64xi32, #tpu.memory_space<vmem>> -> memref<64xi32, #tpu.memory_space<vmem>>
    %dma_start3A_695 = arith.constant 0 : i32
    %dma_start3A_696 = arith.constant 0 : i32
    %dma_start3A_697 = tpu.memref_slice %arg3[%dma_start3A_695, %dma_start3A_696] : memref<10000x128xf32, #tpu.memory_space<hbm>> -> memref<10000x128xf32, #tpu.memory_space<hbm>>
    tpu.enqueue_indirect_dma source(%dma_start3A_697 : memref<10000x128xf32, #tpu.memory_space<hbm>>) target(%dma_start3A_691 : memref<64x128xf32, #tpu.memory_space<vmem>>) offsets(%dma_start3A_694 : memref<64xi32, #tpu.memory_space<vmem>>) semaphore(%arg18 : memref<!tpu.dma_semaphore, #tpu.memory_space<semaphore_mem>>)
    %get3A_698 = arith.constant 0 : i32
    %get3A_699 = arith.index_cast %get3A_698 : i32 to index
    %get3A_700 = arith.constant 0 : index
    %get3A_701 = tpu.vector_load %arg8[%get3A_699, %get3A_700] {strides = array<i32>} : memref<3x64xi32, #tpu.memory_space<vmem>>, vector<16xi32>,
    %swap3A_702 = arith.constant 1 : i32
    %swap3A_703 = arith.index_cast %swap3A_702 : i32 to index
    %swap3A_704 = arith.constant 0 : index
    %swap3A_705 = tpu.vector_load %arg9[%swap3A_703, %swap3A_704] {strides = array<i32>} : memref<2x64xi32, #tpu.memory_space<vmem>>, vector<16xi32>,
    tpu.vector_store %arg9[%swap3A_703, %swap3A_704], %get3A_701 {strides = array<i32>} : memref<2x64xi32, #tpu.memory_space<vmem>>, vector<16xi32>,
    %get3A_706 = arith.constant 0 : i32
    %get3A_707 = arith.index_cast %get3A_706 : i32 to index
    %get3A_708 = arith.constant 16 : index
    %get3A_709 = tpu.vector_load %arg8[%get3A_707, %get3A_708] {strides = array<i32>} : memref<3x64xi32, #tpu.memory_space<vmem>>, vector<16xi32>,
    %swap3A_710 = arith.constant 1 : i32
    %swap3A_711 = arith.index_cast %swap3A_710 : i32 to index
    %swap3A_712 = arith.constant 16 : index
    %swap3A_713 = tpu.vector_load %arg9[%swap3A_711, %swap3A_712] {strides = array<i32>} : memref<2x64xi32, #tpu.memory_space<vmem>>, vector<16xi32>,
    tpu.vector_store %arg9[%swap3A_711, %swap3A_712], %get3A_709 {strides = array<i32>} : memref<2x64xi32, #tpu.memory_space<vmem>>, vector<16xi32>,
    %get3A_714 = arith.constant 0 : i32
    %get3A_715 = arith.index_cast %get3A_714 : i32 to index
    %get3A_716 = arith.constant 32 : index
    %get3A_717 = tpu.vector_load %arg8[%get3A_715, %get3A_716] {strides = array<i32>} : memref<3x64xi32, #tpu.memory_space<vmem>>, vector<16xi32>,
    %swap3A_718 = arith.constant 1 : i32
    %swap3A_719 = arith.index_cast %swap3A_718 : i32 to index
    %swap3A_720 = arith.constant 32 : index
    %swap3A_721 = tpu.vector_load %arg9[%swap3A_719, %swap3A_720] {strides = array<i32>} : memref<2x64xi32, #tpu.memory_space<vmem>>, vector<16xi32>,
    tpu.vector_store %arg9[%swap3A_719, %swap3A_720], %get3A_717 {strides = array<i32>} : memref<2x64xi32, #tpu.memory_space<vmem>>, vector<16xi32>,
    %get3A_722 = arith.constant 0 : i32
    %get3A_723 = arith.index_cast %get3A_722 : i32 to index
    %get3A_724 = arith.constant 48 : index
    %get3A_725 = tpu.vector_load %arg8[%get3A_723, %get3A_724] {strides = array<i32>} : memref<3x64xi32, #tpu.memory_space<vmem>>, vector<16xi32>,
    %swap3A_726 = arith.constant 1 : i32
    %swap3A_727 = arith.index_cast %swap3A_726 : i32 to index
    %swap3A_728 = arith.constant 48 : index
    %swap3A_729 = tpu.vector_load %arg9[%swap3A_727, %swap3A_728] {strides = array<i32>} : memref<2x64xi32, #tpu.memory_space<vmem>>, vector<16xi32>,
    tpu.vector_store %arg9[%swap3A_727, %swap3A_728], %get3A_725 {strides = array<i32>} : memref<2x64xi32, #tpu.memory_space<vmem>>, vector<16xi32>,
    %dma_start3A_730 = arith.constant 0 : i32
    %dma_start3A_731 = arith.constant 1 : i32
    %dma_start3A_732 = arith.constant 0 : i32
    %dma_start3A_733 = arith.constant 0 : i32
    %dma_start3A_734 = tpu.memref_slice %arg12[%dma_start3A_730, %dma_start3A_732, %dma_start3A_733] : memref<3x64x128xf32, #tpu.memory_space<vmem>> -> memref<1x64x128xf32, #tpu.memory_space<vmem>>
    %dma_start3A_735 = tpu.memref_squeeze %dma_start3A_734 : memref<1x64x128xf32, #tpu.memory_space<vmem>> -> memref<64x128xf32, #tpu.memory_space<vmem>>
    %dma_start3A_736 = arith.constant 0 : i32
    %dma_start3A_737 = tpu.memref_slice %arg9[%dma_start3A_731, %dma_start3A_736] : memref<2x64xi32, #tpu.memory_space<vmem>> -> memref<1x64xi32, #tpu.memory_space<vmem>>
    %dma_start3A_738 = tpu.memref_squeeze %dma_start3A_737 : memref<1x64xi32, #tpu.memory_space<vmem>> -> memref<64xi32, #tpu.memory_space<vmem>>
    %dma_start3A_739 = arith.constant 0 : i32
    %dma_start3A_740 = arith.constant 0 : i32
    %dma_start3A_741 = tpu.memref_slice %arg15[%dma_start3A_739, %dma_start3A_740] : memref<10240x128xf32, #tpu.memory_space<vmem_shared>> -> memref<10240x128xf32, #tpu.memory_space<vmem_shared>>
    tpu.enqueue_indirect_dma source(%dma_start3A_735 : memref<64x128xf32, #tpu.memory_space<vmem>>) target(%dma_start3A_741 : memref<10240x128xf32, #tpu.memory_space<vmem_shared>>) offsets(%dma_start3A_738 : memref<64xi32, #tpu.memory_space<vmem>>) semaphore(%arg20 : memref<!tpu.dma_semaphore, #tpu.memory_space<semaphore_mem>>) {add = true}
    %get3A_742 = arith.constant 0 : i32
    %get3A_743 = arith.index_cast %get3A_742 : i32 to index
    %get3A_744 = arith.constant 0 : index
    %get3A_745 = tpu.vector_load %arg7[%get3A_743, %get3A_744] {strides = array<i32>} : memref<3x64xi32, #tpu.memory_space<vmem>>, vector<16xi32>,
    %get3A_746 = arith.constant 0 : i32
    %get3A_747 = arith.index_cast %get3A_746 : i32 to index
    %get3A_748 = arith.constant 0 : index
    %get3A_749 = tpu.vector_load %arg8[%get3A_747, %get3A_748] {strides = array<i32>} : memref<3x64xi32, #tpu.memory_space<vmem>>, vector<16xi32>,
    %gather3A_750 = tpu.vector_load_idx %arg13[%get3A_745] : memref<10000xf32, #tpu.memory_space<vmem>>[vector<16xi32>], vector<16xf32>,
    tpu.vector_store_idx %arg14[%get3A_749], %gather3A_750 {add = true} : memref<10000xf32, #tpu.memory_space<vmem>>[vector<16xi32>], vector<16xf32>,
    %get3A_751 = arith.constant 0 : i32
    %get3A_752 = arith.index_cast %get3A_751 : i32 to index
    %get3A_753 = arith.constant 16 : index
    %get3A_754 = tpu.vector_load %arg7[%get3A_752, %get3A_753] {strides = array<i32>} : memref<3x64xi32, #tpu.memory_space<vmem>>, vector<16xi32>,
    %get3A_755 = arith.constant 0 : i32
    %get3A_756 = arith.index_cast %get3A_755 : i32 to index
    %get3A_757 = arith.constant 16 : index
    %get3A_758 = tpu.vector_load %arg8[%get3A_756, %get3A_757] {strides = array<i32>} : memref<3x64xi32, #tpu.memory_space<vmem>>, vector<16xi32>,
    %gather3A_759 = tpu.vector_load_idx %arg13[%get3A_754] : memref<10000xf32, #tpu.memory_space<vmem>>[vector<16xi32>], vector<16xf32>,
    tpu.vector_store_idx %arg14[%get3A_758], %gather3A_759 {add = true} : memref<10000xf32, #tpu.memory_space<vmem>>[vector<16xi32>], vector<16xf32>,
    %get3A_760 = arith.constant 0 : i32
    %get3A_761 = arith.index_cast %get3A_760 : i32 to index
    %get3A_762 = arith.constant 32 : index
    %get3A_763 = tpu.vector_load %arg7[%get3A_761, %get3A_762] {strides = array<i32>} : memref<3x64xi32, #tpu.memory_space<vmem>>, vector<16xi32>,
    %get3A_764 = arith.constant 0 : i32
    %get3A_765 = arith.index_cast %get3A_764 : i32 to index
    %get3A_766 = arith.constant 32 : index
    %get3A_767 = tpu.vector_load %arg8[%get3A_765, %get3A_766] {strides = array<i32>} : memref<3x64xi32, #tpu.memory_space<vmem>>, vector<16xi32>,
    %gather3A_768 = tpu.vector_load_idx %arg13[%get3A_763] : memref<10000xf32, #tpu.memory_space<vmem>>[vector<16xi32>], vector<16xf32>,
    tpu.vector_store_idx %arg14[%get3A_767], %gather3A_768 {add = true} : memref<10000xf32, #tpu.memory_space<vmem>>[vector<16xi32>], vector<16xf32>,
    %get3A_769 = arith.constant 0 : i32
    %get3A_770 = arith.index_cast %get3A_769 : i32 to index
    %get3A_771 = arith.constant 48 : index
    %get3A_772 = tpu.vector_load %arg7[%get3A_770, %get3A_771] {strides = array<i32>} : memref<3x64xi32, #tpu.memory_space<vmem>>, vector<16xi32>,
    %get3A_773 = arith.constant 0 : i32
    %get3A_774 = arith.index_cast %get3A_773 : i32 to index
    %get3A_775 = arith.constant 48 : index
    %get3A_776 = tpu.vector_load %arg8[%get3A_774, %get3A_775] {strides = array<i32>} : memref<3x64xi32, #tpu.memory_space<vmem>>, vector<16xi32>,
    %gather3A_777 = tpu.vector_load_idx %arg13[%get3A_772] : memref<10000xf32, #tpu.memory_space<vmem>>[vector<16xi32>], vector<16xf32>,
    tpu.vector_store_idx %arg14[%get3A_776], %gather3A_777 {add = true} : memref<10000xf32, #tpu.memory_space<vmem>>[vector<16xi32>], vector<16xf32>,
    %dma_wait3A_778 = arith.constant 1 : i32
    %dma_wait3A_779 = arith.constant 1 : i32
    %dma_wait3A_780 = arith.constant 0 : i32
    %dma_wait3A_781 = arith.constant 0 : i32
    %dma_wait3A_782 = tpu.memref_slice %arg12[%dma_wait3A_779, %dma_wait3A_780, %dma_wait3A_781] : memref<3x64x128xf32, #tpu.memory_space<vmem>> -> memref<1x64x128xf32, #tpu.memory_space<vmem>>
    %dma_wait3A_783 = tpu.memref_squeeze %dma_wait3A_782 : memref<1x64x128xf32, #tpu.memory_space<vmem>> -> memref<64x128xf32, #tpu.memory_space<vmem>>
    %dma_wait3A_784 = arith.constant 0 : i32
    %dma_wait3A_785 = tpu.memref_slice %arg7[%dma_wait3A_778, %dma_wait3A_784] : memref<3x64xi32, #tpu.memory_space<vmem>> -> memref<1x64xi32, #tpu.memory_space<vmem>>
    %dma_wait3A_786 = tpu.memref_squeeze %dma_wait3A_785 : memref<1x64xi32, #tpu.memory_space<vmem>> -> memref<64xi32, #tpu.memory_space<vmem>>
    %dma_wait3A_787 = arith.constant 0 : i32
    %dma_wait3A_788 = arith.constant 0 : i32
    %dma_wait3A_789 = tpu.memref_slice %arg3[%dma_wait3A_787, %dma_wait3A_788] : memref<10000x128xf32, #tpu.memory_space<hbm>> -> memref<10000x128xf32, #tpu.memory_space<hbm>>
    tpu.wait_indirect_dma semaphore(%arg17 : memref<!tpu.dma_semaphore, #tpu.memory_space<semaphore_mem>>) src(%dma_wait3A_789 : memref<10000x128xf32, #tpu.memory_space<hbm>>) dst(%dma_wait3A_783 : memref<64x128xf32, #tpu.memory_space<vmem>>)
    %dma_wait3A_790 = arith.constant 0 : i32
    %dma_wait3A_791 = arith.constant 1 : i32
    %dma_wait3A_792 = arith.constant 0 : i32
    %dma_wait3A_793 = arith.constant 0 : i32
    %dma_wait3A_794 = tpu.memref_slice %arg12[%dma_wait3A_790, %dma_wait3A_792, %dma_wait3A_793] : memref<3x64x128xf32, #tpu.memory_space<vmem>> -> memref<1x64x128xf32, #tpu.memory_space<vmem>>
    %dma_wait3A_795 = tpu.memref_squeeze %dma_wait3A_794 : memref<1x64x128xf32, #tpu.memory_space<vmem>> -> memref<64x128xf32, #tpu.memory_space<vmem>>
    %dma_wait3A_796 = arith.constant 0 : i32
    %dma_wait3A_797 = tpu.memref_slice %arg9[%dma_wait3A_791, %dma_wait3A_796] : memref<2x64xi32, #tpu.memory_space<vmem>> -> memref<1x64xi32, #tpu.memory_space<vmem>>
    %dma_wait3A_798 = tpu.memref_squeeze %dma_wait3A_797 : memref<1x64xi32, #tpu.memory_space<vmem>> -> memref<64xi32, #tpu.memory_space<vmem>>
    %dma_wait3A_799 = arith.constant 0 : i32
    %dma_wait3A_800 = arith.constant 0 : i32
    %dma_wait3A_801 = tpu.memref_slice %arg15[%dma_wait3A_799, %dma_wait3A_800] : memref<10240x128xf32, #tpu.memory_space<vmem_shared>> -> memref<10240x128xf32, #tpu.memory_space<vmem_shared>>
    tpu.wait_indirect_dma semaphore(%arg20 : memref<!tpu.dma_semaphore, #tpu.memory_space<semaphore_mem>>) src(%dma_wait3A_795 : memref<64x128xf32, #tpu.memory_space<vmem>>) dst(%dma_wait3A_801 : memref<10240x128xf32, #tpu.memory_space<vmem_shared>>)
    %get3A_802 = arith.constant 1 : i32
    %get3A_803 = arith.index_cast %get3A_802 : i32 to index
    %get3A_804 = arith.constant 0 : index
    %get3A_805 = tpu.vector_load %arg8[%get3A_803, %get3A_804] {strides = array<i32>} : memref<3x64xi32, #tpu.memory_space<vmem>>, vector<16xi32>,
    %swap3A_806 = arith.constant 0 : i32
    %swap3A_807 = arith.index_cast %swap3A_806 : i32 to index
    %swap3A_808 = arith.constant 0 : index
    %swap3A_809 = tpu.vector_load %arg9[%swap3A_807, %swap3A_808] {strides = array<i32>} : memref<2x64xi32, #tpu.memory_space<vmem>>, vector<16xi32>,
    tpu.vector_store %arg9[%swap3A_807, %swap3A_808], %get3A_805 {strides = array<i32>} : memref<2x64xi32, #tpu.memory_space<vmem>>, vector<16xi32>,
    %get3A_810 = arith.constant 1 : i32
    %get3A_811 = arith.index_cast %get3A_810 : i32 to index
    %get3A_812 = arith.constant 16 : index
    %get3A_813 = tpu.vector_load %arg8[%get3A_811, %get3A_812] {strides = array<i32>} : memref<3x64xi32, #tpu.memory_space<vmem>>, vector<16xi32>,
    %swap3A_814 = arith.constant 0 : i32
    %swap3A_815 = arith.index_cast %swap3A_814 : i32 to index
    %swap3A_816 = arith.constant 16 : index
    %swap3A_817 = tpu.vector_load %arg9[%swap3A_815, %swap3A_816] {strides = array<i32>} : memref<2x64xi32, #tpu.memory_space<vmem>>, vector<16xi32>,
    tpu.vector_store %arg9[%swap3A_815, %swap3A_816], %get3A_813 {strides = array<i32>} : memref<2x64xi32, #tpu.memory_space<vmem>>, vector<16xi32>,
    %get3A_818 = arith.constant 1 : i32
    %get3A_819 = arith.index_cast %get3A_818 : i32 to index
    %get3A_820 = arith.constant 32 : index
    %get3A_821 = tpu.vector_load %arg8[%get3A_819, %get3A_820] {strides = array<i32>} : memref<3x64xi32, #tpu.memory_space<vmem>>, vector<16xi32>,
    %swap3A_822 = arith.constant 0 : i32
    %swap3A_823 = arith.index_cast %swap3A_822 : i32 to index
    %swap3A_824 = arith.constant 32 : index
    %swap3A_825 = tpu.vector_load %arg9[%swap3A_823, %swap3A_824] {strides = array<i32>} : memref<2x64xi32, #tpu.memory_space<vmem>>, vector<16xi32>,
    tpu.vector_store %arg9[%swap3A_823, %swap3A_824], %get3A_821 {strides = array<i32>} : memref<2x64xi32, #tpu.memory_space<vmem>>, vector<16xi32>,
    %get3A_826 = arith.constant 1 : i32
    %get3A_827 = arith.index_cast %get3A_826 : i32 to index
    %get3A_828 = arith.constant 48 : index
    %get3A_829 = tpu.vector_load %arg8[%get3A_827, %get3A_828] {strides = array<i32>} : memref<3x64xi32, #tpu.memory_space<vmem>>, vector<16xi32>,
    %swap3A_830 = arith.constant 0 : i32
    %swap3A_831 = arith.index_cast %swap3A_830 : i32 to index
    %swap3A_832 = arith.constant 48 : index
    %swap3A_833 = tpu.vector_load %arg9[%swap3A_831, %swap3A_832] {strides = array<i32>} : memref<2x64xi32, #tpu.memory_space<vmem>>, vector<16xi32>,
    tpu.vector_store %arg9[%swap3A_831, %swap3A_832], %get3A_829 {strides = array<i32>} : memref<2x64xi32, #tpu.memory_space<vmem>>, vector<16xi32>,
    %dma_start3A_834 = arith.constant 1 : i32
    %dma_start3A_835 = arith.constant 0 : i32
    %dma_start3A_836 = arith.constant 0 : i32
    %dma_start3A_837 = arith.constant 0 : i32
    %dma_start3A_838 = tpu.memref_slice %arg12[%dma_start3A_834, %dma_start3A_836, %dma_start3A_837] : memref<3x64x128xf32, #tpu.memory_space<vmem>> -> memref<1x64x128xf32, #tpu.memory_space<vmem>>
    %dma_start3A_839 = tpu.memref_squeeze %dma_start3A_838 : memref<1x64x128xf32, #tpu.memory_space<vmem>> -> memref<64x128xf32, #tpu.memory_space<vmem>>
    %dma_start3A_840 = arith.constant 0 : i32
    %dma_start3A_841 = tpu.memref_slice %arg9[%dma_start3A_835, %dma_start3A_840] : memref<2x64xi32, #tpu.memory_space<vmem>> -> memref<1x64xi32, #tpu.memory_space<vmem>>
    %dma_start3A_842 = tpu.memref_squeeze %dma_start3A_841 : memref<1x64xi32, #tpu.memory_space<vmem>> -> memref<64xi32, #tpu.memory_space<vmem>>
    %dma_start3A_843 = arith.constant 0 : i32
    %dma_start3A_844 = arith.constant 0 : i32
    %dma_start3A_845 = tpu.memref_slice %arg15[%dma_start3A_843, %dma_start3A_844] : memref<10240x128xf32, #tpu.memory_space<vmem_shared>> -> memref<10240x128xf32, #tpu.memory_space<vmem_shared>>
    tpu.enqueue_indirect_dma source(%dma_start3A_839 : memref<64x128xf32, #tpu.memory_space<vmem>>) target(%dma_start3A_845 : memref<10240x128xf32, #tpu.memory_space<vmem_shared>>) offsets(%dma_start3A_842 : memref<64xi32, #tpu.memory_space<vmem>>) semaphore(%arg19 : memref<!tpu.dma_semaphore, #tpu.memory_space<semaphore_mem>>) {add = true}
    %get3A_846 = arith.constant 1 : i32
    %get3A_847 = arith.index_cast %get3A_846 : i32 to index
    %get3A_848 = arith.constant 0 : index
    %get3A_849 = tpu.vector_load %arg7[%get3A_847, %get3A_848] {strides = array<i32>} : memref<3x64xi32, #tpu.memory_space<vmem>>, vector<16xi32>,
    %get3A_850 = arith.constant 1 : i32
    %get3A_851 = arith.index_cast %get3A_850 : i32 to index
    %get3A_852 = arith.constant 0 : index
    %get3A_853 = tpu.vector_load %arg8[%get3A_851, %get3A_852] {strides = array<i32>} : memref<3x64xi32, #tpu.memory_space<vmem>>, vector<16xi32>,
    %gather3A_854 = tpu.vector_load_idx %arg13[%get3A_849] : memref<10000xf32, #tpu.memory_space<vmem>>[vector<16xi32>], vector<16xf32>,
    tpu.vector_store_idx %arg14[%get3A_853], %gather3A_854 {add = true} : memref<10000xf32, #tpu.memory_space<vmem>>[vector<16xi32>], vector<16xf32>,
    %get3A_855 = arith.constant 1 : i32
    %get3A_856 = arith.index_cast %get3A_855 : i32 to index
    %get3A_857 = arith.constant 16 : index
    %get3A_858 = tpu.vector_load %arg7[%get3A_856, %get3A_857] {strides = array<i32>} : memref<3x64xi32, #tpu.memory_space<vmem>>, vector<16xi32>,
    %get3A_859 = arith.constant 1 : i32
    %get3A_860 = arith.index_cast %get3A_859 : i32 to index
    %get3A_861 = arith.constant 16 : index
    %get3A_862 = tpu.vector_load %arg8[%get3A_860, %get3A_861] {strides = array<i32>} : memref<3x64xi32, #tpu.memory_space<vmem>>, vector<16xi32>,
    %gather3A_863 = tpu.vector_load_idx %arg13[%get3A_858] : memref<10000xf32, #tpu.memory_space<vmem>>[vector<16xi32>], vector<16xf32>,
    tpu.vector_store_idx %arg14[%get3A_862], %gather3A_863 {add = true} : memref<10000xf32, #tpu.memory_space<vmem>>[vector<16xi32>], vector<16xf32>,
    %get3A_864 = arith.constant 1 : i32
    %get3A_865 = arith.index_cast %get3A_864 : i32 to index
    %get3A_866 = arith.constant 32 : index
    %get3A_867 = tpu.vector_load %arg7[%get3A_865, %get3A_866] {strides = array<i32>} : memref<3x64xi32, #tpu.memory_space<vmem>>, vector<16xi32>,
    %get3A_868 = arith.constant 1 : i32
    %get3A_869 = arith.index_cast %get3A_868 : i32 to index
    %get3A_870 = arith.constant 32 : index
    %get3A_871 = tpu.vector_load %arg8[%get3A_869, %get3A_870] {strides = array<i32>} : memref<3x64xi32, #tpu.memory_space<vmem>>, vector<16xi32>,
    %gather3A_872 = tpu.vector_load_idx %arg13[%get3A_867] : memref<10000xf32, #tpu.memory_space<vmem>>[vector<16xi32>], vector<16xf32>,
    tpu.vector_store_idx %arg14[%get3A_871], %gather3A_872 {add = true} : memref<10000xf32, #tpu.memory_space<vmem>>[vector<16xi32>], vector<16xf32>,
    %get3A_873 = arith.constant 1 : i32
    %get3A_874 = arith.index_cast %get3A_873 : i32 to index
    %get3A_875 = arith.constant 48 : index
    %get3A_876 = tpu.vector_load %arg7[%get3A_874, %get3A_875] {strides = array<i32>} : memref<3x64xi32, #tpu.memory_space<vmem>>, vector<16xi32>,
    %get3A_877 = arith.constant 1 : i32
    %get3A_878 = arith.index_cast %get3A_877 : i32 to index
    %get3A_879 = arith.constant 48 : index
    %get3A_880 = tpu.vector_load %arg8[%get3A_878, %get3A_879] {strides = array<i32>} : memref<3x64xi32, #tpu.memory_space<vmem>>, vector<16xi32>,
    %gather3A_881 = tpu.vector_load_idx %arg13[%get3A_876] : memref<10000xf32, #tpu.memory_space<vmem>>[vector<16xi32>], vector<16xf32>,
    tpu.vector_store_idx %arg14[%get3A_880], %gather3A_881 {add = true} : memref<10000xf32, #tpu.memory_space<vmem>>[vector<16xi32>], vector<16xf32>,
    %dma_wait3A_882 = arith.constant 2 : i32
    %dma_wait3A_883 = arith.constant 2 : i32
    %dma_wait3A_884 = arith.constant 0 : i32
    %dma_wait3A_885 = arith.constant 0 : i32
    %dma_wait3A_886 = tpu.memref_slice %arg12[%dma_wait3A_883, %dma_wait3A_884, %dma_wait3A_885] : memref<3x64x128xf32, #tpu.memory_space<vmem>> -> memref<1x64x128xf32, #tpu.memory_space<vmem>>
    %dma_wait3A_887 = tpu.memref_squeeze %dma_wait3A_886 : memref<1x64x128xf32, #tpu.memory_space<vmem>> -> memref<64x128xf32, #tpu.memory_space<vmem>>
    %dma_wait3A_888 = arith.constant 0 : i32
    %dma_wait3A_889 = tpu.memref_slice %arg7[%dma_wait3A_882, %dma_wait3A_888] : memref<3x64xi32, #tpu.memory_space<vmem>> -> memref<1x64xi32, #tpu.memory_space<vmem>>
    %dma_wait3A_890 = tpu.memref_squeeze %dma_wait3A_889 : memref<1x64xi32, #tpu.memory_space<vmem>> -> memref<64xi32, #tpu.memory_space<vmem>>
    %dma_wait3A_891 = arith.constant 0 : i32
    %dma_wait3A_892 = arith.constant 0 : i32
    %dma_wait3A_893 = tpu.memref_slice %arg3[%dma_wait3A_891, %dma_wait3A_892] : memref<10000x128xf32, #tpu.memory_space<hbm>> -> memref<10000x128xf32, #tpu.memory_space<hbm>>
    tpu.wait_indirect_dma semaphore(%arg18 : memref<!tpu.dma_semaphore, #tpu.memory_space<semaphore_mem>>) src(%dma_wait3A_893 : memref<10000x128xf32, #tpu.memory_space<hbm>>) dst(%dma_wait3A_887 : memref<64x128xf32, #tpu.memory_space<vmem>>)
    %dma_wait3A_894 = arith.constant 1 : i32
    %dma_wait3A_895 = arith.constant 0 : i32
    %dma_wait3A_896 = arith.constant 0 : i32
    %dma_wait3A_897 = arith.constant 0 : i32
    %dma_wait3A_898 = tpu.memref_slice %arg12[%dma_wait3A_894, %dma_wait3A_896, %dma_wait3A_897] : memref<3x64x128xf32, #tpu.memory_space<vmem>> -> memref<1x64x128xf32, #tpu.memory_space<vmem>>
    %dma_wait3A_899 = tpu.memref_squeeze %dma_wait3A_898 : memref<1x64x128xf32, #tpu.memory_space<vmem>> -> memref<64x128xf32, #tpu.memory_space<vmem>>
    %dma_wait3A_900 = arith.constant 0 : i32
    %dma_wait3A_901 = tpu.memref_slice %arg9[%dma_wait3A_895, %dma_wait3A_900] : memref<2x64xi32, #tpu.memory_space<vmem>> -> memref<1x64xi32, #tpu.memory_space<vmem>>
    %dma_wait3A_902 = tpu.memref_squeeze %dma_wait3A_901 : memref<1x64xi32, #tpu.memory_space<vmem>> -> memref<64xi32, #tpu.memory_space<vmem>>
    %dma_wait3A_903 = arith.constant 0 : i32
    %dma_wait3A_904 = arith.constant 0 : i32
    %dma_wait3A_905 = tpu.memref_slice %arg15[%dma_wait3A_903, %dma_wait3A_904] : memref<10240x128xf32, #tpu.memory_space<vmem_shared>> -> memref<10240x128xf32, #tpu.memory_space<vmem_shared>>
    tpu.wait_indirect_dma semaphore(%arg19 : memref<!tpu.dma_semaphore, #tpu.memory_space<semaphore_mem>>) src(%dma_wait3A_899 : memref<64x128xf32, #tpu.memory_space<vmem>>) dst(%dma_wait3A_905 : memref<10240x128xf32, #tpu.memory_space<vmem_shared>>)
    %get3A_906 = arith.constant 2 : i32
    %get3A_907 = arith.index_cast %get3A_906 : i32 to index
    %get3A_908 = arith.constant 0 : index
    %get3A_909 = tpu.vector_load %arg8[%get3A_907, %get3A_908] {strides = array<i32>} : memref<3x64xi32, #tpu.memory_space<vmem>>, vector<16xi32>,
    %swap3A_910 = arith.constant 1 : i32
    %swap3A_911 = arith.index_cast %swap3A_910 : i32 to index
    %swap3A_912 = arith.constant 0 : index
    %swap3A_913 = tpu.vector_load %arg9[%swap3A_911, %swap3A_912] {strides = array<i32>} : memref<2x64xi32, #tpu.memory_space<vmem>>, vector<16xi32>,
    tpu.vector_store %arg9[%swap3A_911, %swap3A_912], %get3A_909 {strides = array<i32>} : memref<2x64xi32, #tpu.memory_space<vmem>>, vector<16xi32>,
    %get3A_914 = arith.constant 2 : i32
    %get3A_915 = arith.index_cast %get3A_914 : i32 to index
    %get3A_916 = arith.constant 16 : index
    %get3A_917 = tpu.vector_load %arg8[%get3A_915, %get3A_916] {strides = array<i32>} : memref<3x64xi32, #tpu.memory_space<vmem>>, vector<16xi32>,
    %swap3A_918 = arith.constant 1 : i32
    %swap3A_919 = arith.index_cast %swap3A_918 : i32 to index
    %swap3A_920 = arith.constant 16 : index
    %swap3A_921 = tpu.vector_load %arg9[%swap3A_919, %swap3A_920] {strides = array<i32>} : memref<2x64xi32, #tpu.memory_space<vmem>>, vector<16xi32>,
    tpu.vector_store %arg9[%swap3A_919, %swap3A_920], %get3A_917 {strides = array<i32>} : memref<2x64xi32, #tpu.memory_space<vmem>>, vector<16xi32>,
    %get3A_922 = arith.constant 2 : i32
    %get3A_923 = arith.index_cast %get3A_922 : i32 to index
    %get3A_924 = arith.constant 32 : index
    %get3A_925 = tpu.vector_load %arg8[%get3A_923, %get3A_924] {strides = array<i32>} : memref<3x64xi32, #tpu.memory_space<vmem>>, vector<16xi32>,
    %swap3A_926 = arith.constant 1 : i32
    %swap3A_927 = arith.index_cast %swap3A_926 : i32 to index
    %swap3A_928 = arith.constant 32 : index
    %swap3A_929 = tpu.vector_load %arg9[%swap3A_927, %swap3A_928] {strides = array<i32>} : memref<2x64xi32, #tpu.memory_space<vmem>>, vector<16xi32>,
    tpu.vector_store %arg9[%swap3A_927, %swap3A_928], %get3A_925 {strides = array<i32>} : memref<2x64xi32, #tpu.memory_space<vmem>>, vector<16xi32>,
    %get3A_930 = arith.constant 2 : i32
    %get3A_931 = arith.index_cast %get3A_930 : i32 to index
    %get3A_932 = arith.constant 48 : index
    %get3A_933 = tpu.vector_load %arg8[%get3A_931, %get3A_932] {strides = array<i32>} : memref<3x64xi32, #tpu.memory_space<vmem>>, vector<16xi32>,
    %swap3A_934 = arith.constant 1 : i32
    %swap3A_935 = arith.index_cast %swap3A_934 : i32 to index
    %swap3A_936 = arith.constant 48 : index
    %swap3A_937 = tpu.vector_load %arg9[%swap3A_935, %swap3A_936] {strides = array<i32>} : memref<2x64xi32, #tpu.memory_space<vmem>>, vector<16xi32>,
    tpu.vector_store %arg9[%swap3A_935, %swap3A_936], %get3A_933 {strides = array<i32>} : memref<2x64xi32, #tpu.memory_space<vmem>>, vector<16xi32>,
    %dma_start3A_938 = arith.constant 2 : i32
    %dma_start3A_939 = arith.constant 1 : i32
    %dma_start3A_940 = arith.constant 0 : i32
    %dma_start3A_941 = arith.constant 0 : i32
    %dma_start3A_942 = tpu.memref_slice %arg12[%dma_start3A_938, %dma_start3A_940, %dma_start3A_941] : memref<3x64x128xf32, #tpu.memory_space<vmem>> -> memref<1x64x128xf32, #tpu.memory_space<vmem>>
    %dma_start3A_943 = tpu.memref_squeeze %dma_start3A_942 : memref<1x64x128xf32, #tpu.memory_space<vmem>> -> memref<64x128xf32, #tpu.memory_space<vmem>>
    %dma_start3A_944 = arith.constant 0 : i32
    %dma_start3A_945 = tpu.memref_slice %arg9[%dma_start3A_939, %dma_start3A_944] : memref<2x64xi32, #tpu.memory_space<vmem>> -> memref<1x64xi32, #tpu.memory_space<vmem>>
    %dma_start3A_946 = tpu.memref_squeeze %dma_start3A_945 : memref<1x64xi32, #tpu.memory_space<vmem>> -> memref<64xi32, #tpu.memory_space<vmem>>
    %dma_start3A_947 = arith.constant 0 : i32
    %dma_start3A_948 = arith.constant 0 : i32
    %dma_start3A_949 = tpu.memref_slice %arg15[%dma_start3A_947, %dma_start3A_948] : memref<10240x128xf32, #tpu.memory_space<vmem_shared>> -> memref<10240x128xf32, #tpu.memory_space<vmem_shared>>
    tpu.enqueue_indirect_dma source(%dma_start3A_943 : memref<64x128xf32, #tpu.memory_space<vmem>>) target(%dma_start3A_949 : memref<10240x128xf32, #tpu.memory_space<vmem_shared>>) offsets(%dma_start3A_946 : memref<64xi32, #tpu.memory_space<vmem>>) semaphore(%arg20 : memref<!tpu.dma_semaphore, #tpu.memory_space<semaphore_mem>>) {add = true}
    %get3A_950 = arith.constant 2 : i32
    %get3A_951 = arith.index_cast %get3A_950 : i32 to index
    %get3A_952 = arith.constant 0 : index
    %get3A_953 = tpu.vector_load %arg7[%get3A_951, %get3A_952] {strides = array<i32>} : memref<3x64xi32, #tpu.memory_space<vmem>>, vector<16xi32>,
    %get3A_954 = arith.constant 2 : i32
    %get3A_955 = arith.index_cast %get3A_954 : i32 to index
    %get3A_956 = arith.constant 0 : index
    %get3A_957 = tpu.vector_load %arg8[%get3A_955, %get3A_956] {strides = array<i32>} : memref<3x64xi32, #tpu.memory_space<vmem>>, vector<16xi32>,
    %gather3A_958 = tpu.vector_load_idx %arg13[%get3A_953] : memref<10000xf32, #tpu.memory_space<vmem>>[vector<16xi32>], vector<16xf32>,
    tpu.vector_store_idx %arg14[%get3A_957], %gather3A_958 {add = true} : memref<10000xf32, #tpu.memory_space<vmem>>[vector<16xi32>], vector<16xf32>,
    %get3A_959 = arith.constant 2 : i32
    %get3A_960 = arith.index_cast %get3A_959 : i32 to index
    %get3A_961 = arith.constant 16 : index
    %get3A_962 = tpu.vector_load %arg7[%get3A_960, %get3A_961] {strides = array<i32>} : memref<3x64xi32, #tpu.memory_space<vmem>>, vector<16xi32>,
    %get3A_963 = arith.constant 2 : i32
    %get3A_964 = arith.index_cast %get3A_963 : i32 to index
    %get3A_965 = arith.constant 16 : index
    %get3A_966 = tpu.vector_load %arg8[%get3A_964, %get3A_965] {strides = array<i32>} : memref<3x64xi32, #tpu.memory_space<vmem>>, vector<16xi32>,
    %gather3A_967 = tpu.vector_load_idx %arg13[%get3A_962] : memref<10000xf32, #tpu.memory_space<vmem>>[vector<16xi32>], vector<16xf32>,
    tpu.vector_store_idx %arg14[%get3A_966], %gather3A_967 {add = true} : memref<10000xf32, #tpu.memory_space<vmem>>[vector<16xi32>], vector<16xf32>,
    %get3A_968 = arith.constant 2 : i32
    %get3A_969 = arith.index_cast %get3A_968 : i32 to index
    %get3A_970 = arith.constant 32 : index
    %get3A_971 = tpu.vector_load %arg7[%get3A_969, %get3A_970] {strides = array<i32>} : memref<3x64xi32, #tpu.memory_space<vmem>>, vector<16xi32>,
    %get3A_972 = arith.constant 2 : i32
    %get3A_973 = arith.index_cast %get3A_972 : i32 to index
    %get3A_974 = arith.constant 32 : index
    %get3A_975 = tpu.vector_load %arg8[%get3A_973, %get3A_974] {strides = array<i32>} : memref<3x64xi32, #tpu.memory_space<vmem>>, vector<16xi32>,
    %gather3A_976 = tpu.vector_load_idx %arg13[%get3A_971] : memref<10000xf32, #tpu.memory_space<vmem>>[vector<16xi32>], vector<16xf32>,
    tpu.vector_store_idx %arg14[%get3A_975], %gather3A_976 {add = true} : memref<10000xf32, #tpu.memory_space<vmem>>[vector<16xi32>], vector<16xf32>,
    %get3A_977 = arith.constant 2 : i32
    %get3A_978 = arith.index_cast %get3A_977 : i32 to index
    %get3A_979 = arith.constant 48 : index
    %get3A_980 = tpu.vector_load %arg7[%get3A_978, %get3A_979] {strides = array<i32>} : memref<3x64xi32, #tpu.memory_space<vmem>>, vector<16xi32>,
    %get3A_981 = arith.constant 2 : i32
    %get3A_982 = arith.index_cast %get3A_981 : i32 to index
    %get3A_983 = arith.constant 48 : index
    %get3A_984 = tpu.vector_load %arg8[%get3A_982, %get3A_983] {strides = array<i32>} : memref<3x64xi32, #tpu.memory_space<vmem>>, vector<16xi32>,
    %gather3A_985 = tpu.vector_load_idx %arg13[%get3A_980] : memref<10000xf32, #tpu.memory_space<vmem>>[vector<16xi32>], vector<16xf32>,
    tpu.vector_store_idx %arg14[%get3A_984], %gather3A_985 {add = true} : memref<10000xf32, #tpu.memory_space<vmem>>[vector<16xi32>], vector<16xf32>,
    %dma_wait3A_986 = arith.constant 2 : i32
    %dma_wait3A_987 = arith.constant 1 : i32
    %dma_wait3A_988 = arith.constant 0 : i32
    %dma_wait3A_989 = arith.constant 0 : i32
    %dma_wait3A_990 = tpu.memref_slice %arg12[%dma_wait3A_986, %dma_wait3A_988, %dma_wait3A_989] : memref<3x64x128xf32, #tpu.memory_space<vmem>> -> memref<1x64x128xf32, #tpu.memory_space<vmem>>
    %dma_wait3A_991 = tpu.memref_squeeze %dma_wait3A_990 : memref<1x64x128xf32, #tpu.memory_space<vmem>> -> memref<64x128xf32, #tpu.memory_space<vmem>>
    %dma_wait3A_992 = arith.constant 0 : i32
    %dma_wait3A_993 = tpu.memref_slice %arg9[%dma_wait3A_987, %dma_wait3A_992] : memref<2x64xi32, #tpu.memory_space<vmem>> -> memref<1x64xi32, #tpu.memory_space<vmem>>
    %dma_wait3A_994 = tpu.memref_squeeze %dma_wait3A_993 : memref<1x64xi32, #tpu.memory_space<vmem>> -> memref<64xi32, #tpu.memory_space<vmem>>
    %dma_wait3A_995 = arith.constant 0 : i32
    %dma_wait3A_996 = arith.constant 0 : i32
    %dma_wait3A_997 = tpu.memref_slice %arg15[%dma_wait3A_995, %dma_wait3A_996] : memref<10240x128xf32, #tpu.memory_space<vmem_shared>> -> memref<10240x128xf32, #tpu.memory_space<vmem_shared>>
    tpu.wait_indirect_dma semaphore(%arg20 : memref<!tpu.dma_semaphore, #tpu.memory_space<semaphore_mem>>) src(%dma_wait3A_991 : memref<64x128xf32, #tpu.memory_space<vmem>>) dst(%dma_wait3A_997 : memref<10240x128xf32, #tpu.memory_space<vmem_shared>>)
    %add3A_998 = arith.constant 9984 : i32
    %add3A_999 = arith.addi %mul3A_61, %add3A_998 : i32
    "tpu.region"() ({
      %run_scoped3A_1029 = tpu.sem_alloc : memref<!tpu.dma_semaphore, #tpu.memory_space<semaphore_mem>>
      %dma_start3A_1030 = tpu.memref_slice %arg2[%add3A_999] : memref<640000xi32, #tpu.memory_space<hbm>> -> memref<16xi32, #tpu.memory_space<hbm>>
      %dma_start3A_1031 = tpu.memref_slice %arg2[%add3A_999] : memref<640000xi32, #tpu.memory_space<hbm>> -> memref<16xi32, #tpu.memory_space<hbm>>
      tpu.enqueue_dma source(%dma_start3A_1031 : memref<16xi32, #tpu.memory_space<hbm>>) target(%arg10 : memref<16xi32, #tpu.memory_space<vmem>>) target_semaphore(%run_scoped3A_1029 : memref<!tpu.dma_semaphore, #tpu.memory_space<semaphore_mem>>)
      %dma_wait3A_1032 = tpu.memref_slice %arg2[%add3A_999] : memref<640000xi32, #tpu.memory_space<hbm>> -> memref<16xi32, #tpu.memory_space<hbm>>
      %dma_wait3A_1033 = tpu.memref_slice %arg2[%add3A_999] : memref<640000xi32, #tpu.memory_space<hbm>> -> memref<16xi32, #tpu.memory_space<hbm>>
      tpu.wait_dma2 semaphore(%run_scoped3A_1029 : memref<!tpu.dma_semaphore, #tpu.memory_space<semaphore_mem>>) src(%dma_wait3A_1033 : memref<16xi32, #tpu.memory_space<hbm>>) dst(%arg10 : memref<16xi32, #tpu.memory_space<vmem>>)
      tpu.yield
    }) : () -> ()
    %add3A_1000 = arith.constant 320000 : i32
    %add3A_1001 = arith.addi %add3A_1000, %add3A_999 : i32
    "tpu.region"() ({
      %run_scoped3A_1029 = tpu.sem_alloc : memref<!tpu.dma_semaphore, #tpu.memory_space<semaphore_mem>>
      %dma_start3A_1030 = tpu.memref_slice %arg2[%add3A_1001] : memref<640000xi32, #tpu.memory_space<hbm>> -> memref<16xi32, #tpu.memory_space<hbm>>
      %dma_start3A_1031 = tpu.memref_slice %arg2[%add3A_1001] : memref<640000xi32, #tpu.memory_space<hbm>> -> memref<16xi32, #tpu.memory_space<hbm>>
      tpu.enqueue_dma source(%dma_start3A_1031 : memref<16xi32, #tpu.memory_space<hbm>>) target(%arg11 : memref<16xi32, #tpu.memory_space<vmem>>) target_semaphore(%run_scoped3A_1029 : memref<!tpu.dma_semaphore, #tpu.memory_space<semaphore_mem>>)
      %dma_wait3A_1032 = tpu.memref_slice %arg2[%add3A_1001] : memref<640000xi32, #tpu.memory_space<hbm>> -> memref<16xi32, #tpu.memory_space<hbm>>
      %dma_wait3A_1033 = tpu.memref_slice %arg2[%add3A_1001] : memref<640000xi32, #tpu.memory_space<hbm>> -> memref<16xi32, #tpu.memory_space<hbm>>
      tpu.wait_dma2 semaphore(%run_scoped3A_1029 : memref<!tpu.dma_semaphore, #tpu.memory_space<semaphore_mem>>) src(%dma_wait3A_1033 : memref<16xi32, #tpu.memory_space<hbm>>) dst(%arg11 : memref<16xi32, #tpu.memory_space<vmem>>)
      tpu.yield
    }) : () -> ()
    %dma_start3A_1002 = arith.constant 0 : i32
    %dma_start3A_1003 = arith.constant 0 : i32
    %dma_start3A_1004 = arith.constant 0 : i32
    %dma_start3A_1005 = tpu.memref_slice %arg12[%dma_start3A_1002, %dma_start3A_1003, %dma_start3A_1004] : memref<3x64x128xf32, #tpu.memory_space<vmem>> -> memref<1x16x128xf32, #tpu.memory_space<vmem>>
    %dma_start3A_1006 = tpu.memref_squeeze %dma_start3A_1005 : memref<1x16x128xf32, #tpu.memory_space<vmem>> -> memref<16x128xf32, #tpu.memory_space<vmem>>
    %dma_start3A_1007 = arith.constant 0 : i32
    %dma_start3A_1008 = arith.constant 0 : i32
    %dma_start3A_1009 = tpu.memref_slice %arg3[%dma_start3A_1007, %dma_start3A_1008] : memref<10000x128xf32, #tpu.memory_space<hbm>> -> memref<10000x128xf32, #tpu.memory_space<hbm>>
    tpu.enqueue_indirect_dma source(%dma_start3A_1009 : memref<10000x128xf32, #tpu.memory_space<hbm>>) target(%dma_start3A_1006 : memref<16x128xf32, #tpu.memory_space<vmem>>) offsets(%arg10 : memref<16xi32, #tpu.memory_space<vmem>>) semaphore(%arg16 : memref<!tpu.dma_semaphore, #tpu.memory_space<semaphore_mem>>)
    %dma_wait3A_1010 = arith.constant 0 : i32
    %dma_wait3A_1011 = arith.constant 0 : i32
    %dma_wait3A_1012 = arith.constant 0 : i32
    %dma_wait3A_1013 = tpu.memref_slice %arg12[%dma_wait3A_1010, %dma_wait3A_1011, %dma_wait3A_1012] : memref<3x64x128xf32, #tpu.memory_space<vmem>> -> memref<1x16x128xf32, #tpu.memory_space<vmem>>
    %dma_wait3A_1014 = tpu.memref_squeeze %dma_wait3A_1013 : memref<1x16x128xf32, #tpu.memory_space<vmem>> -> memref<16x128xf32, #tpu.memory_space<vmem>>
    %dma_wait3A_1015 = arith.constant 0 : i32
    %dma_wait3A_1016 = arith.constant 0 : i32
    %dma_wait3A_1017 = tpu.memref_slice %arg3[%dma_wait3A_1015, %dma_wait3A_1016] : memref<10000x128xf32, #tpu.memory_space<hbm>> -> memref<10000x128xf32, #tpu.memory_space<hbm>>
    tpu.wait_indirect_dma semaphore(%arg16 : memref<!tpu.dma_semaphore, #tpu.memory_space<semaphore_mem>>) src(%dma_wait3A_1017 : memref<10000x128xf32, #tpu.memory_space<hbm>>) dst(%dma_wait3A_1014 : memref<16x128xf32, #tpu.memory_space<vmem>>)
    %run_scoped3A_1018 = arith.constant 0 : i32
    "tpu.region"() ({
      %run_scoped3A_1029 = tpu.sem_alloc : memref<!tpu.dma_semaphore, #tpu.memory_space<semaphore_mem>>
      %dma_start3A_1030 = arith.constant 0 : i32
      %dma_start3A_1031 = arith.constant 0 : i32
      %dma_start3A_1032 = tpu.memref_slice %arg12[%run_scoped3A_1018, %dma_start3A_1030, %dma_start3A_1031] : memref<3x64x128xf32, #tpu.memory_space<vmem>> -> memref<1x16x128xf32, #tpu.memory_space<vmem>>
      %dma_start3A_1033 = tpu.memref_squeeze %dma_start3A_1032 : memref<1x16x128xf32, #tpu.memory_space<vmem>> -> memref<16x128xf32, #tpu.memory_space<vmem>>
      %dma_start3A_1034 = arith.constant 0 : i32
      %dma_start3A_1035 = arith.constant 0 : i32
      %dma_start3A_1036 = tpu.memref_slice %arg15[%dma_start3A_1034, %dma_start3A_1035] : memref<10240x128xf32, #tpu.memory_space<vmem_shared>> -> memref<10240x128xf32, #tpu.memory_space<vmem_shared>>
      tpu.enqueue_indirect_dma source(%dma_start3A_1033 : memref<16x128xf32, #tpu.memory_space<vmem>>) target(%dma_start3A_1036 : memref<10240x128xf32, #tpu.memory_space<vmem_shared>>) offsets(%arg11 : memref<16xi32, #tpu.memory_space<vmem>>) semaphore(%run_scoped3A_1029 : memref<!tpu.dma_semaphore, #tpu.memory_space<semaphore_mem>>) {add = true}
      %dma_wait3A_1037 = arith.constant 0 : i32
      %dma_wait3A_1038 = arith.constant 0 : i32
      %dma_wait3A_1039 = tpu.memref_slice %arg12[%run_scoped3A_1018, %dma_wait3A_1037, %dma_wait3A_1038] : memref<3x64x128xf32, #tpu.memory_space<vmem>> -> memref<1x16x128xf32, #tpu.memory_space<vmem>>
      %dma_wait3A_1040 = tpu.memref_squeeze %dma_wait3A_1039 : memref<1x16x128xf32, #tpu.memory_space<vmem>> -> memref<16x128xf32, #tpu.memory_space<vmem>>
      %dma_wait3A_1041 = arith.constant 0 : i32
      %dma_wait3A_1042 = arith.constant 0 : i32
      %dma_wait3A_1043 = tpu.memref_slice %arg15[%dma_wait3A_1041, %dma_wait3A_1042] : memref<10240x128xf32, #tpu.memory_space<vmem_shared>> -> memref<10240x128xf32, #tpu.memory_space<vmem_shared>>
      tpu.wait_indirect_dma semaphore(%run_scoped3A_1029 : memref<!tpu.dma_semaphore, #tpu.memory_space<semaphore_mem>>) src(%dma_wait3A_1040 : memref<16x128xf32, #tpu.memory_space<vmem>>) dst(%dma_wait3A_1043 : memref<10240x128xf32, #tpu.memory_space<vmem_shared>>)
      tpu.yield
    }) : () -> ()
    %get3A_1019 = arith.constant 0 : index
    %get3A_1020 = tpu.vector_load %arg10[%get3A_1019] {strides = array<i32>} : memref<16xi32, #tpu.memory_space<vmem>>, vector<16xi32>,
    %gather3A_1021 = tpu.vector_load_idx %arg13[%get3A_1020] : memref<10000xf32, #tpu.memory_space<vmem>>[vector<16xi32>], vector<16xf32>,
    %get3A_1022 = arith.constant 0 : index
    %get3A_1023 = tpu.vector_load %arg11[%get3A_1022] {strides = array<i32>} : memref<16xi32, #tpu.memory_space<vmem>>, vector<16xi32>,
    tpu.vector_store_idx %arg14[%get3A_1023], %gather3A_1021 {add = true} : memref<10000xf32, #tpu.memory_space<vmem>>[vector<16xi32>], vector<16xf32>,
    %barrier3A_1024 = arith.constant 0 : index
    tpu.barrier barrier_id(%barrier3A_1024)
    %mul3A_1025 = arith.constant 640 : i32
    %mul3A_1026 = arith.muli %arg1, %mul3A_1025 : i32
    %mul3A_1027 = arith.constant 640 : i32
    %mul3A_1028 = arith.muli %arg1, %mul3A_1027 : i32
    "tpu.region"() ({
      %run_scoped3A_1029 = tpu.sem_alloc : memref<!tpu.dma_semaphore, #tpu.memory_space<semaphore_mem>>
      %dma_start3A_1030 = arith.constant 0 : i32
      %dma_start3A_1031 = tpu.memref_slice %arg5[%arg0, %mul3A_1028, %dma_start3A_1030] : memref<2x10240x128xf32, #tpu.memory_space<hbm>> -> memref<1x640x128xf32, #tpu.memory_space<hbm>>
      %dma_start3A_1032 = tpu.memref_squeeze %dma_start3A_1031 : memref<1x640x128xf32, #tpu.memory_space<hbm>> -> memref<640x128xf32, #tpu.memory_space<hbm>>
      %dma_start3A_1033 = arith.constant 0 : i32
      %dma_start3A_1034 = tpu.memref_slice %arg15[%mul3A_1026, %dma_start3A_1033] : memref<10240x128xf32, #tpu.memory_space<vmem_shared>> -> memref<640x128xf32, #tpu.memory_space<vmem_shared>>
      tpu.enqueue_dma source(%dma_start3A_1034 : memref<640x128xf32, #tpu.memory_space<vmem_shared>>) target(%dma_start3A_1032 : memref<640x128xf32, #tpu.memory_space<hbm>>) target_semaphore(%run_scoped3A_1029 : memref<!tpu.dma_semaphore, #tpu.memory_space<semaphore_mem>>)
      %dma_wait3A_1035 = arith.constant 0 : i32
      %dma_wait3A_1036 = tpu.memref_slice %arg5[%arg0, %mul3A_1028, %dma_wait3A_1035] : memref<2x10240x128xf32, #tpu.memory_space<hbm>> -> memref<1x640x128xf32, #tpu.memory_space<hbm>>
      %dma_wait3A_1037 = tpu.memref_squeeze %dma_wait3A_1036 : memref<1x640x128xf32, #tpu.memory_space<hbm>> -> memref<640x128xf32, #tpu.memory_space<hbm>>
      %dma_wait3A_1038 = arith.constant 0 : i32
      %dma_wait3A_1039 = tpu.memref_slice %arg15[%mul3A_1026, %dma_wait3A_1038] : memref<10240x128xf32, #tpu.memory_space<vmem_shared>> -> memref<640x128xf32, #tpu.memory_space<vmem_shared>>
      tpu.wait_dma2 semaphore(%run_scoped3A_1029 : memref<!tpu.dma_semaphore, #tpu.memory_space<semaphore_mem>>) src(%dma_wait3A_1039 : memref<640x128xf32, #tpu.memory_space<vmem_shared>>) dst(%dma_wait3A_1037 : memref<640x128xf32, #tpu.memory_space<hbm>>)
      tpu.yield
    }) : () -> ()
    "tpu.region"() ({
      %run_scoped3A_1029 = tpu.sem_alloc : memref<!tpu.dma_semaphore, #tpu.memory_space<semaphore_mem>>
      %dma_start3A_1030 = arith.constant 0 : i32
      %dma_start3A_1031 = tpu.memref_slice %arg6[%add3A, %dma_start3A_1030] : memref<32x10000xf32, #tpu.memory_space<hbm>> -> memref<1x10000xf32, #tpu.memory_space<hbm>>
      %dma_start3A_1032 = tpu.memref_squeeze %dma_start3A_1031 : memref<1x10000xf32, #tpu.memory_space<hbm>> -> memref<10000xf32, #tpu.memory_space<hbm>>
      %dma_start3A_1033 = arith.constant 0 : i32
      %dma_start3A_1034 = tpu.memref_slice %arg6[%add3A, %dma_start3A_1033] : memref<32x10000xf32, #tpu.memory_space<hbm>> -> memref<1x10000xf32, #tpu.memory_space<hbm>>
      %dma_start3A_1035 = tpu.memref_squeeze %dma_start3A_1034 : memref<1x10000xf32, #tpu.memory_space<hbm>> -> memref<10000xf32, #tpu.memory_space<hbm>>
      tpu.enqueue_dma source(%arg14 : memref<10000xf32, #tpu.memory_space<vmem>>) target(%dma_start3A_1035 : memref<10000xf32, #tpu.memory_space<hbm>>) target_semaphore(%run_scoped3A_1029 : memref<!tpu.dma_semaphore, #tpu.memory_space<semaphore_mem>>)
      %dma_wait3A_1036 = arith.constant 0 : i32
      %dma_wait3A_1037 = tpu.memref_slice %arg6[%add3A, %dma_wait3A_1036] : memref<32x10000xf32, #tpu.memory_space<hbm>> -> memref<1x10000xf32, #tpu.memory_space<hbm>>
      %dma_wait3A_1038 = tpu.memref_squeeze %dma_wait3A_1037 : memref<1x10000xf32, #tpu.memory_space<hbm>> -> memref<10000xf32, #tpu.memory_space<hbm>>
      %dma_wait3A_1039 = arith.constant 0 : i32
      %dma_wait3A_1040 = tpu.memref_slice %arg6[%add3A, %dma_wait3A_1039] : memref<32x10000xf32, #tpu.memory_space<hbm>> -> memref<1x10000xf32, #tpu.memory_space<hbm>>
      %dma_wait3A_1041 = tpu.memref_squeeze %dma_wait3A_1040 : memref<1x10000xf32, #tpu.memory_space<hbm>> -> memref<10000xf32, #tpu.memory_space<hbm>>
      tpu.wait_dma2 semaphore(%run_scoped3A_1029 : memref<!tpu.dma_semaphore, #tpu.memory_space<semaphore_mem>>) src(%arg14 : memref<10000xf32, #tpu.memory_space<vmem>>) dst(%dma_wait3A_1041 : memref<10000xf32, #tpu.memory_space<hbm>>)
      tpu.yield
    }) : () -> ()
    return
  }
}

module attributes {stable_mosaic.version = 14 : i64} {
  func.func @_combine_body(%arg0: i32, %arg1: memref<2x2048x128xf32, #tpu.memory_space<vmem>>, %arg2: memref<32x2048xf32, #tpu.memory_space<vmem>>, %arg3: memref<2048x128xf32, #tpu.memory_space<vmem>>, %arg4: memref<2x128x128xf32, #tpu.memory_space<vmem>>, %arg5: memref<2x128xf32, #tpu.memory_space<vmem>>, %arg6: memref<2048x256xf32, #tpu.memory_space<vmem>>) attributes {dimension_semantics = [#tpu.dimension_semantics<arbitrary>], iteration_bounds = array<i64: 5>, scalar_prefetch = 0 : i64, scratch_operands = 0 : i64, tpu.core_type = #tpu.core_type<tc>, window_params = [{transform_indices = @transform_0, window_bounds = array<i64: 2, 2048, 128>}, {transform_indices = @transform_1, window_bounds = array<i64: 32, 2048>}, {transform_indices = @transform_2, window_bounds = array<i64: 2048, 128>}, {pipeline_mode = #tpu.pipeline_mode<synchronous>, transform_indices = @transform_3, window_bounds = array<i64: 2, 128, 128>}, {pipeline_mode = #tpu.pipeline_mode<synchronous>, transform_indices = @transform_4, window_bounds = array<i64: 2, 128>}, {transform_indices = @transform_5, window_bounds = array<i64: 2048, 256>}]} {
    %get3A = arith.constant 0 : index
    %get3A_0 = arith.constant 0 : index
    %get3A_1 = arith.constant 0 : index
    %get3A_2 = vector.load %arg1[%get3A, %get3A_0, %get3A_1] : memref<2x2048x128xf32, #tpu.memory_space<vmem>>, vector<1x2048x128xf32>
    %get3A_3 = vector.shape_cast %get3A_2 : vector<1x2048x128xf32> to vector<2048x128xf32>
    %get3A_4 = arith.constant 1 : index
    %get3A_5 = arith.constant 0 : index
    %get3A_6 = arith.constant 0 : index
    %get3A_7 = vector.load %arg1[%get3A_4, %get3A_5, %get3A_6] : memref<2x2048x128xf32, #tpu.memory_space<vmem>>, vector<1x2048x128xf32>
    %get3A_8 = vector.shape_cast %get3A_7 : vector<1x2048x128xf32> to vector<2048x128xf32>
    %add3A = arith.addf %get3A_3, %get3A_8 : vector<2048x128xf32>
    %broadcast_in_dim3A = arith.constant 1.000000e+00 : f32
    %broadcast_in_dim3A_9 = vector.broadcast %broadcast_in_dim3A : f32 to vector<32x1xf32>
    %get3A_10 = arith.constant 0 : index
    %get3A_11 = arith.constant 0 : index
    %get3A_12 = vector.load %arg2[%get3A_10, %get3A_11] : memref<32x2048xf32, #tpu.memory_space<vmem>>, vector<32x2048xf32>
    %dot_general3A = arith.constant dense<0.000000e+00> : vector<2048x1xf32>
    %dot_general3A_13 = tpu.matmul %get3A_12, %broadcast_in_dim3A_9, %dot_general3A {dimension_numbers = #tpu.dot_dimension_numbers<[0], [0], [1], [1], [0, 1, 1, 1], [], []>, precision = #tpu.contract_precision<fp32>, transpose_lhs_hint = false} : vector<32x2048xf32>, vector<32x1xf32>, vector<2048x1xf32> -> vector<2048x1xf32>
    %gt3A = arith.constant 0.000000e+00 : f32
    %gt3A_14 = vector.broadcast %gt3A : f32 to vector<2048x1xf32>
    %gt3A_15 = arith.cmpf ogt, %dot_general3A_13, %gt3A_14 : vector<2048x1xf32>
    %max3A = arith.constant 1.000000e-16 : f32
    %max3A_16 = vector.broadcast %max3A : f32 to vector<2048x1xf32>
    %max3A_17 = arith.maximumf %dot_general3A_13, %max3A_16 : vector<2048x1xf32>
    %div3A = vector.broadcast %max3A_17 : vector<2048x1xf32> to vector<2048x128xf32>
    %div3A_18 = arith.divf %add3A, %div3A : vector<2048x128xf32>
    %get3A_19 = arith.constant 0 : index
    %get3A_20 = arith.constant 0 : index
    %get3A_21 = vector.load %arg3[%get3A_19, %get3A_20] : memref<2048x128xf32, #tpu.memory_space<vmem>>, vector<2048x128xf32>
    %broadcast_in_dim3A_22 = vector.shape_cast %gt3A_15 : vector<2048x1xi1> to vector<2048x1xi1>
    %broadcast_in_dim3A_23 = vector.broadcast %broadcast_in_dim3A_22 : vector<2048x1xi1> to vector<2048x128xi1>
    %select_n3A = arith.select %broadcast_in_dim3A_23, %div3A_18, %get3A_21 : vector<2048x128xi1>, vector<2048x128xf32>
    %get3A_24 = arith.constant 0 : index
    %get3A_25 = arith.constant 0 : index
    %get3A_26 = arith.constant 0 : index
    %get3A_27 = vector.load %arg4[%get3A_24, %get3A_25, %get3A_26] : memref<2x128x128xf32, #tpu.memory_space<vmem>>, vector<1x128x128xf32>
    %get3A_28 = vector.shape_cast %get3A_27 : vector<1x128x128xf32> to vector<128x128xf32>
    %dot_general3A_29 = arith.constant dense<0.000000e+00> : vector<2048x128xf32>
    %dot_general3A_30 = tpu.matmul %select_n3A, %get3A_28, %dot_general3A_29 {dimension_numbers = #tpu.dot_dimension_numbers<[1], [1], [0], [0], [0, 0, 1, 0], [], []>, transpose_lhs_hint = false} : vector<2048x128xf32>, vector<128x128xf32>, vector<2048x128xf32> -> vector<2048x128xf32>
    %get3A_31 = arith.constant 0 : index
    %get3A_32 = arith.constant 0 : index
    %get3A_33 = vector.load %arg5[%get3A_31, %get3A_32] : memref<2x128xf32, #tpu.memory_space<vmem>>, vector<1x128xf32>
    %get3A_34 = vector.shape_cast %get3A_33 : vector<1x128xf32> to vector<128xf32>
    %broadcast_in_dim3A_35 = vector.shape_cast %get3A_34 : vector<128xf32> to vector<1x128xf32>
    %add3A_36 = vector.broadcast %broadcast_in_dim3A_35 : vector<1x128xf32> to vector<2048x128xf32>
    %add3A_37 = arith.addf %dot_general3A_30, %add3A_36 : vector<2048x128xf32>
    %swap3A = arith.constant 0 : index
    %swap3A_38 = arith.constant 0 : index
    %swap3A_39 = vector.load %arg6[%swap3A, %swap3A_38] : memref<2048x256xf32, #tpu.memory_space<vmem>>, vector<2048x128xf32>
    tpu.vector_store %arg6[%swap3A, %swap3A_38], %add3A_37 {strides = array<i32>} : memref<2048x256xf32, #tpu.memory_space<vmem>>, vector<2048x128xf32>,
    %get3A_40 = arith.constant 1 : index
    %get3A_41 = arith.constant 0 : index
    %get3A_42 = arith.constant 0 : index
    %get3A_43 = vector.load %arg4[%get3A_40, %get3A_41, %get3A_42] : memref<2x128x128xf32, #tpu.memory_space<vmem>>, vector<1x128x128xf32>
    %get3A_44 = vector.shape_cast %get3A_43 : vector<1x128x128xf32> to vector<128x128xf32>
    %dot_general3A_45 = arith.constant dense<0.000000e+00> : vector<2048x128xf32>
    %dot_general3A_46 = tpu.matmul %select_n3A, %get3A_44, %dot_general3A_45 {dimension_numbers = #tpu.dot_dimension_numbers<[1], [1], [0], [0], [0, 0, 1, 0], [], []>, transpose_lhs_hint = false} : vector<2048x128xf32>, vector<128x128xf32>, vector<2048x128xf32> -> vector<2048x128xf32>
    %get3A_47 = arith.constant 1 : index
    %get3A_48 = arith.constant 0 : index
    %get3A_49 = vector.load %arg5[%get3A_47, %get3A_48] : memref<2x128xf32, #tpu.memory_space<vmem>>, vector<1x128xf32>
    %get3A_50 = vector.shape_cast %get3A_49 : vector<1x128xf32> to vector<128xf32>
    %broadcast_in_dim3A_51 = vector.shape_cast %get3A_50 : vector<128xf32> to vector<1x128xf32>
    %add3A_52 = vector.broadcast %broadcast_in_dim3A_51 : vector<1x128xf32> to vector<2048x128xf32>
    %add3A_53 = arith.addf %dot_general3A_46, %add3A_52 : vector<2048x128xf32>
    %swap3A_54 = arith.constant 0 : index
    %swap3A_55 = arith.constant 128 : index
    %swap3A_56 = vector.load %arg6[%swap3A_54, %swap3A_55] : memref<2048x256xf32, #tpu.memory_space<vmem>>, vector<2048x128xf32>
    tpu.vector_store %arg6[%swap3A_54, %swap3A_55], %add3A_53 {strides = array<i32>} : memref<2048x256xf32, #tpu.memory_space<vmem>>, vector<2048x128xf32>,
    return
  }
  func.func @transform_0(%arg0: i32) -> (i32, i32, i32) {
    %c0_i32 = arith.constant 0 : i32
    %c0_i32_0 = arith.constant 0 : i32
    %c0_i32_1 = arith.constant 0 : i32
    return %c0_i32, %arg0, %c0_i32_0 : i32, i32, i32
  }
  func.func @transform_1(%arg0: i32) -> (i32, i32) {
    %c0_i32 = arith.constant 0 : i32
    %c0_i32_0 = arith.constant 0 : i32
    return %c0_i32, %arg0 : i32, i32
  }
  func.func @transform_2(%arg0: i32) -> (i32, i32) {
    %c0_i32 = arith.constant 0 : i32
    %c0_i32_0 = arith.constant 0 : i32
    return %arg0, %c0_i32 : i32, i32
  }
  func.func @transform_3(%arg0: i32) -> (i32, i32, i32) {
    %c0_i32 = arith.constant 0 : i32
    %c0_i32_0 = arith.constant 0 : i32
    %c0_i32_1 = arith.constant 0 : i32
    %c0_i32_2 = arith.constant 0 : i32
    return %c0_i32, %c0_i32_0, %c0_i32_1 : i32, i32, i32
  }
  func.func @transform_4(%arg0: i32) -> (i32, i32) {
    %c0_i32 = arith.constant 0 : i32
    %c0_i32_0 = arith.constant 0 : i32
    %c0_i32_1 = arith.constant 0 : i32
    return %c0_i32, %c0_i32_0 : i32, i32
  }
  func.func @transform_5(%arg0: i32) -> (i32, i32) {
    %c0_i32 = arith.constant 0 : i32
    %c0_i32_0 = arith.constant 0 : i32
    return %arg0, %c0_i32 : i32, i32
  }
}

module attributes {stable_mosaic.version = 14 : i64} {
  func.func @_prep_body(%arg0: memref<10000x128xf32, #tpu.memory_space<vmem>>, %arg1: memref<256x1xf32, #tpu.memory_space<vmem>>, %arg2: memref<10000x128xf32, #tpu.memory_space<vmem>>, %arg3: memref<10000x1xf32, #tpu.memory_space<vmem>>) attributes {dimension_semantics = [], scalar_prefetch = 0 : i64, scratch_operands = 0 : i64, tpu.core_type = #tpu.core_type<tc>} {
    %get3A = arith.constant 0 : index
    %get3A_0 = arith.constant 0 : index
    %get3A_1 = vector.load %arg0[%get3A, %get3A_0] : memref<10000x128xf32, #tpu.memory_space<vmem>>, vector<10000x128xf32>
    %get3A_2 = arith.constant 0 : index
    %get3A_3 = arith.constant 0 : index
    %get3A_4 = vector.load %arg1[%get3A_2, %get3A_3] : memref<256x1xf32, #tpu.memory_space<vmem>>, vector<128x1xf32>
    %dot_general3A = arith.constant dense<0.000000e+00> : vector<10000x1xf32>
    %dot_general3A_5 = tpu.matmul %get3A_1, %get3A_4, %dot_general3A {dimension_numbers = #tpu.dot_dimension_numbers<[1], [0], [0], [1], [0, 0, 1, 1], [], []>, transpose_lhs_hint = false} : vector<10000x128xf32>, vector<128x1xf32>, vector<10000x1xf32> -> vector<10000x1xf32>
    %reduce_max3A = vector.shape_cast %dot_general3A_5 : vector<10000x1xf32> to vector<1x10000x1xf32>
    %reduce_max3A_6 = arith.constant dense<0xFF800000> : vector<1xf32>
    %reduce_max3A_7 = vector.multi_reduction <maximumf>, %reduce_max3A, %reduce_max3A_6 [1, 2] : vector<1x10000x1xf32> to vector<1xf32>
    %reduce_max3A_8 = vector.shape_cast %reduce_max3A_7 : vector<1xf32> to vector<1x1x1xf32>
    %reduce_max3A_9 = vector.extract %reduce_max3A_8[0, 0, 0] : f32 from vector<1x1x1xf32>
    %sub3A = vector.broadcast %reduce_max3A_9 : f32 to vector<10000x1xf32>
    %sub3A_10 = arith.subf %dot_general3A_5, %sub3A : vector<10000x1xf32>
    %exp3A = math.exp %sub3A_10 : vector<10000x1xf32>
    %mul3A = vector.broadcast %exp3A : vector<10000x1xf32> to vector<10000x128xf32>
    %mul3A_11 = arith.mulf %get3A_1, %mul3A : vector<10000x128xf32>
    %swap3A = arith.constant 0 : index
    %swap3A_12 = arith.constant 0 : index
    %swap3A_13 = vector.load %arg2[%swap3A, %swap3A_12] : memref<10000x128xf32, #tpu.memory_space<vmem>>, vector<10000x128xf32>
    tpu.vector_store %arg2[%swap3A, %swap3A_12], %mul3A_11 {strides = array<i32>} : memref<10000x128xf32, #tpu.memory_space<vmem>>, vector<10000x128xf32>,
    %swap3A_14 = arith.constant 0 : index
    %swap3A_15 = arith.constant 0 : index
    %swap3A_16 = vector.load %arg3[%swap3A_14, %swap3A_15] : memref<10000x1xf32, #tpu.memory_space<vmem>>, vector<10000x1xf32>
    tpu.vector_store %arg3[%swap3A_14, %swap3A_15], %exp3A {strides = array<i32>} : memref<10000x1xf32, #tpu.memory_space<vmem>>, vector<10000x1xf32>,
    return
  }
}

</mosaic_0001>

<sc_bundles>
// kernel: kernel.5.cloned.1.call-start
scs
__scs_entry_jumppad:
0x0: {  	(pc) =	sbr.rel $0x88, $3  }
0x1: {  	(tag) =	ssettag $0x0;
	lr =	simm.s32 $0x1  }
0x2: {  	[smem:$0x3F9C] =	sst lr;
	_ =	strace $0xD0000000  }
0x3: {  	_ = 	snop  }
0x4: {  	_ = 	snop  }
0x5: {  	_ = 	snop  }
0x6: {  	_ = 	snop  }
0x7: {  	_ = 	snop  }
__scs_overlays_trampoline_lowered:
0x8: {  	[smem:$0x3FAB] =	sst s0  }
0x9: {  	[smem:$0x3FAC] =	sst s1  }
0xa: {  	[smem:$0x3FAD] =	sst s2  }
0xb: {  	[smem:$0x3FAE] =	sst s3  }
0xc: {  	[smem:$0x3FAF] =	sst s4  }
0xd: {  	[smem:$0x3FB0] =	sst s5  }
0xe: {  	[smem:$0x3FB1] =	sst s6  }
0xf: {  	[smem:$0x3FB2] =	sst s7  }
0x10: {  	[smem:$0x3FB3] =	sst s8  }
0x11: {  	[smem:$0x3FB4] =	sst s9;
	s0 =	simm.s32 @!p0 $0x0  }
0x12: {  	s1 =	sld [smem:$0x3F9A];
	s0 =	simm.s32 @p0 $0x1  }
0x13: {  	[smem:$0x3FB5] =	sst s0;
	s0 =	simm.s32 @!p1 $0x0  }
0x14: {  	s2 =	sld [smem:$0x3F99];
	s0 =	simm.s32 @p1 $0x1  }
0x15: {  	[smem:$0x3FB6] =	sst s0;
	s0 =	simm.s32 @!p2 $0x0  }
0x16: {  	s3 =	sld [smem:$0x3FDB];
	s0 =	simm.s32 @p2 $0x1  }
0x17: {  	s4 =	simm.s32 $0x1BF5;
	[smem:$0x3FB8] =	sst s0  }
0x18: {  	s0 =	sld [smem:$0x3F9B];
	_ =	swait.ge [sflag:s4], $0x0  }
0x19: {  	s7 =	sld [smem:$0x3F9C]  }
0x1a: {  	s8 =	sadd.s32 $0xFFFFE003, lr  }
0x1b: {  	s9 =	sadd.s32 $0xFFFFFEF7, lr;
	s5 =	simm.s32 $0xFFFFFFFF;
	p2 =	slt.u32 s8, $0xFFFFF086  }
0x1c: {  	p1 =	slt.u32 s9, $0xF7A;
	s5 =	simm.s32 @!p2 $0x0  }
0x1d: {  	s5 =	simm.s32 @p1 $0x1;
	p0 =	seq.s32 s7, s2  }
0x1e: {  	s7 =	smul.u32 @!p0 $0xF7A, s2;
	p2 =	seq.s32 @!p0 s5, $0x0  }
0x1f: {  	s9 =	smul.u32 $0xF7A, s1;
	s8 =	simm.s32 @!p0 $0x1BF5;
	p2 =	por !p2, p0  }
0x20: {  	[sflag:s8] =	ssyncset.s32 @!p0 $0xFFFFF086;
	s6 =	sadd.s32 @!p0 s3, s7;
	s7 =	simm.s32 @!p0 $0x108  }
0x21: {  	s3 =	sadd.s32 s3, s9;
	s6 =	sadd.s32 @!p0 $0x88, s6;
	s7 =	simm.s32 @p2 $0x1082  }
0x22: {  	[simem:s7], [sflag:s8] =	dma.local @!p0 [hbm:s6], $0xF7A  }
0x23: {  	s9 =	sor.u32 $0xD0000000, s2;
	s6 =	simm.s32 $0x108;
	_ =	swait.ge @!p0 [sflag:s8], $0x0  }
0x24: {  	s3 =	sadd.s32 $0x88, s3;
	s6 =	simm.s32 @!p1 $0x1082;
	[sflag:s4] =	ssyncset.s32 $0xFFFFF086  }
0x25: {  	[simem:s6], [sflag:s4] =	dma.local [hbm:s3], $0xF7A  }
0x26: {  	[smem:$0x3F9C] =	sst s1;
	(tag) =	ssettag s2;
	_ =	strace s9  }
0x27: {  	s1 =	sld [smem:$0x3FAC]  }
0x28: {  	s2 =	sld [smem:$0x3FAD]  }
0x29: {  	s4 =	sld [smem:$0x3FAF]  }
0x2a: {  	p0 =	seq.s32 s5, $0x0;
	s5 =	sld [smem:$0x3FB0]  }
0x2b: {  	s6 =	sld [smem:$0x3FB1]  }
0x2c: {  	s7 =	sld [smem:$0x3FB2]  }
0x2d: {  	s3 =	simm.s32 $0x108;
	s8 =	sld [smem:$0x3FB3]  }
0x2e: {  	s3 =	simm.s32 @!p0 $0x1082;
	s9 =	sld [smem:$0x3FB4]  }
0x2f: {  	lr =	sadd.s32 s0, s3;
	s0 =	sld [smem:$0x3FAB]  }
0x30: {  	s3 =	sld [smem:$0x3FAE]  }
0x31: {  	[smem:$0x3FB7] =	sst s10  }
0x32: {  	s10 =	sld [smem:$0x3FB5];
	_ =	sdelay $0x3  }
0x33: {  	p0 =	seq.s32 s10, $0x1;
	s10 =	sld [smem:$0x3FB7];
	_ =	sdelay $0x3  }
0x34: {  	[smem:$0x3FB7] =	sst s10  }
0x35: {  	s10 =	sld [smem:$0x3FB6];
	_ =	sdelay $0x3  }
0x36: {  	p1 =	seq.s32 s10, $0x1;
	s10 =	sld [smem:$0x3FB7];
	_ =	sdelay $0x3  }
0x37: {  	[smem:$0x3FB7] =	sst s10  }
0x38: {  	s10 =	sld [smem:$0x3FB8]  }
0x39: {  	_ = 	snop;
	(pc) =	sbr.ind lr, $3  }
0x3a: {  	_ = 	snop  }
0x3b: {  	_ = 	snop  }
0x3c: {  	p2 =	seq.s32 s10, $0x1;
	s10 =	sld [smem:$0x3FB7]  }
0x3d: {  	_ =	shalt  }
0x3e: {  	_ =	shalt  }
0x3f: {  	_ =	shalt  }
0x40: {  	_ =	shalt  }
0x41: {  	_ =	shalt  }
0x42: {  	_ =	shalt  }
0x43: {  	_ =	shalt  }
0x44: {  	_ =	shalt  }
0x45: {  	_ =	shalt  }
0x46: {  	_ =	shalt  }
0x47: {  	_ =	shalt  }
0x48: {  	_ =	shalt  }
0x49: {  	_ =	shalt  }
0x4a: {  	_ =	shalt  }
0x4b: {  	_ =	shalt  }
0x4c: {  	_ =	shalt  }
0x4d: {  	_ =	shalt  }
0x4e: {  	_ =	shalt  }
0x4f: {  	_ =	shalt  }
0x50: {  	_ =	shalt  }
0x51: {  	_ =	shalt  }
0x52: {  	_ =	shalt  }
0x53: {  	_ =	shalt  }
0x54: {  	_ =	shalt  }
0x55: {  	_ =	shalt  }
0x56: {  	_ =	shalt  }
0x57: {  	_ =	shalt  }
0x58: {  	_ =	shalt  }
0x59: {  	_ =	shalt  }
0x5a: {  	_ =	shalt  }
0x5b: {  	_ =	shalt  }
0x5c: {  	_ =	shalt  }
0x5d: {  	_ =	shalt  }
0x5e: {  	_ =	shalt  }
0x5f: {  	_ =	shalt  }
0x60: {  	_ =	shalt  }
0x61: {  	_ =	shalt  }
0x62: {  	_ =	shalt  }
0x63: {  	_ =	shalt  }
0x64: {  	_ =	shalt  }
0x65: {  	_ =	shalt  }
0x66: {  	_ =	shalt  }
0x67: {  	_ =	shalt  }
0x68: {  	_ =	shalt  }
0x69: {  	_ =	shalt  }
0x6a: {  	_ =	shalt  }
0x6b: {  	_ =	shalt  }
0x6c: {  	_ =	shalt  }
0x6d: {  	_ =	shalt  }
0x6e: {  	_ =	shalt  }
0x6f: {  	_ =	shalt  }
0x70: {  	_ =	shalt  }
0x71: {  	_ =	shalt  }
0x72: {  	_ =	shalt  }
0x73: {  	_ =	shalt  }
0x74: {  	_ =	shalt  }
0x75: {  	_ =	shalt  }
0x76: {  	_ =	shalt  }
0x77: {  	_ =	shalt  }
0x78: {  	_ =	shalt  }
0x79: {  	_ =	shalt  }
0x7a: {  	_ =	shalt  }
0x7b: {  	_ =	shalt  }
0x7c: {  	_ =	shalt  }
0x7d: {  	_ =	shalt  }
0x7e: {  	_ =	shalt  }
0x7f: {  	_ =	shalt  }
0x80: {  	_ =	shalt  }
0x81: {  	_ =	shalt  }
0x82: {  	_ =	shalt  }
0x83: {  	_ =	shalt  }
0x84: {  	_ =	shalt  }
0x85: {  	_ =	shalt  }
0x86: {  	_ =	shalt  }
0x87: {  	_ =	shalt  }
.Lfunc_end0:
.L_simem_size_0:
called_computation_lowered:
.L_overlay_start_0:
0x88: {  	s2 =	sld [smem:$0x3FD9]  }
0x89: {  	s3 =	sld [smem:$0x3FFE];
	_ =	sdelay $0x1  }
0x8a: {  	s1 =	srdreg.scid  }
0x8b: {  	s0 =	sand.u32 $0x1, s1  }
0x8c: {  	s17 =	sshll.u32 s0, $0xA;
	s2 =	sadd.s32 s3, s2  }
0x8d: {  	s2 =	sadd.s32 s2, s17  }
0x8e: {  	[smem:$0x3FC3] =	sst s2  }
0x8f: {  	_ = 	snop  }
0x90: {  	s2 =	sld [smem:$0x3FD0];
	(tm) =	ssettm $0x1  }
0x91: {  	s18 =	sld [smem:$0x3FFB];
	_ =	sdelay $0x3  }
0x92: {  	_ =	strace s18  }
0x93: {  	s3 =	sld [smem:$0x3FFC];
	_ =	sdelay $0x3  }
0x94: {  	_ =	strace s3  }
0x95: {  	s3 =	sld [smem:$0x3FFD];
	_ =	sdelay $0x3  }
0x96: {  	_ =	strace s3  }
0x97: {  	_ =	strace $0x8FFFFFFF  }
0x98: {  	s19 =	sld [smem:$0x3FDB];
	_ =	sdelay $0x1  }
0x99: {  	s4 =	simm.s32 $_scs_section_size  }
0x9a: {  	s5 =	simm.s32 $_size__tile_overlayer_lowered;
	s6 =	simm.s32 $_tile_overlayer_lowered  }
0x9b: {  	s22 =	simm.s32 $0x1BFF;
	s21 =	sshll.u32 s6, $0x1;
	s3 =	sadd.s32 s4, s19  }
0x9c: {  	s7 =	simm.s32 $0x0;
	s20 =	sshll.u32 s5, $0x1;
	s5 =	sadd.s32 s21, s3  }
0x9d: {  	[timem:s7], [sflag:s22] =	dma.local [hbm:s5], s20  }
0x9e: {  	_ =	swait.ge [sflag:s22], s20  }
0x9f: {  	s4 =	ssub.s32 $0x0, s20;
	[sflag:s22] =	ssyncset.done $0x0  }
0xa0: {  	[sflag:s22] =	ssyncadd.s32 s4;
	_ =	sdelay $0x1  }
0xa1: {  	s23 =	simm.s32 $0x1B8B  }
0xa2: {  	_ =	swait.ge [sflag:s23], $0x1  }
0xa3: {  	[sflag:s23] =	ssyncset.done $0x0  }
0xa4: {  	s25 =	simm.s32 $0x1B8E;
	s24 =	sld [smem:$0x3FFE];
	[sflag:s23] =	ssyncadd.s32 $0xFFFFFFFF  }
0xa5: {  	s26 =	simm.s32 $execute0_lowered;
	[smem:$0x3FD2] =	sst s25  }
0xa6: {  	s5 =	sshll.u32 s26, $0x1;
	_ =	strace $0x80000046;
	[dreg:$0x1] =	wrdreg $0xFFFFFFFF  }
0xa7: {  	s28 =	simm.s32 $_size_execute0_lowered;
	s3 =	sadd.s32 s3, s5;
	[dreg:$0x0] =	wrdreg $0x0  }
0xa8: {  	s5 =	sshll.u32 s28, $0x1;
	[dreg:$0x2] =	wrdreg s3  }
0xa9: {  	[dreg:$0x3] =	wrdreg s5  }
0xaa: {  	[dreg:$0x4] =	wrdreg $0xC0  }
0xab: {  	_ =	task [dreg:s7], $0x5FFFF  }
0xac: {  	[dreg:$0x1] =	wrdreg $0xFFFFFFFF  }
0xad: {  	[dreg:$0x0] =	wrdreg $0x60  }
0xae: {  	[dreg:$0x2] =	wrdreg s24  }
0xaf: {  	[dreg:$0x3] =	wrdreg s2  }
0xb0: {  	[dreg:$0x4] =	wrdreg $0xB5000  }
0xb1: {  	[dreg:$0x5] =	wrdreg $0x9  }
0xb2: {  	_ =	task.clear_ibuf [dreg:s7], $0x6FFFF;
	_ =	strace $0x90000046  }
0xb3: {  	s29 =	simm.s32 $0x9;
	_ =	strace $0x80000048  }
0xb4: {  	_ =	swait.ge [sflag:s29], $0x1  }
0xb5: {  	[sflag:s29] =	ssyncadd.s32 $0xFFFFFFFF  }
0xb6: {  	_ =	strace $0x90000048  }
0xb7: {  	_ =	sfence  }
0xb8: {  	s30 =	sld [smem:$0x0];
	_ =	sdelay $0x2  }
0xb9: {  	s31 =	sshll.u32 s1, $0xD;
	s1 =	sshrl.u32 s1, $0x2  }
0xba: {  	s3 =	sand.u32 $0x4000, s31;
	s1 =	sadd.s32 s1, s30  }
0xbb: {  	s0 =	sor.u32 s3, s0;
	s1 =	sshll.u32 s1, $0x11  }
0xbc: {  	s0 =	sor.u32 s1, s0  }
0xbd: {  	s0 =	sadd.s32 $0x8F2B, s0  }
0xbe: {  	[sflag:s0] =	ssyncadd.remote.s32 $0x1  }
0xbf: {  	_ =	sfence.sel $0xFFFF  }
0xc0: {  	[dreg:$0x0] =	wrdreg $0xFFFFFFFF;
	(pc) =	sbr.abs _section_cstart, $3  }
0xc1: {  	[dreg:$0x1] =	wrdreg $0xFFFFFFFF  }
0xc2: {  	_ =	task.clear_ibuf [dreg:s7], $0x2FFFF;
	_ =	strace $0x9FFFFFFF  }
0xc3: {  	(tm) =	ssettm $0x7FFFFFFF  }
tec
execute0_lowered:
.L_overlay_start_1:
0x0: {  	(tag) =	ssettag $0x1  }
0x1: {  	s4 =	rddreg [dreg:$0x0]  }
0x2: {  	s1 =	rddreg [dreg:$0x1]  }
0x3: {  	s2 =	rddreg [dreg:$0x2]  }
0x4: {  	s3 =	simm.s32 $0x0;
	s0 =	srdreg.scid;
	s12 =	stileid.u32  }
0x5: {  	s28 =	simm.s32 $0x8D80;
	s29 =	simm.s32 $0x2;
	s30 =	simm.s32 $0x4  }
0x6: {  	s31 =	simm.s32 $0x480;
	[smem:$0x7FF] =	sst s3;
	s6 =	smul.u32 $0x14000, s12  }
0x7: {  	s8 =	sand.u32 $0x1, s0;
	s5 =	sadd.s32 $0x1200, s4;
	s10 =	smul.u32 $0x50000, s12  }
0x8: {  	s7 =	sshll.u32 s12, $0x1;
	s9 =	sadd.s32 $0x14C00, s4;
	s24 =	smul.u32 $0x4E20, s12  }
0x9: {  	s18 =	sshrl.u32 s12, $0x2;
	_ =	strace $0x80000047;
	s0 =	smul.u32 $0x140000, s8  }
0xa: {  	[dreg:$0xf] =	wrdreg s9;
	s16 =	sor.u32 s8, s7;
	s19 =	smul.u32 $0x13C00, s18  }
0xb: {  	s21 =	ssub.s32 $0x2, s8;
	s8 =	smul.u32 $0x2710, s8;
	s20 =	sshll.u32 s16, $0x7  }
0xc: {  	s11 =	sshrl.u32 s21, $0x1;
	s10 =	sshrl.u32 s10, $0x2;
	s9 =	smul.u32 $0x2710, s16  }
0xd: {  	s0 =	sadd.s32 s6, s0;
	s7 =	sand.u32 $0x380, s20;
	s17 =	sadd.s32 s10, s2  }
0xe: {  	s8 =	sadd.s32 s8, s24;
	s22 =	sadd.s32 $0x2000, s17;
	[dreg:$0x10] =	wrdreg s17  }
0xf: {  	s0 =	sshrl.u32 s0, $0x3;
	s23 =	sadd.s32 $0x4000, s17;
	[dreg:$0x11] =	wrdreg s22  }
0x10: {  	s6 =	sor.u32 s19, s7;
	s25 =	sadd.s32 $0x6000, s17;
	[dreg:$0x12] =	wrdreg s23  }
0x11: {  	s26 =	sadd.s32 $0x8000, s17;
	s12 =	sadd.s32 $0xC000, s17;
	[dreg:$0x13] =	wrdreg s25  }
0x12: {  	s13 =	sadd.s32 $0xE000, s17;
	s14 =	sadd.s32 $0x10000, s17;
	[dreg:$0x14] =	wrdreg s26  }
0x13: {  	s15 =	sadd.s32 $0x12000, s17;
	s9 =	sshrl.u32 s9, $0x3;
	[dreg:$0x16] =	wrdreg s12  }
0x14: {  	s10 =	sadd.s32 $0x240, s8;
	s18 =	sadd.s32 $0x4E440, s8;
	[dreg:$0x17] =	wrdreg s13  }
0x15: {  	s24 =	sadd.s32 $0x1C0, s8;
	s0 =	sadd.s32 s0, s4;
	[dreg:$0x18] =	wrdreg s14  }
0x16: {  	s6 =	sshrl.u32 s6, $0x3;
	[dreg:$0x19] =	wrdreg s15;
	s7 =	sadd.s32 s5, s9  }
0x17: {  	s16 =	sshrl.u32 s10, $0x3;
	s10 =	sshrl.u32 s18, $0x3;
	s23 =	sadd.s32 $0x4E400, s8  }
0x18: {  	s26 =	sshrl.u32 s24, $0x3;
	s12 =	sadd.s32 $0x4E3C0, s8;
	s14 =	sadd.s32 $0x4E380, s8  }
0x19: {  	s15 =	sadd.s32 $0x140, s8;
	s4 =	sadd.s32 s6, s4;
	s6 =	ssub.s32 s21, s11  }
0x1a: {  	s11 =	sadd.s32 $0xA000, s17;
	s19 =	sadd.s32 $0x9C40, s7;
	[dreg:$0x1a] =	wrdreg s7  }
0x1b: {  	s9 =	sadd.s32 s16, s5;
	s20 =	sadd.s32 s10, s5;
	[dreg:$0x15] =	wrdreg s11  }
0x1c: {  	s21 =	sadd.s32 $0x200, s8;
	s10 =	sshrl.u32 s23, $0x3;
	[dreg:$0x1b] =	wrdreg s19  }
0x1d: {  	s13 =	sshrl.u32 s12, $0x3;
	s18 =	sshrl.u32 s15, $0x3;
	[dreg:$0x4] =	wrdreg s9  }
0x1e: {  	s23 =	sadd.s32 $0x4E300, s8;
	s12 =	sadd.s32 $0x9C48, s7;
	[dreg:$0x5] =	wrdreg s20  }
0x1f: {  	s0 =	sadd.s32 $0x15200, s0;
	s22 =	sshrl.u32 s21, $0x3;
	[dreg:$0x1d] =	wrdreg s12  }
0x20: {  	s25 =	sadd.s32 s10, s5;
	s11 =	sadd.s32 s26, s5;
	[dreg:$0x1f] =	wrdreg s0  }
0x21: {  	s10 =	sshrl.u32 s14, $0x3;
	s19 =	sadd.s32 s18, s5;
	[dreg:$0x7] =	wrdreg s25  }
0x22: {  	s20 =	sadd.s32 $0x4E340, s8;
	s26 =	sadd.s32 $0x8, s7;
	[dreg:$0x8] =	wrdreg s11  }
0x23: {  	s14 =	sadd.s32 $0x65200, s4;
	s15 =	smax.u32 s6, $0x1;
	[dreg:$0xb] =	wrdreg s19  }
0x24: {  	s18 =	sadd.s32 $0x9C50, s7;
	s12 =	simm.s32 $0x200;
	[dreg:$0x1c] =	wrdreg s26  }
0x25: {  	s0 =	simm.s32 $0x3;
	s4 =	simm.s32 $0x0;
	[smem:$0x7F2] =	sst s14  }
0x26: {  	s9 =	sadd.s32 s22, s5;
	s16 =	sadd.s32 s10, s5;
	[smem:$0x7F3] =	sst s15  }
0x27: {  	s21 =	sshrl.u32 s20, $0x3;
	s22 =	sadd.s32 $0x100, s8;
	[smem:$0x7F5] =	sst s18  }
0x28: {  	s25 =	sshrl.u32 s23, $0x3;
	s19 =	sadd.s32 $0x18, s7;
	[dreg:$0x6] =	wrdreg s9  }
0x29: {  	s20 =	sadd.s32 $0x9C58, s7;
	s23 =	sadd.s32 $0x4D8, s7;
	[dreg:$0xa] =	wrdreg s16  }
0x2a: {  	s26 =	sadd.s32 $0xA120, s7;
	s14 =	simm.s32 $0x280;
	[smem:$0x7F6] =	sst s19  }
0x2b: {  	s15 =	simm.s32 $0x100;
	s18 =	simm.s32 $0x6;
	[smem:$0x7F7] =	sst s20  }
0x2c: {  	s9 =	sadd.s32 s13, s5;
	s10 =	sshrl.u32 s22, $0x3;
	[smem:$0x7FA] =	sst s23  }
0x2d: {  	s11 =	sadd.s32 s25, s5;
	s13 =	sadd.s32 $0x10, s7;
	[smem:$0x7FD] =	sst s26  }
0x2e: {  	s16 =	sadd.s32 $0x180, s8;
	s22 =	sadd.s32 $0xA110, s7;
	[dreg:$0x9] =	wrdreg s9  }
0x2f: {  	s25 =	sadd.s32 $0x4E0, s7;
	s19 =	simm.s32 $0x40;
	[dreg:$0xe] =	wrdreg s11  }
0x30: {  	s20 =	simm.s32 $0x7;
	s23 =	simm.s32 $0x8;
	[dreg:$0x1e] =	wrdreg s13  }
0x31: {  	s26 =	simm.s32 $0x400;
	s9 =	sadd.s32 s21, s5;
	[smem:$0x7F4] =	sst s16  }
0x32: {  	s24 =	sadd.s32 s10, s5;
	s21 =	sadd.s32 $0x4D0, s7;
	[smem:$0x7F9] =	sst s22  }
0x33: {  	[smem:$0x7FC] =	sst s25;
	s10 =	simm.s32 $0x9;
	s11 =	simm.s32 $0x600  }
0x34: {  	s13 =	simm.s32 $0x80;
	s16 =	simm.s32 $0x300;
	[dreg:$0xc] =	wrdreg s9  }
0x35: {  	s22 =	simm.s32 $0x1;
	s25 =	simm.s32 $0x5;
	[dreg:$0xd] =	wrdreg s24  }
0x36: {  	[smem:$0x7F8] =	sst s21;
	s24 =	sadd.s32 $0xA118, s7;
	s9 =	simm.s32 $0x6600  }
0x37: {  	v0 =	vimm.f32 $0.0e+00;
	s21 =	simm.s32 $0x2600;
	[smem:$0x7FB] =	sst s24;
	s24 =	simm.s32 $0x4600  }
.LBB2_1:
0x38: {  	s6 =	rddreg [dreg:$0xf]  }
0x39: {  	[tilespmem:s9], [sflag:$0x9] =	stream.linear.gather [hbm4b:s6+s3], $0x2780, $0x38;
	[tilespmem:$0x1F500] =	vst v63  }
0x3a: {  	_ =	swait.ge [sflag:s10], $0x2780  }
0x3b: {  	[sflag:s10] =	ssyncset.done $0x0  }
0x3c: {  	s8 =	simm.s32 $0x200;
	s6 =	simm.s32 $0x0;
	[sflag:s10] =	ssyncadd.s32 $0xFFFFD880  }
.LBB2_2:
0x3d: {  	p0 =	sne.s32 s8, $0x7E00;
	[tilespmem:s6+$0x670] =	vst v0  }
0x3e: {  	[tilespmem:s6+$0x600] =	vst v0  }
0x3f: {  	[tilespmem:s6+$0x610] =	vst v0  }
.Ltmp0:
0x40: {  	[tilespmem:s6+$0x620] =	vst v0;
	(pc) =	sbr.rel @p0 .LBB2_2-.Ltmp0, $4  }
0x41: {  	[tilespmem:s6+$0x630] =	vst v0  }
0x42: {  	[tilespmem:s6+$0x640] =	vst v0  }
0x43: {  	[tilespmem:s6+$0x650] =	vst v0  }
0x44: {  	[tilespmem:s6+$0x660] =	vst v0;
	s6 =	sshra.s32 s8, $0x2;
	s8 =	sadd.s32 $0x200, s8  }
0x45: {  	[tilespmem:s6+$0x670] =	vst v0  }
0x46: {  	[tilespmem:s6+$0x600] =	vst v0  }
0x47: {  	[tilespmem:s6+$0x610] =	vst v0  }
0x48: {  	[tilespmem:s6+$0x620] =	vst v0  }
0x49: {  	[tilespmem:s6+$0x630] =	vst v0  }
0x4a: {  	[tilespmem:s6+$0x640] =	vst v0  }
0x4b: {  	[tilespmem:s6+$0x650] =	vst v0  }
0x4c: {  	[tilespmem:s6+$0x660] =	vst v0;
	s6 =	simm.s32 $0x40;
	s8 =	simm.s32 $0x0  }
.LBB2_4:
0x4d: {  	p0 =	sne.s32 s6, $0x9C00;
	[tilespmem:s8+$0x8D80] =	vst v0;
	s8 =	smov.u32 s6;
	s6 =	sadd.s32 $0x40, s6  }
.Ltmp1:
0x4e: {  	(pc) =	sbr.rel @p0 .LBB2_4-.Ltmp1, $2  }
0x4f: {  	_ =	sdelay $0x2  }
0x50: {  	s8 =	sshra.s32 s8, $0x2  }
0x51: {  	[tilespmem:s8+$0x8D80] =	vst v0  }
0x52: {  	[spmem:s17] =	stream.linear.scatter [tilespmem:s11], [sflag:$0x9], $0x2000, $0x38;
	[tilespmem:$0x1F500] =	vst v63  }
0x53: {  	_ =	swait.ge [sflag:s10], $0x2000  }
0x54: {  	[sflag:s10] =	ssyncset.done $0x0  }
0x55: {  	s6 =	rddreg [dreg:$0x11];
	[sflag:s10] =	ssyncadd.s32 $0xFFFFE000  }
0x56: {  	[spmem:s6] =	stream.linear.scatter [tilespmem:s11], [sflag:$0x9], $0x2000, $0x38;
	[tilespmem:$0x1F500] =	vst v63  }
0x57: {  	_ =	swait.ge [sflag:s10], $0x2000  }
0x58: {  	[sflag:s10] =	ssyncset.done $0x0  }
0x59: {  	s7 =	rddreg [dreg:$0x12];
	[sflag:s10] =	ssyncadd.s32 $0xFFFFE000  }
0x5a: {  	[spmem:s7] =	stream.linear.scatter [tilespmem:s11], [sflag:$0x9], $0x2000, $0x38;
	[tilespmem:$0x1F500] =	vst v63  }
0x5b: {  	_ =	swait.ge [sflag:s10], $0x2000  }
0x5c: {  	[sflag:s10] =	ssyncset.done $0x0  }
0x5d: {  	s8 =	rddreg [dreg:$0x13];
	[sflag:s10] =	ssyncadd.s32 $0xFFFFE000  }
0x5e: {  	[spmem:s8] =	stream.linear.scatter [tilespmem:s11], [sflag:$0x9], $0x2000, $0x38;
	[tilespmem:$0x1F500] =	vst v63  }
0x5f: {  	_ =	swait.ge [sflag:s10], $0x2000  }
0x60: {  	[sflag:s10] =	ssyncset.done $0x0  }
0x61: {  	s17 =	rddreg [dreg:$0x14];
	[sflag:s10] =	ssyncadd.s32 $0xFFFFE000  }
0x62: {  	[spmem:s17] =	stream.linear.scatter [tilespmem:s11], [sflag:$0x9], $0x2000, $0x38;
	[tilespmem:$0x1F500] =	vst v63  }
0x63: {  	_ =	swait.ge [sflag:s10], $0x2000  }
0x64: {  	[sflag:s10] =	ssyncset.done $0x0  }
0x65: {  	s7 =	rddreg [dreg:$0x15];
	[sflag:s10] =	ssyncadd.s32 $0xFFFFE000  }
0x66: {  	[spmem:s7] =	stream.linear.scatter [tilespmem:s11], [sflag:$0x9], $0x2000, $0x38;
	[tilespmem:$0x1F500] =	vst v63  }
0x67: {  	_ =	swait.ge [sflag:s10], $0x2000  }
0x68: {  	[sflag:s10] =	ssyncset.done $0x0  }
0x69: {  	s8 =	rddreg [dreg:$0x16];
	[sflag:s10] =	ssyncadd.s32 $0xFFFFE000  }
0x6a: {  	[spmem:s8] =	stream.linear.scatter [tilespmem:s11], [sflag:$0x9], $0x2000, $0x38;
	[tilespmem:$0x1F500] =	vst v63  }
0x6b: {  	_ =	swait.ge [sflag:s10], $0x2000  }
0x6c: {  	[sflag:s10] =	ssyncset.done $0x0  }
0x6d: {  	s17 =	rddreg [dreg:$0x17];
	[sflag:s10] =	ssyncadd.s32 $0xFFFFE000  }
0x6e: {  	[spmem:s17] =	stream.linear.scatter [tilespmem:s11], [sflag:$0x9], $0x2000, $0x38;
	[tilespmem:$0x1F500] =	vst v63  }
0x6f: {  	_ =	swait.ge [sflag:s10], $0x2000  }
0x70: {  	[sflag:s10] =	ssyncset.done $0x0  }
0x71: {  	s7 =	rddreg [dreg:$0x18];
	[sflag:s10] =	ssyncadd.s32 $0xFFFFE000  }
0x72: {  	[spmem:s7] =	stream.linear.scatter [tilespmem:s11], [sflag:$0x9], $0x2000, $0x38;
	[tilespmem:$0x1F500] =	vst v63  }
0x73: {  	_ =	swait.ge [sflag:s10], $0x2000  }
0x74: {  	[sflag:s10] =	ssyncset.done $0x0  }
0x75: {  	s8 =	rddreg [dreg:$0x19];
	[sflag:s10] =	ssyncadd.s32 $0xFFFFE000  }
0x76: {  	[spmem:s8] =	stream.linear.scatter [tilespmem:s11], [sflag:$0x9], $0x2000, $0x38;
	[tilespmem:$0x1F500] =	vst v63  }
0x77: {  	_ =	swait.ge [sflag:s10], $0x2000  }
0x78: {  	[sflag:s10] =	ssyncset.done $0x0  }
0x79: {  	[sflag:s10] =	ssyncadd.s32 $0xFFFFE000  }
0x7a: {  	[bflag:$0x0] =	sbarrier.arrive $0xFFFF  }
0x7b: {  	s7 =	rddreg [dreg:$0x1a]  }
0x7c: {  	s6 =	simm.s32 $0x0;
	s17 =	rddreg [dreg:$0x1b]  }
0x7d: {  	[tilespmem:s6], [sflag:$0x6] =	stream.linear.gather [hbm4b:s7+s6], $0x40, $0x38;
	[tilespmem:$0x1F500] =	vst v63  }
0x7e: {  	s8 =	rddreg [dreg:$0x1c]  }
0x7f: {  	[tilespmem:s12], [sflag:$0x6] =	stream.linear.gather [hbm4b:s17+s6], $0x40, $0x38;
	[tilespmem:$0x1F500] =	vst v63  }
0x80: {  	s17 =	rddreg [dreg:$0x1d]  }
0x81: {  	[tilespmem:s13], [sflag:$0x7] =	stream.linear.gather [hbm4b:s8+s6], $0x40, $0x38;
	[tilespmem:$0x1F500] =	vst v63  }
0x82: {  	s8 =	rddreg [dreg:$0x1e]  }
0x83: {  	[tilespmem:s14], [sflag:$0x7] =	stream.linear.gather [hbm4b:s17+s6], $0x40, $0x38;
	[tilespmem:$0x1F500] =	vst v63  }
0x84: {  	s17 =	sld [smem:$0x7F5]  }
0x85: {  	[tilespmem:s15], [sflag:$0x8] =	stream.linear.gather [hbm4b:s8+s6], $0x40, $0x38;
	[tilespmem:$0x1F500] =	vst v63  }
0x86: {  	_ = 	snop  }
0x87: {  	[tilespmem:s16], [sflag:$0x8] =	stream.linear.gather [hbm4b:s17+s6], $0x40, $0x38;
	[tilespmem:$0x1F500] =	vst v63  }
0x88: {  	_ =	swait.ge [sflag:s18], $0x40  }
0x89: {  	[sflag:s18] =	ssyncset.done $0x0  }
0x8a: {  	[sflag:s18] =	ssyncadd.s32 $0xFFFFFFC0  }
0x8b: {  	_ =	swait.ge [sflag:s18], $0x40  }
0x8c: {  	[sflag:s18] =	ssyncset.done $0x0  }
0x8d: {  	[sflag:s18] =	ssyncadd.s32 $0xFFFFFFC0  }
0x8e: {  	[tilespmem:s11], [sflag:$0x1] =	stream.indirect.gather [hbm4b:s1+s19], $0x80, s6, s19, $0xb8;
	[tilespmem:$0x1F500] =	vst v63  }
0x8f: {  	_ =	swait.ge [sflag:s20], $0x40  }
0x90: {  	[sflag:s20] =	ssyncset.done $0x0  }
0x91: {  	[sflag:s20] =	ssyncadd.s32 $0xFFFFFFC0  }
0x92: {  	_ =	swait.ge [sflag:s20], $0x40  }
0x93: {  	[sflag:s20] =	ssyncset.done $0x0  }
0x94: {  	[sflag:s20] =	ssyncadd.s32 $0xFFFFFFC0  }
0x95: {  	[tilespmem:s21], [sflag:$0x2] =	stream.indirect.gather [hbm4b:s1+s19], $0x80, s13, s19, $0xb8;
	[tilespmem:$0x1F500] =	vst v63  }
0x96: {  	_ =	swait.ge [sflag:s22], $0x2000  }
0x97: {  	[sflag:s22] =	ssyncset.done $0x0  }
0x98: {  	[sflag:s22] =	ssyncadd.s32 $0xFFFFE000  }
0x99: {  	_ =	swait.ge [sflag:s23], $0x40  }
0x9a: {  	[sflag:s23] =	ssyncset.done $0x0  }
0x9b: {  	[sflag:s23] =	ssyncadd.s32 $0xFFFFFFC0  }
0x9c: {  	_ =	swait.ge [sflag:s23], $0x40  }
0x9d: {  	[sflag:s23] =	ssyncset.done $0x0  }
0x9e: {  	[sflag:s23] =	ssyncadd.s32 $0xFFFFFFC0  }
0x9f: {  	[tilespmem:s24], [sflag:$0x3] =	stream.indirect.gather [hbm4b:s1+s19], $0x80, s15, s19, $0xb8;
	[tilespmem:$0x1F500] =	vst v63  }
0xa0: {  	v1 =	vld [tilespmem:$0x200]  }
0xa1: {  	v2 =	vld [tilespmem:$0x210]  }
0xa2: {  	v3 =	vld [tilespmem:$0x220]  }
0xa3: {  	v4 =	vld [tilespmem:$0x230];
	_ =	sdelay $0x1  }
0xa4: {  	[tilespmem:$0x400] =	vst v1  }
0xa5: {  	[tilespmem:$0x410] =	vst v2  }
0xa6: {  	[tilespmem:$0x420] =	vst v3  }
0xa7: {  	[tilespmem:$0x430] =	vst v4  }
0xa8: {  	[spmem:s2] =	stream.indirect.scatter.add.f32 [tilespmem:s11], [sflag:$0x4], $0x80, s26, s19, $0xb8;
	[tilespmem:$0x1F500] =	vst v63  }
0xa9: {  	v1 =	vld [tilespmem:$0x0];
	_ =	sdelay $0x4  }
0xaa: {  	v2 =	vld [tilespmem:$0x200];
	_ =	sdelay $0x2  }
0xab: {  	v1 =	vld.idx.msk [tilespmem:v1+s9+$0x0], $0xffff;
	_ =	sdelay $0x4  }
0xac: {  	[tilespmem:v2+s28+$0x0] =	vst.idx.add.f32.msk $0xffff, v1  }
0xad: {  	v1 =	vld [tilespmem:$0x10];
	_ =	sdelay $0x4  }
0xae: {  	v2 =	vld [tilespmem:$0x210];
	_ =	sdelay $0x2  }
0xaf: {  	v1 =	vld.idx.msk [tilespmem:v1+s9+$0x0], $0xffff;
	_ =	sdelay $0x4  }
0xb0: {  	[tilespmem:v2+s28+$0x0] =	vst.idx.add.f32.msk $0xffff, v1  }
0xb1: {  	v1 =	vld [tilespmem:$0x20];
	_ =	sdelay $0x4  }
0xb2: {  	v2 =	vld [tilespmem:$0x220];
	_ =	sdelay $0x2  }
0xb3: {  	v1 =	vld.idx.msk [tilespmem:v1+s9+$0x0], $0xffff;
	_ =	sdelay $0x4  }
0xb4: {  	[tilespmem:v2+s28+$0x0] =	vst.idx.add.f32.msk $0xffff, v1  }
0xb5: {  	v1 =	vld [tilespmem:$0x30];
	_ =	sdelay $0x4  }
0xb6: {  	v2 =	vld [tilespmem:$0x230];
	_ =	sdelay $0x2  }
0xb7: {  	v1 =	vld.idx.msk [tilespmem:v1+s9+$0x0], $0xffff;
	_ =	sdelay $0x2  }
0xb8: {  	s8 =	sld [smem:$0x7F6];
	_ =	sdelay $0x1  }
0xb9: {  	s17 =	sld [smem:$0x7F7];
	[tilespmem:v2+s28+$0x0] =	vst.idx.add.f32.msk $0xffff, v1  }
0xba: {  	[tilespmem:s6], [sflag:$0x6] =	stream.linear.gather [hbm4b:s8+s6], $0x40, $0x38;
	[tilespmem:$0x1F500] =	vst v63  }
0xbb: {  	s8 =	sld [smem:$0x7F4]  }
0xbc: {  	[tilespmem:s12], [sflag:$0x6] =	stream.linear.gather [hbm4b:s17+s6], $0x40, $0x38;
	[tilespmem:$0x1F500] =	vst v63  }
.LBB2_6:
0xbd: {  	_ =	swait.ge [sflag:s29], $0x2000  }
0xbe: {  	[sflag:s29] =	ssyncset.done $0x0  }
0xbf: {  	[sflag:s29] =	ssyncadd.s32 $0xFFFFE000  }
0xc0: {  	_ =	swait.ge [sflag:s30], $0x2000  }
0xc1: {  	[sflag:s30] =	ssyncset.done $0x0  }
0xc2: {  	[sflag:s30] =	ssyncadd.s32 $0xFFFFE000  }
0xc3: {  	_ =	swait.ge [sflag:s18], $0x40  }
0xc4: {  	[sflag:s18] =	ssyncset.done $0x0  }
0xc5: {  	[sflag:s18] =	ssyncadd.s32 $0xFFFFFFC0  }
0xc6: {  	_ =	swait.ge [sflag:s18], $0x40  }
0xc7: {  	[sflag:s18] =	ssyncset.done $0x0  }
0xc8: {  	[sflag:s18] =	ssyncadd.s32 $0xFFFFFFC0  }
0xc9: {  	[tilespmem:s11], [sflag:$0x1] =	stream.indirect.gather [hbm4b:s1+s19], $0x80, s3, s19, $0xb8;
	[tilespmem:$0x1F500] =	vst v63  }
0xca: {  	v1 =	vld [tilespmem:$0x280]  }
0xcb: {  	v2 =	vld [tilespmem:$0x290]  }
0xcc: {  	v3 =	vld [tilespmem:$0x2A0]  }
0xcd: {  	v4 =	vld [tilespmem:$0x2B0];
	_ =	sdelay $0x1  }
0xce: {  	[tilespmem:$0x480] =	vst v1  }
0xcf: {  	[tilespmem:$0x490] =	vst v2  }
0xd0: {  	[tilespmem:$0x4A0] =	vst v3  }
0xd1: {  	[tilespmem:$0x4B0] =	vst v4  }
0xd2: {  	[spmem:s2] =	stream.indirect.scatter.add.f32 [tilespmem:s21], [sflag:$0x5], $0x80, s31, s19, $0xb8;
	[tilespmem:$0x1F500] =	vst v63  }
0xd3: {  	v1 =	vld [tilespmem:$0x80];
	_ =	sdelay $0x4  }
0xd4: {  	v2 =	vld [tilespmem:$0x280];
	_ =	sdelay $0x2  }
0xd5: {  	v1 =	vld.idx.msk [tilespmem:v1+s9+$0x0], $0xffff;
	_ =	sdelay $0x4  }
0xd6: {  	[tilespmem:v2+s28+$0x0] =	vst.idx.add.f32.msk $0xffff, v1  }
0xd7: {  	v1 =	vld [tilespmem:$0x90];
	_ =	sdelay $0x4  }
0xd8: {  	v2 =	vld [tilespmem:$0x290];
	_ =	sdelay $0x2  }
0xd9: {  	v1 =	vld.idx.msk [tilespmem:v1+s9+$0x0], $0xffff;
	_ =	sdelay $0x4  }
0xda: {  	[tilespmem:v2+s28+$0x0] =	vst.idx.add.f32.msk $0xffff, v1  }
0xdb: {  	v1 =	vld [tilespmem:$0xA0];
	_ =	sdelay $0x4  }
0xdc: {  	v2 =	vld [tilespmem:$0x2A0];
	_ =	sdelay $0x2  }
0xdd: {  	v1 =	vld.idx.msk [tilespmem:v1+s9+$0x0], $0xffff;
	_ =	sdelay $0x4  }
0xde: {  	[tilespmem:v2+s28+$0x0] =	vst.idx.add.f32.msk $0xffff, v1  }
0xdf: {  	v1 =	vld [tilespmem:$0xB0];
	_ =	sdelay $0x4  }
0xe0: {  	v2 =	vld [tilespmem:$0x2B0];
	_ =	sdelay $0x2  }
0xe1: {  	v1 =	vld.idx.msk [tilespmem:v1+s9+$0x0], $0xffff;
	_ =	sdelay $0x3  }
0xe2: {  	s17 =	rddreg [dreg:$0xd]  }
0xe3: {  	s7 =	rddreg [dreg:$0xe];
	s17 =	sadd.s32 s6, s17;
	[tilespmem:v2+s28+$0x0] =	vst.idx.add.f32.msk $0xffff, v1  }
0xe4: {  	[tilespmem:s13], [sflag:$0x7] =	stream.linear.gather [hbm4b:s17+s3], $0x40, $0x38;
	[tilespmem:$0x1F500] =	vst v63  }
0xe5: {  	s7 =	sadd.s32 s6, s7  }
0xe6: {  	[tilespmem:s14], [sflag:$0x7] =	stream.linear.gather [hbm4b:s7+s3], $0x40, $0x38;
	[tilespmem:$0x1F500] =	vst v63  }
0xe7: {  	_ =	swait.ge [sflag:s0], $0x2000  }
0xe8: {  	[sflag:s0] =	ssyncset.done $0x0  }
0xe9: {  	[sflag:s0] =	ssyncadd.s32 $0xFFFFE000  }
0xea: {  	_ =	swait.ge [sflag:s25], $0x2000  }
0xeb: {  	[sflag:s25] =	ssyncset.done $0x0  }
0xec: {  	[sflag:s25] =	ssyncadd.s32 $0xFFFFE000  }
0xed: {  	_ =	swait.ge [sflag:s20], $0x40  }
0xee: {  	[sflag:s20] =	ssyncset.done $0x0  }
0xef: {  	[sflag:s20] =	ssyncadd.s32 $0xFFFFFFC0  }
0xf0: {  	_ =	swait.ge [sflag:s20], $0x40  }
0xf1: {  	[sflag:s20] =	ssyncset.done $0x0  }
0xf2: {  	[sflag:s20] =	ssyncadd.s32 $0xFFFFFFC0  }
0xf3: {  	[tilespmem:s21], [sflag:$0x2] =	stream.indirect.gather [hbm4b:s1+s19], $0x80, s13, s19, $0xb8;
	[tilespmem:$0x1F500] =	vst v63  }
0xf4: {  	v1 =	vld [tilespmem:$0x300]  }
0xf5: {  	v2 =	vld [tilespmem:$0x310]  }
0xf6: {  	v3 =	vld [tilespmem:$0x320]  }
0xf7: {  	v59 =	vld [tilespmem:$0x330];
	_ =	sdelay $0x1  }
0xf8: {  	[tilespmem:$0x400] =	vst v1  }
0xf9: {  	[tilespmem:$0x410] =	vst v2  }
0xfa: {  	[tilespmem:$0x420] =	vst v3  }
0xfb: {  	[tilespmem:$0x430] =	vst v59  }
0xfc: {  	[spmem:s2] =	stream.indirect.scatter.add.f32 [tilespmem:s24], [sflag:$0x4], $0x80, s26, s19, $0xb8;
	[tilespmem:$0x1F500] =	vst v63  }
0xfd: {  	v1 =	vld [tilespmem:$0x100];
	_ =	sdelay $0x4  }
0xfe: {  	v2 =	vld [tilespmem:$0x300];
	_ =	sdelay $0x2  }
0xff: {  	v1 =	vld.idx.msk [tilespmem:v1+s9+$0x0], $0xffff;
	_ =	sdelay $0x4  }
0x100: {  	[tilespmem:v2+s28+$0x0] =	vst.idx.add.f32.msk $0xffff, v1  }
0x101: {  	v1 =	vld [tilespmem:$0x110];
	_ =	sdelay $0x4  }
0x102: {  	v2 =	vld [tilespmem:$0x310];
	_ =	sdelay $0x2  }
0x103: {  	v1 =	vld.idx.msk [tilespmem:v1+s9+$0x0], $0xffff;
	_ =	sdelay $0x4  }
0x104: {  	[tilespmem:v2+s28+$0x0] =	vst.idx.add.f32.msk $0xffff, v1  }
0x105: {  	v1 =	vld [tilespmem:$0x120];
	_ =	sdelay $0x4  }
0x106: {  	v2 =	vld [tilespmem:$0x320];
	_ =	sdelay $0x2  }
0x107: {  	v1 =	vld.idx.msk [tilespmem:v1+s9+$0x0], $0xffff;
	_ =	sdelay $0x4  }
0x108: {  	[tilespmem:v2+s28+$0x0] =	vst.idx.add.f32.msk $0xffff, v1  }
0x109: {  	v1 =	vld [tilespmem:$0x130];
	_ =	sdelay $0x4  }
0x10a: {  	v2 =	vld [tilespmem:$0x330];
	_ =	sdelay $0x2  }
0x10b: {  	v1 =	vld.idx.msk [tilespmem:v1+s9+$0x0], $0xffff;
	_ =	sdelay $0x3  }
0x10c: {  	s7 =	rddreg [dreg:$0xb]  }
0x10d: {  	s17 =	rddreg [dreg:$0xc];
	s7 =	sadd.s32 s6, s7;
	[tilespmem:v2+s28+$0x0] =	vst.idx.add.f32.msk $0xffff, v1  }
0x10e: {  	[tilespmem:s15], [sflag:$0x8] =	stream.linear.gather [hbm4b:s7+s3], $0x40, $0x38;
	[tilespmem:$0x1F500] =	vst v63  }
0x10f: {  	s17 =	sadd.s32 s6, s17  }
0x110: {  	[tilespmem:s16], [sflag:$0x8] =	stream.linear.gather [hbm4b:s17+s3], $0x40, $0x38;
	[tilespmem:$0x1F500] =	vst v63  }
0x111: {  	_ =	swait.ge [sflag:s22], $0x2000  }
0x112: {  	[sflag:s22] =	ssyncset.done $0x0  }
0x113: {  	[sflag:s22] =	ssyncadd.s32 $0xFFFFE000  }
0x114: {  	_ =	swait.ge [sflag:s30], $0x2000  }
0x115: {  	[sflag:s30] =	ssyncset.done $0x0  }
0x116: {  	[sflag:s30] =	ssyncadd.s32 $0xFFFFE000  }
0x117: {  	_ =	swait.ge [sflag:s23], $0x40  }
0x118: {  	[sflag:s23] =	ssyncset.done $0x0  }
0x119: {  	[sflag:s23] =	ssyncadd.s32 $0xFFFFFFC0  }
0x11a: {  	_ =	swait.ge [sflag:s23], $0x40  }
0x11b: {  	[sflag:s23] =	ssyncset.done $0x0  }
0x11c: {  	[sflag:s23] =	ssyncadd.s32 $0xFFFFFFC0  }
0x11d: {  	[tilespmem:s24], [sflag:$0x3] =	stream.indirect.gather [hbm4b:s1+s19], $0x80, s15, s19, $0xb8;
	[tilespmem:$0x1F500] =	vst v63  }
0x11e: {  	v1 =	vld [tilespmem:$0x200]  }
0x11f: {  	v2 =	vld [tilespmem:$0x210]  }
0x120: {  	v3 =	vld [tilespmem:$0x220]  }
0x121: {  	v60 =	vld [tilespmem:$0x230];
	_ =	sdelay $0x1  }
0x122: {  	[tilespmem:$0x480] =	vst v1  }
0x123: {  	[tilespmem:$0x490] =	vst v2  }
0x124: {  	[tilespmem:$0x4A0] =	vst v3  }
0x125: {  	[tilespmem:$0x4B0] =	vst v60  }
0x126: {  	[spmem:s2] =	stream.indirect.scatter.add.f32 [tilespmem:s11], [sflag:$0x5], $0x80, s31, s19, $0xb8;
	[tilespmem:$0x1F500] =	vst v63  }
0x127: {  	v1 =	vld [tilespmem:$0x0];
	_ =	sdelay $0x4  }
0x128: {  	v2 =	vld [tilespmem:$0x200];
	_ =	sdelay $0x2  }
0x129: {  	v1 =	vld.idx.msk [tilespmem:v1+s9+$0x0], $0xffff;
	_ =	sdelay $0x4  }
0x12a: {  	[tilespmem:v2+s28+$0x0] =	vst.idx.add.f32.msk $0xffff, v1  }
0x12b: {  	v1 =	vld [tilespmem:$0x10];
	_ =	sdelay $0x4  }
0x12c: {  	v2 =	vld [tilespmem:$0x210];
	_ =	sdelay $0x2  }
0x12d: {  	v1 =	vld.idx.msk [tilespmem:v1+s9+$0x0], $0xffff;
	_ =	sdelay $0x4  }
0x12e: {  	[tilespmem:v2+s28+$0x0] =	vst.idx.add.f32.msk $0xffff, v1  }
0x12f: {  	v1 =	vld [tilespmem:$0x20];
	_ =	sdelay $0x4  }
0x130: {  	v2 =	vld [tilespmem:$0x220];
	_ =	sdelay $0x2  }
0x131: {  	v1 =	vld.idx.msk [tilespmem:v1+s9+$0x0], $0xffff;
	_ =	sdelay $0x4  }
0x132: {  	[tilespmem:v2+s28+$0x0] =	vst.idx.add.f32.msk $0xffff, v1  }
0x133: {  	v1 =	vld [tilespmem:$0x30];
	_ =	sdelay $0x4  }
0x134: {  	v2 =	vld [tilespmem:$0x230];
	_ =	sdelay $0x2  }
0x135: {  	v1 =	vld.idx.msk [tilespmem:v1+s9+$0x0], $0xffff;
	_ =	sdelay $0x3  }
0x136: {  	s7 =	sshrl.u32 s8, $0x3  }
0x137: {  	s7 =	sadd.s32 s5, s7;
	s17 =	rddreg [dreg:$0xa];
	[tilespmem:v2+s28+$0x0] =	vst.idx.add.f32.msk $0xffff, v1  }
0x138: {  	[tilespmem:s3], [sflag:$0x6] =	stream.linear.gather [hbm4b:s7+s3], $0x40, $0x38;
	[tilespmem:$0x1F500] =	vst v63  }
0x139: {  	s17 =	sadd.s32 s6, s17  }
0x13a: {  	[tilespmem:s12], [sflag:$0x6] =	stream.linear.gather [hbm4b:s17+s3], $0x40, $0x38;
	[tilespmem:$0x1F500] =	vst v63  }
0x13b: {  	_ =	swait.ge [sflag:s29], $0x2000  }
0x13c: {  	[sflag:s29] =	ssyncset.done $0x0  }
0x13d: {  	[sflag:s29] =	ssyncadd.s32 $0xFFFFE000  }
0x13e: {  	_ =	swait.ge [sflag:s25], $0x2000  }
0x13f: {  	[sflag:s25] =	ssyncset.done $0x0  }
0x140: {  	[sflag:s25] =	ssyncadd.s32 $0xFFFFE000  }
0x141: {  	_ =	swait.ge [sflag:s18], $0x40  }
0x142: {  	[sflag:s18] =	ssyncset.done $0x0  }
0x143: {  	[sflag:s18] =	ssyncadd.s32 $0xFFFFFFC0  }
0x144: {  	_ =	swait.ge [sflag:s18], $0x40  }
0x145: {  	[sflag:s18] =	ssyncset.done $0x0  }
0x146: {  	[sflag:s18] =	ssyncadd.s32 $0xFFFFFFC0  }
0x147: {  	[tilespmem:s11], [sflag:$0x1] =	stream.indirect.gather [hbm4b:s1+s19], $0x80, s3, s19, $0xb8;
	[tilespmem:$0x1F500] =	vst v63  }
0x148: {  	v1 =	vld [tilespmem:$0x280]  }
0x149: {  	v2 =	vld [tilespmem:$0x290]  }
0x14a: {  	v3 =	vld [tilespmem:$0x2A0]  }
0x14b: {  	v61 =	vld [tilespmem:$0x2B0];
	_ =	sdelay $0x1  }
0x14c: {  	[tilespmem:$0x400] =	vst v1  }
0x14d: {  	[tilespmem:$0x410] =	vst v2  }
0x14e: {  	[tilespmem:$0x420] =	vst v3  }
0x14f: {  	[tilespmem:$0x430] =	vst v61  }
0x150: {  	[spmem:s2] =	stream.indirect.scatter.add.f32 [tilespmem:s21], [sflag:$0x4], $0x80, s26, s19, $0xb8;
	[tilespmem:$0x1F500] =	vst v63  }
0x151: {  	v1 =	vld [tilespmem:$0x80];
	_ =	sdelay $0x4  }
0x152: {  	v2 =	vld [tilespmem:$0x280];
	_ =	sdelay $0x2  }
0x153: {  	v1 =	vld.idx.msk [tilespmem:v1+s9+$0x0], $0xffff;
	_ =	sdelay $0x4  }
0x154: {  	[tilespmem:v2+s28+$0x0] =	vst.idx.add.f32.msk $0xffff, v1  }
0x155: {  	v1 =	vld [tilespmem:$0x90];
	_ =	sdelay $0x4  }
0x156: {  	v2 =	vld [tilespmem:$0x290];
	_ =	sdelay $0x2  }
0x157: {  	v1 =	vld.idx.msk [tilespmem:v1+s9+$0x0], $0xffff;
	_ =	sdelay $0x4  }
0x158: {  	[tilespmem:v2+s28+$0x0] =	vst.idx.add.f32.msk $0xffff, v1  }
0x159: {  	v1 =	vld [tilespmem:$0xA0];
	_ =	sdelay $0x4  }
0x15a: {  	v2 =	vld [tilespmem:$0x2A0];
	_ =	sdelay $0x2  }
0x15b: {  	v1 =	vld.idx.msk [tilespmem:v1+s9+$0x0], $0xffff;
	_ =	sdelay $0x4  }
0x15c: {  	[tilespmem:v2+s28+$0x0] =	vst.idx.add.f32.msk $0xffff, v1  }
0x15d: {  	v1 =	vld [tilespmem:$0xB0];
	_ =	sdelay $0x4  }
0x15e: {  	v2 =	vld [tilespmem:$0x2B0];
	_ =	sdelay $0x2  }
0x15f: {  	v1 =	vld.idx.msk [tilespmem:v1+s9+$0x0], $0xffff;
	_ =	sdelay $0x3  }
0x160: {  	s7 =	rddreg [dreg:$0x8]  }
0x161: {  	s17 =	rddreg [dreg:$0x9];
	s7 =	sadd.s32 s6, s7;
	[tilespmem:v2+s28+$0x0] =	vst.idx.add.f32.msk $0xffff, v1  }
0x162: {  	[tilespmem:s13], [sflag:$0x7] =	stream.linear.gather [hbm4b:s7+s3], $0x40, $0x38;
	[tilespmem:$0x1F500] =	vst v63  }
0x163: {  	s17 =	sadd.s32 s6, s17  }
0x164: {  	[tilespmem:s14], [sflag:$0x7] =	stream.linear.gather [hbm4b:s17+s3], $0x40, $0x38;
	[tilespmem:$0x1F500] =	vst v63  }
0x165: {  	_ =	swait.ge [sflag:s0], $0x2000  }
0x166: {  	[sflag:s0] =	ssyncset.done $0x0  }
0x167: {  	[sflag:s0] =	ssyncadd.s32 $0xFFFFE000  }
0x168: {  	_ =	swait.ge [sflag:s30], $0x2000  }
0x169: {  	[sflag:s30] =	ssyncset.done $0x0  }
0x16a: {  	[sflag:s30] =	ssyncadd.s32 $0xFFFFE000  }
0x16b: {  	_ =	swait.ge [sflag:s20], $0x40  }
0x16c: {  	[sflag:s20] =	ssyncset.done $0x0  }
0x16d: {  	[sflag:s20] =	ssyncadd.s32 $0xFFFFFFC0  }
0x16e: {  	_ =	swait.ge [sflag:s20], $0x40  }
0x16f: {  	[sflag:s20] =	ssyncset.done $0x0  }
0x170: {  	[sflag:s20] =	ssyncadd.s32 $0xFFFFFFC0  }
0x171: {  	[tilespmem:s21], [sflag:$0x2] =	stream.indirect.gather [hbm4b:s1+s19], $0x80, s13, s19, $0xb8;
	[tilespmem:$0x1F500] =	vst v63  }
0x172: {  	v1 =	vld [tilespmem:$0x300]  }
0x173: {  	v2 =	vld [tilespmem:$0x310]  }
0x174: {  	v3 =	vld [tilespmem:$0x320]  }
0x175: {  	v62 =	vld [tilespmem:$0x330];
	_ =	sdelay $0x1  }
0x176: {  	[tilespmem:$0x480] =	vst v1  }
0x177: {  	[tilespmem:$0x490] =	vst v2  }
0x178: {  	[tilespmem:$0x4A0] =	vst v3  }
0x179: {  	[tilespmem:$0x4B0] =	vst v62  }
0x17a: {  	[spmem:s2] =	stream.indirect.scatter.add.f32 [tilespmem:s24], [sflag:$0x5], $0x80, s31, s19, $0xb8;
	[tilespmem:$0x1F500] =	vst v63  }
0x17b: {  	v1 =	vld [tilespmem:$0x100];
	_ =	sdelay $0x4  }
0x17c: {  	v2 =	vld [tilespmem:$0x300];
	_ =	sdelay $0x2  }
0x17d: {  	v1 =	vld.idx.msk [tilespmem:v1+s9+$0x0], $0xffff;
	_ =	sdelay $0x4  }
0x17e: {  	[tilespmem:v2+s28+$0x0] =	vst.idx.add.f32.msk $0xffff, v1  }
0x17f: {  	v1 =	vld [tilespmem:$0x110];
	_ =	sdelay $0x4  }
0x180: {  	v2 =	vld [tilespmem:$0x310];
	_ =	sdelay $0x2  }
0x181: {  	v1 =	vld.idx.msk [tilespmem:v1+s9+$0x0], $0xffff;
	_ =	sdelay $0x4  }
0x182: {  	[tilespmem:v2+s28+$0x0] =	vst.idx.add.f32.msk $0xffff, v1  }
0x183: {  	v1 =	vld [tilespmem:$0x120];
	_ =	sdelay $0x4  }
0x184: {  	v2 =	vld [tilespmem:$0x320];
	_ =	sdelay $0x2  }
0x185: {  	v1 =	vld.idx.msk [tilespmem:v1+s9+$0x0], $0xffff;
	_ =	sdelay $0x4  }
0x186: {  	[tilespmem:v2+s28+$0x0] =	vst.idx.add.f32.msk $0xffff, v1  }
0x187: {  	v1 =	vld [tilespmem:$0x130];
	_ =	sdelay $0x4  }
0x188: {  	v2 =	vld [tilespmem:$0x330];
	_ =	sdelay $0x2  }
0x189: {  	v1 =	vld.idx.msk [tilespmem:v1+s9+$0x0], $0xffff;
	_ =	sdelay $0x3  }
0x18a: {  	s7 =	rddreg [dreg:$0x6]  }
0x18b: {  	s17 =	rddreg [dreg:$0x7];
	s7 =	sadd.s32 s6, s7;
	[tilespmem:v2+s28+$0x0] =	vst.idx.add.f32.msk $0xffff, v1  }
0x18c: {  	[tilespmem:s15], [sflag:$0x8] =	stream.linear.gather [hbm4b:s7+s3], $0x40, $0x38;
	[tilespmem:$0x1F500] =	vst v63  }
0x18d: {  	s17 =	sadd.s32 s6, s17  }
0x18e: {  	[tilespmem:s16], [sflag:$0x8] =	stream.linear.gather [hbm4b:s17+s3], $0x40, $0x38;
	[tilespmem:$0x1F500] =	vst v63  }
0x18f: {  	_ =	swait.ge [sflag:s22], $0x2000  }
0x190: {  	[sflag:s22] =	ssyncset.done $0x0  }
0x191: {  	[sflag:s22] =	ssyncadd.s32 $0xFFFFE000  }
0x192: {  	_ =	swait.ge [sflag:s25], $0x2000  }
0x193: {  	[sflag:s25] =	ssyncset.done $0x0  }
0x194: {  	[sflag:s25] =	ssyncadd.s32 $0xFFFFE000  }
0x195: {  	_ =	swait.ge [sflag:s23], $0x40  }
0x196: {  	[sflag:s23] =	ssyncset.done $0x0  }
0x197: {  	[sflag:s23] =	ssyncadd.s32 $0xFFFFFFC0  }
0x198: {  	_ =	swait.ge [sflag:s23], $0x40  }
0x199: {  	[sflag:s23] =	ssyncset.done $0x0  }
0x19a: {  	[sflag:s23] =	ssyncadd.s32 $0xFFFFFFC0  }
0x19b: {  	[tilespmem:s24], [sflag:$0x3] =	stream.indirect.gather [hbm4b:s1+s19], $0x80, s15, s19, $0xb8;
	[tilespmem:$0x1F500] =	vst v63  }
0x19c: {  	v1 =	vld [tilespmem:$0x200]  }
0x19d: {  	v2 =	vld [tilespmem:$0x210]  }
0x19e: {  	v3 =	vld [tilespmem:$0x220]  }
0x19f: {  	v63 =	vld [tilespmem:$0x230];
	_ =	sdelay $0x1  }
0x1a0: {  	[tilespmem:$0x400] =	vst v1  }
0x1a1: {  	[tilespmem:$0x410] =	vst v2  }
0x1a2: {  	[tilespmem:$0x420] =	vst v3  }
0x1a3: {  	[tilespmem:$0x430] =	vst v63  }
0x1a4: {  	[spmem:s2] =	stream.indirect.scatter.add.f32 [tilespmem:s11], [sflag:$0x4], $0x80, s26, s19, $0xb8;
	[tilespmem:$0x1F500] =	vst v63  }
0x1a5: {  	v1 =	vld [tilespmem:$0x0];
	_ =	sdelay $0x4  }
0x1a6: {  	v2 =	vld [tilespmem:$0x200];
	_ =	sdelay $0x2  }
0x1a7: {  	v1 =	vld.idx.msk [tilespmem:v1+s9+$0x0], $0xffff;
	_ =	sdelay $0x4  }
0x1a8: {  	[tilespmem:v2+s28+$0x0] =	vst.idx.add.f32.msk $0xffff, v1  }
0x1a9: {  	v1 =	vld [tilespmem:$0x10];
	_ =	sdelay $0x4  }
0x1aa: {  	v2 =	vld [tilespmem:$0x210];
	_ =	sdelay $0x2  }
0x1ab: {  	v1 =	vld.idx.msk [tilespmem:v1+s9+$0x0], $0xffff;
	_ =	sdelay $0x4  }
0x1ac: {  	[tilespmem:v2+s28+$0x0] =	vst.idx.add.f32.msk $0xffff, v1  }
0x1ad: {  	v1 =	vld [tilespmem:$0x20];
	_ =	sdelay $0x4  }
0x1ae: {  	v2 =	vld [tilespmem:$0x220];
	_ =	sdelay $0x2  }
0x1af: {  	v1 =	vld.idx.msk [tilespmem:v1+s9+$0x0], $0xffff;
	_ =	sdelay $0x4  }
0x1b0: {  	[tilespmem:v2+s28+$0x0] =	vst.idx.add.f32.msk $0xffff, v1  }
0x1b1: {  	v1 =	vld [tilespmem:$0x30];
	_ =	sdelay $0x4  }
0x1b2: {  	v2 =	vld [tilespmem:$0x230];
	_ =	sdelay $0x2  }
0x1b3: {  	v1 =	vld.idx.msk [tilespmem:v1+s9+$0x0], $0xffff;
	_ =	sdelay $0x2  }
0x1b4: {  	p0 =	sne.s32 s6, $0x480  }
.Ltmp2:
0x1b5: {  	s7 =	rddreg [dreg:$0x4];
	(pc) =	sbr.rel @p0 .LBB2_6-.Ltmp2, $4  }
0x1b6: {  	s17 =	rddreg [dreg:$0x5];
	s7 =	sadd.s32 s6, s7;
	[tilespmem:v2+s28+$0x0] =	vst.idx.add.f32.msk $0xffff, v1  }
0x1b7: {  	[tilespmem:s3], [sflag:$0x6] =	stream.linear.gather [hbm4b:s7+s3], $0x40, $0x38;
	[tilespmem:$0x1F500] =	vst v63  }
0x1b8: {  	s8 =	sadd.s32 $0x180, s8;
	s17 =	sadd.s32 s6, s17;
	s6 =	sadd.s32 $0x30, s6  }
0x1b9: {  	[tilespmem:s12], [sflag:$0x6] =	stream.linear.gather [hbm4b:s17+s3], $0x40, $0x38;
	[tilespmem:$0x1F500] =	vst v63  }
0x1ba: {  	_ =	swait.ge [sflag:s29], $0x2000  }
0x1bb: {  	[sflag:s29] =	ssyncset.done $0x0  }
0x1bc: {  	[sflag:s29] =	ssyncadd.s32 $0xFFFFE000  }
0x1bd: {  	_ =	swait.ge [sflag:s30], $0x2000  }
0x1be: {  	[sflag:s30] =	ssyncset.done $0x0  }
0x1bf: {  	[sflag:s30] =	ssyncadd.s32 $0xFFFFE000  }
0x1c0: {  	_ =	swait.ge [sflag:s18], $0x40  }
0x1c1: {  	[sflag:s18] =	ssyncset.done $0x0  }
0x1c2: {  	[sflag:s18] =	ssyncadd.s32 $0xFFFFFFC0  }
0x1c3: {  	_ =	swait.ge [sflag:s18], $0x40  }
0x1c4: {  	[sflag:s18] =	ssyncset.done $0x0  }
0x1c5: {  	[sflag:s18] =	ssyncadd.s32 $0xFFFFFFC0  }
0x1c6: {  	[tilespmem:s11], [sflag:$0x1] =	stream.indirect.gather [hbm4b:s1+s19], $0x80, s3, s19, $0xb8;
	[tilespmem:$0x1F500] =	vst v63  }
0x1c7: {  	v1 =	vld [tilespmem:$0x280]  }
0x1c8: {  	v2 =	vld [tilespmem:$0x290]  }
0x1c9: {  	v3 =	vld [tilespmem:$0x2A0]  }
0x1ca: {  	v4 =	vld [tilespmem:$0x2B0];
	_ =	sdelay $0x1  }
0x1cb: {  	[tilespmem:$0x480] =	vst v1  }
0x1cc: {  	[tilespmem:$0x490] =	vst v2  }
0x1cd: {  	[tilespmem:$0x4A0] =	vst v3  }
0x1ce: {  	[tilespmem:$0x4B0] =	vst v4  }
0x1cf: {  	[spmem:s2] =	stream.indirect.scatter.add.f32 [tilespmem:s21], [sflag:$0x5], $0x80, s31, s19, $0xb8;
	[tilespmem:$0x1F500] =	vst v63  }
0x1d0: {  	v1 =	vld [tilespmem:$0x80];
	_ =	sdelay $0x4  }
0x1d1: {  	v2 =	vld [tilespmem:$0x280];
	_ =	sdelay $0x2  }
0x1d2: {  	v1 =	vld.idx.msk [tilespmem:v1+s9+$0x0], $0xffff;
	_ =	sdelay $0x4  }
0x1d3: {  	[tilespmem:v2+s28+$0x0] =	vst.idx.add.f32.msk $0xffff, v1  }
0x1d4: {  	v1 =	vld [tilespmem:$0x90];
	_ =	sdelay $0x4  }
0x1d5: {  	v2 =	vld [tilespmem:$0x290];
	_ =	sdelay $0x2  }
0x1d6: {  	v1 =	vld.idx.msk [tilespmem:v1+s9+$0x0], $0xffff;
	_ =	sdelay $0x4  }
0x1d7: {  	[tilespmem:v2+s28+$0x0] =	vst.idx.add.f32.msk $0xffff, v1  }
0x1d8: {  	v1 =	vld [tilespmem:$0xA0];
	_ =	sdelay $0x4  }
0x1d9: {  	v2 =	vld [tilespmem:$0x2A0];
	_ =	sdelay $0x2  }
0x1da: {  	v1 =	vld.idx.msk [tilespmem:v1+s9+$0x0], $0xffff;
	_ =	sdelay $0x4  }
0x1db: {  	[tilespmem:v2+s28+$0x0] =	vst.idx.add.f32.msk $0xffff, v1  }
0x1dc: {  	v1 =	vld [tilespmem:$0xB0];
	_ =	sdelay $0x4  }
0x1dd: {  	v2 =	vld [tilespmem:$0x2B0];
	_ =	sdelay $0x2  }
0x1de: {  	v1 =	vld.idx.msk [tilespmem:v1+s9+$0x0], $0xffff;
	_ =	sdelay $0x2  }
0x1df: {  	s6 =	sld [smem:$0x7F8];
	_ =	sdelay $0x1  }
0x1e0: {  	s8 =	sld [smem:$0x7F9];
	[tilespmem:v2+s28+$0x0] =	vst.idx.add.f32.msk $0xffff, v1  }
0x1e1: {  	[tilespmem:s13], [sflag:$0x7] =	stream.linear.gather [hbm4b:s6+s3], $0x40, $0x38;
	[tilespmem:$0x1F500] =	vst v63  }
0x1e2: {  	_ = 	snop  }
0x1e3: {  	[tilespmem:s14], [sflag:$0x7] =	stream.linear.gather [hbm4b:s8+s3], $0x40, $0x38;
	[tilespmem:$0x1F500] =	vst v63  }
0x1e4: {  	_ =	swait.ge [sflag:s0], $0x2000  }
0x1e5: {  	[sflag:s0] =	ssyncset.done $0x0  }
0x1e6: {  	[sflag:s0] =	ssyncadd.s32 $0xFFFFE000  }
0x1e7: {  	_ =	swait.ge [sflag:s25], $0x2000  }
0x1e8: {  	[sflag:s25] =	ssyncset.done $0x0  }
0x1e9: {  	[sflag:s25] =	ssyncadd.s32 $0xFFFFE000  }
0x1ea: {  	_ =	swait.ge [sflag:s20], $0x40  }
0x1eb: {  	[sflag:s20] =	ssyncset.done $0x0  }
0x1ec: {  	[sflag:s20] =	ssyncadd.s32 $0xFFFFFFC0  }
0x1ed: {  	_ =	swait.ge [sflag:s20], $0x40  }
0x1ee: {  	[sflag:s20] =	ssyncset.done $0x0  }
0x1ef: {  	[sflag:s20] =	ssyncadd.s32 $0xFFFFFFC0  }
0x1f0: {  	[tilespmem:s21], [sflag:$0x2] =	stream.indirect.gather [hbm4b:s1+s19], $0x80, s13, s19, $0xb8;
	[tilespmem:$0x1F500] =	vst v63  }
0x1f1: {  	v1 =	vld [tilespmem:$0x300]  }
0x1f2: {  	v2 =	vld [tilespmem:$0x310]  }
0x1f3: {  	v3 =	vld [tilespmem:$0x320]  }
0x1f4: {  	v60 =	vld [tilespmem:$0x330];
	_ =	sdelay $0x1  }
0x1f5: {  	[tilespmem:$0x400] =	vst v1  }
0x1f6: {  	[tilespmem:$0x410] =	vst v2  }
0x1f7: {  	[tilespmem:$0x420] =	vst v3  }
0x1f8: {  	[tilespmem:$0x430] =	vst v60  }
0x1f9: {  	[spmem:s2] =	stream.indirect.scatter.add.f32 [tilespmem:s24], [sflag:$0x4], $0x80, s26, s19, $0xb8;
	[tilespmem:$0x1F500] =	vst v63  }
0x1fa: {  	v1 =	vld [tilespmem:$0x100];
	_ =	sdelay $0x4  }
0x1fb: {  	v2 =	vld [tilespmem:$0x300];
	_ =	sdelay $0x2  }
0x1fc: {  	v1 =	vld.idx.msk [tilespmem:v1+s9+$0x0], $0xffff;
	_ =	sdelay $0x4  }
0x1fd: {  	[tilespmem:v2+s28+$0x0] =	vst.idx.add.f32.msk $0xffff, v1  }
0x1fe: {  	v1 =	vld [tilespmem:$0x110];
	_ =	sdelay $0x4  }
0x1ff: {  	v2 =	vld [tilespmem:$0x310];
	_ =	sdelay $0x2  }
0x200: {  	v1 =	vld.idx.msk [tilespmem:v1+s9+$0x0], $0xffff;
	_ =	sdelay $0x4  }
0x201: {  	[tilespmem:v2+s28+$0x0] =	vst.idx.add.f32.msk $0xffff, v1  }
0x202: {  	v1 =	vld [tilespmem:$0x120];
	_ =	sdelay $0x4  }
0x203: {  	v2 =	vld [tilespmem:$0x320];
	_ =	sdelay $0x2  }
0x204: {  	v1 =	vld.idx.msk [tilespmem:v1+s9+$0x0], $0xffff;
	_ =	sdelay $0x4  }
0x205: {  	[tilespmem:v2+s28+$0x0] =	vst.idx.add.f32.msk $0xffff, v1  }
0x206: {  	v1 =	vld [tilespmem:$0x130];
	_ =	sdelay $0x4  }
0x207: {  	v2 =	vld [tilespmem:$0x330];
	_ =	sdelay $0x2  }
0x208: {  	v1 =	vld.idx.msk [tilespmem:v1+s9+$0x0], $0xffff;
	_ =	sdelay $0x2  }
0x209: {  	s17 =	sld [smem:$0x7FA];
	_ =	sdelay $0x1  }
0x20a: {  	s7 =	sld [smem:$0x7FB];
	[tilespmem:v2+s28+$0x0] =	vst.idx.add.f32.msk $0xffff, v1  }
0x20b: {  	[tilespmem:s15], [sflag:$0x8] =	stream.linear.gather [hbm4b:s17+s3], $0x40, $0x38;
	[tilespmem:$0x1F500] =	vst v63  }
0x20c: {  	_ = 	snop  }
0x20d: {  	[tilespmem:s16], [sflag:$0x8] =	stream.linear.gather [hbm4b:s7+s3], $0x40, $0x38;
	[tilespmem:$0x1F500] =	vst v63  }
0x20e: {  	_ =	swait.ge [sflag:s22], $0x2000  }
0x20f: {  	[sflag:s22] =	ssyncset.done $0x0  }
0x210: {  	[sflag:s22] =	ssyncadd.s32 $0xFFFFE000  }
0x211: {  	_ =	swait.ge [sflag:s30], $0x2000  }
0x212: {  	[sflag:s30] =	ssyncset.done $0x0  }
0x213: {  	[sflag:s30] =	ssyncadd.s32 $0xFFFFE000  }
0x214: {  	_ =	swait.ge [sflag:s23], $0x40  }
0x215: {  	[sflag:s23] =	ssyncset.done $0x0  }
0x216: {  	[sflag:s23] =	ssyncadd.s32 $0xFFFFFFC0  }
0x217: {  	_ =	swait.ge [sflag:s23], $0x40  }
0x218: {  	[sflag:s23] =	ssyncset.done $0x0  }
0x219: {  	[sflag:s23] =	ssyncadd.s32 $0xFFFFFFC0  }
0x21a: {  	[tilespmem:s24], [sflag:$0x3] =	stream.indirect.gather [hbm4b:s1+s19], $0x80, s15, s19, $0xb8;
	[tilespmem:$0x1F500] =	vst v63  }
0x21b: {  	v1 =	vld [tilespmem:$0x200]  }
0x21c: {  	v2 =	vld [tilespmem:$0x210]  }
0x21d: {  	v3 =	vld [tilespmem:$0x220]  }
0x21e: {  	v61 =	vld [tilespmem:$0x230];
	_ =	sdelay $0x1  }
0x21f: {  	[tilespmem:$0x480] =	vst v1  }
0x220: {  	[tilespmem:$0x490] =	vst v2  }
0x221: {  	[tilespmem:$0x4A0] =	vst v3  }
0x222: {  	[tilespmem:$0x4B0] =	vst v61  }
0x223: {  	[spmem:s2] =	stream.indirect.scatter.add.f32 [tilespmem:s11], [sflag:$0x5], $0x80, s31, s19, $0xb8;
	[tilespmem:$0x1F500] =	vst v63  }
0x224: {  	v1 =	vld [tilespmem:$0x0];
	_ =	sdelay $0x4  }
0x225: {  	v2 =	vld [tilespmem:$0x200];
	_ =	sdelay $0x2  }
0x226: {  	v1 =	vld.idx.msk [tilespmem:v1+s9+$0x0], $0xffff;
	_ =	sdelay $0x4  }
0x227: {  	[tilespmem:v2+s28+$0x0] =	vst.idx.add.f32.msk $0xffff, v1  }
0x228: {  	v1 =	vld [tilespmem:$0x10];
	_ =	sdelay $0x4  }
0x229: {  	v2 =	vld [tilespmem:$0x210];
	_ =	sdelay $0x2  }
0x22a: {  	v1 =	vld.idx.msk [tilespmem:v1+s9+$0x0], $0xffff;
	_ =	sdelay $0x4  }
0x22b: {  	[tilespmem:v2+s28+$0x0] =	vst.idx.add.f32.msk $0xffff, v1  }
0x22c: {  	v1 =	vld [tilespmem:$0x20];
	_ =	sdelay $0x4  }
0x22d: {  	v2 =	vld [tilespmem:$0x220];
	_ =	sdelay $0x2  }
0x22e: {  	v1 =	vld.idx.msk [tilespmem:v1+s9+$0x0], $0xffff;
	_ =	sdelay $0x4  }
0x22f: {  	[tilespmem:v2+s28+$0x0] =	vst.idx.add.f32.msk $0xffff, v1  }
0x230: {  	v1 =	vld [tilespmem:$0x30];
	_ =	sdelay $0x4  }
0x231: {  	v2 =	vld [tilespmem:$0x230];
	_ =	sdelay $0x2  }
0x232: {  	v1 =	vld.idx.msk [tilespmem:v1+s9+$0x0], $0xffff;
	_ =	sdelay $0x4  }
0x233: {  	[tilespmem:v2+s28+$0x0] =	vst.idx.add.f32.msk $0xffff, v1  }
0x234: {  	_ =	swait.ge [sflag:s29], $0x2000  }
0x235: {  	[sflag:s29] =	ssyncset.done $0x0  }
0x236: {  	[sflag:s29] =	ssyncadd.s32 $0xFFFFE000  }
0x237: {  	_ =	swait.ge [sflag:s25], $0x2000  }
0x238: {  	[sflag:s25] =	ssyncset.done $0x0  }
0x239: {  	[sflag:s25] =	ssyncadd.s32 $0xFFFFE000  }
0x23a: {  	v1 =	vld [tilespmem:$0x280]  }
0x23b: {  	v2 =	vld [tilespmem:$0x290]  }
0x23c: {  	v3 =	vld [tilespmem:$0x2A0]  }
0x23d: {  	v62 =	vld [tilespmem:$0x2B0];
	_ =	sdelay $0x1  }
0x23e: {  	[tilespmem:$0x400] =	vst v1  }
0x23f: {  	[tilespmem:$0x410] =	vst v2  }
0x240: {  	[tilespmem:$0x420] =	vst v3  }
0x241: {  	[tilespmem:$0x430] =	vst v62  }
0x242: {  	[spmem:s2] =	stream.indirect.scatter.add.f32 [tilespmem:s21], [sflag:$0x4], $0x80, s26, s19, $0xb8;
	[tilespmem:$0x1F500] =	vst v63  }
0x243: {  	v1 =	vld [tilespmem:$0x80];
	_ =	sdelay $0x4  }
0x244: {  	v2 =	vld [tilespmem:$0x280];
	_ =	sdelay $0x2  }
0x245: {  	v1 =	vld.idx.msk [tilespmem:v1+s9+$0x0], $0xffff;
	_ =	sdelay $0x4  }
0x246: {  	[tilespmem:v2+s28+$0x0] =	vst.idx.add.f32.msk $0xffff, v1  }
0x247: {  	v1 =	vld [tilespmem:$0x90];
	_ =	sdelay $0x4  }
0x248: {  	v2 =	vld [tilespmem:$0x290];
	_ =	sdelay $0x2  }
0x249: {  	v1 =	vld.idx.msk [tilespmem:v1+s9+$0x0], $0xffff;
	_ =	sdelay $0x4  }
0x24a: {  	[tilespmem:v2+s28+$0x0] =	vst.idx.add.f32.msk $0xffff, v1  }
0x24b: {  	v1 =	vld [tilespmem:$0xA0];
	_ =	sdelay $0x4  }
0x24c: {  	v2 =	vld [tilespmem:$0x2A0];
	_ =	sdelay $0x2  }
0x24d: {  	v1 =	vld.idx.msk [tilespmem:v1+s9+$0x0], $0xffff;
	_ =	sdelay $0x4  }
0x24e: {  	[tilespmem:v2+s28+$0x0] =	vst.idx.add.f32.msk $0xffff, v1  }
0x24f: {  	v1 =	vld [tilespmem:$0xB0];
	_ =	sdelay $0x4  }
0x250: {  	v2 =	vld [tilespmem:$0x2B0];
	_ =	sdelay $0x2  }
0x251: {  	v1 =	vld.idx.msk [tilespmem:v1+s9+$0x0], $0xffff;
	_ =	sdelay $0x4  }
0x252: {  	[tilespmem:v2+s28+$0x0] =	vst.idx.add.f32.msk $0xffff, v1  }
0x253: {  	_ =	swait.ge [sflag:s0], $0x2000  }
0x254: {  	[sflag:s0] =	ssyncset.done $0x0  }
0x255: {  	[sflag:s0] =	ssyncadd.s32 $0xFFFFE000  }
0x256: {  	_ =	swait.ge [sflag:s30], $0x2000  }
0x257: {  	[sflag:s30] =	ssyncset.done $0x0  }
0x258: {  	[sflag:s30] =	ssyncadd.s32 $0xFFFFE000  }
0x259: {  	v1 =	vld [tilespmem:$0x300]  }
0x25a: {  	v2 =	vld [tilespmem:$0x310]  }
0x25b: {  	v3 =	vld [tilespmem:$0x320]  }
0x25c: {  	v63 =	vld [tilespmem:$0x330];
	_ =	sdelay $0x1  }
0x25d: {  	[tilespmem:$0x480] =	vst v1  }
0x25e: {  	[tilespmem:$0x490] =	vst v2  }
0x25f: {  	[tilespmem:$0x4A0] =	vst v3  }
0x260: {  	[tilespmem:$0x4B0] =	vst v63  }
0x261: {  	[spmem:s2] =	stream.indirect.scatter.add.f32 [tilespmem:s24], [sflag:$0x5], $0x80, s31, s19, $0xb8;
	[tilespmem:$0x1F500] =	vst v63  }
0x262: {  	v1 =	vld [tilespmem:$0x100];
	_ =	sdelay $0x4  }
0x263: {  	v2 =	vld [tilespmem:$0x300];
	_ =	sdelay $0x2  }
0x264: {  	v1 =	vld.idx.msk [tilespmem:v1+s9+$0x0], $0xffff;
	_ =	sdelay $0x4  }
0x265: {  	[tilespmem:v2+s28+$0x0] =	vst.idx.add.f32.msk $0xffff, v1  }
0x266: {  	v1 =	vld [tilespmem:$0x110];
	_ =	sdelay $0x4  }
0x267: {  	v2 =	vld [tilespmem:$0x310];
	_ =	sdelay $0x2  }
0x268: {  	v1 =	vld.idx.msk [tilespmem:v1+s9+$0x0], $0xffff;
	_ =	sdelay $0x4  }
0x269: {  	[tilespmem:v2+s28+$0x0] =	vst.idx.add.f32.msk $0xffff, v1  }
0x26a: {  	v1 =	vld [tilespmem:$0x120];
	_ =	sdelay $0x4  }
0x26b: {  	v2 =	vld [tilespmem:$0x320];
	_ =	sdelay $0x2  }
0x26c: {  	v1 =	vld.idx.msk [tilespmem:v1+s9+$0x0], $0xffff;
	_ =	sdelay $0x4  }
0x26d: {  	[tilespmem:v2+s28+$0x0] =	vst.idx.add.f32.msk $0xffff, v1  }
0x26e: {  	v1 =	vld [tilespmem:$0x130];
	_ =	sdelay $0x4  }
0x26f: {  	v2 =	vld [tilespmem:$0x330];
	_ =	sdelay $0x2  }
0x270: {  	v1 =	vld.idx.msk [tilespmem:v1+s9+$0x0], $0xffff;
	_ =	sdelay $0x4  }
0x271: {  	[tilespmem:v2+s28+$0x0] =	vst.idx.add.f32.msk $0xffff, v1  }
0x272: {  	_ =	swait.ge [sflag:s25], $0x2000  }
0x273: {  	s8 =	sld [smem:$0x7FC]  }
0x274: {  	[sflag:s25] =	ssyncset.done $0x0  }
0x275: {  	s7 =	simm.s32 $0x500;
	[sflag:s25] =	ssyncadd.s32 $0xFFFFE000  }
0x276: {  	[tilespmem:s7], [sflag:$0x9] =	stream.linear.gather [hbm4b:s8+s3], $0x10, $0x38;
	[tilespmem:$0x1F500] =	vst v63  }
0x277: {  	_ =	swait.ge [sflag:s10], $0x10  }
0x278: {  	s17 =	sld [smem:$0x7FD]  }
0x279: {  	[sflag:s10] =	ssyncset.done $0x0  }
0x27a: {  	s8 =	simm.s32 $0x580;
	[sflag:s10] =	ssyncadd.s32 $0xFFFFFFF0  }
0x27b: {  	[tilespmem:s8], [sflag:$0x9] =	stream.linear.gather [hbm4b:s17+s3], $0x10, $0x38;
	[tilespmem:$0x1F500] =	vst v63  }
0x27c: {  	_ =	swait.ge [sflag:s10], $0x10  }
0x27d: {  	[sflag:s10] =	ssyncset.done $0x0  }
0x27e: {  	s17 =	simm.s32 $0x10;
	[sflag:s10] =	ssyncadd.s32 $0xFFFFFFF0  }
0x27f: {  	[tilespmem:s11], [sflag:$0x1] =	stream.indirect.gather [hbm4b:s1+s17], $0x80, s7, s17, $0xb8;
	[tilespmem:$0x1F500] =	vst v63  }
0x280: {  	_ =	swait.ge [sflag:s22], $0x800  }
0x281: {  	[sflag:s22] =	ssyncset.done $0x0  }
0x282: {  	[sflag:s22] =	ssyncadd.s32 $0xFFFFF800  }
0x283: {  	[spmem:s2] =	stream.indirect.scatter.add.f32 [tilespmem:s11], [sflag:$0x9], $0x80, s8, s17, $0xb8;
	[tilespmem:$0x1F500] =	vst v63  }
0x284: {  	_ =	swait.ge [sflag:s10], $0x800  }
0x285: {  	[sflag:s10] =	ssyncset.done $0x0  }
0x286: {  	[sflag:s10] =	ssyncadd.s32 $0xFFFFF800  }
0x287: {  	v1 =	vld [tilespmem:$0x500];
	_ =	sdelay $0x4  }
0x288: {  	v2 =	vld [tilespmem:$0x580];
	_ =	sdelay $0x2  }
0x289: {  	v1 =	vld.idx.msk [tilespmem:v1+s9+$0x0], $0xffff;
	_ =	sdelay $0x4  }
0x28a: {  	[tilespmem:v2+s28+$0x0] =	vst.idx.add.f32.msk $0xffff, v1  }
0x28b: {  	s17 =	stileid.u32;
	[bflag:$0x0] =	sbarrier.arrive $0xFFFF  }
0x28c: {  	s6 =	sshll.u32 s17, $0x6;
	s17 =	rddreg [dreg:$0x10]  }
0x28d: {  	s6 =	sor.u32 $0x1C09, s6;
	s8 =	rddreg [dreg:$0x1f];
	s7 =	sshrl.u32 s17, $0x3  }
0x28e: {  	[hbm:s8], [sflag:s6] =	dma.local [spmem:s7], $0x2800  }
0x28f: {  	_ =	swait.ge [sflag:s10], $0x2800  }
0x290: {  	s7 =	sld [smem:$0x7F2]  }
0x291: {  	[sflag:s10] =	ssyncset.done $0x0  }
0x292: {  	[sflag:s10] =	ssyncadd.s32 $0xFFFFD800  }
0x293: {  	[hbm4b:s7+s13] =	stream.strided.scatter [tilespmem:s28], [sflag:$0x9], $0x2780, s26, s13, $0x38;
	[tilespmem:$0x1F500] =	vst v63  }
0x294: {  	_ =	swait.ge [sflag:s10], $0x2780  }
0x295: {  	s8 =	sld [smem:$0x7F3];
	_ =	sdelay $0x1  }
0x296: {  	s4 =	sadd.s32 $0x1, s4  }
0x297: {  	p0 =	sne.s32 s4, s8  }
.Ltmp3:
0x298: {  	_ = 	snop;
	(pc) =	sbr.rel @p0 .LBB2_1-.Ltmp3, $3  }
0x299: {  	_ =	sdelay $0x1  }
0x29a: {  	[sflag:s10] =	ssyncset.done $0x0  }
0x29b: {  	[sflag:s10] =	ssyncadd.s32 $0xFFFFD880  }
0x29c: {  	_ =	sfence.sel $0x180000  }
0x29d: {  	[bflag:$0x0] =	sbarrier.arrive $0xFFFF  }
0x29e: {  	_ =	strace $0x90000047  }
0x29f: {  	s0 =	stileid.u32;
	[bflag:$0x2] =	sbarrier.arrive $0xFFFF  }
0x2a0: {  	p0 =	sne.s32 s0, $0x0;
	s0 =	rddreg [dreg:$0x3]  }
0x2a1: {  	s0 =	sadd.s32 @!p0 $0x100000, s0  }
0x2a2: {  	[sflag:s0] =	ssyncadd.tile.s32 @!p0 $0x1;
	_ =	shalt  }
.Lfunc_end2:
_tile_overlayer_lowered:
.L_overlay_start_2:
0x2a3: {  	(tag) =	ssettag $0x2  }
0x2a4: {  	s0 =	rddreg [dreg:$0x0];
	s2 =	stileid.u32  }
0x2a5: {  	s1 =	rddreg [dreg:$0x1];
	p0 =	sne.s32 s2, $0x0  }
0x2a6: {  	s3 =	rddreg [dreg:$0x2];
	[bflag:$0x3] =	sbarrier.arrive $0xFFFF;
	s2 =	simm.s32 @!p0 $0x1C09  }
0x2a7: {  	[timem:s3], [sflag:s2] =	dma.local @!p0 [hbm:s0], s1  }
0x2a8: {  	s0 =	simm.s32 @!p0 $0x9  }
0x2a9: {  	_ =	swait.ge @!p0 [sflag:s0], s1  }
0x2aa: {  	s1 =	ssub.s32 @!p0 $0x0, s1;
	[sflag:s0] =	ssyncset.done @!p0 $0x0  }
0x2ab: {  	[sflag:s0] =	ssyncadd.s32 @!p0 s1  }
0x2ac: {  	[bflag:$0x3] =	sbarrier.arrive $0xFFFF  }
0x2ad: {  	_ =	shalt  }

</sc_bundles>
